<compile_context>
chip_gen: v7x
topology: tpu7x:2x2x1
jax: 0.10.2.dev20260603
libtpu: 0.0.44.dev20260713+nightly
codegen_flags: <defaults>
</compile_context>

<pallas_src>
import functools
import math

import jax
import jax.numpy as jnp
from jax import lax
from jax.experimental import pallas as pl
from jax.experimental.pallas import tpu as pltpu
from jax.experimental.pallas import tpu_sc as plsc

N_FRAG = 16384
FPS = 64
N_CELLS = 4096
N_CLUSTERS = 16
N_ROWS = 100000
NC, NS, L = 2, 16, 16
NW = NC * NS
B_PER_W = N_FRAG // NW
CH = 128
K_CH = B_PER_W // CH
N_GROUPS = B_PER_W // L
LOG_FPS = math.log(FPS)

TBLK = 12800
HSPLIT = 51200
N_TBLK = HSPLIT // TBLK
LAST_TBLK = (N_ROWS + TBLK - 1) // TBLK - 1


def _mxu_t(x):
    eye = jnp.eye(FPS, dtype=jnp.float32)
    return lax.dot_general(
        x, eye, dimension_numbers=(((0,), (0,)), ((), ())),
        preferred_element_type=jnp.float32)


def _transpose_body(lo_ref, hi_ref, out_ref):
    out_ref[:, 0:FPS] = _mxu_t(lo_ref[...])
    out_ref[:, FPS:2 * FPS] = _mxu_t(hi_ref[...])


def _tc_pair_table(tt):
    return pl.pallas_call(
        _transpose_body,
        grid=(N_TBLK,),
        in_specs=[
            pl.BlockSpec((FPS, TBLK), lambda b: (0, b)),
            pl.BlockSpec((FPS, TBLK),
                         lambda b: (0, jnp.minimum(b + N_TBLK, LAST_TBLK))),
        ],
        out_specs=pl.BlockSpec((TBLK, 2 * FPS), lambda b: (b, 0)),
        out_shape=jax.ShapeDtypeStruct((HSPLIT, 2 * FPS), jnp.float32),
    )(tt, tt)


def _log_vec(x):
    bits = plsc.bitcast(x, jnp.int32)
    e = ((bits >> 23) & 0xFF) - 127
    m = plsc.bitcast((bits & 0x7FFFFF) | 0x3F800000, jnp.float32)
    big = m >= 1.4142135623730951
    m = jnp.where(big, m * 0.5, m)
    e = e + big.astype(jnp.int32)
    z = (m - 1.0) / (m + 1.0)
    z2 = z * z
    p = 1.0 + z2 * (1.0 / 3.0 + z2 * (0.2 + z2 * (1.0 / 7.0)))
    return e.astype(jnp.float32) * 0.6931471805599453 + 2.0 * z * p


PITCH = 69


def _body(binc_hbm, gbix_hbm, gpair_hbm, bix_hbm, labels_hbm, cix_hbm,
          table_hbm, diff_hbm,
          out_hbm,
          idx_v, gbix_v, rows_v, slab_v, tr_v, labels_v, diff_v, cix_v, bix_v,
          p_alo, p_blo, p_ahi, p_bhi, out_v, sem):
    wid = lax.axis_index("s") * NC + lax.axis_index("c")
    base = wid * B_PER_W

    iota = lax.iota(jnp.int32, L)
    iota17 = iota * 17
    iota_pitch = iota * PITCH

    pltpu.sync_copy(gpair_hbm.at[wid], idx_v)
    gathers = [
        pltpu.async_copy(table_hbm.at[idx_v.at[k]], rows_v.at[k], sem)
        for k in range(K_CH)
    ]
    pltpu.sync_copy(gbix_hbm.at[pl.ds(base, B_PER_W)], gbix_v)
    pltpu.sync_copy(labels_hbm, labels_v)
    pltpu.sync_copy(diff_hbm, diff_v)
    pltpu.sync_copy(cix_hbm.at[pl.ds(base, B_PER_W)], cix_v)
    pltpu.sync_copy(bix_hbm.at[pl.ds(base, B_PER_W)], bix_v)

    for h in range(2):
        pltpu.sync_copy(binc_hbm.at[:, pl.ds(base + (B_PER_W // 2) * h,
                                             B_PER_W // 2)], slab_v)

        def repack_j(j, c, h=h):
            for gg in range(B_PER_W // 2 // L):
                val = slab_v[j, pl.ds(gg * L, L)]
                idx = iota_pitch + (((B_PER_W // 2) * h + gg * L) * PITCH + j)
                plsc.store_scatter(tr_v, [idx], val)
            return c

        lax.fori_loop(0, FPS, repack_j, 0)

    for g in gathers:
        g.wait()

    def group_body(g, carry):
        f = g * L + iota
        cix = cix_v[pl.ds(g * L, L)]
        clu = plsc.load_gather(labels_v, [cix])
        w = plsc.load_gather(diff_v, [clu])
        ew = jnp.exp(w)
        gb = gbix_v[pl.ds(g * L, L)]
        hsel = gb >= HSPLIT
        bix = bix_v[pl.ds(g * L, L)]

        for i in range(L):
            fi = g * L + i
            kf = lax.shift_right_logical(fi, 7)
            rf = fi & (CH - 1)
            fpitch = fi * PITCH
            alo = []
            blo = []
            ahi = []
            bhi = []
            for c in range(FPS // L):
                lo = rows_v[kf, rf, pl.ds(L * c, L)]
                hi = rows_v[kf, rf, pl.ds(FPS + L * c, L)]
                bc = tr_v[pl.ds(fpitch + L * c, L)]
                ind = bc > 1
                elo = jnp.exp(lo)
                ehi = jnp.exp(hi)
                zero = jnp.zeros((L,), jnp.float32)
                alo.append(jnp.where(ind, zero, elo))
                blo.append(jnp.where(ind, elo, zero))
                ahi.append(jnp.where(ind, zero, ehi))
                bhi.append(jnp.where(ind, ehi, zero))
            p_alo[pl.ds(i * 17, L)] = (alo[0] + alo[1]) + (alo[2] + alo[3])
            p_blo[pl.ds(i * 17, L)] = (blo[0] + blo[1]) + (blo[2] + blo[3])
            p_ahi[pl.ds(i * 17, L)] = (ahi[0] + ahi[1]) + (ahi[2] + ahi[3])
            p_bhi[pl.ds(i * 17, L)] = (bhi[0] + bhi[1]) + (bhi[2] + bhi[3])

        def colsum(buf):
            t0 = plsc.load_gather(buf, [iota17])
            t1 = plsc.load_gather(buf, [iota17 + 1])
            for b in range(2, L, 2):
                t0 = t0 + plsc.load_gather(buf, [iota17 + b])
                t1 = t1 + plsc.load_gather(buf, [iota17 + b + 1])
            return t0 + t1

        a_sum = jnp.where(hsel, colsum(p_ahi), colsum(p_alo))
        b_sum = jnp.where(hsel, colsum(p_bhi), colsum(p_blo))
        s = a_sum + ew * b_sum

        yp_base = plsc.load_gather(
            rows_v, [lax.shift_right_logical(f, 7), f & (CH - 1),
                     jnp.where(hsel, FPS, 0) + bix])
        bcp = plsc.load_gather(tr_v, [f * PITCH + bix])
        yp = yp_base + jnp.where(bcp > 1, w, 0.0)
        out_v[pl.ds(g * L, L)] = yp - _log_vec(s) + LOG_FPS
        return carry

    lax.fori_loop(0, N_GROUPS, group_body, 0)
    pltpu.sync_copy(out_v, out_hbm.at[pl.ds(base, B_PER_W)])


@functools.cache
def _make_sc_call():
    mesh = plsc.VectorSubcoreMesh(
        core_axis_name="c", subcore_axis_name="s",
        num_cores=NC, num_subcores=NS)
    return pl.kernel(
        _body,
        out_type=jax.ShapeDtypeStruct((N_FRAG,), jnp.float32),
        mesh=mesh,
        scratch_types=[
            pltpu.VMEM((K_CH, CH), jnp.int32),
            pltpu.VMEM((B_PER_W,), jnp.int32),
            pltpu.VMEM((K_CH, CH, 2 * FPS), jnp.float32),
            pltpu.VMEM((FPS, B_PER_W // 2), jnp.int32),
            pltpu.VMEM((B_PER_W * PITCH + L,), jnp.int32),
            pltpu.VMEM((N_CELLS,), jnp.int32),
            pltpu.VMEM((N_CLUSTERS,), jnp.float32),
            pltpu.VMEM((B_PER_W,), jnp.int32),
            pltpu.VMEM((B_PER_W,), jnp.int32),
            pltpu.VMEM((17 * L,), jnp.float32),
            pltpu.VMEM((17 * L,), jnp.float32),
            pltpu.VMEM((17 * L,), jnp.float32),
            pltpu.VMEM((17 * L,), jnp.float32),
            pltpu.VMEM((B_PER_W,), jnp.float32),
            pltpu.SemaphoreType.DMA,
        ],
        compiler_params=pltpu.CompilerParams(needs_layout_passes=False),
    )


def kernel(bincounts, global_binixs, binixs, labels, local_cell_ix,
           baseline_table, differential_table):
    gbix = global_binixs.reshape(N_FRAG)
    gpair = jnp.where(gbix >= HSPLIT, gbix - HSPLIT,
                      gbix).reshape(NW, K_CH, CH)
    bix = binixs.reshape(N_FRAG)
    diff = differential_table.reshape(N_CLUSTERS)
    table2 = _tc_pair_table(baseline_table.T)
    binc_t = bincounts.T
    return _make_sc_call()(binc_t, gbix, gpair, bix, labels, local_cell_ix,
                           table2, diff)

# --- scband reference (transcript-rebuilt; emitter-appended) ---
"""Pipeline reference for scband-fragment-position-distribution2-36292473651627 (READ-ONLY COPY).

The authoritative reference and input builder live on the scoring server;
editing this copy changes nothing except your own understanding.
"""

import jax, jax.numpy as jnp
import numpy as np
import math

N_FRAG = 16384
FPS = 64          # fragmentprob_size
N_REGIONS = 100000  # n_regions * parent_fragment_width (parent_fragment_width=1 for level 0)
N_CLUSTERS = 16
N_CELLS = 4096
N_HIDDEN = 1      # n_hidden_dimensions


def setup_inputs(seed: int = 0) -> dict:
    key = jax.random.key(seed)
    k1, k2, k3, k4, k5, k6, k7 = jax.random.split(key, 7)
    bincounts = jax.random.randint(k1, (N_FRAG, FPS), 0, 5, dtype=jnp.int64 if jax.config.read('jax_enable_x64') else jnp.int32).astype(jnp.int32)
    global_binixs = jax.random.randint(k2, (N_FRAG, 1), 0, N_REGIONS).astype(jnp.int32)
    binixs = jax.random.randint(k3, (N_FRAG, 1), 0, FPS).astype(jnp.int32)
    labels = jax.random.randint(k4, (N_CELLS,), 0, N_CLUSTERS).astype(jnp.int32)
    local_cell_ix = jax.random.randint(k5, (N_FRAG,), 0, N_CELLS).astype(jnp.int32)
    # learned parameters (original inits to 0; use small random for a meaningful reference)
    baseline_table = jax.random.normal(k6, (N_REGIONS, FPS), dtype=jnp.float32) * 0.02
    differential_table = jax.random.normal(k7, (N_CLUSTERS, N_HIDDEN, 1), dtype=jnp.float32) * 0.02
    return {
        'bincounts': bincounts,
        'global_binixs': global_binixs,
        'binixs': binixs,
        'labels': labels,
        'local_cell_ix': local_cell_ix,
        'baseline_table': baseline_table,
        'differential_table': differential_table,
    }


def reference(bincounts, global_binixs, binixs, labels, local_cell_ix, baseline_table, differential_table):
    n_frag = bincounts.shape[0]
    fps = bincounts.shape[-1]
    # motifcount_embedding = (bincounts > 1).float().unsqueeze(1) -> [N, 1, fps]
    motifcount_embedding = (bincounts > 1).astype(jnp.float32)[:, None, :]
    # transpose(1,2).reshape(-1, final_channels=1) then Identity then reshape(N, fps, -1)
    fragment_embedding = jnp.transpose(motifcount_embedding, (0, 2, 1)).reshape(-1, 1)
    fragment_embedding = fragment_embedding.reshape(n_frag, fps, -1)  # [N, fps, 1]
    # baseline embedding lookup (sparse embedding in torch)
    baseline_unnormalized_height = jnp.take(baseline_table, global_binixs[:, 0], axis=0)  # [N, fps]
    # differential EmbeddingTensor lookup via cluster labels gathered by cell ix
    cluster_of_frag = jnp.take(labels, local_cell_ix, axis=0)  # [N]
    differential_weights = jnp.take(differential_table, cluster_of_frag, axis=0)  # [N, 1, 1]
    unnormalized_height = jnp.matmul(fragment_embedding, differential_weights).squeeze(-1) + baseline_unnormalized_height  # [N, fps]
    # WindowStack.log_prob for single level
    heights = jax.nn.log_softmax(unnormalized_height, axis=1) + math.log(fps)
    logprob = jnp.take_along_axis(heights, binixs[:, 0][:, None], axis=1).squeeze(1)  # [N]
    return logprob

if __name__ == "__main__":
    import jax
    _d = setup_inputs()
    print(jax.jit(kernel)(*tuple(_d.values())))

</pallas_src>

<mosaic_0001>
#map = affine_map<(d0, d1) -> (0, 0)>
#map1 = affine_map<(d0, d1) -> (0)>
#map2 = affine_map<(d0, d1) -> (0, 0, 0)>
module attributes {stable_mosaic.version = 14 : i64} {
  func.func @_body(%arg0: i32, %arg1: i32, %arg2: memref<64x16384xi32, #tpu.memory_space<hbm>>, %arg3: memref<16384xi32, #tpu.memory_space<hbm>>, %arg4: memref<32x4x128xi32, #tpu.memory_space<hbm>>, %arg5: memref<16384xi32, #tpu.memory_space<hbm>>, %arg6: memref<4096xi32, #tpu.memory_space<hbm>>, %arg7: memref<16384xi32, #tpu.memory_space<hbm>>, %arg8: memref<51200x128xf32, #tpu.memory_space<hbm>>, %arg9: memref<16xf32, #tpu.memory_space<hbm>>, %arg10: memref<16384xf32, #tpu.memory_space<hbm>>, %arg11: memref<4x128xi32, #tpu.memory_space<vmem>>, %arg12: memref<512xi32, #tpu.memory_space<vmem>>, %arg13: memref<4x128x128xf32, #tpu.memory_space<vmem>>, %arg14: memref<64x256xi32, #tpu.memory_space<vmem>>, %arg15: memref<35344xi32, #tpu.memory_space<vmem>>, %arg16: memref<4096xi32, #tpu.memory_space<vmem>>, %arg17: memref<16xf32, #tpu.memory_space<vmem>>, %arg18: memref<512xi32, #tpu.memory_space<vmem>>, %arg19: memref<512xi32, #tpu.memory_space<vmem>>, %arg20: memref<272xf32, #tpu.memory_space<vmem>>, %arg21: memref<272xf32, #tpu.memory_space<vmem>>, %arg22: memref<272xf32, #tpu.memory_space<vmem>>, %arg23: memref<272xf32, #tpu.memory_space<vmem>>, %arg24: memref<512xf32, #tpu.memory_space<vmem>>, %arg25: memref<!tpu.dma_semaphore, #tpu.memory_space<semaphore_mem>>) attributes {dimension_semantics = [#tpu.dimension_semantics<core_parallel>, #tpu.dimension_semantics<subcore_parallel>], iteration_bounds = array<i64: 2, 16>, scalar_prefetch = 0 : i64, scratch_operands = 15 : i64, tpu.core_type = #tpu.core_type<sc_vector_subcore>, window_params = [{transform_indices = #map}, {transform_indices = #map1}, {transform_indices = #map2}, {transform_indices = #map1}, {transform_indices = #map1}, {transform_indices = #map1}, {transform_indices = #map}, {transform_indices = #map1}, {transform_indices = #map1}]} {
    %mul3A = arith.constant 2 : i32
    %mul3A_0 = arith.muli %arg1, %mul3A : i32
    %add3A = arith.addi %mul3A_0, %arg0 : i32
    %mul3A_1 = arith.constant 512 : i32
    %mul3A_2 = arith.muli %add3A, %mul3A_1 : i32
    %iota3A = tpu.iota {dimensions = array<i32: 0>} : vector<16xi32>
    %mul3A_3 = arith.constant 17 : i32
    %mul3A_4 = vector.broadcast %mul3A_3 : i32 to vector<16xi32>
    %mul3A_5 = arith.muli %iota3A, %mul3A_4 : vector<16xi32>
    %mul3A_6 = arith.constant 69 : i32
    %mul3A_7 = vector.broadcast %mul3A_6 : i32 to vector<16xi32>
    %mul3A_8 = arith.muli %iota3A, %mul3A_7 : vector<16xi32>
    "tpu.region"() ({
      %run_scoped3A = tpu.sem_alloc : memref<!tpu.dma_semaphore, #tpu.memory_space<semaphore_mem>>
      %dma_start3A_124 = arith.constant 0 : i32
      %dma_start3A_125 = arith.constant 0 : i32
      %dma_start3A_126 = tpu.memref_slice %arg4[%add3A, %dma_start3A_124, %dma_start3A_125] : memref<32x4x128xi32, #tpu.memory_space<hbm>> -> memref<1x4x128xi32, #tpu.memory_space<hbm>>
      %dma_start3A_127 = tpu.memref_squeeze %dma_start3A_126 : memref<1x4x128xi32, #tpu.memory_space<hbm>> -> memref<4x128xi32, #tpu.memory_space<hbm>>
      %dma_start3A_128 = arith.constant 0 : i32
      %dma_start3A_129 = arith.constant 0 : i32
      %dma_start3A_130 = tpu.memref_slice %arg4[%add3A, %dma_start3A_128, %dma_start3A_129] : memref<32x4x128xi32, #tpu.memory_space<hbm>> -> memref<1x4x128xi32, #tpu.memory_space<hbm>>
      %dma_start3A_131 = tpu.memref_squeeze %dma_start3A_130 : memref<1x4x128xi32, #tpu.memory_space<hbm>> -> memref<4x128xi32, #tpu.memory_space<hbm>>
      tpu.enqueue_dma source(%dma_start3A_131 : memref<4x128xi32, #tpu.memory_space<hbm>>) target(%arg11 : memref<4x128xi32, #tpu.memory_space<vmem>>) target_semaphore(%run_scoped3A : memref<!tpu.dma_semaphore, #tpu.memory_space<semaphore_mem>>)
      %dma_wait3A_132 = arith.constant 0 : i32
      %dma_wait3A_133 = arith.constant 0 : i32
      %dma_wait3A_134 = tpu.memref_slice %arg4[%add3A, %dma_wait3A_132, %dma_wait3A_133] : memref<32x4x128xi32, #tpu.memory_space<hbm>> -> memref<1x4x128xi32, #tpu.memory_space<hbm>>
      %dma_wait3A_135 = tpu.memref_squeeze %dma_wait3A_134 : memref<1x4x128xi32, #tpu.memory_space<hbm>> -> memref<4x128xi32, #tpu.memory_space<hbm>>
      %dma_wait3A_136 = arith.constant 0 : i32
      %dma_wait3A_137 = arith.constant 0 : i32
      %dma_wait3A_138 = tpu.memref_slice %arg4[%add3A, %dma_wait3A_136, %dma_wait3A_137] : memref<32x4x128xi32, #tpu.memory_space<hbm>> -> memref<1x4x128xi32, #tpu.memory_space<hbm>>
      %dma_wait3A_139 = tpu.memref_squeeze %dma_wait3A_138 : memref<1x4x128xi32, #tpu.memory_space<hbm>> -> memref<4x128xi32, #tpu.memory_space<hbm>>
      tpu.wait_dma2 semaphore(%run_scoped3A : memref<!tpu.dma_semaphore, #tpu.memory_space<semaphore_mem>>) src(%dma_wait3A_139 : memref<4x128xi32, #tpu.memory_space<hbm>>) dst(%arg11 : memref<4x128xi32, #tpu.memory_space<vmem>>)
      tpu.yield
    }) : () -> ()
    %dma_start3A = arith.constant 0 : i32
    %dma_start3A_9 = arith.constant 0 : i32
    %dma_start3A_10 = arith.constant 0 : i32
    %dma_start3A_11 = arith.constant 0 : i32
    %dma_start3A_12 = tpu.memref_slice %arg13[%dma_start3A_9, %dma_start3A_10, %dma_start3A_11] : memref<4x128x128xf32, #tpu.memory_space<vmem>> -> memref<1x128x128xf32, #tpu.memory_space<vmem>>
    %dma_start3A_13 = tpu.memref_squeeze %dma_start3A_12 : memref<1x128x128xf32, #tpu.memory_space<vmem>> -> memref<128x128xf32, #tpu.memory_space<vmem>>
    %dma_start3A_14 = arith.constant 0 : i32
    %dma_start3A_15 = tpu.memref_slice %arg11[%dma_start3A, %dma_start3A_14] : memref<4x128xi32, #tpu.memory_space<vmem>> -> memref<1x128xi32, #tpu.memory_space<vmem>>
    %dma_start3A_16 = tpu.memref_squeeze %dma_start3A_15 : memref<1x128xi32, #tpu.memory_space<vmem>> -> memref<128xi32, #tpu.memory_space<vmem>>
    %dma_start3A_17 = arith.constant 0 : i32
    %dma_start3A_18 = arith.constant 0 : i32
    %dma_start3A_19 = tpu.memref_slice %arg8[%dma_start3A_17, %dma_start3A_18] : memref<51200x128xf32, #tpu.memory_space<hbm>> -> memref<51200x128xf32, #tpu.memory_space<hbm>>
    tpu.enqueue_indirect_dma source(%dma_start3A_19 : memref<51200x128xf32, #tpu.memory_space<hbm>>) target(%dma_start3A_13 : memref<128x128xf32, #tpu.memory_space<vmem>>) offsets(%dma_start3A_16 : memref<128xi32, #tpu.memory_space<vmem>>) semaphore(%arg25 : memref<!tpu.dma_semaphore, #tpu.memory_space<semaphore_mem>>)
    %dma_start3A_20 = arith.constant 1 : i32
    %dma_start3A_21 = arith.constant 1 : i32
    %dma_start3A_22 = arith.constant 0 : i32
    %dma_start3A_23 = arith.constant 0 : i32
    %dma_start3A_24 = tpu.memref_slice %arg13[%dma_start3A_21, %dma_start3A_22, %dma_start3A_23] : memref<4x128x128xf32, #tpu.memory_space<vmem>> -> memref<1x128x128xf32, #tpu.memory_space<vmem>>
    %dma_start3A_25 = tpu.memref_squeeze %dma_start3A_24 : memref<1x128x128xf32, #tpu.memory_space<vmem>> -> memref<128x128xf32, #tpu.memory_space<vmem>>
    %dma_start3A_26 = arith.constant 0 : i32
    %dma_start3A_27 = tpu.memref_slice %arg11[%dma_start3A_20, %dma_start3A_26] : memref<4x128xi32, #tpu.memory_space<vmem>> -> memref<1x128xi32, #tpu.memory_space<vmem>>
    %dma_start3A_28 = tpu.memref_squeeze %dma_start3A_27 : memref<1x128xi32, #tpu.memory_space<vmem>> -> memref<128xi32, #tpu.memory_space<vmem>>
    %dma_start3A_29 = arith.constant 0 : i32
    %dma_start3A_30 = arith.constant 0 : i32
    %dma_start3A_31 = tpu.memref_slice %arg8[%dma_start3A_29, %dma_start3A_30] : memref<51200x128xf32, #tpu.memory_space<hbm>> -> memref<51200x128xf32, #tpu.memory_space<hbm>>
    tpu.enqueue_indirect_dma source(%dma_start3A_31 : memref<51200x128xf32, #tpu.memory_space<hbm>>) target(%dma_start3A_25 : memref<128x128xf32, #tpu.memory_space<vmem>>) offsets(%dma_start3A_28 : memref<128xi32, #tpu.memory_space<vmem>>) semaphore(%arg25 : memref<!tpu.dma_semaphore, #tpu.memory_space<semaphore_mem>>)
    %dma_start3A_32 = arith.constant 2 : i32
    %dma_start3A_33 = arith.constant 2 : i32
    %dma_start3A_34 = arith.constant 0 : i32
    %dma_start3A_35 = arith.constant 0 : i32
    %dma_start3A_36 = tpu.memref_slice %arg13[%dma_start3A_33, %dma_start3A_34, %dma_start3A_35] : memref<4x128x128xf32, #tpu.memory_space<vmem>> -> memref<1x128x128xf32, #tpu.memory_space<vmem>>
    %dma_start3A_37 = tpu.memref_squeeze %dma_start3A_36 : memref<1x128x128xf32, #tpu.memory_space<vmem>> -> memref<128x128xf32, #tpu.memory_space<vmem>>
    %dma_start3A_38 = arith.constant 0 : i32
    %dma_start3A_39 = tpu.memref_slice %arg11[%dma_start3A_32, %dma_start3A_38] : memref<4x128xi32, #tpu.memory_space<vmem>> -> memref<1x128xi32, #tpu.memory_space<vmem>>
    %dma_start3A_40 = tpu.memref_squeeze %dma_start3A_39 : memref<1x128xi32, #tpu.memory_space<vmem>> -> memref<128xi32, #tpu.memory_space<vmem>>
    %dma_start3A_41 = arith.constant 0 : i32
    %dma_start3A_42 = arith.constant 0 : i32
    %dma_start3A_43 = tpu.memref_slice %arg8[%dma_start3A_41, %dma_start3A_42] : memref<51200x128xf32, #tpu.memory_space<hbm>> -> memref<51200x128xf32, #tpu.memory_space<hbm>>
    tpu.enqueue_indirect_dma source(%dma_start3A_43 : memref<51200x128xf32, #tpu.memory_space<hbm>>) target(%dma_start3A_37 : memref<128x128xf32, #tpu.memory_space<vmem>>) offsets(%dma_start3A_40 : memref<128xi32, #tpu.memory_space<vmem>>) semaphore(%arg25 : memref<!tpu.dma_semaphore, #tpu.memory_space<semaphore_mem>>)
    %dma_start3A_44 = arith.constant 3 : i32
    %dma_start3A_45 = arith.constant 3 : i32
    %dma_start3A_46 = arith.constant 0 : i32
    %dma_start3A_47 = arith.constant 0 : i32
    %dma_start3A_48 = tpu.memref_slice %arg13[%dma_start3A_45, %dma_start3A_46, %dma_start3A_47] : memref<4x128x128xf32, #tpu.memory_space<vmem>> -> memref<1x128x128xf32, #tpu.memory_space<vmem>>
    %dma_start3A_49 = tpu.memref_squeeze %dma_start3A_48 : memref<1x128x128xf32, #tpu.memory_space<vmem>> -> memref<128x128xf32, #tpu.memory_space<vmem>>
    %dma_start3A_50 = arith.constant 0 : i32
    %dma_start3A_51 = tpu.memref_slice %arg11[%dma_start3A_44, %dma_start3A_50] : memref<4x128xi32, #tpu.memory_space<vmem>> -> memref<1x128xi32, #tpu.memory_space<vmem>>
    %dma_start3A_52 = tpu.memref_squeeze %dma_start3A_51 : memref<1x128xi32, #tpu.memory_space<vmem>> -> memref<128xi32, #tpu.memory_space<vmem>>
    %dma_start3A_53 = arith.constant 0 : i32
    %dma_start3A_54 = arith.constant 0 : i32
    %dma_start3A_55 = tpu.memref_slice %arg8[%dma_start3A_53, %dma_start3A_54] : memref<51200x128xf32, #tpu.memory_space<hbm>> -> memref<51200x128xf32, #tpu.memory_space<hbm>>
    tpu.enqueue_indirect_dma source(%dma_start3A_55 : memref<51200x128xf32, #tpu.memory_space<hbm>>) target(%dma_start3A_49 : memref<128x128xf32, #tpu.memory_space<vmem>>) offsets(%dma_start3A_52 : memref<128xi32, #tpu.memory_space<vmem>>) semaphore(%arg25 : memref<!tpu.dma_semaphore, #tpu.memory_space<semaphore_mem>>)
    "tpu.region"() ({
      %run_scoped3A = tpu.sem_alloc : memref<!tpu.dma_semaphore, #tpu.memory_space<semaphore_mem>>
      %dma_start3A_124 = tpu.memref_slice %arg3[%mul3A_2] : memref<16384xi32, #tpu.memory_space<hbm>> -> memref<512xi32, #tpu.memory_space<hbm>>
      %dma_start3A_125 = tpu.memref_slice %arg3[%mul3A_2] : memref<16384xi32, #tpu.memory_space<hbm>> -> memref<512xi32, #tpu.memory_space<hbm>>
      tpu.enqueue_dma source(%dma_start3A_125 : memref<512xi32, #tpu.memory_space<hbm>>) target(%arg12 : memref<512xi32, #tpu.memory_space<vmem>>) target_semaphore(%run_scoped3A : memref<!tpu.dma_semaphore, #tpu.memory_space<semaphore_mem>>)
      %dma_wait3A_126 = tpu.memref_slice %arg3[%mul3A_2] : memref<16384xi32, #tpu.memory_space<hbm>> -> memref<512xi32, #tpu.memory_space<hbm>>
      %dma_wait3A_127 = tpu.memref_slice %arg3[%mul3A_2] : memref<16384xi32, #tpu.memory_space<hbm>> -> memref<512xi32, #tpu.memory_space<hbm>>
      tpu.wait_dma2 semaphore(%run_scoped3A : memref<!tpu.dma_semaphore, #tpu.memory_space<semaphore_mem>>) src(%dma_wait3A_127 : memref<512xi32, #tpu.memory_space<hbm>>) dst(%arg12 : memref<512xi32, #tpu.memory_space<vmem>>)
      tpu.yield
    }) : () -> ()
    "tpu.region"() ({
      %run_scoped3A = tpu.sem_alloc : memref<!tpu.dma_semaphore, #tpu.memory_space<semaphore_mem>>
      tpu.enqueue_dma source(%arg6 : memref<4096xi32, #tpu.memory_space<hbm>>) target(%arg16 : memref<4096xi32, #tpu.memory_space<vmem>>) target_semaphore(%run_scoped3A : memref<!tpu.dma_semaphore, #tpu.memory_space<semaphore_mem>>)
      tpu.wait_dma2 semaphore(%run_scoped3A : memref<!tpu.dma_semaphore, #tpu.memory_space<semaphore_mem>>) src(%arg6 : memref<4096xi32, #tpu.memory_space<hbm>>) dst(%arg16 : memref<4096xi32, #tpu.memory_space<vmem>>)
      tpu.yield
    }) : () -> ()
    "tpu.region"() ({
      %run_scoped3A = tpu.sem_alloc : memref<!tpu.dma_semaphore, #tpu.memory_space<semaphore_mem>>
      tpu.enqueue_dma source(%arg9 : memref<16xf32, #tpu.memory_space<hbm>>) target(%arg17 : memref<16xf32, #tpu.memory_space<vmem>>) target_semaphore(%run_scoped3A : memref<!tpu.dma_semaphore, #tpu.memory_space<semaphore_mem>>)
      tpu.wait_dma2 semaphore(%run_scoped3A : memref<!tpu.dma_semaphore, #tpu.memory_space<semaphore_mem>>) src(%arg9 : memref<16xf32, #tpu.memory_space<hbm>>) dst(%arg17 : memref<16xf32, #tpu.memory_space<vmem>>)
      tpu.yield
    }) : () -> ()
    "tpu.region"() ({
      %run_scoped3A = tpu.sem_alloc : memref<!tpu.dma_semaphore, #tpu.memory_space<semaphore_mem>>
      %dma_start3A_124 = tpu.memref_slice %arg7[%mul3A_2] : memref<16384xi32, #tpu.memory_space<hbm>> -> memref<512xi32, #tpu.memory_space<hbm>>
      %dma_start3A_125 = tpu.memref_slice %arg7[%mul3A_2] : memref<16384xi32, #tpu.memory_space<hbm>> -> memref<512xi32, #tpu.memory_space<hbm>>
      tpu.enqueue_dma source(%dma_start3A_125 : memref<512xi32, #tpu.memory_space<hbm>>) target(%arg18 : memref<512xi32, #tpu.memory_space<vmem>>) target_semaphore(%run_scoped3A : memref<!tpu.dma_semaphore, #tpu.memory_space<semaphore_mem>>)
      %dma_wait3A_126 = tpu.memref_slice %arg7[%mul3A_2] : memref<16384xi32, #tpu.memory_space<hbm>> -> memref<512xi32, #tpu.memory_space<hbm>>
      %dma_wait3A_127 = tpu.memref_slice %arg7[%mul3A_2] : memref<16384xi32, #tpu.memory_space<hbm>> -> memref<512xi32, #tpu.memory_space<hbm>>
      tpu.wait_dma2 semaphore(%run_scoped3A : memref<!tpu.dma_semaphore, #tpu.memory_space<semaphore_mem>>) src(%dma_wait3A_127 : memref<512xi32, #tpu.memory_space<hbm>>) dst(%arg18 : memref<512xi32, #tpu.memory_space<vmem>>)
      tpu.yield
    }) : () -> ()
    "tpu.region"() ({
      %run_scoped3A = tpu.sem_alloc : memref<!tpu.dma_semaphore, #tpu.memory_space<semaphore_mem>>
      %dma_start3A_124 = tpu.memref_slice %arg5[%mul3A_2] : memref<16384xi32, #tpu.memory_space<hbm>> -> memref<512xi32, #tpu.memory_space<hbm>>
      %dma_start3A_125 = tpu.memref_slice %arg5[%mul3A_2] : memref<16384xi32, #tpu.memory_space<hbm>> -> memref<512xi32, #tpu.memory_space<hbm>>
      tpu.enqueue_dma source(%dma_start3A_125 : memref<512xi32, #tpu.memory_space<hbm>>) target(%arg19 : memref<512xi32, #tpu.memory_space<vmem>>) target_semaphore(%run_scoped3A : memref<!tpu.dma_semaphore, #tpu.memory_space<semaphore_mem>>)
      %dma_wait3A_126 = tpu.memref_slice %arg5[%mul3A_2] : memref<16384xi32, #tpu.memory_space<hbm>> -> memref<512xi32, #tpu.memory_space<hbm>>
      %dma_wait3A_127 = tpu.memref_slice %arg5[%mul3A_2] : memref<16384xi32, #tpu.memory_space<hbm>> -> memref<512xi32, #tpu.memory_space<hbm>>
      tpu.wait_dma2 semaphore(%run_scoped3A : memref<!tpu.dma_semaphore, #tpu.memory_space<semaphore_mem>>) src(%dma_wait3A_127 : memref<512xi32, #tpu.memory_space<hbm>>) dst(%arg19 : memref<512xi32, #tpu.memory_space<vmem>>)
      tpu.yield
    }) : () -> ()
    %add3A_56 = arith.constant 0 : i32
    %add3A_57 = arith.addi %mul3A_2, %add3A_56 : i32
    "tpu.region"() ({
      %run_scoped3A = tpu.sem_alloc : memref<!tpu.dma_semaphore, #tpu.memory_space<semaphore_mem>>
      %dma_start3A_124 = arith.constant 0 : i32
      %dma_start3A_125 = tpu.memref_slice %arg2[%dma_start3A_124, %add3A_57] : memref<64x16384xi32, #tpu.memory_space<hbm>> -> memref<64x256xi32, #tpu.memory_space<hbm>>
      %dma_start3A_126 = arith.constant 0 : i32
      %dma_start3A_127 = tpu.memref_slice %arg2[%dma_start3A_126, %add3A_57] : memref<64x16384xi32, #tpu.memory_space<hbm>> -> memref<64x256xi32, #tpu.memory_space<hbm>>
      tpu.enqueue_dma source(%dma_start3A_127 : memref<64x256xi32, #tpu.memory_space<hbm>>) target(%arg14 : memref<64x256xi32, #tpu.memory_space<vmem>>) target_semaphore(%run_scoped3A : memref<!tpu.dma_semaphore, #tpu.memory_space<semaphore_mem>>)
      %dma_wait3A_128 = arith.constant 0 : i32
      %dma_wait3A_129 = tpu.memref_slice %arg2[%dma_wait3A_128, %add3A_57] : memref<64x16384xi32, #tpu.memory_space<hbm>> -> memref<64x256xi32, #tpu.memory_space<hbm>>
      %dma_wait3A_130 = arith.constant 0 : i32
      %dma_wait3A_131 = tpu.memref_slice %arg2[%dma_wait3A_130, %add3A_57] : memref<64x16384xi32, #tpu.memory_space<hbm>> -> memref<64x256xi32, #tpu.memory_space<hbm>>
      tpu.wait_dma2 semaphore(%run_scoped3A : memref<!tpu.dma_semaphore, #tpu.memory_space<semaphore_mem>>) src(%dma_wait3A_131 : memref<64x256xi32, #tpu.memory_space<hbm>>) dst(%arg14 : memref<64x256xi32, #tpu.memory_space<vmem>>)
      tpu.yield
    }) : () -> ()
    %scan3A = arith.constant 0 : i32
    %scan3A_58 = arith.constant 0 : i32
    %scan3A_59 = arith.constant 64 : i32
    %scan3A_60 = arith.addi %scan3A_58, %scan3A_59 : i32
    %scan3A_61 = arith.constant 1 : i32
    scf.for %scan3A_124 = %scan3A_58 to %scan3A_60 step %scan3A_61  : i32 {
      %get3A = arith.index_cast %scan3A_124 : i32 to index
      %get3A_125 = arith.constant 0 : index
      %get3A_126 = tpu.vector_load %arg14[%get3A, %get3A_125] {strides = array<i32>} : memref<64x256xi32, #tpu.memory_space<vmem>>, vector<16xi32>,
      %add3A_127 = arith.constant 0 : i32
      %add3A_128 = arith.addi %add3A_127, %scan3A_124 : i32
      %add3A_129 = vector.broadcast %add3A_128 : i32 to vector<16xi32>
      %add3A_130 = arith.addi %mul3A_8, %add3A_129 : vector<16xi32>
      tpu.vector_store_idx %arg15[%add3A_130], %get3A_126 : memref<35344xi32, #tpu.memory_space<vmem>>[vector<16xi32>], vector<16xi32>,
      %get3A_131 = arith.index_cast %scan3A_124 : i32 to index
      %get3A_132 = arith.constant 16 : index
      %get3A_133 = tpu.vector_load %arg14[%get3A_131, %get3A_132] {strides = array<i32>} : memref<64x256xi32, #tpu.memory_space<vmem>>, vector<16xi32>,
      %add3A_134 = arith.constant 1104 : i32
      %add3A_135 = arith.addi %add3A_134, %scan3A_124 : i32
      %add3A_136 = vector.broadcast %add3A_135 : i32 to vector<16xi32>
      %add3A_137 = arith.addi %mul3A_8, %add3A_136 : vector<16xi32>
      tpu.vector_store_idx %arg15[%add3A_137], %get3A_133 : memref<35344xi32, #tpu.memory_space<vmem>>[vector<16xi32>], vector<16xi32>,
      %get3A_138 = arith.index_cast %scan3A_124 : i32 to index
      %get3A_139 = arith.constant 32 : index
      %get3A_140 = tpu.vector_load %arg14[%get3A_138, %get3A_139] {strides = array<i32>} : memref<64x256xi32, #tpu.memory_space<vmem>>, vector<16xi32>,
      %add3A_141 = arith.constant 2208 : i32
      %add3A_142 = arith.addi %add3A_141, %scan3A_124 : i32
      %add3A_143 = vector.broadcast %add3A_142 : i32 to vector<16xi32>
      %add3A_144 = arith.addi %mul3A_8, %add3A_143 : vector<16xi32>
      tpu.vector_store_idx %arg15[%add3A_144], %get3A_140 : memref<35344xi32, #tpu.memory_space<vmem>>[vector<16xi32>], vector<16xi32>,
      %get3A_145 = arith.index_cast %scan3A_124 : i32 to index
      %get3A_146 = arith.constant 48 : index
      %get3A_147 = tpu.vector_load %arg14[%get3A_145, %get3A_146] {strides = array<i32>} : memref<64x256xi32, #tpu.memory_space<vmem>>, vector<16xi32>,
      %add3A_148 = arith.constant 3312 : i32
      %add3A_149 = arith.addi %add3A_148, %scan3A_124 : i32
      %add3A_150 = vector.broadcast %add3A_149 : i32 to vector<16xi32>
      %add3A_151 = arith.addi %mul3A_8, %add3A_150 : vector<16xi32>
      tpu.vector_store_idx %arg15[%add3A_151], %get3A_147 : memref<35344xi32, #tpu.memory_space<vmem>>[vector<16xi32>], vector<16xi32>,
      %get3A_152 = arith.index_cast %scan3A_124 : i32 to index
      %get3A_153 = arith.constant 64 : index
      %get3A_154 = tpu.vector_load %arg14[%get3A_152, %get3A_153] {strides = array<i32>} : memref<64x256xi32, #tpu.memory_space<vmem>>, vector<16xi32>,
      %add3A_155 = arith.constant 4416 : i32
      %add3A_156 = arith.addi %add3A_155, %scan3A_124 : i32
      %add3A_157 = vector.broadcast %add3A_156 : i32 to vector<16xi32>
      %add3A_158 = arith.addi %mul3A_8, %add3A_157 : vector<16xi32>
      tpu.vector_store_idx %arg15[%add3A_158], %get3A_154 : memref<35344xi32, #tpu.memory_space<vmem>>[vector<16xi32>], vector<16xi32>,
      %get3A_159 = arith.index_cast %scan3A_124 : i32 to index
      %get3A_160 = arith.constant 80 : index
      %get3A_161 = tpu.vector_load %arg14[%get3A_159, %get3A_160] {strides = array<i32>} : memref<64x256xi32, #tpu.memory_space<vmem>>, vector<16xi32>,
      %add3A_162 = arith.constant 5520 : i32
      %add3A_163 = arith.addi %add3A_162, %scan3A_124 : i32
      %add3A_164 = vector.broadcast %add3A_163 : i32 to vector<16xi32>
      %add3A_165 = arith.addi %mul3A_8, %add3A_164 : vector<16xi32>
      tpu.vector_store_idx %arg15[%add3A_165], %get3A_161 : memref<35344xi32, #tpu.memory_space<vmem>>[vector<16xi32>], vector<16xi32>,
      %get3A_166 = arith.index_cast %scan3A_124 : i32 to index
      %get3A_167 = arith.constant 96 : index
      %get3A_168 = tpu.vector_load %arg14[%get3A_166, %get3A_167] {strides = array<i32>} : memref<64x256xi32, #tpu.memory_space<vmem>>, vector<16xi32>,
      %add3A_169 = arith.constant 6624 : i32
      %add3A_170 = arith.addi %add3A_169, %scan3A_124 : i32
      %add3A_171 = vector.broadcast %add3A_170 : i32 to vector<16xi32>
      %add3A_172 = arith.addi %mul3A_8, %add3A_171 : vector<16xi32>
      tpu.vector_store_idx %arg15[%add3A_172], %get3A_168 : memref<35344xi32, #tpu.memory_space<vmem>>[vector<16xi32>], vector<16xi32>,
      %get3A_173 = arith.index_cast %scan3A_124 : i32 to index
      %get3A_174 = arith.constant 112 : index
      %get3A_175 = tpu.vector_load %arg14[%get3A_173, %get3A_174] {strides = array<i32>} : memref<64x256xi32, #tpu.memory_space<vmem>>, vector<16xi32>,
      %add3A_176 = arith.constant 7728 : i32
      %add3A_177 = arith.addi %add3A_176, %scan3A_124 : i32
      %add3A_178 = vector.broadcast %add3A_177 : i32 to vector<16xi32>
      %add3A_179 = arith.addi %mul3A_8, %add3A_178 : vector<16xi32>
      tpu.vector_store_idx %arg15[%add3A_179], %get3A_175 : memref<35344xi32, #tpu.memory_space<vmem>>[vector<16xi32>], vector<16xi32>,
      %get3A_180 = arith.index_cast %scan3A_124 : i32 to index
      %get3A_181 = arith.constant 128 : index
      %get3A_182 = tpu.vector_load %arg14[%get3A_180, %get3A_181] {strides = array<i32>} : memref<64x256xi32, #tpu.memory_space<vmem>>, vector<16xi32>,
      %add3A_183 = arith.constant 8832 : i32
      %add3A_184 = arith.addi %add3A_183, %scan3A_124 : i32
      %add3A_185 = vector.broadcast %add3A_184 : i32 to vector<16xi32>
      %add3A_186 = arith.addi %mul3A_8, %add3A_185 : vector<16xi32>
      tpu.vector_store_idx %arg15[%add3A_186], %get3A_182 : memref<35344xi32, #tpu.memory_space<vmem>>[vector<16xi32>], vector<16xi32>,
      %get3A_187 = arith.index_cast %scan3A_124 : i32 to index
      %get3A_188 = arith.constant 144 : index
      %get3A_189 = tpu.vector_load %arg14[%get3A_187, %get3A_188] {strides = array<i32>} : memref<64x256xi32, #tpu.memory_space<vmem>>, vector<16xi32>,
      %add3A_190 = arith.constant 9936 : i32
      %add3A_191 = arith.addi %add3A_190, %scan3A_124 : i32
      %add3A_192 = vector.broadcast %add3A_191 : i32 to vector<16xi32>
      %add3A_193 = arith.addi %mul3A_8, %add3A_192 : vector<16xi32>
      tpu.vector_store_idx %arg15[%add3A_193], %get3A_189 : memref<35344xi32, #tpu.memory_space<vmem>>[vector<16xi32>], vector<16xi32>,
      %get3A_194 = arith.index_cast %scan3A_124 : i32 to index
      %get3A_195 = arith.constant 160 : index
      %get3A_196 = tpu.vector_load %arg14[%get3A_194, %get3A_195] {strides = array<i32>} : memref<64x256xi32, #tpu.memory_space<vmem>>, vector<16xi32>,
      %add3A_197 = arith.constant 11040 : i32
      %add3A_198 = arith.addi %add3A_197, %scan3A_124 : i32
      %add3A_199 = vector.broadcast %add3A_198 : i32 to vector<16xi32>
      %add3A_200 = arith.addi %mul3A_8, %add3A_199 : vector<16xi32>
      tpu.vector_store_idx %arg15[%add3A_200], %get3A_196 : memref<35344xi32, #tpu.memory_space<vmem>>[vector<16xi32>], vector<16xi32>,
      %get3A_201 = arith.index_cast %scan3A_124 : i32 to index
      %get3A_202 = arith.constant 176 : index
      %get3A_203 = tpu.vector_load %arg14[%get3A_201, %get3A_202] {strides = array<i32>} : memref<64x256xi32, #tpu.memory_space<vmem>>, vector<16xi32>,
      %add3A_204 = arith.constant 12144 : i32
      %add3A_205 = arith.addi %add3A_204, %scan3A_124 : i32
      %add3A_206 = vector.broadcast %add3A_205 : i32 to vector<16xi32>
      %add3A_207 = arith.addi %mul3A_8, %add3A_206 : vector<16xi32>
      tpu.vector_store_idx %arg15[%add3A_207], %get3A_203 : memref<35344xi32, #tpu.memory_space<vmem>>[vector<16xi32>], vector<16xi32>,
      %get3A_208 = arith.index_cast %scan3A_124 : i32 to index
      %get3A_209 = arith.constant 192 : index
      %get3A_210 = tpu.vector_load %arg14[%get3A_208, %get3A_209] {strides = array<i32>} : memref<64x256xi32, #tpu.memory_space<vmem>>, vector<16xi32>,
      %add3A_211 = arith.constant 13248 : i32
      %add3A_212 = arith.addi %add3A_211, %scan3A_124 : i32
      %add3A_213 = vector.broadcast %add3A_212 : i32 to vector<16xi32>
      %add3A_214 = arith.addi %mul3A_8, %add3A_213 : vector<16xi32>
      tpu.vector_store_idx %arg15[%add3A_214], %get3A_210 : memref<35344xi32, #tpu.memory_space<vmem>>[vector<16xi32>], vector<16xi32>,
      %get3A_215 = arith.index_cast %scan3A_124 : i32 to index
      %get3A_216 = arith.constant 208 : index
      %get3A_217 = tpu.vector_load %arg14[%get3A_215, %get3A_216] {strides = array<i32>} : memref<64x256xi32, #tpu.memory_space<vmem>>, vector<16xi32>,
      %add3A_218 = arith.constant 14352 : i32
      %add3A_219 = arith.addi %add3A_218, %scan3A_124 : i32
      %add3A_220 = vector.broadcast %add3A_219 : i32 to vector<16xi32>
      %add3A_221 = arith.addi %mul3A_8, %add3A_220 : vector<16xi32>
      tpu.vector_store_idx %arg15[%add3A_221], %get3A_217 : memref<35344xi32, #tpu.memory_space<vmem>>[vector<16xi32>], vector<16xi32>,
      %get3A_222 = arith.index_cast %scan3A_124 : i32 to index
      %get3A_223 = arith.constant 224 : index
      %get3A_224 = tpu.vector_load %arg14[%get3A_222, %get3A_223] {strides = array<i32>} : memref<64x256xi32, #tpu.memory_space<vmem>>, vector<16xi32>,
      %add3A_225 = arith.constant 15456 : i32
      %add3A_226 = arith.addi %add3A_225, %scan3A_124 : i32
      %add3A_227 = vector.broadcast %add3A_226 : i32 to vector<16xi32>
      %add3A_228 = arith.addi %mul3A_8, %add3A_227 : vector<16xi32>
      tpu.vector_store_idx %arg15[%add3A_228], %get3A_224 : memref<35344xi32, #tpu.memory_space<vmem>>[vector<16xi32>], vector<16xi32>,
      %get3A_229 = arith.index_cast %scan3A_124 : i32 to index
      %get3A_230 = arith.constant 240 : index
      %get3A_231 = tpu.vector_load %arg14[%get3A_229, %get3A_230] {strides = array<i32>} : memref<64x256xi32, #tpu.memory_space<vmem>>, vector<16xi32>,
      %add3A_232 = arith.constant 16560 : i32
      %add3A_233 = arith.addi %add3A_232, %scan3A_124 : i32
      %add3A_234 = vector.broadcast %add3A_233 : i32 to vector<16xi32>
      %add3A_235 = arith.addi %mul3A_8, %add3A_234 : vector<16xi32>
      tpu.vector_store_idx %arg15[%add3A_235], %get3A_231 : memref<35344xi32, #tpu.memory_space<vmem>>[vector<16xi32>], vector<16xi32>,
    }
    %scan3A_62 = arith.constant 64 : i32
    %add3A_63 = arith.constant 256 : i32
    %add3A_64 = arith.addi %mul3A_2, %add3A_63 : i32
    "tpu.region"() ({
      %run_scoped3A = tpu.sem_alloc : memref<!tpu.dma_semaphore, #tpu.memory_space<semaphore_mem>>
      %dma_start3A_124 = arith.constant 0 : i32
      %dma_start3A_125 = tpu.memref_slice %arg2[%dma_start3A_124, %add3A_64] : memref<64x16384xi32, #tpu.memory_space<hbm>> -> memref<64x256xi32, #tpu.memory_space<hbm>>
      %dma_start3A_126 = arith.constant 0 : i32
      %dma_start3A_127 = tpu.memref_slice %arg2[%dma_start3A_126, %add3A_64] : memref<64x16384xi32, #tpu.memory_space<hbm>> -> memref<64x256xi32, #tpu.memory_space<hbm>>
      tpu.enqueue_dma source(%dma_start3A_127 : memref<64x256xi32, #tpu.memory_space<hbm>>) target(%arg14 : memref<64x256xi32, #tpu.memory_space<vmem>>) target_semaphore(%run_scoped3A : memref<!tpu.dma_semaphore, #tpu.memory_space<semaphore_mem>>)
      %dma_wait3A_128 = arith.constant 0 : i32
      %dma_wait3A_129 = tpu.memref_slice %arg2[%dma_wait3A_128, %add3A_64] : memref<64x16384xi32, #tpu.memory_space<hbm>> -> memref<64x256xi32, #tpu.memory_space<hbm>>
      %dma_wait3A_130 = arith.constant 0 : i32
      %dma_wait3A_131 = tpu.memref_slice %arg2[%dma_wait3A_130, %add3A_64] : memref<64x16384xi32, #tpu.memory_space<hbm>> -> memref<64x256xi32, #tpu.memory_space<hbm>>
      tpu.wait_dma2 semaphore(%run_scoped3A : memref<!tpu.dma_semaphore, #tpu.memory_space<semaphore_mem>>) src(%dma_wait3A_131 : memref<64x256xi32, #tpu.memory_space<hbm>>) dst(%arg14 : memref<64x256xi32, #tpu.memory_space<vmem>>)
      tpu.yield
    }) : () -> ()
    %scan3A_65 = arith.constant 0 : i32
    %scan3A_66 = arith.constant 0 : i32
    %scan3A_67 = arith.constant 64 : i32
    %scan3A_68 = arith.addi %scan3A_66, %scan3A_67 : i32
    %scan3A_69 = arith.constant 1 : i32
    scf.for %scan3A_124 = %scan3A_66 to %scan3A_68 step %scan3A_69  : i32 {
      %get3A = arith.index_cast %scan3A_124 : i32 to index
      %get3A_125 = arith.constant 0 : index
      %get3A_126 = tpu.vector_load %arg14[%get3A, %get3A_125] {strides = array<i32>} : memref<64x256xi32, #tpu.memory_space<vmem>>, vector<16xi32>,
      %add3A_127 = arith.constant 17664 : i32
      %add3A_128 = arith.addi %add3A_127, %scan3A_124 : i32
      %add3A_129 = vector.broadcast %add3A_128 : i32 to vector<16xi32>
      %add3A_130 = arith.addi %mul3A_8, %add3A_129 : vector<16xi32>
      tpu.vector_store_idx %arg15[%add3A_130], %get3A_126 : memref<35344xi32, #tpu.memory_space<vmem>>[vector<16xi32>], vector<16xi32>,
      %get3A_131 = arith.index_cast %scan3A_124 : i32 to index
      %get3A_132 = arith.constant 16 : index
      %get3A_133 = tpu.vector_load %arg14[%get3A_131, %get3A_132] {strides = array<i32>} : memref<64x256xi32, #tpu.memory_space<vmem>>, vector<16xi32>,
      %add3A_134 = arith.constant 18768 : i32
      %add3A_135 = arith.addi %add3A_134, %scan3A_124 : i32
      %add3A_136 = vector.broadcast %add3A_135 : i32 to vector<16xi32>
      %add3A_137 = arith.addi %mul3A_8, %add3A_136 : vector<16xi32>
      tpu.vector_store_idx %arg15[%add3A_137], %get3A_133 : memref<35344xi32, #tpu.memory_space<vmem>>[vector<16xi32>], vector<16xi32>,
      %get3A_138 = arith.index_cast %scan3A_124 : i32 to index
      %get3A_139 = arith.constant 32 : index
      %get3A_140 = tpu.vector_load %arg14[%get3A_138, %get3A_139] {strides = array<i32>} : memref<64x256xi32, #tpu.memory_space<vmem>>, vector<16xi32>,
      %add3A_141 = arith.constant 19872 : i32
      %add3A_142 = arith.addi %add3A_141, %scan3A_124 : i32
      %add3A_143 = vector.broadcast %add3A_142 : i32 to vector<16xi32>
      %add3A_144 = arith.addi %mul3A_8, %add3A_143 : vector<16xi32>
      tpu.vector_store_idx %arg15[%add3A_144], %get3A_140 : memref<35344xi32, #tpu.memory_space<vmem>>[vector<16xi32>], vector<16xi32>,
      %get3A_145 = arith.index_cast %scan3A_124 : i32 to index
      %get3A_146 = arith.constant 48 : index
      %get3A_147 = tpu.vector_load %arg14[%get3A_145, %get3A_146] {strides = array<i32>} : memref<64x256xi32, #tpu.memory_space<vmem>>, vector<16xi32>,
      %add3A_148 = arith.constant 20976 : i32
      %add3A_149 = arith.addi %add3A_148, %scan3A_124 : i32
      %add3A_150 = vector.broadcast %add3A_149 : i32 to vector<16xi32>
      %add3A_151 = arith.addi %mul3A_8, %add3A_150 : vector<16xi32>
      tpu.vector_store_idx %arg15[%add3A_151], %get3A_147 : memref<35344xi32, #tpu.memory_space<vmem>>[vector<16xi32>], vector<16xi32>,
      %get3A_152 = arith.index_cast %scan3A_124 : i32 to index
      %get3A_153 = arith.constant 64 : index
      %get3A_154 = tpu.vector_load %arg14[%get3A_152, %get3A_153] {strides = array<i32>} : memref<64x256xi32, #tpu.memory_space<vmem>>, vector<16xi32>,
      %add3A_155 = arith.constant 22080 : i32
      %add3A_156 = arith.addi %add3A_155, %scan3A_124 : i32
      %add3A_157 = vector.broadcast %add3A_156 : i32 to vector<16xi32>
      %add3A_158 = arith.addi %mul3A_8, %add3A_157 : vector<16xi32>
      tpu.vector_store_idx %arg15[%add3A_158], %get3A_154 : memref<35344xi32, #tpu.memory_space<vmem>>[vector<16xi32>], vector<16xi32>,
      %get3A_159 = arith.index_cast %scan3A_124 : i32 to index
      %get3A_160 = arith.constant 80 : index
      %get3A_161 = tpu.vector_load %arg14[%get3A_159, %get3A_160] {strides = array<i32>} : memref<64x256xi32, #tpu.memory_space<vmem>>, vector<16xi32>,
      %add3A_162 = arith.constant 23184 : i32
      %add3A_163 = arith.addi %add3A_162, %scan3A_124 : i32
      %add3A_164 = vector.broadcast %add3A_163 : i32 to vector<16xi32>
      %add3A_165 = arith.addi %mul3A_8, %add3A_164 : vector<16xi32>
      tpu.vector_store_idx %arg15[%add3A_165], %get3A_161 : memref<35344xi32, #tpu.memory_space<vmem>>[vector<16xi32>], vector<16xi32>,
      %get3A_166 = arith.index_cast %scan3A_124 : i32 to index
      %get3A_167 = arith.constant 96 : index
      %get3A_168 = tpu.vector_load %arg14[%get3A_166, %get3A_167] {strides = array<i32>} : memref<64x256xi32, #tpu.memory_space<vmem>>, vector<16xi32>,
      %add3A_169 = arith.constant 24288 : i32
      %add3A_170 = arith.addi %add3A_169, %scan3A_124 : i32
      %add3A_171 = vector.broadcast %add3A_170 : i32 to vector<16xi32>
      %add3A_172 = arith.addi %mul3A_8, %add3A_171 : vector<16xi32>
      tpu.vector_store_idx %arg15[%add3A_172], %get3A_168 : memref<35344xi32, #tpu.memory_space<vmem>>[vector<16xi32>], vector<16xi32>,
      %get3A_173 = arith.index_cast %scan3A_124 : i32 to index
      %get3A_174 = arith.constant 112 : index
      %get3A_175 = tpu.vector_load %arg14[%get3A_173, %get3A_174] {strides = array<i32>} : memref<64x256xi32, #tpu.memory_space<vmem>>, vector<16xi32>,
      %add3A_176 = arith.constant 25392 : i32
      %add3A_177 = arith.addi %add3A_176, %scan3A_124 : i32
      %add3A_178 = vector.broadcast %add3A_177 : i32 to vector<16xi32>
      %add3A_179 = arith.addi %mul3A_8, %add3A_178 : vector<16xi32>
      tpu.vector_store_idx %arg15[%add3A_179], %get3A_175 : memref<35344xi32, #tpu.memory_space<vmem>>[vector<16xi32>], vector<16xi32>,
      %get3A_180 = arith.index_cast %scan3A_124 : i32 to index
      %get3A_181 = arith.constant 128 : index
      %get3A_182 = tpu.vector_load %arg14[%get3A_180, %get3A_181] {strides = array<i32>} : memref<64x256xi32, #tpu.memory_space<vmem>>, vector<16xi32>,
      %add3A_183 = arith.constant 26496 : i32
      %add3A_184 = arith.addi %add3A_183, %scan3A_124 : i32
      %add3A_185 = vector.broadcast %add3A_184 : i32 to vector<16xi32>
      %add3A_186 = arith.addi %mul3A_8, %add3A_185 : vector<16xi32>
      tpu.vector_store_idx %arg15[%add3A_186], %get3A_182 : memref<35344xi32, #tpu.memory_space<vmem>>[vector<16xi32>], vector<16xi32>,
      %get3A_187 = arith.index_cast %scan3A_124 : i32 to index
      %get3A_188 = arith.constant 144 : index
      %get3A_189 = tpu.vector_load %arg14[%get3A_187, %get3A_188] {strides = array<i32>} : memref<64x256xi32, #tpu.memory_space<vmem>>, vector<16xi32>,
      %add3A_190 = arith.constant 27600 : i32
      %add3A_191 = arith.addi %add3A_190, %scan3A_124 : i32
      %add3A_192 = vector.broadcast %add3A_191 : i32 to vector<16xi32>
      %add3A_193 = arith.addi %mul3A_8, %add3A_192 : vector<16xi32>
      tpu.vector_store_idx %arg15[%add3A_193], %get3A_189 : memref<35344xi32, #tpu.memory_space<vmem>>[vector<16xi32>], vector<16xi32>,
      %get3A_194 = arith.index_cast %scan3A_124 : i32 to index
      %get3A_195 = arith.constant 160 : index
      %get3A_196 = tpu.vector_load %arg14[%get3A_194, %get3A_195] {strides = array<i32>} : memref<64x256xi32, #tpu.memory_space<vmem>>, vector<16xi32>,
      %add3A_197 = arith.constant 28704 : i32
      %add3A_198 = arith.addi %add3A_197, %scan3A_124 : i32
      %add3A_199 = vector.broadcast %add3A_198 : i32 to vector<16xi32>
      %add3A_200 = arith.addi %mul3A_8, %add3A_199 : vector<16xi32>
      tpu.vector_store_idx %arg15[%add3A_200], %get3A_196 : memref<35344xi32, #tpu.memory_space<vmem>>[vector<16xi32>], vector<16xi32>,
      %get3A_201 = arith.index_cast %scan3A_124 : i32 to index
      %get3A_202 = arith.constant 176 : index
      %get3A_203 = tpu.vector_load %arg14[%get3A_201, %get3A_202] {strides = array<i32>} : memref<64x256xi32, #tpu.memory_space<vmem>>, vector<16xi32>,
      %add3A_204 = arith.constant 29808 : i32
      %add3A_205 = arith.addi %add3A_204, %scan3A_124 : i32
      %add3A_206 = vector.broadcast %add3A_205 : i32 to vector<16xi32>
      %add3A_207 = arith.addi %mul3A_8, %add3A_206 : vector<16xi32>
      tpu.vector_store_idx %arg15[%add3A_207], %get3A_203 : memref<35344xi32, #tpu.memory_space<vmem>>[vector<16xi32>], vector<16xi32>,
      %get3A_208 = arith.index_cast %scan3A_124 : i32 to index
      %get3A_209 = arith.constant 192 : index
      %get3A_210 = tpu.vector_load %arg14[%get3A_208, %get3A_209] {strides = array<i32>} : memref<64x256xi32, #tpu.memory_space<vmem>>, vector<16xi32>,
      %add3A_211 = arith.constant 30912 : i32
      %add3A_212 = arith.addi %add3A_211, %scan3A_124 : i32
      %add3A_213 = vector.broadcast %add3A_212 : i32 to vector<16xi32>
      %add3A_214 = arith.addi %mul3A_8, %add3A_213 : vector<16xi32>
      tpu.vector_store_idx %arg15[%add3A_214], %get3A_210 : memref<35344xi32, #tpu.memory_space<vmem>>[vector<16xi32>], vector<16xi32>,
      %get3A_215 = arith.index_cast %scan3A_124 : i32 to index
      %get3A_216 = arith.constant 208 : index
      %get3A_217 = tpu.vector_load %arg14[%get3A_215, %get3A_216] {strides = array<i32>} : memref<64x256xi32, #tpu.memory_space<vmem>>, vector<16xi32>,
      %add3A_218 = arith.constant 32016 : i32
      %add3A_219 = arith.addi %add3A_218, %scan3A_124 : i32
      %add3A_220 = vector.broadcast %add3A_219 : i32 to vector<16xi32>
      %add3A_221 = arith.addi %mul3A_8, %add3A_220 : vector<16xi32>
      tpu.vector_store_idx %arg15[%add3A_221], %get3A_217 : memref<35344xi32, #tpu.memory_space<vmem>>[vector<16xi32>], vector<16xi32>,
      %get3A_222 = arith.index_cast %scan3A_124 : i32 to index
      %get3A_223 = arith.constant 224 : index
      %get3A_224 = tpu.vector_load %arg14[%get3A_222, %get3A_223] {strides = array<i32>} : memref<64x256xi32, #tpu.memory_space<vmem>>, vector<16xi32>,
      %add3A_225 = arith.constant 33120 : i32
      %add3A_226 = arith.addi %add3A_225, %scan3A_124 : i32
      %add3A_227 = vector.broadcast %add3A_226 : i32 to vector<16xi32>
      %add3A_228 = arith.addi %mul3A_8, %add3A_227 : vector<16xi32>
      tpu.vector_store_idx %arg15[%add3A_228], %get3A_224 : memref<35344xi32, #tpu.memory_space<vmem>>[vector<16xi32>], vector<16xi32>,
      %get3A_229 = arith.index_cast %scan3A_124 : i32 to index
      %get3A_230 = arith.constant 240 : index
      %get3A_231 = tpu.vector_load %arg14[%get3A_229, %get3A_230] {strides = array<i32>} : memref<64x256xi32, #tpu.memory_space<vmem>>, vector<16xi32>,
      %add3A_232 = arith.constant 34224 : i32
      %add3A_233 = arith.addi %add3A_232, %scan3A_124 : i32
      %add3A_234 = vector.broadcast %add3A_233 : i32 to vector<16xi32>
      %add3A_235 = arith.addi %mul3A_8, %add3A_234 : vector<16xi32>
      tpu.vector_store_idx %arg15[%add3A_235], %get3A_231 : memref<35344xi32, #tpu.memory_space<vmem>>[vector<16xi32>], vector<16xi32>,
    }
    %scan3A_70 = arith.constant 64 : i32
    %dma_wait3A = arith.constant 0 : i32
    %dma_wait3A_71 = arith.constant 0 : i32
    %dma_wait3A_72 = arith.constant 0 : i32
    %dma_wait3A_73 = arith.constant 0 : i32
    %dma_wait3A_74 = tpu.memref_slice %arg13[%dma_wait3A_71, %dma_wait3A_72, %dma_wait3A_73] : memref<4x128x128xf32, #tpu.memory_space<vmem>> -> memref<1x128x128xf32, #tpu.memory_space<vmem>>
    %dma_wait3A_75 = tpu.memref_squeeze %dma_wait3A_74 : memref<1x128x128xf32, #tpu.memory_space<vmem>> -> memref<128x128xf32, #tpu.memory_space<vmem>>
    %dma_wait3A_76 = arith.constant 0 : i32
    %dma_wait3A_77 = tpu.memref_slice %arg11[%dma_wait3A, %dma_wait3A_76] : memref<4x128xi32, #tpu.memory_space<vmem>> -> memref<1x128xi32, #tpu.memory_space<vmem>>
    %dma_wait3A_78 = tpu.memref_squeeze %dma_wait3A_77 : memref<1x128xi32, #tpu.memory_space<vmem>> -> memref<128xi32, #tpu.memory_space<vmem>>
    %dma_wait3A_79 = arith.constant 0 : i32
    %dma_wait3A_80 = arith.constant 0 : i32
    %dma_wait3A_81 = tpu.memref_slice %arg8[%dma_wait3A_79, %dma_wait3A_80] : memref<51200x128xf32, #tpu.memory_space<hbm>> -> memref<51200x128xf32, #tpu.memory_space<hbm>>
    tpu.wait_indirect_dma semaphore(%arg25 : memref<!tpu.dma_semaphore, #tpu.memory_space<semaphore_mem>>) src(%dma_wait3A_81 : memref<51200x128xf32, #tpu.memory_space<hbm>>) dst(%dma_wait3A_75 : memref<128x128xf32, #tpu.memory_space<vmem>>)
    %dma_wait3A_82 = arith.constant 1 : i32
    %dma_wait3A_83 = arith.constant 1 : i32
    %dma_wait3A_84 = arith.constant 0 : i32
    %dma_wait3A_85 = arith.constant 0 : i32
    %dma_wait3A_86 = tpu.memref_slice %arg13[%dma_wait3A_83, %dma_wait3A_84, %dma_wait3A_85] : memref<4x128x128xf32, #tpu.memory_space<vmem>> -> memref<1x128x128xf32, #tpu.memory_space<vmem>>
    %dma_wait3A_87 = tpu.memref_squeeze %dma_wait3A_86 : memref<1x128x128xf32, #tpu.memory_space<vmem>> -> memref<128x128xf32, #tpu.memory_space<vmem>>
    %dma_wait3A_88 = arith.constant 0 : i32
    %dma_wait3A_89 = tpu.memref_slice %arg11[%dma_wait3A_82, %dma_wait3A_88] : memref<4x128xi32, #tpu.memory_space<vmem>> -> memref<1x128xi32, #tpu.memory_space<vmem>>
    %dma_wait3A_90 = tpu.memref_squeeze %dma_wait3A_89 : memref<1x128xi32, #tpu.memory_space<vmem>> -> memref<128xi32, #tpu.memory_space<vmem>>
    %dma_wait3A_91 = arith.constant 0 : i32
    %dma_wait3A_92 = arith.constant 0 : i32
    %dma_wait3A_93 = tpu.memref_slice %arg8[%dma_wait3A_91, %dma_wait3A_92] : memref<51200x128xf32, #tpu.memory_space<hbm>> -> memref<51200x128xf32, #tpu.memory_space<hbm>>
    tpu.wait_indirect_dma semaphore(%arg25 : memref<!tpu.dma_semaphore, #tpu.memory_space<semaphore_mem>>) src(%dma_wait3A_93 : memref<51200x128xf32, #tpu.memory_space<hbm>>) dst(%dma_wait3A_87 : memref<128x128xf32, #tpu.memory_space<vmem>>)
    %dma_wait3A_94 = arith.constant 2 : i32
    %dma_wait3A_95 = arith.constant 2 : i32
    %dma_wait3A_96 = arith.constant 0 : i32
    %dma_wait3A_97 = arith.constant 0 : i32
    %dma_wait3A_98 = tpu.memref_slice %arg13[%dma_wait3A_95, %dma_wait3A_96, %dma_wait3A_97] : memref<4x128x128xf32, #tpu.memory_space<vmem>> -> memref<1x128x128xf32, #tpu.memory_space<vmem>>
    %dma_wait3A_99 = tpu.memref_squeeze %dma_wait3A_98 : memref<1x128x128xf32, #tpu.memory_space<vmem>> -> memref<128x128xf32, #tpu.memory_space<vmem>>
    %dma_wait3A_100 = arith.constant 0 : i32
    %dma_wait3A_101 = tpu.memref_slice %arg11[%dma_wait3A_94, %dma_wait3A_100] : memref<4x128xi32, #tpu.memory_space<vmem>> -> memref<1x128xi32, #tpu.memory_space<vmem>>
    %dma_wait3A_102 = tpu.memref_squeeze %dma_wait3A_101 : memref<1x128xi32, #tpu.memory_space<vmem>> -> memref<128xi32, #tpu.memory_space<vmem>>
    %dma_wait3A_103 = arith.constant 0 : i32
    %dma_wait3A_104 = arith.constant 0 : i32
    %dma_wait3A_105 = tpu.memref_slice %arg8[%dma_wait3A_103, %dma_wait3A_104] : memref<51200x128xf32, #tpu.memory_space<hbm>> -> memref<51200x128xf32, #tpu.memory_space<hbm>>
    tpu.wait_indirect_dma semaphore(%arg25 : memref<!tpu.dma_semaphore, #tpu.memory_space<semaphore_mem>>) src(%dma_wait3A_105 : memref<51200x128xf32, #tpu.memory_space<hbm>>) dst(%dma_wait3A_99 : memref<128x128xf32, #tpu.memory_space<vmem>>)
    %dma_wait3A_106 = arith.constant 3 : i32
    %dma_wait3A_107 = arith.constant 3 : i32
    %dma_wait3A_108 = arith.constant 0 : i32
    %dma_wait3A_109 = arith.constant 0 : i32
    %dma_wait3A_110 = tpu.memref_slice %arg13[%dma_wait3A_107, %dma_wait3A_108, %dma_wait3A_109] : memref<4x128x128xf32, #tpu.memory_space<vmem>> -> memref<1x128x128xf32, #tpu.memory_space<vmem>>
    %dma_wait3A_111 = tpu.memref_squeeze %dma_wait3A_110 : memref<1x128x128xf32, #tpu.memory_space<vmem>> -> memref<128x128xf32, #tpu.memory_space<vmem>>
    %dma_wait3A_112 = arith.constant 0 : i32
    %dma_wait3A_113 = tpu.memref_slice %arg11[%dma_wait3A_106, %dma_wait3A_112] : memref<4x128xi32, #tpu.memory_space<vmem>> -> memref<1x128xi32, #tpu.memory_space<vmem>>
    %dma_wait3A_114 = tpu.memref_squeeze %dma_wait3A_113 : memref<1x128xi32, #tpu.memory_space<vmem>> -> memref<128xi32, #tpu.memory_space<vmem>>
    %dma_wait3A_115 = arith.constant 0 : i32
    %dma_wait3A_116 = arith.constant 0 : i32
    %dma_wait3A_117 = tpu.memref_slice %arg8[%dma_wait3A_115, %dma_wait3A_116] : memref<51200x128xf32, #tpu.memory_space<hbm>> -> memref<51200x128xf32, #tpu.memory_space<hbm>>
    tpu.wait_indirect_dma semaphore(%arg25 : memref<!tpu.dma_semaphore, #tpu.memory_space<semaphore_mem>>) src(%dma_wait3A_117 : memref<51200x128xf32, #tpu.memory_space<hbm>>) dst(%dma_wait3A_111 : memref<128x128xf32, #tpu.memory_space<vmem>>)
    %scan3A_118 = arith.constant 0 : i32
    %scan3A_119 = arith.constant 0 : i32
    %scan3A_120 = arith.constant 32 : i32
    %scan3A_121 = arith.addi %scan3A_119, %scan3A_120 : i32
    %scan3A_122 = arith.constant 1 : i32
    scf.for %scan3A_124 = %scan3A_119 to %scan3A_121 step %scan3A_122  : i32 {
      %mul3A_125 = arith.constant 16 : i32
      %mul3A_126 = arith.muli %scan3A_124, %mul3A_125 : i32
      %add3A_127 = vector.broadcast %mul3A_126 : i32 to vector<16xi32>
      %add3A_128 = arith.addi %add3A_127, %iota3A : vector<16xi32>
      %mul3A_129 = arith.constant 16 : i32
      %mul3A_130 = arith.muli %scan3A_124, %mul3A_129 : i32
      %get3A = arith.index_cast %mul3A_130 : i32 to index
      %get3A_131 = tpu.vector_load %arg18[%get3A] {strides = array<i32>} : memref<512xi32, #tpu.memory_space<vmem>>, vector<16xi32>,
      %gather3A = tpu.vector_load_idx %arg16[%get3A_131] : memref<4096xi32, #tpu.memory_space<vmem>>[vector<16xi32>], vector<16xi32>,
      %gather3A_132 = tpu.vector_load_idx %arg17[%gather3A] : memref<16xf32, #tpu.memory_space<vmem>>[vector<16xi32>], vector<16xf32>,
      %exp3A = math.exp %gather3A_132 : vector<16xf32>
      %mul3A_133 = arith.constant 16 : i32
      %mul3A_134 = arith.muli %scan3A_124, %mul3A_133 : i32
      %get3A_135 = arith.index_cast %mul3A_134 : i32 to index
      %get3A_136 = tpu.vector_load %arg12[%get3A_135] {strides = array<i32>} : memref<512xi32, #tpu.memory_space<vmem>>, vector<16xi32>,
      %ge3A = arith.constant 51200 : i32
      %ge3A_137 = vector.broadcast %ge3A : i32 to vector<16xi32>
      %ge3A_138 = arith.cmpi sge, %get3A_136, %ge3A_137 : vector<16xi32>
      %mul3A_139 = arith.constant 16 : i32
      %mul3A_140 = arith.muli %scan3A_124, %mul3A_139 : i32
      %get3A_141 = arith.index_cast %mul3A_140 : i32 to index
      %get3A_142 = tpu.vector_load %arg19[%get3A_141] {strides = array<i32>} : memref<512xi32, #tpu.memory_space<vmem>>, vector<16xi32>,
      %mul3A_143 = arith.constant 16 : i32
      %mul3A_144 = arith.muli %scan3A_124, %mul3A_143 : i32
      %add3A_145 = arith.constant 0 : i32
      %add3A_146 = arith.addi %mul3A_144, %add3A_145 : i32
      %shift_right_logical3A = arith.constant 7 : i32
      %shift_right_logical3A_147 = arith.shrui %add3A_146, %shift_right_logical3A : i32
      %and3A = arith.constant 127 : i32
      %and3A_148 = arith.andi %add3A_146, %and3A : i32
      %mul3A_149 = arith.constant 69 : i32
      %mul3A_150 = arith.muli %add3A_146, %mul3A_149 : i32
      %get3A_151 = arith.index_cast %shift_right_logical3A_147 : i32 to index
      %get3A_152 = arith.index_cast %and3A_148 : i32 to index
      %get3A_153 = arith.constant 0 : index
      %get3A_154 = tpu.vector_load %arg13[%get3A_151, %get3A_152, %get3A_153] {strides = array<i32>} : memref<4x128x128xf32, #tpu.memory_space<vmem>>, vector<16xf32>,
      %get3A_155 = arith.index_cast %shift_right_logical3A_147 : i32 to index
      %get3A_156 = arith.index_cast %and3A_148 : i32 to index
      %get3A_157 = arith.constant 64 : index
      %get3A_158 = tpu.vector_load %arg13[%get3A_155, %get3A_156, %get3A_157] {strides = array<i32>} : memref<4x128x128xf32, #tpu.memory_space<vmem>>, vector<16xf32>,
      %add3A_159 = arith.constant 0 : i32
      %add3A_160 = arith.addi %mul3A_150, %add3A_159 : i32
      %get3A_161 = arith.index_cast %add3A_160 : i32 to index
      %get3A_162 = tpu.vector_load %arg15[%get3A_161] {strides = array<i32>} : memref<35344xi32, #tpu.memory_space<vmem>>, vector<16xi32>,
      %gt3A = arith.constant 1 : i32
      %gt3A_163 = vector.broadcast %gt3A : i32 to vector<16xi32>
      %gt3A_164 = arith.cmpi sgt, %get3A_162, %gt3A_163 : vector<16xi32>
      %exp3A_165 = math.exp %get3A_154 : vector<16xf32>
      %exp3A_166 = math.exp %get3A_158 : vector<16xf32>
      %broadcast_in_dim3A = arith.constant 0.000000e+00 : f32
      %broadcast_in_dim3A_167 = vector.broadcast %broadcast_in_dim3A : f32 to vector<16xf32>
      %select_n3A = arith.select %gt3A_164, %broadcast_in_dim3A_167, %exp3A_165 : vector<16xi1>, vector<16xf32>
      %select_n3A_168 = arith.select %gt3A_164, %exp3A_165, %broadcast_in_dim3A_167 : vector<16xi1>, vector<16xf32>
      %select_n3A_169 = arith.select %gt3A_164, %broadcast_in_dim3A_167, %exp3A_166 : vector<16xi1>, vector<16xf32>
      %select_n3A_170 = arith.select %gt3A_164, %exp3A_166, %broadcast_in_dim3A_167 : vector<16xi1>, vector<16xf32>
      %get3A_171 = arith.index_cast %shift_right_logical3A_147 : i32 to index
      %get3A_172 = arith.index_cast %and3A_148 : i32 to index
      %get3A_173 = arith.constant 16 : index
      %get3A_174 = tpu.vector_load %arg13[%get3A_171, %get3A_172, %get3A_173] {strides = array<i32>} : memref<4x128x128xf32, #tpu.memory_space<vmem>>, vector<16xf32>,
      %get3A_175 = arith.index_cast %shift_right_logical3A_147 : i32 to index
      %get3A_176 = arith.index_cast %and3A_148 : i32 to index
      %get3A_177 = arith.constant 80 : index
      %get3A_178 = tpu.vector_load %arg13[%get3A_175, %get3A_176, %get3A_177] {strides = array<i32>} : memref<4x128x128xf32, #tpu.memory_space<vmem>>, vector<16xf32>,
      %add3A_179 = arith.constant 16 : i32
      %add3A_180 = arith.addi %mul3A_150, %add3A_179 : i32
      %get3A_181 = arith.index_cast %add3A_180 : i32 to index
      %get3A_182 = tpu.vector_load %arg15[%get3A_181] {strides = array<i32>} : memref<35344xi32, #tpu.memory_space<vmem>>, vector<16xi32>,
      %gt3A_183 = arith.constant 1 : i32
      %gt3A_184 = vector.broadcast %gt3A_183 : i32 to vector<16xi32>
      %gt3A_185 = arith.cmpi sgt, %get3A_182, %gt3A_184 : vector<16xi32>
      %exp3A_186 = math.exp %get3A_174 : vector<16xf32>
      %exp3A_187 = math.exp %get3A_178 : vector<16xf32>
      %broadcast_in_dim3A_188 = arith.constant 0.000000e+00 : f32
      %broadcast_in_dim3A_189 = vector.broadcast %broadcast_in_dim3A_188 : f32 to vector<16xf32>
      %select_n3A_190 = arith.select %gt3A_185, %broadcast_in_dim3A_189, %exp3A_186 : vector<16xi1>, vector<16xf32>
      %select_n3A_191 = arith.select %gt3A_185, %exp3A_186, %broadcast_in_dim3A_189 : vector<16xi1>, vector<16xf32>
      %select_n3A_192 = arith.select %gt3A_185, %broadcast_in_dim3A_189, %exp3A_187 : vector<16xi1>, vector<16xf32>
      %select_n3A_193 = arith.select %gt3A_185, %exp3A_187, %broadcast_in_dim3A_189 : vector<16xi1>, vector<16xf32>
      %get3A_194 = arith.index_cast %shift_right_logical3A_147 : i32 to index
      %get3A_195 = arith.index_cast %and3A_148 : i32 to index
      %get3A_196 = arith.constant 32 : index
      %get3A_197 = tpu.vector_load %arg13[%get3A_194, %get3A_195, %get3A_196] {strides = array<i32>} : memref<4x128x128xf32, #tpu.memory_space<vmem>>, vector<16xf32>,
      %get3A_198 = arith.index_cast %shift_right_logical3A_147 : i32 to index
      %get3A_199 = arith.index_cast %and3A_148 : i32 to index
      %get3A_200 = arith.constant 96 : index
      %get3A_201 = tpu.vector_load %arg13[%get3A_198, %get3A_199, %get3A_200] {strides = array<i32>} : memref<4x128x128xf32, #tpu.memory_space<vmem>>, vector<16xf32>,
      %add3A_202 = arith.constant 32 : i32
      %add3A_203 = arith.addi %mul3A_150, %add3A_202 : i32
      %get3A_204 = arith.index_cast %add3A_203 : i32 to index
      %get3A_205 = tpu.vector_load %arg15[%get3A_204] {strides = array<i32>} : memref<35344xi32, #tpu.memory_space<vmem>>, vector<16xi32>,
      %gt3A_206 = arith.constant 1 : i32
      %gt3A_207 = vector.broadcast %gt3A_206 : i32 to vector<16xi32>
      %gt3A_208 = arith.cmpi sgt, %get3A_205, %gt3A_207 : vector<16xi32>
      %exp3A_209 = math.exp %get3A_197 : vector<16xf32>
      %exp3A_210 = math.exp %get3A_201 : vector<16xf32>
      %broadcast_in_dim3A_211 = arith.constant 0.000000e+00 : f32
      %broadcast_in_dim3A_212 = vector.broadcast %broadcast_in_dim3A_211 : f32 to vector<16xf32>
      %select_n3A_213 = arith.select %gt3A_208, %broadcast_in_dim3A_212, %exp3A_209 : vector<16xi1>, vector<16xf32>
      %select_n3A_214 = arith.select %gt3A_208, %exp3A_209, %broadcast_in_dim3A_212 : vector<16xi1>, vector<16xf32>
      %select_n3A_215 = arith.select %gt3A_208, %broadcast_in_dim3A_212, %exp3A_210 : vector<16xi1>, vector<16xf32>
      %select_n3A_216 = arith.select %gt3A_208, %exp3A_210, %broadcast_in_dim3A_212 : vector<16xi1>, vector<16xf32>
      %get3A_217 = arith.index_cast %shift_right_logical3A_147 : i32 to index
      %get3A_218 = arith.index_cast %and3A_148 : i32 to index
      %get3A_219 = arith.constant 48 : index
      %get3A_220 = tpu.vector_load %arg13[%get3A_217, %get3A_218, %get3A_219] {strides = array<i32>} : memref<4x128x128xf32, #tpu.memory_space<vmem>>, vector<16xf32>,
      %get3A_221 = arith.index_cast %shift_right_logical3A_147 : i32 to index
      %get3A_222 = arith.index_cast %and3A_148 : i32 to index
      %get3A_223 = arith.constant 112 : index
      %get3A_224 = tpu.vector_load %arg13[%get3A_221, %get3A_222, %get3A_223] {strides = array<i32>} : memref<4x128x128xf32, #tpu.memory_space<vmem>>, vector<16xf32>,
      %add3A_225 = arith.constant 48 : i32
      %add3A_226 = arith.addi %mul3A_150, %add3A_225 : i32
      %get3A_227 = arith.index_cast %add3A_226 : i32 to index
      %get3A_228 = tpu.vector_load %arg15[%get3A_227] {strides = array<i32>} : memref<35344xi32, #tpu.memory_space<vmem>>, vector<16xi32>,
      %gt3A_229 = arith.constant 1 : i32
      %gt3A_230 = vector.broadcast %gt3A_229 : i32 to vector<16xi32>
      %gt3A_231 = arith.cmpi sgt, %get3A_228, %gt3A_230 : vector<16xi32>
      %exp3A_232 = math.exp %get3A_220 : vector<16xf32>
      %exp3A_233 = math.exp %get3A_224 : vector<16xf32>
      %broadcast_in_dim3A_234 = arith.constant 0.000000e+00 : f32
      %broadcast_in_dim3A_235 = vector.broadcast %broadcast_in_dim3A_234 : f32 to vector<16xf32>
      %select_n3A_236 = arith.select %gt3A_231, %broadcast_in_dim3A_235, %exp3A_232 : vector<16xi1>, vector<16xf32>
      %select_n3A_237 = arith.select %gt3A_231, %exp3A_232, %broadcast_in_dim3A_235 : vector<16xi1>, vector<16xf32>
      %select_n3A_238 = arith.select %gt3A_231, %broadcast_in_dim3A_235, %exp3A_233 : vector<16xi1>, vector<16xf32>
      %select_n3A_239 = arith.select %gt3A_231, %exp3A_233, %broadcast_in_dim3A_235 : vector<16xi1>, vector<16xf32>
      %add3A_240 = arith.addf %select_n3A, %select_n3A_190 : vector<16xf32>
      %add3A_241 = arith.addf %select_n3A_213, %select_n3A_236 : vector<16xf32>
      %add3A_242 = arith.addf %add3A_240, %add3A_241 : vector<16xf32>
      %swap3A = arith.constant 0 : index
      %swap3A_243 = tpu.vector_load %arg20[%swap3A] {strides = array<i32>} : memref<272xf32, #tpu.memory_space<vmem>>, vector<16xf32>,
      tpu.vector_store %arg20[%swap3A], %add3A_242 {strides = array<i32>} : memref<272xf32, #tpu.memory_space<vmem>>, vector<16xf32>,
      %add3A_244 = arith.addf %select_n3A_168, %select_n3A_191 : vector<16xf32>
      %add3A_245 = arith.addf %select_n3A_214, %select_n3A_237 : vector<16xf32>
      %add3A_246 = arith.addf %add3A_244, %add3A_245 : vector<16xf32>
      %swap3A_247 = arith.constant 0 : index
      %swap3A_248 = tpu.vector_load %arg21[%swap3A_247] {strides = array<i32>} : memref<272xf32, #tpu.memory_space<vmem>>, vector<16xf32>,
      tpu.vector_store %arg21[%swap3A_247], %add3A_246 {strides = array<i32>} : memref<272xf32, #tpu.memory_space<vmem>>, vector<16xf32>,
      %add3A_249 = arith.addf %select_n3A_169, %select_n3A_192 : vector<16xf32>
      %add3A_250 = arith.addf %select_n3A_215, %select_n3A_238 : vector<16xf32>
      %add3A_251 = arith.addf %add3A_249, %add3A_250 : vector<16xf32>
      %swap3A_252 = arith.constant 0 : index
      %swap3A_253 = tpu.vector_load %arg22[%swap3A_252] {strides = array<i32>} : memref<272xf32, #tpu.memory_space<vmem>>, vector<16xf32>,
      tpu.vector_store %arg22[%swap3A_252], %add3A_251 {strides = array<i32>} : memref<272xf32, #tpu.memory_space<vmem>>, vector<16xf32>,
      %add3A_254 = arith.addf %select_n3A_170, %select_n3A_193 : vector<16xf32>
      %add3A_255 = arith.addf %select_n3A_216, %select_n3A_239 : vector<16xf32>
      %add3A_256 = arith.addf %add3A_254, %add3A_255 : vector<16xf32>
      %swap3A_257 = arith.constant 0 : index
      %swap3A_258 = tpu.vector_load %arg23[%swap3A_257] {strides = array<i32>} : memref<272xf32, #tpu.memory_space<vmem>>, vector<16xf32>,
      tpu.vector_store %arg23[%swap3A_257], %add3A_256 {strides = array<i32>} : memref<272xf32, #tpu.memory_space<vmem>>, vector<16xf32>,
      %mul3A_259 = arith.constant 16 : i32
      %mul3A_260 = arith.muli %scan3A_124, %mul3A_259 : i32
      %add3A_261 = arith.constant 1 : i32
      %add3A_262 = arith.addi %mul3A_260, %add3A_261 : i32
      %shift_right_logical3A_263 = arith.constant 7 : i32
      %shift_right_logical3A_264 = arith.shrui %add3A_262, %shift_right_logical3A_263 : i32
      %and3A_265 = arith.constant 127 : i32
      %and3A_266 = arith.andi %add3A_262, %and3A_265 : i32
      %mul3A_267 = arith.constant 69 : i32
      %mul3A_268 = arith.muli %add3A_262, %mul3A_267 : i32
      %get3A_269 = arith.index_cast %shift_right_logical3A_264 : i32 to index
      %get3A_270 = arith.index_cast %and3A_266 : i32 to index
      %get3A_271 = arith.constant 0 : index
      %get3A_272 = tpu.vector_load %arg13[%get3A_269, %get3A_270, %get3A_271] {strides = array<i32>} : memref<4x128x128xf32, #tpu.memory_space<vmem>>, vector<16xf32>,
      %get3A_273 = arith.index_cast %shift_right_logical3A_264 : i32 to index
      %get3A_274 = arith.index_cast %and3A_266 : i32 to index
      %get3A_275 = arith.constant 64 : index
      %get3A_276 = tpu.vector_load %arg13[%get3A_273, %get3A_274, %get3A_275] {strides = array<i32>} : memref<4x128x128xf32, #tpu.memory_space<vmem>>, vector<16xf32>,
      %add3A_277 = arith.constant 0 : i32
      %add3A_278 = arith.addi %mul3A_268, %add3A_277 : i32
      %get3A_279 = arith.index_cast %add3A_278 : i32 to index
      %get3A_280 = tpu.vector_load %arg15[%get3A_279] {strides = array<i32>} : memref<35344xi32, #tpu.memory_space<vmem>>, vector<16xi32>,
      %gt3A_281 = arith.constant 1 : i32
      %gt3A_282 = vector.broadcast %gt3A_281 : i32 to vector<16xi32>
      %gt3A_283 = arith.cmpi sgt, %get3A_280, %gt3A_282 : vector<16xi32>
      %exp3A_284 = math.exp %get3A_272 : vector<16xf32>
      %exp3A_285 = math.exp %get3A_276 : vector<16xf32>
      %broadcast_in_dim3A_286 = arith.constant 0.000000e+00 : f32
      %broadcast_in_dim3A_287 = vector.broadcast %broadcast_in_dim3A_286 : f32 to vector<16xf32>
      %select_n3A_288 = arith.select %gt3A_283, %broadcast_in_dim3A_287, %exp3A_284 : vector<16xi1>, vector<16xf32>
      %select_n3A_289 = arith.select %gt3A_283, %exp3A_284, %broadcast_in_dim3A_287 : vector<16xi1>, vector<16xf32>
      %select_n3A_290 = arith.select %gt3A_283, %broadcast_in_dim3A_287, %exp3A_285 : vector<16xi1>, vector<16xf32>
      %select_n3A_291 = arith.select %gt3A_283, %exp3A_285, %broadcast_in_dim3A_287 : vector<16xi1>, vector<16xf32>
      %get3A_292 = arith.index_cast %shift_right_logical3A_264 : i32 to index
      %get3A_293 = arith.index_cast %and3A_266 : i32 to index
      %get3A_294 = arith.constant 16 : index
      %get3A_295 = tpu.vector_load %arg13[%get3A_292, %get3A_293, %get3A_294] {strides = array<i32>} : memref<4x128x128xf32, #tpu.memory_space<vmem>>, vector<16xf32>,
      %get3A_296 = arith.index_cast %shift_right_logical3A_264 : i32 to index
      %get3A_297 = arith.index_cast %and3A_266 : i32 to index
      %get3A_298 = arith.constant 80 : index
      %get3A_299 = tpu.vector_load %arg13[%get3A_296, %get3A_297, %get3A_298] {strides = array<i32>} : memref<4x128x128xf32, #tpu.memory_space<vmem>>, vector<16xf32>,
      %add3A_300 = arith.constant 16 : i32
      %add3A_301 = arith.addi %mul3A_268, %add3A_300 : i32
      %get3A_302 = arith.index_cast %add3A_301 : i32 to index
      %get3A_303 = tpu.vector_load %arg15[%get3A_302] {strides = array<i32>} : memref<35344xi32, #tpu.memory_space<vmem>>, vector<16xi32>,
      %gt3A_304 = arith.constant 1 : i32
      %gt3A_305 = vector.broadcast %gt3A_304 : i32 to vector<16xi32>
      %gt3A_306 = arith.cmpi sgt, %get3A_303, %gt3A_305 : vector<16xi32>
      %exp3A_307 = math.exp %get3A_295 : vector<16xf32>
      %exp3A_308 = math.exp %get3A_299 : vector<16xf32>
      %broadcast_in_dim3A_309 = arith.constant 0.000000e+00 : f32
      %broadcast_in_dim3A_310 = vector.broadcast %broadcast_in_dim3A_309 : f32 to vector<16xf32>
      %select_n3A_311 = arith.select %gt3A_306, %broadcast_in_dim3A_310, %exp3A_307 : vector<16xi1>, vector<16xf32>
      %select_n3A_312 = arith.select %gt3A_306, %exp3A_307, %broadcast_in_dim3A_310 : vector<16xi1>, vector<16xf32>
      %select_n3A_313 = arith.select %gt3A_306, %broadcast_in_dim3A_310, %exp3A_308 : vector<16xi1>, vector<16xf32>
      %select_n3A_314 = arith.select %gt3A_306, %exp3A_308, %broadcast_in_dim3A_310 : vector<16xi1>, vector<16xf32>
      %get3A_315 = arith.index_cast %shift_right_logical3A_264 : i32 to index
      %get3A_316 = arith.index_cast %and3A_266 : i32 to index
      %get3A_317 = arith.constant 32 : index
      %get3A_318 = tpu.vector_load %arg13[%get3A_315, %get3A_316, %get3A_317] {strides = array<i32>} : memref<4x128x128xf32, #tpu.memory_space<vmem>>, vector<16xf32>,
      %get3A_319 = arith.index_cast %shift_right_logical3A_264 : i32 to index
      %get3A_320 = arith.index_cast %and3A_266 : i32 to index
      %get3A_321 = arith.constant 96 : index
      %get3A_322 = tpu.vector_load %arg13[%get3A_319, %get3A_320, %get3A_321] {strides = array<i32>} : memref<4x128x128xf32, #tpu.memory_space<vmem>>, vector<16xf32>,
      %add3A_323 = arith.constant 32 : i32
      %add3A_324 = arith.addi %mul3A_268, %add3A_323 : i32
      %get3A_325 = arith.index_cast %add3A_324 : i32 to index
      %get3A_326 = tpu.vector_load %arg15[%get3A_325] {strides = array<i32>} : memref<35344xi32, #tpu.memory_space<vmem>>, vector<16xi32>,
      %gt3A_327 = arith.constant 1 : i32
      %gt3A_328 = vector.broadcast %gt3A_327 : i32 to vector<16xi32>
      %gt3A_329 = arith.cmpi sgt, %get3A_326, %gt3A_328 : vector<16xi32>
      %exp3A_330 = math.exp %get3A_318 : vector<16xf32>
      %exp3A_331 = math.exp %get3A_322 : vector<16xf32>
      %broadcast_in_dim3A_332 = arith.constant 0.000000e+00 : f32
      %broadcast_in_dim3A_333 = vector.broadcast %broadcast_in_dim3A_332 : f32 to vector<16xf32>
      %select_n3A_334 = arith.select %gt3A_329, %broadcast_in_dim3A_333, %exp3A_330 : vector<16xi1>, vector<16xf32>
      %select_n3A_335 = arith.select %gt3A_329, %exp3A_330, %broadcast_in_dim3A_333 : vector<16xi1>, vector<16xf32>
      %select_n3A_336 = arith.select %gt3A_329, %broadcast_in_dim3A_333, %exp3A_331 : vector<16xi1>, vector<16xf32>
      %select_n3A_337 = arith.select %gt3A_329, %exp3A_331, %broadcast_in_dim3A_333 : vector<16xi1>, vector<16xf32>
      %get3A_338 = arith.index_cast %shift_right_logical3A_264 : i32 to index
      %get3A_339 = arith.index_cast %and3A_266 : i32 to index
      %get3A_340 = arith.constant 48 : index
      %get3A_341 = tpu.vector_load %arg13[%get3A_338, %get3A_339, %get3A_340] {strides = array<i32>} : memref<4x128x128xf32, #tpu.memory_space<vmem>>, vector<16xf32>,
      %get3A_342 = arith.index_cast %shift_right_logical3A_264 : i32 to index
      %get3A_343 = arith.index_cast %and3A_266 : i32 to index
      %get3A_344 = arith.constant 112 : index
      %get3A_345 = tpu.vector_load %arg13[%get3A_342, %get3A_343, %get3A_344] {strides = array<i32>} : memref<4x128x128xf32, #tpu.memory_space<vmem>>, vector<16xf32>,
      %add3A_346 = arith.constant 48 : i32
      %add3A_347 = arith.addi %mul3A_268, %add3A_346 : i32
      %get3A_348 = arith.index_cast %add3A_347 : i32 to index
      %get3A_349 = tpu.vector_load %arg15[%get3A_348] {strides = array<i32>} : memref<35344xi32, #tpu.memory_space<vmem>>, vector<16xi32>,
      %gt3A_350 = arith.constant 1 : i32
      %gt3A_351 = vector.broadcast %gt3A_350 : i32 to vector<16xi32>
      %gt3A_352 = arith.cmpi sgt, %get3A_349, %gt3A_351 : vector<16xi32>
      %exp3A_353 = math.exp %get3A_341 : vector<16xf32>
      %exp3A_354 = math.exp %get3A_345 : vector<16xf32>
      %broadcast_in_dim3A_355 = arith.constant 0.000000e+00 : f32
      %broadcast_in_dim3A_356 = vector.broadcast %broadcast_in_dim3A_355 : f32 to vector<16xf32>
      %select_n3A_357 = arith.select %gt3A_352, %broadcast_in_dim3A_356, %exp3A_353 : vector<16xi1>, vector<16xf32>
      %select_n3A_358 = arith.select %gt3A_352, %exp3A_353, %broadcast_in_dim3A_356 : vector<16xi1>, vector<16xf32>
      %select_n3A_359 = arith.select %gt3A_352, %broadcast_in_dim3A_356, %exp3A_354 : vector<16xi1>, vector<16xf32>
      %select_n3A_360 = arith.select %gt3A_352, %exp3A_354, %broadcast_in_dim3A_356 : vector<16xi1>, vector<16xf32>
      %add3A_361 = arith.addf %select_n3A_288, %select_n3A_311 : vector<16xf32>
      %add3A_362 = arith.addf %select_n3A_334, %select_n3A_357 : vector<16xf32>
      %add3A_363 = arith.addf %add3A_361, %add3A_362 : vector<16xf32>
      %swap3A_364 = arith.constant 17 : index
      %swap3A_365 = tpu.vector_load %arg20[%swap3A_364] {strides = array<i32>} : memref<272xf32, #tpu.memory_space<vmem>>, vector<16xf32>,
      tpu.vector_store %arg20[%swap3A_364], %add3A_363 {strides = array<i32>} : memref<272xf32, #tpu.memory_space<vmem>>, vector<16xf32>,
      %add3A_366 = arith.addf %select_n3A_289, %select_n3A_312 : vector<16xf32>
      %add3A_367 = arith.addf %select_n3A_335, %select_n3A_358 : vector<16xf32>
      %add3A_368 = arith.addf %add3A_366, %add3A_367 : vector<16xf32>
      %swap3A_369 = arith.constant 17 : index
      %swap3A_370 = tpu.vector_load %arg21[%swap3A_369] {strides = array<i32>} : memref<272xf32, #tpu.memory_space<vmem>>, vector<16xf32>,
      tpu.vector_store %arg21[%swap3A_369], %add3A_368 {strides = array<i32>} : memref<272xf32, #tpu.memory_space<vmem>>, vector<16xf32>,
      %add3A_371 = arith.addf %select_n3A_290, %select_n3A_313 : vector<16xf32>
      %add3A_372 = arith.addf %select_n3A_336, %select_n3A_359 : vector<16xf32>
      %add3A_373 = arith.addf %add3A_371, %add3A_372 : vector<16xf32>
      %swap3A_374 = arith.constant 17 : index
      %swap3A_375 = tpu.vector_load %arg22[%swap3A_374] {strides = array<i32>} : memref<272xf32, #tpu.memory_space<vmem>>, vector<16xf32>,
      tpu.vector_store %arg22[%swap3A_374], %add3A_373 {strides = array<i32>} : memref<272xf32, #tpu.memory_space<vmem>>, vector<16xf32>,
      %add3A_376 = arith.addf %select_n3A_291, %select_n3A_314 : vector<16xf32>
      %add3A_377 = arith.addf %select_n3A_337, %select_n3A_360 : vector<16xf32>
      %add3A_378 = arith.addf %add3A_376, %add3A_377 : vector<16xf32>
      %swap3A_379 = arith.constant 17 : index
      %swap3A_380 = tpu.vector_load %arg23[%swap3A_379] {strides = array<i32>} : memref<272xf32, #tpu.memory_space<vmem>>, vector<16xf32>,
      tpu.vector_store %arg23[%swap3A_379], %add3A_378 {strides = array<i32>} : memref<272xf32, #tpu.memory_space<vmem>>, vector<16xf32>,
      %mul3A_381 = arith.constant 16 : i32
      %mul3A_382 = arith.muli %scan3A_124, %mul3A_381 : i32
      %add3A_383 = arith.constant 2 : i32
      %add3A_384 = arith.addi %mul3A_382, %add3A_383 : i32
      %shift_right_logical3A_385 = arith.constant 7 : i32
      %shift_right_logical3A_386 = arith.shrui %add3A_384, %shift_right_logical3A_385 : i32
      %and3A_387 = arith.constant 127 : i32
      %and3A_388 = arith.andi %add3A_384, %and3A_387 : i32
      %mul3A_389 = arith.constant 69 : i32
      %mul3A_390 = arith.muli %add3A_384, %mul3A_389 : i32
      %get3A_391 = arith.index_cast %shift_right_logical3A_386 : i32 to index
      %get3A_392 = arith.index_cast %and3A_388 : i32 to index
      %get3A_393 = arith.constant 0 : index
      %get3A_394 = tpu.vector_load %arg13[%get3A_391, %get3A_392, %get3A_393] {strides = array<i32>} : memref<4x128x128xf32, #tpu.memory_space<vmem>>, vector<16xf32>,
      %get3A_395 = arith.index_cast %shift_right_logical3A_386 : i32 to index
      %get3A_396 = arith.index_cast %and3A_388 : i32 to index
      %get3A_397 = arith.constant 64 : index
      %get3A_398 = tpu.vector_load %arg13[%get3A_395, %get3A_396, %get3A_397] {strides = array<i32>} : memref<4x128x128xf32, #tpu.memory_space<vmem>>, vector<16xf32>,
      %add3A_399 = arith.constant 0 : i32
      %add3A_400 = arith.addi %mul3A_390, %add3A_399 : i32
      %get3A_401 = arith.index_cast %add3A_400 : i32 to index
      %get3A_402 = tpu.vector_load %arg15[%get3A_401] {strides = array<i32>} : memref<35344xi32, #tpu.memory_space<vmem>>, vector<16xi32>,
      %gt3A_403 = arith.constant 1 : i32
      %gt3A_404 = vector.broadcast %gt3A_403 : i32 to vector<16xi32>
      %gt3A_405 = arith.cmpi sgt, %get3A_402, %gt3A_404 : vector<16xi32>
      %exp3A_406 = math.exp %get3A_394 : vector<16xf32>
      %exp3A_407 = math.exp %get3A_398 : vector<16xf32>
      %broadcast_in_dim3A_408 = arith.constant 0.000000e+00 : f32
      %broadcast_in_dim3A_409 = vector.broadcast %broadcast_in_dim3A_408 : f32 to vector<16xf32>
      %select_n3A_410 = arith.select %gt3A_405, %broadcast_in_dim3A_409, %exp3A_406 : vector<16xi1>, vector<16xf32>
      %select_n3A_411 = arith.select %gt3A_405, %exp3A_406, %broadcast_in_dim3A_409 : vector<16xi1>, vector<16xf32>
      %select_n3A_412 = arith.select %gt3A_405, %broadcast_in_dim3A_409, %exp3A_407 : vector<16xi1>, vector<16xf32>
      %select_n3A_413 = arith.select %gt3A_405, %exp3A_407, %broadcast_in_dim3A_409 : vector<16xi1>, vector<16xf32>
      %get3A_414 = arith.index_cast %shift_right_logical3A_386 : i32 to index
      %get3A_415 = arith.index_cast %and3A_388 : i32 to index
      %get3A_416 = arith.constant 16 : index
      %get3A_417 = tpu.vector_load %arg13[%get3A_414, %get3A_415, %get3A_416] {strides = array<i32>} : memref<4x128x128xf32, #tpu.memory_space<vmem>>, vector<16xf32>,
      %get3A_418 = arith.index_cast %shift_right_logical3A_386 : i32 to index
      %get3A_419 = arith.index_cast %and3A_388 : i32 to index
      %get3A_420 = arith.constant 80 : index
      %get3A_421 = tpu.vector_load %arg13[%get3A_418, %get3A_419, %get3A_420] {strides = array<i32>} : memref<4x128x128xf32, #tpu.memory_space<vmem>>, vector<16xf32>,
      %add3A_422 = arith.constant 16 : i32
      %add3A_423 = arith.addi %mul3A_390, %add3A_422 : i32
      %get3A_424 = arith.index_cast %add3A_423 : i32 to index
      %get3A_425 = tpu.vector_load %arg15[%get3A_424] {strides = array<i32>} : memref<35344xi32, #tpu.memory_space<vmem>>, vector<16xi32>,
      %gt3A_426 = arith.constant 1 : i32
      %gt3A_427 = vector.broadcast %gt3A_426 : i32 to vector<16xi32>
      %gt3A_428 = arith.cmpi sgt, %get3A_425, %gt3A_427 : vector<16xi32>
      %exp3A_429 = math.exp %get3A_417 : vector<16xf32>
      %exp3A_430 = math.exp %get3A_421 : vector<16xf32>
      %broadcast_in_dim3A_431 = arith.constant 0.000000e+00 : f32
      %broadcast_in_dim3A_432 = vector.broadcast %broadcast_in_dim3A_431 : f32 to vector<16xf32>
      %select_n3A_433 = arith.select %gt3A_428, %broadcast_in_dim3A_432, %exp3A_429 : vector<16xi1>, vector<16xf32>
      %select_n3A_434 = arith.select %gt3A_428, %exp3A_429, %broadcast_in_dim3A_432 : vector<16xi1>, vector<16xf32>
      %select_n3A_435 = arith.select %gt3A_428, %broadcast_in_dim3A_432, %exp3A_430 : vector<16xi1>, vector<16xf32>
      %select_n3A_436 = arith.select %gt3A_428, %exp3A_430, %broadcast_in_dim3A_432 : vector<16xi1>, vector<16xf32>
      %get3A_437 = arith.index_cast %shift_right_logical3A_386 : i32 to index
      %get3A_438 = arith.index_cast %and3A_388 : i32 to index
      %get3A_439 = arith.constant 32 : index
      %get3A_440 = tpu.vector_load %arg13[%get3A_437, %get3A_438, %get3A_439] {strides = array<i32>} : memref<4x128x128xf32, #tpu.memory_space<vmem>>, vector<16xf32>,
      %get3A_441 = arith.index_cast %shift_right_logical3A_386 : i32 to index
      %get3A_442 = arith.index_cast %and3A_388 : i32 to index
      %get3A_443 = arith.constant 96 : index
      %get3A_444 = tpu.vector_load %arg13[%get3A_441, %get3A_442, %get3A_443] {strides = array<i32>} : memref<4x128x128xf32, #tpu.memory_space<vmem>>, vector<16xf32>,
      %add3A_445 = arith.constant 32 : i32
      %add3A_446 = arith.addi %mul3A_390, %add3A_445 : i32
      %get3A_447 = arith.index_cast %add3A_446 : i32 to index
      %get3A_448 = tpu.vector_load %arg15[%get3A_447] {strides = array<i32>} : memref<35344xi32, #tpu.memory_space<vmem>>, vector<16xi32>,
      %gt3A_449 = arith.constant 1 : i32
      %gt3A_450 = vector.broadcast %gt3A_449 : i32 to vector<16xi32>
      %gt3A_451 = arith.cmpi sgt, %get3A_448, %gt3A_450 : vector<16xi32>
      %exp3A_452 = math.exp %get3A_440 : vector<16xf32>
      %exp3A_453 = math.exp %get3A_444 : vector<16xf32>
      %broadcast_in_dim3A_454 = arith.constant 0.000000e+00 : f32
      %broadcast_in_dim3A_455 = vector.broadcast %broadcast_in_dim3A_454 : f32 to vector<16xf32>
      %select_n3A_456 = arith.select %gt3A_451, %broadcast_in_dim3A_455, %exp3A_452 : vector<16xi1>, vector<16xf32>
      %select_n3A_457 = arith.select %gt3A_451, %exp3A_452, %broadcast_in_dim3A_455 : vector<16xi1>, vector<16xf32>
      %select_n3A_458 = arith.select %gt3A_451, %broadcast_in_dim3A_455, %exp3A_453 : vector<16xi1>, vector<16xf32>
      %select_n3A_459 = arith.select %gt3A_451, %exp3A_453, %broadcast_in_dim3A_455 : vector<16xi1>, vector<16xf32>
      %get3A_460 = arith.index_cast %shift_right_logical3A_386 : i32 to index
      %get3A_461 = arith.index_cast %and3A_388 : i32 to index
      %get3A_462 = arith.constant 48 : index
      %get3A_463 = tpu.vector_load %arg13[%get3A_460, %get3A_461, %get3A_462] {strides = array<i32>} : memref<4x128x128xf32, #tpu.memory_space<vmem>>, vector<16xf32>,
      %get3A_464 = arith.index_cast %shift_right_logical3A_386 : i32 to index
      %get3A_465 = arith.index_cast %and3A_388 : i32 to index
      %get3A_466 = arith.constant 112 : index
      %get3A_467 = tpu.vector_load %arg13[%get3A_464, %get3A_465, %get3A_466] {strides = array<i32>} : memref<4x128x128xf32, #tpu.memory_space<vmem>>, vector<16xf32>,
      %add3A_468 = arith.constant 48 : i32
      %add3A_469 = arith.addi %mul3A_390, %add3A_468 : i32
      %get3A_470 = arith.index_cast %add3A_469 : i32 to index
      %get3A_471 = tpu.vector_load %arg15[%get3A_470] {strides = array<i32>} : memref<35344xi32, #tpu.memory_space<vmem>>, vector<16xi32>,
      %gt3A_472 = arith.constant 1 : i32
      %gt3A_473 = vector.broadcast %gt3A_472 : i32 to vector<16xi32>
      %gt3A_474 = arith.cmpi sgt, %get3A_471, %gt3A_473 : vector<16xi32>
      %exp3A_475 = math.exp %get3A_463 : vector<16xf32>
      %exp3A_476 = math.exp %get3A_467 : vector<16xf32>
      %broadcast_in_dim3A_477 = arith.constant 0.000000e+00 : f32
      %broadcast_in_dim3A_478 = vector.broadcast %broadcast_in_dim3A_477 : f32 to vector<16xf32>
      %select_n3A_479 = arith.select %gt3A_474, %broadcast_in_dim3A_478, %exp3A_475 : vector<16xi1>, vector<16xf32>
      %select_n3A_480 = arith.select %gt3A_474, %exp3A_475, %broadcast_in_dim3A_478 : vector<16xi1>, vector<16xf32>
      %select_n3A_481 = arith.select %gt3A_474, %broadcast_in_dim3A_478, %exp3A_476 : vector<16xi1>, vector<16xf32>
      %select_n3A_482 = arith.select %gt3A_474, %exp3A_476, %broadcast_in_dim3A_478 : vector<16xi1>, vector<16xf32>
      %add3A_483 = arith.addf %select_n3A_410, %select_n3A_433 : vector<16xf32>
      %add3A_484 = arith.addf %select_n3A_456, %select_n3A_479 : vector<16xf32>
      %add3A_485 = arith.addf %add3A_483, %add3A_484 : vector<16xf32>
      %swap3A_486 = arith.constant 34 : index
      %swap3A_487 = tpu.vector_load %arg20[%swap3A_486] {strides = array<i32>} : memref<272xf32, #tpu.memory_space<vmem>>, vector<16xf32>,
      tpu.vector_store %arg20[%swap3A_486], %add3A_485 {strides = array<i32>} : memref<272xf32, #tpu.memory_space<vmem>>, vector<16xf32>,
      %add3A_488 = arith.addf %select_n3A_411, %select_n3A_434 : vector<16xf32>
      %add3A_489 = arith.addf %select_n3A_457, %select_n3A_480 : vector<16xf32>
      %add3A_490 = arith.addf %add3A_488, %add3A_489 : vector<16xf32>
      %swap3A_491 = arith.constant 34 : index
      %swap3A_492 = tpu.vector_load %arg21[%swap3A_491] {strides = array<i32>} : memref<272xf32, #tpu.memory_space<vmem>>, vector<16xf32>,
      tpu.vector_store %arg21[%swap3A_491], %add3A_490 {strides = array<i32>} : memref<272xf32, #tpu.memory_space<vmem>>, vector<16xf32>,
      %add3A_493 = arith.addf %select_n3A_412, %select_n3A_435 : vector<16xf32>
      %add3A_494 = arith.addf %select_n3A_458, %select_n3A_481 : vector<16xf32>
      %add3A_495 = arith.addf %add3A_493, %add3A_494 : vector<16xf32>
      %swap3A_496 = arith.constant 34 : index
      %swap3A_497 = tpu.vector_load %arg22[%swap3A_496] {strides = array<i32>} : memref<272xf32, #tpu.memory_space<vmem>>, vector<16xf32>,
      tpu.vector_store %arg22[%swap3A_496], %add3A_495 {strides = array<i32>} : memref<272xf32, #tpu.memory_space<vmem>>, vector<16xf32>,
      %add3A_498 = arith.addf %select_n3A_413, %select_n3A_436 : vector<16xf32>
      %add3A_499 = arith.addf %select_n3A_459, %select_n3A_482 : vector<16xf32>
      %add3A_500 = arith.addf %add3A_498, %add3A_499 : vector<16xf32>
      %swap3A_501 = arith.constant 34 : index
      %swap3A_502 = tpu.vector_load %arg23[%swap3A_501] {strides = array<i32>} : memref<272xf32, #tpu.memory_space<vmem>>, vector<16xf32>,
      tpu.vector_store %arg23[%swap3A_501], %add3A_500 {strides = array<i32>} : memref<272xf32, #tpu.memory_space<vmem>>, vector<16xf32>,
      %mul3A_503 = arith.constant 16 : i32
      %mul3A_504 = arith.muli %scan3A_124, %mul3A_503 : i32
      %add3A_505 = arith.constant 3 : i32
      %add3A_506 = arith.addi %mul3A_504, %add3A_505 : i32
      %shift_right_logical3A_507 = arith.constant 7 : i32
      %shift_right_logical3A_508 = arith.shrui %add3A_506, %shift_right_logical3A_507 : i32
      %and3A_509 = arith.constant 127 : i32
      %and3A_510 = arith.andi %add3A_506, %and3A_509 : i32
      %mul3A_511 = arith.constant 69 : i32
      %mul3A_512 = arith.muli %add3A_506, %mul3A_511 : i32
      %get3A_513 = arith.index_cast %shift_right_logical3A_508 : i32 to index
      %get3A_514 = arith.index_cast %and3A_510 : i32 to index
      %get3A_515 = arith.constant 0 : index
      %get3A_516 = tpu.vector_load %arg13[%get3A_513, %get3A_514, %get3A_515] {strides = array<i32>} : memref<4x128x128xf32, #tpu.memory_space<vmem>>, vector<16xf32>,
      %get3A_517 = arith.index_cast %shift_right_logical3A_508 : i32 to index
      %get3A_518 = arith.index_cast %and3A_510 : i32 to index
      %get3A_519 = arith.constant 64 : index
      %get3A_520 = tpu.vector_load %arg13[%get3A_517, %get3A_518, %get3A_519] {strides = array<i32>} : memref<4x128x128xf32, #tpu.memory_space<vmem>>, vector<16xf32>,
      %add3A_521 = arith.constant 0 : i32
      %add3A_522 = arith.addi %mul3A_512, %add3A_521 : i32
      %get3A_523 = arith.index_cast %add3A_522 : i32 to index
      %get3A_524 = tpu.vector_load %arg15[%get3A_523] {strides = array<i32>} : memref<35344xi32, #tpu.memory_space<vmem>>, vector<16xi32>,
      %gt3A_525 = arith.constant 1 : i32
      %gt3A_526 = vector.broadcast %gt3A_525 : i32 to vector<16xi32>
      %gt3A_527 = arith.cmpi sgt, %get3A_524, %gt3A_526 : vector<16xi32>
      %exp3A_528 = math.exp %get3A_516 : vector<16xf32>
      %exp3A_529 = math.exp %get3A_520 : vector<16xf32>
      %broadcast_in_dim3A_530 = arith.constant 0.000000e+00 : f32
      %broadcast_in_dim3A_531 = vector.broadcast %broadcast_in_dim3A_530 : f32 to vector<16xf32>
      %select_n3A_532 = arith.select %gt3A_527, %broadcast_in_dim3A_531, %exp3A_528 : vector<16xi1>, vector<16xf32>
      %select_n3A_533 = arith.select %gt3A_527, %exp3A_528, %broadcast_in_dim3A_531 : vector<16xi1>, vector<16xf32>
      %select_n3A_534 = arith.select %gt3A_527, %broadcast_in_dim3A_531, %exp3A_529 : vector<16xi1>, vector<16xf32>
      %select_n3A_535 = arith.select %gt3A_527, %exp3A_529, %broadcast_in_dim3A_531 : vector<16xi1>, vector<16xf32>
      %get3A_536 = arith.index_cast %shift_right_logical3A_508 : i32 to index
      %get3A_537 = arith.index_cast %and3A_510 : i32 to index
      %get3A_538 = arith.constant 16 : index
      %get3A_539 = tpu.vector_load %arg13[%get3A_536, %get3A_537, %get3A_538] {strides = array<i32>} : memref<4x128x128xf32, #tpu.memory_space<vmem>>, vector<16xf32>,
      %get3A_540 = arith.index_cast %shift_right_logical3A_508 : i32 to index
      %get3A_541 = arith.index_cast %and3A_510 : i32 to index
      %get3A_542 = arith.constant 80 : index
      %get3A_543 = tpu.vector_load %arg13[%get3A_540, %get3A_541, %get3A_542] {strides = array<i32>} : memref<4x128x128xf32, #tpu.memory_space<vmem>>, vector<16xf32>,
      %add3A_544 = arith.constant 16 : i32
      %add3A_545 = arith.addi %mul3A_512, %add3A_544 : i32
      %get3A_546 = arith.index_cast %add3A_545 : i32 to index
      %get3A_547 = tpu.vector_load %arg15[%get3A_546] {strides = array<i32>} : memref<35344xi32, #tpu.memory_space<vmem>>, vector<16xi32>,
      %gt3A_548 = arith.constant 1 : i32
      %gt3A_549 = vector.broadcast %gt3A_548 : i32 to vector<16xi32>
      %gt3A_550 = arith.cmpi sgt, %get3A_547, %gt3A_549 : vector<16xi32>
      %exp3A_551 = math.exp %get3A_539 : vector<16xf32>
      %exp3A_552 = math.exp %get3A_543 : vector<16xf32>
      %broadcast_in_dim3A_553 = arith.constant 0.000000e+00 : f32
      %broadcast_in_dim3A_554 = vector.broadcast %broadcast_in_dim3A_553 : f32 to vector<16xf32>
      %select_n3A_555 = arith.select %gt3A_550, %broadcast_in_dim3A_554, %exp3A_551 : vector<16xi1>, vector<16xf32>
      %select_n3A_556 = arith.select %gt3A_550, %exp3A_551, %broadcast_in_dim3A_554 : vector<16xi1>, vector<16xf32>
      %select_n3A_557 = arith.select %gt3A_550, %broadcast_in_dim3A_554, %exp3A_552 : vector<16xi1>, vector<16xf32>
      %select_n3A_558 = arith.select %gt3A_550, %exp3A_552, %broadcast_in_dim3A_554 : vector<16xi1>, vector<16xf32>
      %get3A_559 = arith.index_cast %shift_right_logical3A_508 : i32 to index
      %get3A_560 = arith.index_cast %and3A_510 : i32 to index
      %get3A_561 = arith.constant 32 : index
      %get3A_562 = tpu.vector_load %arg13[%get3A_559, %get3A_560, %get3A_561] {strides = array<i32>} : memref<4x128x128xf32, #tpu.memory_space<vmem>>, vector<16xf32>,
      %get3A_563 = arith.index_cast %shift_right_logical3A_508 : i32 to index
      %get3A_564 = arith.index_cast %and3A_510 : i32 to index
      %get3A_565 = arith.constant 96 : index
      %get3A_566 = tpu.vector_load %arg13[%get3A_563, %get3A_564, %get3A_565] {strides = array<i32>} : memref<4x128x128xf32, #tpu.memory_space<vmem>>, vector<16xf32>,
      %add3A_567 = arith.constant 32 : i32
      %add3A_568 = arith.addi %mul3A_512, %add3A_567 : i32
      %get3A_569 = arith.index_cast %add3A_568 : i32 to index
      %get3A_570 = tpu.vector_load %arg15[%get3A_569] {strides = array<i32>} : memref<35344xi32, #tpu.memory_space<vmem>>, vector<16xi32>,
      %gt3A_571 = arith.constant 1 : i32
      %gt3A_572 = vector.broadcast %gt3A_571 : i32 to vector<16xi32>
      %gt3A_573 = arith.cmpi sgt, %get3A_570, %gt3A_572 : vector<16xi32>
      %exp3A_574 = math.exp %get3A_562 : vector<16xf32>
      %exp3A_575 = math.exp %get3A_566 : vector<16xf32>
      %broadcast_in_dim3A_576 = arith.constant 0.000000e+00 : f32
      %broadcast_in_dim3A_577 = vector.broadcast %broadcast_in_dim3A_576 : f32 to vector<16xf32>
      %select_n3A_578 = arith.select %gt3A_573, %broadcast_in_dim3A_577, %exp3A_574 : vector<16xi1>, vector<16xf32>
      %select_n3A_579 = arith.select %gt3A_573, %exp3A_574, %broadcast_in_dim3A_577 : vector<16xi1>, vector<16xf32>
      %select_n3A_580 = arith.select %gt3A_573, %broadcast_in_dim3A_577, %exp3A_575 : vector<16xi1>, vector<16xf32>
      %select_n3A_581 = arith.select %gt3A_573, %exp3A_575, %broadcast_in_dim3A_577 : vector<16xi1>, vector<16xf32>
      %get3A_582 = arith.index_cast %shift_right_logical3A_508 : i32 to index
      %get3A_583 = arith.index_cast %and3A_510 : i32 to index
      %get3A_584 = arith.constant 48 : index
      %get3A_585 = tpu.vector_load %arg13[%get3A_582, %get3A_583, %get3A_584] {strides = array<i32>} : memref<4x128x128xf32, #tpu.memory_space<vmem>>, vector<16xf32>,
      %get3A_586 = arith.index_cast %shift_right_logical3A_508 : i32 to index
      %get3A_587 = arith.index_cast %and3A_510 : i32 to index
      %get3A_588 = arith.constant 112 : index
      %get3A_589 = tpu.vector_load %arg13[%get3A_586, %get3A_587, %get3A_588] {strides = array<i32>} : memref<4x128x128xf32, #tpu.memory_space<vmem>>, vector<16xf32>,
      %add3A_590 = arith.constant 48 : i32
      %add3A_591 = arith.addi %mul3A_512, %add3A_590 : i32
      %get3A_592 = arith.index_cast %add3A_591 : i32 to index
      %get3A_593 = tpu.vector_load %arg15[%get3A_592] {strides = array<i32>} : memref<35344xi32, #tpu.memory_space<vmem>>, vector<16xi32>,
      %gt3A_594 = arith.constant 1 : i32
      %gt3A_595 = vector.broadcast %gt3A_594 : i32 to vector<16xi32>
      %gt3A_596 = arith.cmpi sgt, %get3A_593, %gt3A_595 : vector<16xi32>
      %exp3A_597 = math.exp %get3A_585 : vector<16xf32>
      %exp3A_598 = math.exp %get3A_589 : vector<16xf32>
      %broadcast_in_dim3A_599 = arith.constant 0.000000e+00 : f32
      %broadcast_in_dim3A_600 = vector.broadcast %broadcast_in_dim3A_599 : f32 to vector<16xf32>
      %select_n3A_601 = arith.select %gt3A_596, %broadcast_in_dim3A_600, %exp3A_597 : vector<16xi1>, vector<16xf32>
      %select_n3A_602 = arith.select %gt3A_596, %exp3A_597, %broadcast_in_dim3A_600 : vector<16xi1>, vector<16xf32>
      %select_n3A_603 = arith.select %gt3A_596, %broadcast_in_dim3A_600, %exp3A_598 : vector<16xi1>, vector<16xf32>
      %select_n3A_604 = arith.select %gt3A_596, %exp3A_598, %broadcast_in_dim3A_600 : vector<16xi1>, vector<16xf32>
      %add3A_605 = arith.addf %select_n3A_532, %select_n3A_555 : vector<16xf32>
      %add3A_606 = arith.addf %select_n3A_578, %select_n3A_601 : vector<16xf32>
      %add3A_607 = arith.addf %add3A_605, %add3A_606 : vector<16xf32>
      %swap3A_608 = arith.constant 51 : index
      %swap3A_609 = tpu.vector_load %arg20[%swap3A_608] {strides = array<i32>} : memref<272xf32, #tpu.memory_space<vmem>>, vector<16xf32>,
      tpu.vector_store %arg20[%swap3A_608], %add3A_607 {strides = array<i32>} : memref<272xf32, #tpu.memory_space<vmem>>, vector<16xf32>,
      %add3A_610 = arith.addf %select_n3A_533, %select_n3A_556 : vector<16xf32>
      %add3A_611 = arith.addf %select_n3A_579, %select_n3A_602 : vector<16xf32>
      %add3A_612 = arith.addf %add3A_610, %add3A_611 : vector<16xf32>
      %swap3A_613 = arith.constant 51 : index
      %swap3A_614 = tpu.vector_load %arg21[%swap3A_613] {strides = array<i32>} : memref<272xf32, #tpu.memory_space<vmem>>, vector<16xf32>,
      tpu.vector_store %arg21[%swap3A_613], %add3A_612 {strides = array<i32>} : memref<272xf32, #tpu.memory_space<vmem>>, vector<16xf32>,
      %add3A_615 = arith.addf %select_n3A_534, %select_n3A_557 : vector<16xf32>
      %add3A_616 = arith.addf %select_n3A_580, %select_n3A_603 : vector<16xf32>
      %add3A_617 = arith.addf %add3A_615, %add3A_616 : vector<16xf32>
      %swap3A_618 = arith.constant 51 : index
      %swap3A_619 = tpu.vector_load %arg22[%swap3A_618] {strides = array<i32>} : memref<272xf32, #tpu.memory_space<vmem>>, vector<16xf32>,
      tpu.vector_store %arg22[%swap3A_618], %add3A_617 {strides = array<i32>} : memref<272xf32, #tpu.memory_space<vmem>>, vector<16xf32>,
      %add3A_620 = arith.addf %select_n3A_535, %select_n3A_558 : vector<16xf32>
      %add3A_621 = arith.addf %select_n3A_581, %select_n3A_604 : vector<16xf32>
      %add3A_622 = arith.addf %add3A_620, %add3A_621 : vector<16xf32>
      %swap3A_623 = arith.constant 51 : index
      %swap3A_624 = tpu.vector_load %arg23[%swap3A_623] {strides = array<i32>} : memref<272xf32, #tpu.memory_space<vmem>>, vector<16xf32>,
      tpu.vector_store %arg23[%swap3A_623], %add3A_622 {strides = array<i32>} : memref<272xf32, #tpu.memory_space<vmem>>, vector<16xf32>,
      %mul3A_625 = arith.constant 16 : i32
      %mul3A_626 = arith.muli %scan3A_124, %mul3A_625 : i32
      %add3A_627 = arith.constant 4 : i32
      %add3A_628 = arith.addi %mul3A_626, %add3A_627 : i32
      %shift_right_logical3A_629 = arith.constant 7 : i32
      %shift_right_logical3A_630 = arith.shrui %add3A_628, %shift_right_logical3A_629 : i32
      %and3A_631 = arith.constant 127 : i32
      %and3A_632 = arith.andi %add3A_628, %and3A_631 : i32
      %mul3A_633 = arith.constant 69 : i32
      %mul3A_634 = arith.muli %add3A_628, %mul3A_633 : i32
      %get3A_635 = arith.index_cast %shift_right_logical3A_630 : i32 to index
      %get3A_636 = arith.index_cast %and3A_632 : i32 to index
      %get3A_637 = arith.constant 0 : index
      %get3A_638 = tpu.vector_load %arg13[%get3A_635, %get3A_636, %get3A_637] {strides = array<i32>} : memref<4x128x128xf32, #tpu.memory_space<vmem>>, vector<16xf32>,
      %get3A_639 = arith.index_cast %shift_right_logical3A_630 : i32 to index
      %get3A_640 = arith.index_cast %and3A_632 : i32 to index
      %get3A_641 = arith.constant 64 : index
      %get3A_642 = tpu.vector_load %arg13[%get3A_639, %get3A_640, %get3A_641] {strides = array<i32>} : memref<4x128x128xf32, #tpu.memory_space<vmem>>, vector<16xf32>,
      %add3A_643 = arith.constant 0 : i32
      %add3A_644 = arith.addi %mul3A_634, %add3A_643 : i32
      %get3A_645 = arith.index_cast %add3A_644 : i32 to index
      %get3A_646 = tpu.vector_load %arg15[%get3A_645] {strides = array<i32>} : memref<35344xi32, #tpu.memory_space<vmem>>, vector<16xi32>,
      %gt3A_647 = arith.constant 1 : i32
      %gt3A_648 = vector.broadcast %gt3A_647 : i32 to vector<16xi32>
      %gt3A_649 = arith.cmpi sgt, %get3A_646, %gt3A_648 : vector<16xi32>
      %exp3A_650 = math.exp %get3A_638 : vector<16xf32>
      %exp3A_651 = math.exp %get3A_642 : vector<16xf32>
      %broadcast_in_dim3A_652 = arith.constant 0.000000e+00 : f32
      %broadcast_in_dim3A_653 = vector.broadcast %broadcast_in_dim3A_652 : f32 to vector<16xf32>
      %select_n3A_654 = arith.select %gt3A_649, %broadcast_in_dim3A_653, %exp3A_650 : vector<16xi1>, vector<16xf32>
      %select_n3A_655 = arith.select %gt3A_649, %exp3A_650, %broadcast_in_dim3A_653 : vector<16xi1>, vector<16xf32>
      %select_n3A_656 = arith.select %gt3A_649, %broadcast_in_dim3A_653, %exp3A_651 : vector<16xi1>, vector<16xf32>
      %select_n3A_657 = arith.select %gt3A_649, %exp3A_651, %broadcast_in_dim3A_653 : vector<16xi1>, vector<16xf32>
      %get3A_658 = arith.index_cast %shift_right_logical3A_630 : i32 to index
      %get3A_659 = arith.index_cast %and3A_632 : i32 to index
      %get3A_660 = arith.constant 16 : index
      %get3A_661 = tpu.vector_load %arg13[%get3A_658, %get3A_659, %get3A_660] {strides = array<i32>} : memref<4x128x128xf32, #tpu.memory_space<vmem>>, vector<16xf32>,
      %get3A_662 = arith.index_cast %shift_right_logical3A_630 : i32 to index
      %get3A_663 = arith.index_cast %and3A_632 : i32 to index
      %get3A_664 = arith.constant 80 : index
      %get3A_665 = tpu.vector_load %arg13[%get3A_662, %get3A_663, %get3A_664] {strides = array<i32>} : memref<4x128x128xf32, #tpu.memory_space<vmem>>, vector<16xf32>,
      %add3A_666 = arith.constant 16 : i32
      %add3A_667 = arith.addi %mul3A_634, %add3A_666 : i32
      %get3A_668 = arith.index_cast %add3A_667 : i32 to index
      %get3A_669 = tpu.vector_load %arg15[%get3A_668] {strides = array<i32>} : memref<35344xi32, #tpu.memory_space<vmem>>, vector<16xi32>,
      %gt3A_670 = arith.constant 1 : i32
      %gt3A_671 = vector.broadcast %gt3A_670 : i32 to vector<16xi32>
      %gt3A_672 = arith.cmpi sgt, %get3A_669, %gt3A_671 : vector<16xi32>
      %exp3A_673 = math.exp %get3A_661 : vector<16xf32>
      %exp3A_674 = math.exp %get3A_665 : vector<16xf32>
      %broadcast_in_dim3A_675 = arith.constant 0.000000e+00 : f32
      %broadcast_in_dim3A_676 = vector.broadcast %broadcast_in_dim3A_675 : f32 to vector<16xf32>
      %select_n3A_677 = arith.select %gt3A_672, %broadcast_in_dim3A_676, %exp3A_673 : vector<16xi1>, vector<16xf32>
      %select_n3A_678 = arith.select %gt3A_672, %exp3A_673, %broadcast_in_dim3A_676 : vector<16xi1>, vector<16xf32>
      %select_n3A_679 = arith.select %gt3A_672, %broadcast_in_dim3A_676, %exp3A_674 : vector<16xi1>, vector<16xf32>
      %select_n3A_680 = arith.select %gt3A_672, %exp3A_674, %broadcast_in_dim3A_676 : vector<16xi1>, vector<16xf32>
      %get3A_681 = arith.index_cast %shift_right_logical3A_630 : i32 to index
      %get3A_682 = arith.index_cast %and3A_632 : i32 to index
      %get3A_683 = arith.constant 32 : index
      %get3A_684 = tpu.vector_load %arg13[%get3A_681, %get3A_682, %get3A_683] {strides = array<i32>} : memref<4x128x128xf32, #tpu.memory_space<vmem>>, vector<16xf32>,
      %get3A_685 = arith.index_cast %shift_right_logical3A_630 : i32 to index
      %get3A_686 = arith.index_cast %and3A_632 : i32 to index
      %get3A_687 = arith.constant 96 : index
      %get3A_688 = tpu.vector_load %arg13[%get3A_685, %get3A_686, %get3A_687] {strides = array<i32>} : memref<4x128x128xf32, #tpu.memory_space<vmem>>, vector<16xf32>,
      %add3A_689 = arith.constant 32 : i32
      %add3A_690 = arith.addi %mul3A_634, %add3A_689 : i32
      %get3A_691 = arith.index_cast %add3A_690 : i32 to index
      %get3A_692 = tpu.vector_load %arg15[%get3A_691] {strides = array<i32>} : memref<35344xi32, #tpu.memory_space<vmem>>, vector<16xi32>,
      %gt3A_693 = arith.constant 1 : i32
      %gt3A_694 = vector.broadcast %gt3A_693 : i32 to vector<16xi32>
      %gt3A_695 = arith.cmpi sgt, %get3A_692, %gt3A_694 : vector<16xi32>
      %exp3A_696 = math.exp %get3A_684 : vector<16xf32>
      %exp3A_697 = math.exp %get3A_688 : vector<16xf32>
      %broadcast_in_dim3A_698 = arith.constant 0.000000e+00 : f32
      %broadcast_in_dim3A_699 = vector.broadcast %broadcast_in_dim3A_698 : f32 to vector<16xf32>
      %select_n3A_700 = arith.select %gt3A_695, %broadcast_in_dim3A_699, %exp3A_696 : vector<16xi1>, vector<16xf32>
      %select_n3A_701 = arith.select %gt3A_695, %exp3A_696, %broadcast_in_dim3A_699 : vector<16xi1>, vector<16xf32>
      %select_n3A_702 = arith.select %gt3A_695, %broadcast_in_dim3A_699, %exp3A_697 : vector<16xi1>, vector<16xf32>
      %select_n3A_703 = arith.select %gt3A_695, %exp3A_697, %broadcast_in_dim3A_699 : vector<16xi1>, vector<16xf32>
      %get3A_704 = arith.index_cast %shift_right_logical3A_630 : i32 to index
      %get3A_705 = arith.index_cast %and3A_632 : i32 to index
      %get3A_706 = arith.constant 48 : index
      %get3A_707 = tpu.vector_load %arg13[%get3A_704, %get3A_705, %get3A_706] {strides = array<i32>} : memref<4x128x128xf32, #tpu.memory_space<vmem>>, vector<16xf32>,
      %get3A_708 = arith.index_cast %shift_right_logical3A_630 : i32 to index
      %get3A_709 = arith.index_cast %and3A_632 : i32 to index
      %get3A_710 = arith.constant 112 : index
      %get3A_711 = tpu.vector_load %arg13[%get3A_708, %get3A_709, %get3A_710] {strides = array<i32>} : memref<4x128x128xf32, #tpu.memory_space<vmem>>, vector<16xf32>,
      %add3A_712 = arith.constant 48 : i32
      %add3A_713 = arith.addi %mul3A_634, %add3A_712 : i32
      %get3A_714 = arith.index_cast %add3A_713 : i32 to index
      %get3A_715 = tpu.vector_load %arg15[%get3A_714] {strides = array<i32>} : memref<35344xi32, #tpu.memory_space<vmem>>, vector<16xi32>,
      %gt3A_716 = arith.constant 1 : i32
      %gt3A_717 = vector.broadcast %gt3A_716 : i32 to vector<16xi32>
      %gt3A_718 = arith.cmpi sgt, %get3A_715, %gt3A_717 : vector<16xi32>
      %exp3A_719 = math.exp %get3A_707 : vector<16xf32>
      %exp3A_720 = math.exp %get3A_711 : vector<16xf32>
      %broadcast_in_dim3A_721 = arith.constant 0.000000e+00 : f32
      %broadcast_in_dim3A_722 = vector.broadcast %broadcast_in_dim3A_721 : f32 to vector<16xf32>
      %select_n3A_723 = arith.select %gt3A_718, %broadcast_in_dim3A_722, %exp3A_719 : vector<16xi1>, vector<16xf32>
      %select_n3A_724 = arith.select %gt3A_718, %exp3A_719, %broadcast_in_dim3A_722 : vector<16xi1>, vector<16xf32>
      %select_n3A_725 = arith.select %gt3A_718, %broadcast_in_dim3A_722, %exp3A_720 : vector<16xi1>, vector<16xf32>
      %select_n3A_726 = arith.select %gt3A_718, %exp3A_720, %broadcast_in_dim3A_722 : vector<16xi1>, vector<16xf32>
      %add3A_727 = arith.addf %select_n3A_654, %select_n3A_677 : vector<16xf32>
      %add3A_728 = arith.addf %select_n3A_700, %select_n3A_723 : vector<16xf32>
      %add3A_729 = arith.addf %add3A_727, %add3A_728 : vector<16xf32>
      %swap3A_730 = arith.constant 68 : index
      %swap3A_731 = tpu.vector_load %arg20[%swap3A_730] {strides = array<i32>} : memref<272xf32, #tpu.memory_space<vmem>>, vector<16xf32>,
      tpu.vector_store %arg20[%swap3A_730], %add3A_729 {strides = array<i32>} : memref<272xf32, #tpu.memory_space<vmem>>, vector<16xf32>,
      %add3A_732 = arith.addf %select_n3A_655, %select_n3A_678 : vector<16xf32>
      %add3A_733 = arith.addf %select_n3A_701, %select_n3A_724 : vector<16xf32>
      %add3A_734 = arith.addf %add3A_732, %add3A_733 : vector<16xf32>
      %swap3A_735 = arith.constant 68 : index
      %swap3A_736 = tpu.vector_load %arg21[%swap3A_735] {strides = array<i32>} : memref<272xf32, #tpu.memory_space<vmem>>, vector<16xf32>,
      tpu.vector_store %arg21[%swap3A_735], %add3A_734 {strides = array<i32>} : memref<272xf32, #tpu.memory_space<vmem>>, vector<16xf32>,
      %add3A_737 = arith.addf %select_n3A_656, %select_n3A_679 : vector<16xf32>
      %add3A_738 = arith.addf %select_n3A_702, %select_n3A_725 : vector<16xf32>
      %add3A_739 = arith.addf %add3A_737, %add3A_738 : vector<16xf32>
      %swap3A_740 = arith.constant 68 : index
      %swap3A_741 = tpu.vector_load %arg22[%swap3A_740] {strides = array<i32>} : memref<272xf32, #tpu.memory_space<vmem>>, vector<16xf32>,
      tpu.vector_store %arg22[%swap3A_740], %add3A_739 {strides = array<i32>} : memref<272xf32, #tpu.memory_space<vmem>>, vector<16xf32>,
      %add3A_742 = arith.addf %select_n3A_657, %select_n3A_680 : vector<16xf32>
      %add3A_743 = arith.addf %select_n3A_703, %select_n3A_726 : vector<16xf32>
      %add3A_744 = arith.addf %add3A_742, %add3A_743 : vector<16xf32>
      %swap3A_745 = arith.constant 68 : index
      %swap3A_746 = tpu.vector_load %arg23[%swap3A_745] {strides = array<i32>} : memref<272xf32, #tpu.memory_space<vmem>>, vector<16xf32>,
      tpu.vector_store %arg23[%swap3A_745], %add3A_744 {strides = array<i32>} : memref<272xf32, #tpu.memory_space<vmem>>, vector<16xf32>,
      %mul3A_747 = arith.constant 16 : i32
      %mul3A_748 = arith.muli %scan3A_124, %mul3A_747 : i32
      %add3A_749 = arith.constant 5 : i32
      %add3A_750 = arith.addi %mul3A_748, %add3A_749 : i32
      %shift_right_logical3A_751 = arith.constant 7 : i32
      %shift_right_logical3A_752 = arith.shrui %add3A_750, %shift_right_logical3A_751 : i32
      %and3A_753 = arith.constant 127 : i32
      %and3A_754 = arith.andi %add3A_750, %and3A_753 : i32
      %mul3A_755 = arith.constant 69 : i32
      %mul3A_756 = arith.muli %add3A_750, %mul3A_755 : i32
      %get3A_757 = arith.index_cast %shift_right_logical3A_752 : i32 to index
      %get3A_758 = arith.index_cast %and3A_754 : i32 to index
      %get3A_759 = arith.constant 0 : index
      %get3A_760 = tpu.vector_load %arg13[%get3A_757, %get3A_758, %get3A_759] {strides = array<i32>} : memref<4x128x128xf32, #tpu.memory_space<vmem>>, vector<16xf32>,
      %get3A_761 = arith.index_cast %shift_right_logical3A_752 : i32 to index
      %get3A_762 = arith.index_cast %and3A_754 : i32 to index
      %get3A_763 = arith.constant 64 : index
      %get3A_764 = tpu.vector_load %arg13[%get3A_761, %get3A_762, %get3A_763] {strides = array<i32>} : memref<4x128x128xf32, #tpu.memory_space<vmem>>, vector<16xf32>,
      %add3A_765 = arith.constant 0 : i32
      %add3A_766 = arith.addi %mul3A_756, %add3A_765 : i32
      %get3A_767 = arith.index_cast %add3A_766 : i32 to index
      %get3A_768 = tpu.vector_load %arg15[%get3A_767] {strides = array<i32>} : memref<35344xi32, #tpu.memory_space<vmem>>, vector<16xi32>,
      %gt3A_769 = arith.constant 1 : i32
      %gt3A_770 = vector.broadcast %gt3A_769 : i32 to vector<16xi32>
      %gt3A_771 = arith.cmpi sgt, %get3A_768, %gt3A_770 : vector<16xi32>
      %exp3A_772 = math.exp %get3A_760 : vector<16xf32>
      %exp3A_773 = math.exp %get3A_764 : vector<16xf32>
      %broadcast_in_dim3A_774 = arith.constant 0.000000e+00 : f32
      %broadcast_in_dim3A_775 = vector.broadcast %broadcast_in_dim3A_774 : f32 to vector<16xf32>
      %select_n3A_776 = arith.select %gt3A_771, %broadcast_in_dim3A_775, %exp3A_772 : vector<16xi1>, vector<16xf32>
      %select_n3A_777 = arith.select %gt3A_771, %exp3A_772, %broadcast_in_dim3A_775 : vector<16xi1>, vector<16xf32>
      %select_n3A_778 = arith.select %gt3A_771, %broadcast_in_dim3A_775, %exp3A_773 : vector<16xi1>, vector<16xf32>
      %select_n3A_779 = arith.select %gt3A_771, %exp3A_773, %broadcast_in_dim3A_775 : vector<16xi1>, vector<16xf32>
      %get3A_780 = arith.index_cast %shift_right_logical3A_752 : i32 to index
      %get3A_781 = arith.index_cast %and3A_754 : i32 to index
      %get3A_782 = arith.constant 16 : index
      %get3A_783 = tpu.vector_load %arg13[%get3A_780, %get3A_781, %get3A_782] {strides = array<i32>} : memref<4x128x128xf32, #tpu.memory_space<vmem>>, vector<16xf32>,
      %get3A_784 = arith.index_cast %shift_right_logical3A_752 : i32 to index
      %get3A_785 = arith.index_cast %and3A_754 : i32 to index
      %get3A_786 = arith.constant 80 : index
      %get3A_787 = tpu.vector_load %arg13[%get3A_784, %get3A_785, %get3A_786] {strides = array<i32>} : memref<4x128x128xf32, #tpu.memory_space<vmem>>, vector<16xf32>,
      %add3A_788 = arith.constant 16 : i32
      %add3A_789 = arith.addi %mul3A_756, %add3A_788 : i32
      %get3A_790 = arith.index_cast %add3A_789 : i32 to index
      %get3A_791 = tpu.vector_load %arg15[%get3A_790] {strides = array<i32>} : memref<35344xi32, #tpu.memory_space<vmem>>, vector<16xi32>,
      %gt3A_792 = arith.constant 1 : i32
      %gt3A_793 = vector.broadcast %gt3A_792 : i32 to vector<16xi32>
      %gt3A_794 = arith.cmpi sgt, %get3A_791, %gt3A_793 : vector<16xi32>
      %exp3A_795 = math.exp %get3A_783 : vector<16xf32>
      %exp3A_796 = math.exp %get3A_787 : vector<16xf32>
      %broadcast_in_dim3A_797 = arith.constant 0.000000e+00 : f32
      %broadcast_in_dim3A_798 = vector.broadcast %broadcast_in_dim3A_797 : f32 to vector<16xf32>
      %select_n3A_799 = arith.select %gt3A_794, %broadcast_in_dim3A_798, %exp3A_795 : vector<16xi1>, vector<16xf32>
      %select_n3A_800 = arith.select %gt3A_794, %exp3A_795, %broadcast_in_dim3A_798 : vector<16xi1>, vector<16xf32>
      %select_n3A_801 = arith.select %gt3A_794, %broadcast_in_dim3A_798, %exp3A_796 : vector<16xi1>, vector<16xf32>
      %select_n3A_802 = arith.select %gt3A_794, %exp3A_796, %broadcast_in_dim3A_798 : vector<16xi1>, vector<16xf32>
      %get3A_803 = arith.index_cast %shift_right_logical3A_752 : i32 to index
      %get3A_804 = arith.index_cast %and3A_754 : i32 to index
      %get3A_805 = arith.constant 32 : index
      %get3A_806 = tpu.vector_load %arg13[%get3A_803, %get3A_804, %get3A_805] {strides = array<i32>} : memref<4x128x128xf32, #tpu.memory_space<vmem>>, vector<16xf32>,
      %get3A_807 = arith.index_cast %shift_right_logical3A_752 : i32 to index
      %get3A_808 = arith.index_cast %and3A_754 : i32 to index
      %get3A_809 = arith.constant 96 : index
      %get3A_810 = tpu.vector_load %arg13[%get3A_807, %get3A_808, %get3A_809] {strides = array<i32>} : memref<4x128x128xf32, #tpu.memory_space<vmem>>, vector<16xf32>,
      %add3A_811 = arith.constant 32 : i32
      %add3A_812 = arith.addi %mul3A_756, %add3A_811 : i32
      %get3A_813 = arith.index_cast %add3A_812 : i32 to index
      %get3A_814 = tpu.vector_load %arg15[%get3A_813] {strides = array<i32>} : memref<35344xi32, #tpu.memory_space<vmem>>, vector<16xi32>,
      %gt3A_815 = arith.constant 1 : i32
      %gt3A_816 = vector.broadcast %gt3A_815 : i32 to vector<16xi32>
      %gt3A_817 = arith.cmpi sgt, %get3A_814, %gt3A_816 : vector<16xi32>
      %exp3A_818 = math.exp %get3A_806 : vector<16xf32>
      %exp3A_819 = math.exp %get3A_810 : vector<16xf32>
      %broadcast_in_dim3A_820 = arith.constant 0.000000e+00 : f32
      %broadcast_in_dim3A_821 = vector.broadcast %broadcast_in_dim3A_820 : f32 to vector<16xf32>
      %select_n3A_822 = arith.select %gt3A_817, %broadcast_in_dim3A_821, %exp3A_818 : vector<16xi1>, vector<16xf32>
      %select_n3A_823 = arith.select %gt3A_817, %exp3A_818, %broadcast_in_dim3A_821 : vector<16xi1>, vector<16xf32>
      %select_n3A_824 = arith.select %gt3A_817, %broadcast_in_dim3A_821, %exp3A_819 : vector<16xi1>, vector<16xf32>
      %select_n3A_825 = arith.select %gt3A_817, %exp3A_819, %broadcast_in_dim3A_821 : vector<16xi1>, vector<16xf32>
      %get3A_826 = arith.index_cast %shift_right_logical3A_752 : i32 to index
      %get3A_827 = arith.index_cast %and3A_754 : i32 to index
      %get3A_828 = arith.constant 48 : index
      %get3A_829 = tpu.vector_load %arg13[%get3A_826, %get3A_827, %get3A_828] {strides = array<i32>} : memref<4x128x128xf32, #tpu.memory_space<vmem>>, vector<16xf32>,
      %get3A_830 = arith.index_cast %shift_right_logical3A_752 : i32 to index
      %get3A_831 = arith.index_cast %and3A_754 : i32 to index
      %get3A_832 = arith.constant 112 : index
      %get3A_833 = tpu.vector_load %arg13[%get3A_830, %get3A_831, %get3A_832] {strides = array<i32>} : memref<4x128x128xf32, #tpu.memory_space<vmem>>, vector<16xf32>,
      %add3A_834 = arith.constant 48 : i32
      %add3A_835 = arith.addi %mul3A_756, %add3A_834 : i32
      %get3A_836 = arith.index_cast %add3A_835 : i32 to index
      %get3A_837 = tpu.vector_load %arg15[%get3A_836] {strides = array<i32>} : memref<35344xi32, #tpu.memory_space<vmem>>, vector<16xi32>,
      %gt3A_838 = arith.constant 1 : i32
      %gt3A_839 = vector.broadcast %gt3A_838 : i32 to vector<16xi32>
      %gt3A_840 = arith.cmpi sgt, %get3A_837, %gt3A_839 : vector<16xi32>
      %exp3A_841 = math.exp %get3A_829 : vector<16xf32>
      %exp3A_842 = math.exp %get3A_833 : vector<16xf32>
      %broadcast_in_dim3A_843 = arith.constant 0.000000e+00 : f32
      %broadcast_in_dim3A_844 = vector.broadcast %broadcast_in_dim3A_843 : f32 to vector<16xf32>
      %select_n3A_845 = arith.select %gt3A_840, %broadcast_in_dim3A_844, %exp3A_841 : vector<16xi1>, vector<16xf32>
      %select_n3A_846 = arith.select %gt3A_840, %exp3A_841, %broadcast_in_dim3A_844 : vector<16xi1>, vector<16xf32>
      %select_n3A_847 = arith.select %gt3A_840, %broadcast_in_dim3A_844, %exp3A_842 : vector<16xi1>, vector<16xf32>
      %select_n3A_848 = arith.select %gt3A_840, %exp3A_842, %broadcast_in_dim3A_844 : vector<16xi1>, vector<16xf32>
      %add3A_849 = arith.addf %select_n3A_776, %select_n3A_799 : vector<16xf32>
      %add3A_850 = arith.addf %select_n3A_822, %select_n3A_845 : vector<16xf32>
      %add3A_851 = arith.addf %add3A_849, %add3A_850 : vector<16xf32>
      %swap3A_852 = arith.constant 85 : index
      %swap3A_853 = tpu.vector_load %arg20[%swap3A_852] {strides = array<i32>} : memref<272xf32, #tpu.memory_space<vmem>>, vector<16xf32>,
      tpu.vector_store %arg20[%swap3A_852], %add3A_851 {strides = array<i32>} : memref<272xf32, #tpu.memory_space<vmem>>, vector<16xf32>,
      %add3A_854 = arith.addf %select_n3A_777, %select_n3A_800 : vector<16xf32>
      %add3A_855 = arith.addf %select_n3A_823, %select_n3A_846 : vector<16xf32>
      %add3A_856 = arith.addf %add3A_854, %add3A_855 : vector<16xf32>
      %swap3A_857 = arith.constant 85 : index
      %swap3A_858 = tpu.vector_load %arg21[%swap3A_857] {strides = array<i32>} : memref<272xf32, #tpu.memory_space<vmem>>, vector<16xf32>,
      tpu.vector_store %arg21[%swap3A_857], %add3A_856 {strides = array<i32>} : memref<272xf32, #tpu.memory_space<vmem>>, vector<16xf32>,
      %add3A_859 = arith.addf %select_n3A_778, %select_n3A_801 : vector<16xf32>
      %add3A_860 = arith.addf %select_n3A_824, %select_n3A_847 : vector<16xf32>
      %add3A_861 = arith.addf %add3A_859, %add3A_860 : vector<16xf32>
      %swap3A_862 = arith.constant 85 : index
      %swap3A_863 = tpu.vector_load %arg22[%swap3A_862] {strides = array<i32>} : memref<272xf32, #tpu.memory_space<vmem>>, vector<16xf32>,
      tpu.vector_store %arg22[%swap3A_862], %add3A_861 {strides = array<i32>} : memref<272xf32, #tpu.memory_space<vmem>>, vector<16xf32>,
      %add3A_864 = arith.addf %select_n3A_779, %select_n3A_802 : vector<16xf32>
      %add3A_865 = arith.addf %select_n3A_825, %select_n3A_848 : vector<16xf32>
      %add3A_866 = arith.addf %add3A_864, %add3A_865 : vector<16xf32>
      %swap3A_867 = arith.constant 85 : index
      %swap3A_868 = tpu.vector_load %arg23[%swap3A_867] {strides = array<i32>} : memref<272xf32, #tpu.memory_space<vmem>>, vector<16xf32>,
      tpu.vector_store %arg23[%swap3A_867], %add3A_866 {strides = array<i32>} : memref<272xf32, #tpu.memory_space<vmem>>, vector<16xf32>,
      %mul3A_869 = arith.constant 16 : i32
      %mul3A_870 = arith.muli %scan3A_124, %mul3A_869 : i32
      %add3A_871 = arith.constant 6 : i32
      %add3A_872 = arith.addi %mul3A_870, %add3A_871 : i32
      %shift_right_logical3A_873 = arith.constant 7 : i32
      %shift_right_logical3A_874 = arith.shrui %add3A_872, %shift_right_logical3A_873 : i32
      %and3A_875 = arith.constant 127 : i32
      %and3A_876 = arith.andi %add3A_872, %and3A_875 : i32
      %mul3A_877 = arith.constant 69 : i32
      %mul3A_878 = arith.muli %add3A_872, %mul3A_877 : i32
      %get3A_879 = arith.index_cast %shift_right_logical3A_874 : i32 to index
      %get3A_880 = arith.index_cast %and3A_876 : i32 to index
      %get3A_881 = arith.constant 0 : index
      %get3A_882 = tpu.vector_load %arg13[%get3A_879, %get3A_880, %get3A_881] {strides = array<i32>} : memref<4x128x128xf32, #tpu.memory_space<vmem>>, vector<16xf32>,
      %get3A_883 = arith.index_cast %shift_right_logical3A_874 : i32 to index
      %get3A_884 = arith.index_cast %and3A_876 : i32 to index
      %get3A_885 = arith.constant 64 : index
      %get3A_886 = tpu.vector_load %arg13[%get3A_883, %get3A_884, %get3A_885] {strides = array<i32>} : memref<4x128x128xf32, #tpu.memory_space<vmem>>, vector<16xf32>,
      %add3A_887 = arith.constant 0 : i32
      %add3A_888 = arith.addi %mul3A_878, %add3A_887 : i32
      %get3A_889 = arith.index_cast %add3A_888 : i32 to index
      %get3A_890 = tpu.vector_load %arg15[%get3A_889] {strides = array<i32>} : memref<35344xi32, #tpu.memory_space<vmem>>, vector<16xi32>,
      %gt3A_891 = arith.constant 1 : i32
      %gt3A_892 = vector.broadcast %gt3A_891 : i32 to vector<16xi32>
      %gt3A_893 = arith.cmpi sgt, %get3A_890, %gt3A_892 : vector<16xi32>
      %exp3A_894 = math.exp %get3A_882 : vector<16xf32>
      %exp3A_895 = math.exp %get3A_886 : vector<16xf32>
      %broadcast_in_dim3A_896 = arith.constant 0.000000e+00 : f32
      %broadcast_in_dim3A_897 = vector.broadcast %broadcast_in_dim3A_896 : f32 to vector<16xf32>
      %select_n3A_898 = arith.select %gt3A_893, %broadcast_in_dim3A_897, %exp3A_894 : vector<16xi1>, vector<16xf32>
      %select_n3A_899 = arith.select %gt3A_893, %exp3A_894, %broadcast_in_dim3A_897 : vector<16xi1>, vector<16xf32>
      %select_n3A_900 = arith.select %gt3A_893, %broadcast_in_dim3A_897, %exp3A_895 : vector<16xi1>, vector<16xf32>
      %select_n3A_901 = arith.select %gt3A_893, %exp3A_895, %broadcast_in_dim3A_897 : vector<16xi1>, vector<16xf32>
      %get3A_902 = arith.index_cast %shift_right_logical3A_874 : i32 to index
      %get3A_903 = arith.index_cast %and3A_876 : i32 to index
      %get3A_904 = arith.constant 16 : index
      %get3A_905 = tpu.vector_load %arg13[%get3A_902, %get3A_903, %get3A_904] {strides = array<i32>} : memref<4x128x128xf32, #tpu.memory_space<vmem>>, vector<16xf32>,
      %get3A_906 = arith.index_cast %shift_right_logical3A_874 : i32 to index
      %get3A_907 = arith.index_cast %and3A_876 : i32 to index
      %get3A_908 = arith.constant 80 : index
      %get3A_909 = tpu.vector_load %arg13[%get3A_906, %get3A_907, %get3A_908] {strides = array<i32>} : memref<4x128x128xf32, #tpu.memory_space<vmem>>, vector<16xf32>,
      %add3A_910 = arith.constant 16 : i32
      %add3A_911 = arith.addi %mul3A_878, %add3A_910 : i32
      %get3A_912 = arith.index_cast %add3A_911 : i32 to index
      %get3A_913 = tpu.vector_load %arg15[%get3A_912] {strides = array<i32>} : memref<35344xi32, #tpu.memory_space<vmem>>, vector<16xi32>,
      %gt3A_914 = arith.constant 1 : i32
      %gt3A_915 = vector.broadcast %gt3A_914 : i32 to vector<16xi32>
      %gt3A_916 = arith.cmpi sgt, %get3A_913, %gt3A_915 : vector<16xi32>
      %exp3A_917 = math.exp %get3A_905 : vector<16xf32>
      %exp3A_918 = math.exp %get3A_909 : vector<16xf32>
      %broadcast_in_dim3A_919 = arith.constant 0.000000e+00 : f32
      %broadcast_in_dim3A_920 = vector.broadcast %broadcast_in_dim3A_919 : f32 to vector<16xf32>
      %select_n3A_921 = arith.select %gt3A_916, %broadcast_in_dim3A_920, %exp3A_917 : vector<16xi1>, vector<16xf32>
      %select_n3A_922 = arith.select %gt3A_916, %exp3A_917, %broadcast_in_dim3A_920 : vector<16xi1>, vector<16xf32>
      %select_n3A_923 = arith.select %gt3A_916, %broadcast_in_dim3A_920, %exp3A_918 : vector<16xi1>, vector<16xf32>
      %select_n3A_924 = arith.select %gt3A_916, %exp3A_918, %broadcast_in_dim3A_920 : vector<16xi1>, vector<16xf32>
      %get3A_925 = arith.index_cast %shift_right_logical3A_874 : i32 to index
      %get3A_926 = arith.index_cast %and3A_876 : i32 to index
      %get3A_927 = arith.constant 32 : index
      %get3A_928 = tpu.vector_load %arg13[%get3A_925, %get3A_926, %get3A_927] {strides = array<i32>} : memref<4x128x128xf32, #tpu.memory_space<vmem>>, vector<16xf32>,
      %get3A_929 = arith.index_cast %shift_right_logical3A_874 : i32 to index
      %get3A_930 = arith.index_cast %and3A_876 : i32 to index
      %get3A_931 = arith.constant 96 : index
      %get3A_932 = tpu.vector_load %arg13[%get3A_929, %get3A_930, %get3A_931] {strides = array<i32>} : memref<4x128x128xf32, #tpu.memory_space<vmem>>, vector<16xf32>,
      %add3A_933 = arith.constant 32 : i32
      %add3A_934 = arith.addi %mul3A_878, %add3A_933 : i32
      %get3A_935 = arith.index_cast %add3A_934 : i32 to index
      %get3A_936 = tpu.vector_load %arg15[%get3A_935] {strides = array<i32>} : memref<35344xi32, #tpu.memory_space<vmem>>, vector<16xi32>,
      %gt3A_937 = arith.constant 1 : i32
      %gt3A_938 = vector.broadcast %gt3A_937 : i32 to vector<16xi32>
      %gt3A_939 = arith.cmpi sgt, %get3A_936, %gt3A_938 : vector<16xi32>
      %exp3A_940 = math.exp %get3A_928 : vector<16xf32>
      %exp3A_941 = math.exp %get3A_932 : vector<16xf32>
      %broadcast_in_dim3A_942 = arith.constant 0.000000e+00 : f32
      %broadcast_in_dim3A_943 = vector.broadcast %broadcast_in_dim3A_942 : f32 to vector<16xf32>
      %select_n3A_944 = arith.select %gt3A_939, %broadcast_in_dim3A_943, %exp3A_940 : vector<16xi1>, vector<16xf32>
      %select_n3A_945 = arith.select %gt3A_939, %exp3A_940, %broadcast_in_dim3A_943 : vector<16xi1>, vector<16xf32>
      %select_n3A_946 = arith.select %gt3A_939, %broadcast_in_dim3A_943, %exp3A_941 : vector<16xi1>, vector<16xf32>
      %select_n3A_947 = arith.select %gt3A_939, %exp3A_941, %broadcast_in_dim3A_943 : vector<16xi1>, vector<16xf32>
      %get3A_948 = arith.index_cast %shift_right_logical3A_874 : i32 to index
      %get3A_949 = arith.index_cast %and3A_876 : i32 to index
      %get3A_950 = arith.constant 48 : index
      %get3A_951 = tpu.vector_load %arg13[%get3A_948, %get3A_949, %get3A_950] {strides = array<i32>} : memref<4x128x128xf32, #tpu.memory_space<vmem>>, vector<16xf32>,
      %get3A_952 = arith.index_cast %shift_right_logical3A_874 : i32 to index
      %get3A_953 = arith.index_cast %and3A_876 : i32 to index
      %get3A_954 = arith.constant 112 : index
      %get3A_955 = tpu.vector_load %arg13[%get3A_952, %get3A_953, %get3A_954] {strides = array<i32>} : memref<4x128x128xf32, #tpu.memory_space<vmem>>, vector<16xf32>,
      %add3A_956 = arith.constant 48 : i32
      %add3A_957 = arith.addi %mul3A_878, %add3A_956 : i32
      %get3A_958 = arith.index_cast %add3A_957 : i32 to index
      %get3A_959 = tpu.vector_load %arg15[%get3A_958] {strides = array<i32>} : memref<35344xi32, #tpu.memory_space<vmem>>, vector<16xi32>,
      %gt3A_960 = arith.constant 1 : i32
      %gt3A_961 = vector.broadcast %gt3A_960 : i32 to vector<16xi32>
      %gt3A_962 = arith.cmpi sgt, %get3A_959, %gt3A_961 : vector<16xi32>
      %exp3A_963 = math.exp %get3A_951 : vector<16xf32>
      %exp3A_964 = math.exp %get3A_955 : vector<16xf32>
      %broadcast_in_dim3A_965 = arith.constant 0.000000e+00 : f32
      %broadcast_in_dim3A_966 = vector.broadcast %broadcast_in_dim3A_965 : f32 to vector<16xf32>
      %select_n3A_967 = arith.select %gt3A_962, %broadcast_in_dim3A_966, %exp3A_963 : vector<16xi1>, vector<16xf32>
      %select_n3A_968 = arith.select %gt3A_962, %exp3A_963, %broadcast_in_dim3A_966 : vector<16xi1>, vector<16xf32>
      %select_n3A_969 = arith.select %gt3A_962, %broadcast_in_dim3A_966, %exp3A_964 : vector<16xi1>, vector<16xf32>
      %select_n3A_970 = arith.select %gt3A_962, %exp3A_964, %broadcast_in_dim3A_966 : vector<16xi1>, vector<16xf32>
      %add3A_971 = arith.addf %select_n3A_898, %select_n3A_921 : vector<16xf32>
      %add3A_972 = arith.addf %select_n3A_944, %select_n3A_967 : vector<16xf32>
      %add3A_973 = arith.addf %add3A_971, %add3A_972 : vector<16xf32>
      %swap3A_974 = arith.constant 102 : index
      %swap3A_975 = tpu.vector_load %arg20[%swap3A_974] {strides = array<i32>} : memref<272xf32, #tpu.memory_space<vmem>>, vector<16xf32>,
      tpu.vector_store %arg20[%swap3A_974], %add3A_973 {strides = array<i32>} : memref<272xf32, #tpu.memory_space<vmem>>, vector<16xf32>,
      %add3A_976 = arith.addf %select_n3A_899, %select_n3A_922 : vector<16xf32>
      %add3A_977 = arith.addf %select_n3A_945, %select_n3A_968 : vector<16xf32>
      %add3A_978 = arith.addf %add3A_976, %add3A_977 : vector<16xf32>
      %swap3A_979 = arith.constant 102 : index
      %swap3A_980 = tpu.vector_load %arg21[%swap3A_979] {strides = array<i32>} : memref<272xf32, #tpu.memory_space<vmem>>, vector<16xf32>,
      tpu.vector_store %arg21[%swap3A_979], %add3A_978 {strides = array<i32>} : memref<272xf32, #tpu.memory_space<vmem>>, vector<16xf32>,
      %add3A_981 = arith.addf %select_n3A_900, %select_n3A_923 : vector<16xf32>
      %add3A_982 = arith.addf %select_n3A_946, %select_n3A_969 : vector<16xf32>
      %add3A_983 = arith.addf %add3A_981, %add3A_982 : vector<16xf32>
      %swap3A_984 = arith.constant 102 : index
      %swap3A_985 = tpu.vector_load %arg22[%swap3A_984] {strides = array<i32>} : memref<272xf32, #tpu.memory_space<vmem>>, vector<16xf32>,
      tpu.vector_store %arg22[%swap3A_984], %add3A_983 {strides = array<i32>} : memref<272xf32, #tpu.memory_space<vmem>>, vector<16xf32>,
      %add3A_986 = arith.addf %select_n3A_901, %select_n3A_924 : vector<16xf32>
      %add3A_987 = arith.addf %select_n3A_947, %select_n3A_970 : vector<16xf32>
      %add3A_988 = arith.addf %add3A_986, %add3A_987 : vector<16xf32>
      %swap3A_989 = arith.constant 102 : index
      %swap3A_990 = tpu.vector_load %arg23[%swap3A_989] {strides = array<i32>} : memref<272xf32, #tpu.memory_space<vmem>>, vector<16xf32>,
      tpu.vector_store %arg23[%swap3A_989], %add3A_988 {strides = array<i32>} : memref<272xf32, #tpu.memory_space<vmem>>, vector<16xf32>,
      %mul3A_991 = arith.constant 16 : i32
      %mul3A_992 = arith.muli %scan3A_124, %mul3A_991 : i32
      %add3A_993 = arith.constant 7 : i32
      %add3A_994 = arith.addi %mul3A_992, %add3A_993 : i32
      %shift_right_logical3A_995 = arith.constant 7 : i32
      %shift_right_logical3A_996 = arith.shrui %add3A_994, %shift_right_logical3A_995 : i32
      %and3A_997 = arith.constant 127 : i32
      %and3A_998 = arith.andi %add3A_994, %and3A_997 : i32
      %mul3A_999 = arith.constant 69 : i32
      %mul3A_1000 = arith.muli %add3A_994, %mul3A_999 : i32
      %get3A_1001 = arith.index_cast %shift_right_logical3A_996 : i32 to index
      %get3A_1002 = arith.index_cast %and3A_998 : i32 to index
      %get3A_1003 = arith.constant 0 : index
      %get3A_1004 = tpu.vector_load %arg13[%get3A_1001, %get3A_1002, %get3A_1003] {strides = array<i32>} : memref<4x128x128xf32, #tpu.memory_space<vmem>>, vector<16xf32>,
      %get3A_1005 = arith.index_cast %shift_right_logical3A_996 : i32 to index
      %get3A_1006 = arith.index_cast %and3A_998 : i32 to index
      %get3A_1007 = arith.constant 64 : index
      %get3A_1008 = tpu.vector_load %arg13[%get3A_1005, %get3A_1006, %get3A_1007] {strides = array<i32>} : memref<4x128x128xf32, #tpu.memory_space<vmem>>, vector<16xf32>,
      %add3A_1009 = arith.constant 0 : i32
      %add3A_1010 = arith.addi %mul3A_1000, %add3A_1009 : i32
      %get3A_1011 = arith.index_cast %add3A_1010 : i32 to index
      %get3A_1012 = tpu.vector_load %arg15[%get3A_1011] {strides = array<i32>} : memref<35344xi32, #tpu.memory_space<vmem>>, vector<16xi32>,
      %gt3A_1013 = arith.constant 1 : i32
      %gt3A_1014 = vector.broadcast %gt3A_1013 : i32 to vector<16xi32>
      %gt3A_1015 = arith.cmpi sgt, %get3A_1012, %gt3A_1014 : vector<16xi32>
      %exp3A_1016 = math.exp %get3A_1004 : vector<16xf32>
      %exp3A_1017 = math.exp %get3A_1008 : vector<16xf32>
      %broadcast_in_dim3A_1018 = arith.constant 0.000000e+00 : f32
      %broadcast_in_dim3A_1019 = vector.broadcast %broadcast_in_dim3A_1018 : f32 to vector<16xf32>
      %select_n3A_1020 = arith.select %gt3A_1015, %broadcast_in_dim3A_1019, %exp3A_1016 : vector<16xi1>, vector<16xf32>
      %select_n3A_1021 = arith.select %gt3A_1015, %exp3A_1016, %broadcast_in_dim3A_1019 : vector<16xi1>, vector<16xf32>
      %select_n3A_1022 = arith.select %gt3A_1015, %broadcast_in_dim3A_1019, %exp3A_1017 : vector<16xi1>, vector<16xf32>
      %select_n3A_1023 = arith.select %gt3A_1015, %exp3A_1017, %broadcast_in_dim3A_1019 : vector<16xi1>, vector<16xf32>
      %get3A_1024 = arith.index_cast %shift_right_logical3A_996 : i32 to index
      %get3A_1025 = arith.index_cast %and3A_998 : i32 to index
      %get3A_1026 = arith.constant 16 : index
      %get3A_1027 = tpu.vector_load %arg13[%get3A_1024, %get3A_1025, %get3A_1026] {strides = array<i32>} : memref<4x128x128xf32, #tpu.memory_space<vmem>>, vector<16xf32>,
      %get3A_1028 = arith.index_cast %shift_right_logical3A_996 : i32 to index
      %get3A_1029 = arith.index_cast %and3A_998 : i32 to index
      %get3A_1030 = arith.constant 80 : index
      %get3A_1031 = tpu.vector_load %arg13[%get3A_1028, %get3A_1029, %get3A_1030] {strides = array<i32>} : memref<4x128x128xf32, #tpu.memory_space<vmem>>, vector<16xf32>,
      %add3A_1032 = arith.constant 16 : i32
      %add3A_1033 = arith.addi %mul3A_1000, %add3A_1032 : i32
      %get3A_1034 = arith.index_cast %add3A_1033 : i32 to index
      %get3A_1035 = tpu.vector_load %arg15[%get3A_1034] {strides = array<i32>} : memref<35344xi32, #tpu.memory_space<vmem>>, vector<16xi32>,
      %gt3A_1036 = arith.constant 1 : i32
      %gt3A_1037 = vector.broadcast %gt3A_1036 : i32 to vector<16xi32>
      %gt3A_1038 = arith.cmpi sgt, %get3A_1035, %gt3A_1037 : vector<16xi32>
      %exp3A_1039 = math.exp %get3A_1027 : vector<16xf32>
      %exp3A_1040 = math.exp %get3A_1031 : vector<16xf32>
      %broadcast_in_dim3A_1041 = arith.constant 0.000000e+00 : f32
      %broadcast_in_dim3A_1042 = vector.broadcast %broadcast_in_dim3A_1041 : f32 to vector<16xf32>
      %select_n3A_1043 = arith.select %gt3A_1038, %broadcast_in_dim3A_1042, %exp3A_1039 : vector<16xi1>, vector<16xf32>
      %select_n3A_1044 = arith.select %gt3A_1038, %exp3A_1039, %broadcast_in_dim3A_1042 : vector<16xi1>, vector<16xf32>
      %select_n3A_1045 = arith.select %gt3A_1038, %broadcast_in_dim3A_1042, %exp3A_1040 : vector<16xi1>, vector<16xf32>
      %select_n3A_1046 = arith.select %gt3A_1038, %exp3A_1040, %broadcast_in_dim3A_1042 : vector<16xi1>, vector<16xf32>
      %get3A_1047 = arith.index_cast %shift_right_logical3A_996 : i32 to index
      %get3A_1048 = arith.index_cast %and3A_998 : i32 to index
      %get3A_1049 = arith.constant 32 : index
      %get3A_1050 = tpu.vector_load %arg13[%get3A_1047, %get3A_1048, %get3A_1049] {strides = array<i32>} : memref<4x128x128xf32, #tpu.memory_space<vmem>>, vector<16xf32>,
      %get3A_1051 = arith.index_cast %shift_right_logical3A_996 : i32 to index
      %get3A_1052 = arith.index_cast %and3A_998 : i32 to index
      %get3A_1053 = arith.constant 96 : index
      %get3A_1054 = tpu.vector_load %arg13[%get3A_1051, %get3A_1052, %get3A_1053] {strides = array<i32>} : memref<4x128x128xf32, #tpu.memory_space<vmem>>, vector<16xf32>,
      %add3A_1055 = arith.constant 32 : i32
      %add3A_1056 = arith.addi %mul3A_1000, %add3A_1055 : i32
      %get3A_1057 = arith.index_cast %add3A_1056 : i32 to index
      %get3A_1058 = tpu.vector_load %arg15[%get3A_1057] {strides = array<i32>} : memref<35344xi32, #tpu.memory_space<vmem>>, vector<16xi32>,
      %gt3A_1059 = arith.constant 1 : i32
      %gt3A_1060 = vector.broadcast %gt3A_1059 : i32 to vector<16xi32>
      %gt3A_1061 = arith.cmpi sgt, %get3A_1058, %gt3A_1060 : vector<16xi32>
      %exp3A_1062 = math.exp %get3A_1050 : vector<16xf32>
      %exp3A_1063 = math.exp %get3A_1054 : vector<16xf32>
      %broadcast_in_dim3A_1064 = arith.constant 0.000000e+00 : f32
      %broadcast_in_dim3A_1065 = vector.broadcast %broadcast_in_dim3A_1064 : f32 to vector<16xf32>
      %select_n3A_1066 = arith.select %gt3A_1061, %broadcast_in_dim3A_1065, %exp3A_1062 : vector<16xi1>, vector<16xf32>
      %select_n3A_1067 = arith.select %gt3A_1061, %exp3A_1062, %broadcast_in_dim3A_1065 : vector<16xi1>, vector<16xf32>
      %select_n3A_1068 = arith.select %gt3A_1061, %broadcast_in_dim3A_1065, %exp3A_1063 : vector<16xi1>, vector<16xf32>
      %select_n3A_1069 = arith.select %gt3A_1061, %exp3A_1063, %broadcast_in_dim3A_1065 : vector<16xi1>, vector<16xf32>
      %get3A_1070 = arith.index_cast %shift_right_logical3A_996 : i32 to index
      %get3A_1071 = arith.index_cast %and3A_998 : i32 to index
      %get3A_1072 = arith.constant 48 : index
      %get3A_1073 = tpu.vector_load %arg13[%get3A_1070, %get3A_1071, %get3A_1072] {strides = array<i32>} : memref<4x128x128xf32, #tpu.memory_space<vmem>>, vector<16xf32>,
      %get3A_1074 = arith.index_cast %shift_right_logical3A_996 : i32 to index
      %get3A_1075 = arith.index_cast %and3A_998 : i32 to index
      %get3A_1076 = arith.constant 112 : index
      %get3A_1077 = tpu.vector_load %arg13[%get3A_1074, %get3A_1075, %get3A_1076] {strides = array<i32>} : memref<4x128x128xf32, #tpu.memory_space<vmem>>, vector<16xf32>,
      %add3A_1078 = arith.constant 48 : i32
      %add3A_1079 = arith.addi %mul3A_1000, %add3A_1078 : i32
      %get3A_1080 = arith.index_cast %add3A_1079 : i32 to index
      %get3A_1081 = tpu.vector_load %arg15[%get3A_1080] {strides = array<i32>} : memref<35344xi32, #tpu.memory_space<vmem>>, vector<16xi32>,
      %gt3A_1082 = arith.constant 1 : i32
      %gt3A_1083 = vector.broadcast %gt3A_1082 : i32 to vector<16xi32>
      %gt3A_1084 = arith.cmpi sgt, %get3A_1081, %gt3A_1083 : vector<16xi32>
      %exp3A_1085 = math.exp %get3A_1073 : vector<16xf32>
      %exp3A_1086 = math.exp %get3A_1077 : vector<16xf32>
      %broadcast_in_dim3A_1087 = arith.constant 0.000000e+00 : f32
      %broadcast_in_dim3A_1088 = vector.broadcast %broadcast_in_dim3A_1087 : f32 to vector<16xf32>
      %select_n3A_1089 = arith.select %gt3A_1084, %broadcast_in_dim3A_1088, %exp3A_1085 : vector<16xi1>, vector<16xf32>
      %select_n3A_1090 = arith.select %gt3A_1084, %exp3A_1085, %broadcast_in_dim3A_1088 : vector<16xi1>, vector<16xf32>
      %select_n3A_1091 = arith.select %gt3A_1084, %broadcast_in_dim3A_1088, %exp3A_1086 : vector<16xi1>, vector<16xf32>
      %select_n3A_1092 = arith.select %gt3A_1084, %exp3A_1086, %broadcast_in_dim3A_1088 : vector<16xi1>, vector<16xf32>
      %add3A_1093 = arith.addf %select_n3A_1020, %select_n3A_1043 : vector<16xf32>
      %add3A_1094 = arith.addf %select_n3A_1066, %select_n3A_1089 : vector<16xf32>
      %add3A_1095 = arith.addf %add3A_1093, %add3A_1094 : vector<16xf32>
      %swap3A_1096 = arith.constant 119 : index
      %swap3A_1097 = tpu.vector_load %arg20[%swap3A_1096] {strides = array<i32>} : memref<272xf32, #tpu.memory_space<vmem>>, vector<16xf32>,
      tpu.vector_store %arg20[%swap3A_1096], %add3A_1095 {strides = array<i32>} : memref<272xf32, #tpu.memory_space<vmem>>, vector<16xf32>,
      %add3A_1098 = arith.addf %select_n3A_1021, %select_n3A_1044 : vector<16xf32>
      %add3A_1099 = arith.addf %select_n3A_1067, %select_n3A_1090 : vector<16xf32>
      %add3A_1100 = arith.addf %add3A_1098, %add3A_1099 : vector<16xf32>
      %swap3A_1101 = arith.constant 119 : index
      %swap3A_1102 = tpu.vector_load %arg21[%swap3A_1101] {strides = array<i32>} : memref<272xf32, #tpu.memory_space<vmem>>, vector<16xf32>,
      tpu.vector_store %arg21[%swap3A_1101], %add3A_1100 {strides = array<i32>} : memref<272xf32, #tpu.memory_space<vmem>>, vector<16xf32>,
      %add3A_1103 = arith.addf %select_n3A_1022, %select_n3A_1045 : vector<16xf32>
      %add3A_1104 = arith.addf %select_n3A_1068, %select_n3A_1091 : vector<16xf32>
      %add3A_1105 = arith.addf %add3A_1103, %add3A_1104 : vector<16xf32>
      %swap3A_1106 = arith.constant 119 : index
      %swap3A_1107 = tpu.vector_load %arg22[%swap3A_1106] {strides = array<i32>} : memref<272xf32, #tpu.memory_space<vmem>>, vector<16xf32>,
      tpu.vector_store %arg22[%swap3A_1106], %add3A_1105 {strides = array<i32>} : memref<272xf32, #tpu.memory_space<vmem>>, vector<16xf32>,
      %add3A_1108 = arith.addf %select_n3A_1023, %select_n3A_1046 : vector<16xf32>
      %add3A_1109 = arith.addf %select_n3A_1069, %select_n3A_1092 : vector<16xf32>
      %add3A_1110 = arith.addf %add3A_1108, %add3A_1109 : vector<16xf32>
      %swap3A_1111 = arith.constant 119 : index
      %swap3A_1112 = tpu.vector_load %arg23[%swap3A_1111] {strides = array<i32>} : memref<272xf32, #tpu.memory_space<vmem>>, vector<16xf32>,
      tpu.vector_store %arg23[%swap3A_1111], %add3A_1110 {strides = array<i32>} : memref<272xf32, #tpu.memory_space<vmem>>, vector<16xf32>,
      %mul3A_1113 = arith.constant 16 : i32
      %mul3A_1114 = arith.muli %scan3A_124, %mul3A_1113 : i32
      %add3A_1115 = arith.constant 8 : i32
      %add3A_1116 = arith.addi %mul3A_1114, %add3A_1115 : i32
      %shift_right_logical3A_1117 = arith.constant 7 : i32
      %shift_right_logical3A_1118 = arith.shrui %add3A_1116, %shift_right_logical3A_1117 : i32
      %and3A_1119 = arith.constant 127 : i32
      %and3A_1120 = arith.andi %add3A_1116, %and3A_1119 : i32
      %mul3A_1121 = arith.constant 69 : i32
      %mul3A_1122 = arith.muli %add3A_1116, %mul3A_1121 : i32
      %get3A_1123 = arith.index_cast %shift_right_logical3A_1118 : i32 to index
      %get3A_1124 = arith.index_cast %and3A_1120 : i32 to index
      %get3A_1125 = arith.constant 0 : index
      %get3A_1126 = tpu.vector_load %arg13[%get3A_1123, %get3A_1124, %get3A_1125] {strides = array<i32>} : memref<4x128x128xf32, #tpu.memory_space<vmem>>, vector<16xf32>,
      %get3A_1127 = arith.index_cast %shift_right_logical3A_1118 : i32 to index
      %get3A_1128 = arith.index_cast %and3A_1120 : i32 to index
      %get3A_1129 = arith.constant 64 : index
      %get3A_1130 = tpu.vector_load %arg13[%get3A_1127, %get3A_1128, %get3A_1129] {strides = array<i32>} : memref<4x128x128xf32, #tpu.memory_space<vmem>>, vector<16xf32>,
      %add3A_1131 = arith.constant 0 : i32
      %add3A_1132 = arith.addi %mul3A_1122, %add3A_1131 : i32
      %get3A_1133 = arith.index_cast %add3A_1132 : i32 to index
      %get3A_1134 = tpu.vector_load %arg15[%get3A_1133] {strides = array<i32>} : memref<35344xi32, #tpu.memory_space<vmem>>, vector<16xi32>,
      %gt3A_1135 = arith.constant 1 : i32
      %gt3A_1136 = vector.broadcast %gt3A_1135 : i32 to vector<16xi32>
      %gt3A_1137 = arith.cmpi sgt, %get3A_1134, %gt3A_1136 : vector<16xi32>
      %exp3A_1138 = math.exp %get3A_1126 : vector<16xf32>
      %exp3A_1139 = math.exp %get3A_1130 : vector<16xf32>
      %broadcast_in_dim3A_1140 = arith.constant 0.000000e+00 : f32
      %broadcast_in_dim3A_1141 = vector.broadcast %broadcast_in_dim3A_1140 : f32 to vector<16xf32>
      %select_n3A_1142 = arith.select %gt3A_1137, %broadcast_in_dim3A_1141, %exp3A_1138 : vector<16xi1>, vector<16xf32>
      %select_n3A_1143 = arith.select %gt3A_1137, %exp3A_1138, %broadcast_in_dim3A_1141 : vector<16xi1>, vector<16xf32>
      %select_n3A_1144 = arith.select %gt3A_1137, %broadcast_in_dim3A_1141, %exp3A_1139 : vector<16xi1>, vector<16xf32>
      %select_n3A_1145 = arith.select %gt3A_1137, %exp3A_1139, %broadcast_in_dim3A_1141 : vector<16xi1>, vector<16xf32>
      %get3A_1146 = arith.index_cast %shift_right_logical3A_1118 : i32 to index
      %get3A_1147 = arith.index_cast %and3A_1120 : i32 to index
      %get3A_1148 = arith.constant 16 : index
      %get3A_1149 = tpu.vector_load %arg13[%get3A_1146, %get3A_1147, %get3A_1148] {strides = array<i32>} : memref<4x128x128xf32, #tpu.memory_space<vmem>>, vector<16xf32>,
      %get3A_1150 = arith.index_cast %shift_right_logical3A_1118 : i32 to index
      %get3A_1151 = arith.index_cast %and3A_1120 : i32 to index
      %get3A_1152 = arith.constant 80 : index
      %get3A_1153 = tpu.vector_load %arg13[%get3A_1150, %get3A_1151, %get3A_1152] {strides = array<i32>} : memref<4x128x128xf32, #tpu.memory_space<vmem>>, vector<16xf32>,
      %add3A_1154 = arith.constant 16 : i32
      %add3A_1155 = arith.addi %mul3A_1122, %add3A_1154 : i32
      %get3A_1156 = arith.index_cast %add3A_1155 : i32 to index
      %get3A_1157 = tpu.vector_load %arg15[%get3A_1156] {strides = array<i32>} : memref<35344xi32, #tpu.memory_space<vmem>>, vector<16xi32>,
      %gt3A_1158 = arith.constant 1 : i32
      %gt3A_1159 = vector.broadcast %gt3A_1158 : i32 to vector<16xi32>
      %gt3A_1160 = arith.cmpi sgt, %get3A_1157, %gt3A_1159 : vector<16xi32>
      %exp3A_1161 = math.exp %get3A_1149 : vector<16xf32>
      %exp3A_1162 = math.exp %get3A_1153 : vector<16xf32>
      %broadcast_in_dim3A_1163 = arith.constant 0.000000e+00 : f32
      %broadcast_in_dim3A_1164 = vector.broadcast %broadcast_in_dim3A_1163 : f32 to vector<16xf32>
      %select_n3A_1165 = arith.select %gt3A_1160, %broadcast_in_dim3A_1164, %exp3A_1161 : vector<16xi1>, vector<16xf32>
      %select_n3A_1166 = arith.select %gt3A_1160, %exp3A_1161, %broadcast_in_dim3A_1164 : vector<16xi1>, vector<16xf32>
      %select_n3A_1167 = arith.select %gt3A_1160, %broadcast_in_dim3A_1164, %exp3A_1162 : vector<16xi1>, vector<16xf32>
      %select_n3A_1168 = arith.select %gt3A_1160, %exp3A_1162, %broadcast_in_dim3A_1164 : vector<16xi1>, vector<16xf32>
      %get3A_1169 = arith.index_cast %shift_right_logical3A_1118 : i32 to index
      %get3A_1170 = arith.index_cast %and3A_1120 : i32 to index
      %get3A_1171 = arith.constant 32 : index
      %get3A_1172 = tpu.vector_load %arg13[%get3A_1169, %get3A_1170, %get3A_1171] {strides = array<i32>} : memref<4x128x128xf32, #tpu.memory_space<vmem>>, vector<16xf32>,
      %get3A_1173 = arith.index_cast %shift_right_logical3A_1118 : i32 to index
      %get3A_1174 = arith.index_cast %and3A_1120 : i32 to index
      %get3A_1175 = arith.constant 96 : index
      %get3A_1176 = tpu.vector_load %arg13[%get3A_1173, %get3A_1174, %get3A_1175] {strides = array<i32>} : memref<4x128x128xf32, #tpu.memory_space<vmem>>, vector<16xf32>,
      %add3A_1177 = arith.constant 32 : i32
      %add3A_1178 = arith.addi %mul3A_1122, %add3A_1177 : i32
      %get3A_1179 = arith.index_cast %add3A_1178 : i32 to index
      %get3A_1180 = tpu.vector_load %arg15[%get3A_1179] {strides = array<i32>} : memref<35344xi32, #tpu.memory_space<vmem>>, vector<16xi32>,
      %gt3A_1181 = arith.constant 1 : i32
      %gt3A_1182 = vector.broadcast %gt3A_1181 : i32 to vector<16xi32>
      %gt3A_1183 = arith.cmpi sgt, %get3A_1180, %gt3A_1182 : vector<16xi32>
      %exp3A_1184 = math.exp %get3A_1172 : vector<16xf32>
      %exp3A_1185 = math.exp %get3A_1176 : vector<16xf32>
      %broadcast_in_dim3A_1186 = arith.constant 0.000000e+00 : f32
      %broadcast_in_dim3A_1187 = vector.broadcast %broadcast_in_dim3A_1186 : f32 to vector<16xf32>
      %select_n3A_1188 = arith.select %gt3A_1183, %broadcast_in_dim3A_1187, %exp3A_1184 : vector<16xi1>, vector<16xf32>
      %select_n3A_1189 = arith.select %gt3A_1183, %exp3A_1184, %broadcast_in_dim3A_1187 : vector<16xi1>, vector<16xf32>
      %select_n3A_1190 = arith.select %gt3A_1183, %broadcast_in_dim3A_1187, %exp3A_1185 : vector<16xi1>, vector<16xf32>
      %select_n3A_1191 = arith.select %gt3A_1183, %exp3A_1185, %broadcast_in_dim3A_1187 : vector<16xi1>, vector<16xf32>
      %get3A_1192 = arith.index_cast %shift_right_logical3A_1118 : i32 to index
      %get3A_1193 = arith.index_cast %and3A_1120 : i32 to index
      %get3A_1194 = arith.constant 48 : index
      %get3A_1195 = tpu.vector_load %arg13[%get3A_1192, %get3A_1193, %get3A_1194] {strides = array<i32>} : memref<4x128x128xf32, #tpu.memory_space<vmem>>, vector<16xf32>,
      %get3A_1196 = arith.index_cast %shift_right_logical3A_1118 : i32 to index
      %get3A_1197 = arith.index_cast %and3A_1120 : i32 to index
      %get3A_1198 = arith.constant 112 : index
      %get3A_1199 = tpu.vector_load %arg13[%get3A_1196, %get3A_1197, %get3A_1198] {strides = array<i32>} : memref<4x128x128xf32, #tpu.memory_space<vmem>>, vector<16xf32>,
      %add3A_1200 = arith.constant 48 : i32
      %add3A_1201 = arith.addi %mul3A_1122, %add3A_1200 : i32
      %get3A_1202 = arith.index_cast %add3A_1201 : i32 to index
      %get3A_1203 = tpu.vector_load %arg15[%get3A_1202] {strides = array<i32>} : memref<35344xi32, #tpu.memory_space<vmem>>, vector<16xi32>,
      %gt3A_1204 = arith.constant 1 : i32
      %gt3A_1205 = vector.broadcast %gt3A_1204 : i32 to vector<16xi32>
      %gt3A_1206 = arith.cmpi sgt, %get3A_1203, %gt3A_1205 : vector<16xi32>
      %exp3A_1207 = math.exp %get3A_1195 : vector<16xf32>
      %exp3A_1208 = math.exp %get3A_1199 : vector<16xf32>
      %broadcast_in_dim3A_1209 = arith.constant 0.000000e+00 : f32
      %broadcast_in_dim3A_1210 = vector.broadcast %broadcast_in_dim3A_1209 : f32 to vector<16xf32>
      %select_n3A_1211 = arith.select %gt3A_1206, %broadcast_in_dim3A_1210, %exp3A_1207 : vector<16xi1>, vector<16xf32>
      %select_n3A_1212 = arith.select %gt3A_1206, %exp3A_1207, %broadcast_in_dim3A_1210 : vector<16xi1>, vector<16xf32>
      %select_n3A_1213 = arith.select %gt3A_1206, %broadcast_in_dim3A_1210, %exp3A_1208 : vector<16xi1>, vector<16xf32>
      %select_n3A_1214 = arith.select %gt3A_1206, %exp3A_1208, %broadcast_in_dim3A_1210 : vector<16xi1>, vector<16xf32>
      %add3A_1215 = arith.addf %select_n3A_1142, %select_n3A_1165 : vector<16xf32>
      %add3A_1216 = arith.addf %select_n3A_1188, %select_n3A_1211 : vector<16xf32>
      %add3A_1217 = arith.addf %add3A_1215, %add3A_1216 : vector<16xf32>
      %swap3A_1218 = arith.constant 136 : index
      %swap3A_1219 = tpu.vector_load %arg20[%swap3A_1218] {strides = array<i32>} : memref<272xf32, #tpu.memory_space<vmem>>, vector<16xf32>,
      tpu.vector_store %arg20[%swap3A_1218], %add3A_1217 {strides = array<i32>} : memref<272xf32, #tpu.memory_space<vmem>>, vector<16xf32>,
      %add3A_1220 = arith.addf %select_n3A_1143, %select_n3A_1166 : vector<16xf32>
      %add3A_1221 = arith.addf %select_n3A_1189, %select_n3A_1212 : vector<16xf32>
      %add3A_1222 = arith.addf %add3A_1220, %add3A_1221 : vector<16xf32>
      %swap3A_1223 = arith.constant 136 : index
      %swap3A_1224 = tpu.vector_load %arg21[%swap3A_1223] {strides = array<i32>} : memref<272xf32, #tpu.memory_space<vmem>>, vector<16xf32>,
      tpu.vector_store %arg21[%swap3A_1223], %add3A_1222 {strides = array<i32>} : memref<272xf32, #tpu.memory_space<vmem>>, vector<16xf32>,
      %add3A_1225 = arith.addf %select_n3A_1144, %select_n3A_1167 : vector<16xf32>
      %add3A_1226 = arith.addf %select_n3A_1190, %select_n3A_1213 : vector<16xf32>
      %add3A_1227 = arith.addf %add3A_1225, %add3A_1226 : vector<16xf32>
      %swap3A_1228 = arith.constant 136 : index
      %swap3A_1229 = tpu.vector_load %arg22[%swap3A_1228] {strides = array<i32>} : memref<272xf32, #tpu.memory_space<vmem>>, vector<16xf32>,
      tpu.vector_store %arg22[%swap3A_1228], %add3A_1227 {strides = array<i32>} : memref<272xf32, #tpu.memory_space<vmem>>, vector<16xf32>,
      %add3A_1230 = arith.addf %select_n3A_1145, %select_n3A_1168 : vector<16xf32>
      %add3A_1231 = arith.addf %select_n3A_1191, %select_n3A_1214 : vector<16xf32>
      %add3A_1232 = arith.addf %add3A_1230, %add3A_1231 : vector<16xf32>
      %swap3A_1233 = arith.constant 136 : index
      %swap3A_1234 = tpu.vector_load %arg23[%swap3A_1233] {strides = array<i32>} : memref<272xf32, #tpu.memory_space<vmem>>, vector<16xf32>,
      tpu.vector_store %arg23[%swap3A_1233], %add3A_1232 {strides = array<i32>} : memref<272xf32, #tpu.memory_space<vmem>>, vector<16xf32>,
      %mul3A_1235 = arith.constant 16 : i32
      %mul3A_1236 = arith.muli %scan3A_124, %mul3A_1235 : i32
      %add3A_1237 = arith.constant 9 : i32
      %add3A_1238 = arith.addi %mul3A_1236, %add3A_1237 : i32
      %shift_right_logical3A_1239 = arith.constant 7 : i32
      %shift_right_logical3A_1240 = arith.shrui %add3A_1238, %shift_right_logical3A_1239 : i32
      %and3A_1241 = arith.constant 127 : i32
      %and3A_1242 = arith.andi %add3A_1238, %and3A_1241 : i32
      %mul3A_1243 = arith.constant 69 : i32
      %mul3A_1244 = arith.muli %add3A_1238, %mul3A_1243 : i32
      %get3A_1245 = arith.index_cast %shift_right_logical3A_1240 : i32 to index
      %get3A_1246 = arith.index_cast %and3A_1242 : i32 to index
      %get3A_1247 = arith.constant 0 : index
      %get3A_1248 = tpu.vector_load %arg13[%get3A_1245, %get3A_1246, %get3A_1247] {strides = array<i32>} : memref<4x128x128xf32, #tpu.memory_space<vmem>>, vector<16xf32>,
      %get3A_1249 = arith.index_cast %shift_right_logical3A_1240 : i32 to index
      %get3A_1250 = arith.index_cast %and3A_1242 : i32 to index
      %get3A_1251 = arith.constant 64 : index
      %get3A_1252 = tpu.vector_load %arg13[%get3A_1249, %get3A_1250, %get3A_1251] {strides = array<i32>} : memref<4x128x128xf32, #tpu.memory_space<vmem>>, vector<16xf32>,
      %add3A_1253 = arith.constant 0 : i32
      %add3A_1254 = arith.addi %mul3A_1244, %add3A_1253 : i32
      %get3A_1255 = arith.index_cast %add3A_1254 : i32 to index
      %get3A_1256 = tpu.vector_load %arg15[%get3A_1255] {strides = array<i32>} : memref<35344xi32, #tpu.memory_space<vmem>>, vector<16xi32>,
      %gt3A_1257 = arith.constant 1 : i32
      %gt3A_1258 = vector.broadcast %gt3A_1257 : i32 to vector<16xi32>
      %gt3A_1259 = arith.cmpi sgt, %get3A_1256, %gt3A_1258 : vector<16xi32>
      %exp3A_1260 = math.exp %get3A_1248 : vector<16xf32>
      %exp3A_1261 = math.exp %get3A_1252 : vector<16xf32>
      %broadcast_in_dim3A_1262 = arith.constant 0.000000e+00 : f32
      %broadcast_in_dim3A_1263 = vector.broadcast %broadcast_in_dim3A_1262 : f32 to vector<16xf32>
      %select_n3A_1264 = arith.select %gt3A_1259, %broadcast_in_dim3A_1263, %exp3A_1260 : vector<16xi1>, vector<16xf32>
      %select_n3A_1265 = arith.select %gt3A_1259, %exp3A_1260, %broadcast_in_dim3A_1263 : vector<16xi1>, vector<16xf32>
      %select_n3A_1266 = arith.select %gt3A_1259, %broadcast_in_dim3A_1263, %exp3A_1261 : vector<16xi1>, vector<16xf32>
      %select_n3A_1267 = arith.select %gt3A_1259, %exp3A_1261, %broadcast_in_dim3A_1263 : vector<16xi1>, vector<16xf32>
      %get3A_1268 = arith.index_cast %shift_right_logical3A_1240 : i32 to index
      %get3A_1269 = arith.index_cast %and3A_1242 : i32 to index
      %get3A_1270 = arith.constant 16 : index
      %get3A_1271 = tpu.vector_load %arg13[%get3A_1268, %get3A_1269, %get3A_1270] {strides = array<i32>} : memref<4x128x128xf32, #tpu.memory_space<vmem>>, vector<16xf32>,
      %get3A_1272 = arith.index_cast %shift_right_logical3A_1240 : i32 to index
      %get3A_1273 = arith.index_cast %and3A_1242 : i32 to index
      %get3A_1274 = arith.constant 80 : index
      %get3A_1275 = tpu.vector_load %arg13[%get3A_1272, %get3A_1273, %get3A_1274] {strides = array<i32>} : memref<4x128x128xf32, #tpu.memory_space<vmem>>, vector<16xf32>,
      %add3A_1276 = arith.constant 16 : i32
      %add3A_1277 = arith.addi %mul3A_1244, %add3A_1276 : i32
      %get3A_1278 = arith.index_cast %add3A_1277 : i32 to index
      %get3A_1279 = tpu.vector_load %arg15[%get3A_1278] {strides = array<i32>} : memref<35344xi32, #tpu.memory_space<vmem>>, vector<16xi32>,
      %gt3A_1280 = arith.constant 1 : i32
      %gt3A_1281 = vector.broadcast %gt3A_1280 : i32 to vector<16xi32>
      %gt3A_1282 = arith.cmpi sgt, %get3A_1279, %gt3A_1281 : vector<16xi32>
      %exp3A_1283 = math.exp %get3A_1271 : vector<16xf32>
      %exp3A_1284 = math.exp %get3A_1275 : vector<16xf32>
      %broadcast_in_dim3A_1285 = arith.constant 0.000000e+00 : f32
      %broadcast_in_dim3A_1286 = vector.broadcast %broadcast_in_dim3A_1285 : f32 to vector<16xf32>
      %select_n3A_1287 = arith.select %gt3A_1282, %broadcast_in_dim3A_1286, %exp3A_1283 : vector<16xi1>, vector<16xf32>
      %select_n3A_1288 = arith.select %gt3A_1282, %exp3A_1283, %broadcast_in_dim3A_1286 : vector<16xi1>, vector<16xf32>
      %select_n3A_1289 = arith.select %gt3A_1282, %broadcast_in_dim3A_1286, %exp3A_1284 : vector<16xi1>, vector<16xf32>
      %select_n3A_1290 = arith.select %gt3A_1282, %exp3A_1284, %broadcast_in_dim3A_1286 : vector<16xi1>, vector<16xf32>
      %get3A_1291 = arith.index_cast %shift_right_logical3A_1240 : i32 to index
      %get3A_1292 = arith.index_cast %and3A_1242 : i32 to index
      %get3A_1293 = arith.constant 32 : index
      %get3A_1294 = tpu.vector_load %arg13[%get3A_1291, %get3A_1292, %get3A_1293] {strides = array<i32>} : memref<4x128x128xf32, #tpu.memory_space<vmem>>, vector<16xf32>,
      %get3A_1295 = arith.index_cast %shift_right_logical3A_1240 : i32 to index
      %get3A_1296 = arith.index_cast %and3A_1242 : i32 to index
      %get3A_1297 = arith.constant 96 : index
      %get3A_1298 = tpu.vector_load %arg13[%get3A_1295, %get3A_1296, %get3A_1297] {strides = array<i32>} : memref<4x128x128xf32, #tpu.memory_space<vmem>>, vector<16xf32>,
      %add3A_1299 = arith.constant 32 : i32
      %add3A_1300 = arith.addi %mul3A_1244, %add3A_1299 : i32
      %get3A_1301 = arith.index_cast %add3A_1300 : i32 to index
      %get3A_1302 = tpu.vector_load %arg15[%get3A_1301] {strides = array<i32>} : memref<35344xi32, #tpu.memory_space<vmem>>, vector<16xi32>,
      %gt3A_1303 = arith.constant 1 : i32
      %gt3A_1304 = vector.broadcast %gt3A_1303 : i32 to vector<16xi32>
      %gt3A_1305 = arith.cmpi sgt, %get3A_1302, %gt3A_1304 : vector<16xi32>
      %exp3A_1306 = math.exp %get3A_1294 : vector<16xf32>
      %exp3A_1307 = math.exp %get3A_1298 : vector<16xf32>
      %broadcast_in_dim3A_1308 = arith.constant 0.000000e+00 : f32
      %broadcast_in_dim3A_1309 = vector.broadcast %broadcast_in_dim3A_1308 : f32 to vector<16xf32>
      %select_n3A_1310 = arith.select %gt3A_1305, %broadcast_in_dim3A_1309, %exp3A_1306 : vector<16xi1>, vector<16xf32>
      %select_n3A_1311 = arith.select %gt3A_1305, %exp3A_1306, %broadcast_in_dim3A_1309 : vector<16xi1>, vector<16xf32>
      %select_n3A_1312 = arith.select %gt3A_1305, %broadcast_in_dim3A_1309, %exp3A_1307 : vector<16xi1>, vector<16xf32>
      %select_n3A_1313 = arith.select %gt3A_1305, %exp3A_1307, %broadcast_in_dim3A_1309 : vector<16xi1>, vector<16xf32>
      %get3A_1314 = arith.index_cast %shift_right_logical3A_1240 : i32 to index
      %get3A_1315 = arith.index_cast %and3A_1242 : i32 to index
      %get3A_1316 = arith.constant 48 : index
      %get3A_1317 = tpu.vector_load %arg13[%get3A_1314, %get3A_1315, %get3A_1316] {strides = array<i32>} : memref<4x128x128xf32, #tpu.memory_space<vmem>>, vector<16xf32>,
      %get3A_1318 = arith.index_cast %shift_right_logical3A_1240 : i32 to index
      %get3A_1319 = arith.index_cast %and3A_1242 : i32 to index
      %get3A_1320 = arith.constant 112 : index
      %get3A_1321 = tpu.vector_load %arg13[%get3A_1318, %get3A_1319, %get3A_1320] {strides = array<i32>} : memref<4x128x128xf32, #tpu.memory_space<vmem>>, vector<16xf32>,
      %add3A_1322 = arith.constant 48 : i32
      %add3A_1323 = arith.addi %mul3A_1244, %add3A_1322 : i32
      %get3A_1324 = arith.index_cast %add3A_1323 : i32 to index
      %get3A_1325 = tpu.vector_load %arg15[%get3A_1324] {strides = array<i32>} : memref<35344xi32, #tpu.memory_space<vmem>>, vector<16xi32>,
      %gt3A_1326 = arith.constant 1 : i32
      %gt3A_1327 = vector.broadcast %gt3A_1326 : i32 to vector<16xi32>
      %gt3A_1328 = arith.cmpi sgt, %get3A_1325, %gt3A_1327 : vector<16xi32>
      %exp3A_1329 = math.exp %get3A_1317 : vector<16xf32>
      %exp3A_1330 = math.exp %get3A_1321 : vector<16xf32>
      %broadcast_in_dim3A_1331 = arith.constant 0.000000e+00 : f32
      %broadcast_in_dim3A_1332 = vector.broadcast %broadcast_in_dim3A_1331 : f32 to vector<16xf32>
      %select_n3A_1333 = arith.select %gt3A_1328, %broadcast_in_dim3A_1332, %exp3A_1329 : vector<16xi1>, vector<16xf32>
      %select_n3A_1334 = arith.select %gt3A_1328, %exp3A_1329, %broadcast_in_dim3A_1332 : vector<16xi1>, vector<16xf32>
      %select_n3A_1335 = arith.select %gt3A_1328, %broadcast_in_dim3A_1332, %exp3A_1330 : vector<16xi1>, vector<16xf32>
      %select_n3A_1336 = arith.select %gt3A_1328, %exp3A_1330, %broadcast_in_dim3A_1332 : vector<16xi1>, vector<16xf32>
      %add3A_1337 = arith.addf %select_n3A_1264, %select_n3A_1287 : vector<16xf32>
      %add3A_1338 = arith.addf %select_n3A_1310, %select_n3A_1333 : vector<16xf32>
      %add3A_1339 = arith.addf %add3A_1337, %add3A_1338 : vector<16xf32>
      %swap3A_1340 = arith.constant 153 : index
      %swap3A_1341 = tpu.vector_load %arg20[%swap3A_1340] {strides = array<i32>} : memref<272xf32, #tpu.memory_space<vmem>>, vector<16xf32>,
      tpu.vector_store %arg20[%swap3A_1340], %add3A_1339 {strides = array<i32>} : memref<272xf32, #tpu.memory_space<vmem>>, vector<16xf32>,
      %add3A_1342 = arith.addf %select_n3A_1265, %select_n3A_1288 : vector<16xf32>
      %add3A_1343 = arith.addf %select_n3A_1311, %select_n3A_1334 : vector<16xf32>
      %add3A_1344 = arith.addf %add3A_1342, %add3A_1343 : vector<16xf32>
      %swap3A_1345 = arith.constant 153 : index
      %swap3A_1346 = tpu.vector_load %arg21[%swap3A_1345] {strides = array<i32>} : memref<272xf32, #tpu.memory_space<vmem>>, vector<16xf32>,
      tpu.vector_store %arg21[%swap3A_1345], %add3A_1344 {strides = array<i32>} : memref<272xf32, #tpu.memory_space<vmem>>, vector<16xf32>,
      %add3A_1347 = arith.addf %select_n3A_1266, %select_n3A_1289 : vector<16xf32>
      %add3A_1348 = arith.addf %select_n3A_1312, %select_n3A_1335 : vector<16xf32>
      %add3A_1349 = arith.addf %add3A_1347, %add3A_1348 : vector<16xf32>
      %swap3A_1350 = arith.constant 153 : index
      %swap3A_1351 = tpu.vector_load %arg22[%swap3A_1350] {strides = array<i32>} : memref<272xf32, #tpu.memory_space<vmem>>, vector<16xf32>,
      tpu.vector_store %arg22[%swap3A_1350], %add3A_1349 {strides = array<i32>} : memref<272xf32, #tpu.memory_space<vmem>>, vector<16xf32>,
      %add3A_1352 = arith.addf %select_n3A_1267, %select_n3A_1290 : vector<16xf32>
      %add3A_1353 = arith.addf %select_n3A_1313, %select_n3A_1336 : vector<16xf32>
      %add3A_1354 = arith.addf %add3A_1352, %add3A_1353 : vector<16xf32>
      %swap3A_1355 = arith.constant 153 : index
      %swap3A_1356 = tpu.vector_load %arg23[%swap3A_1355] {strides = array<i32>} : memref<272xf32, #tpu.memory_space<vmem>>, vector<16xf32>,
      tpu.vector_store %arg23[%swap3A_1355], %add3A_1354 {strides = array<i32>} : memref<272xf32, #tpu.memory_space<vmem>>, vector<16xf32>,
      %mul3A_1357 = arith.constant 16 : i32
      %mul3A_1358 = arith.muli %scan3A_124, %mul3A_1357 : i32
      %add3A_1359 = arith.constant 10 : i32
      %add3A_1360 = arith.addi %mul3A_1358, %add3A_1359 : i32
      %shift_right_logical3A_1361 = arith.constant 7 : i32
      %shift_right_logical3A_1362 = arith.shrui %add3A_1360, %shift_right_logical3A_1361 : i32
      %and3A_1363 = arith.constant 127 : i32
      %and3A_1364 = arith.andi %add3A_1360, %and3A_1363 : i32
      %mul3A_1365 = arith.constant 69 : i32
      %mul3A_1366 = arith.muli %add3A_1360, %mul3A_1365 : i32
      %get3A_1367 = arith.index_cast %shift_right_logical3A_1362 : i32 to index
      %get3A_1368 = arith.index_cast %and3A_1364 : i32 to index
      %get3A_1369 = arith.constant 0 : index
      %get3A_1370 = tpu.vector_load %arg13[%get3A_1367, %get3A_1368, %get3A_1369] {strides = array<i32>} : memref<4x128x128xf32, #tpu.memory_space<vmem>>, vector<16xf32>,
      %get3A_1371 = arith.index_cast %shift_right_logical3A_1362 : i32 to index
      %get3A_1372 = arith.index_cast %and3A_1364 : i32 to index
      %get3A_1373 = arith.constant 64 : index
      %get3A_1374 = tpu.vector_load %arg13[%get3A_1371, %get3A_1372, %get3A_1373] {strides = array<i32>} : memref<4x128x128xf32, #tpu.memory_space<vmem>>, vector<16xf32>,
      %add3A_1375 = arith.constant 0 : i32
      %add3A_1376 = arith.addi %mul3A_1366, %add3A_1375 : i32
      %get3A_1377 = arith.index_cast %add3A_1376 : i32 to index
      %get3A_1378 = tpu.vector_load %arg15[%get3A_1377] {strides = array<i32>} : memref<35344xi32, #tpu.memory_space<vmem>>, vector<16xi32>,
      %gt3A_1379 = arith.constant 1 : i32
      %gt3A_1380 = vector.broadcast %gt3A_1379 : i32 to vector<16xi32>
      %gt3A_1381 = arith.cmpi sgt, %get3A_1378, %gt3A_1380 : vector<16xi32>
      %exp3A_1382 = math.exp %get3A_1370 : vector<16xf32>
      %exp3A_1383 = math.exp %get3A_1374 : vector<16xf32>
      %broadcast_in_dim3A_1384 = arith.constant 0.000000e+00 : f32
      %broadcast_in_dim3A_1385 = vector.broadcast %broadcast_in_dim3A_1384 : f32 to vector<16xf32>
      %select_n3A_1386 = arith.select %gt3A_1381, %broadcast_in_dim3A_1385, %exp3A_1382 : vector<16xi1>, vector<16xf32>
      %select_n3A_1387 = arith.select %gt3A_1381, %exp3A_1382, %broadcast_in_dim3A_1385 : vector<16xi1>, vector<16xf32>
      %select_n3A_1388 = arith.select %gt3A_1381, %broadcast_in_dim3A_1385, %exp3A_1383 : vector<16xi1>, vector<16xf32>
      %select_n3A_1389 = arith.select %gt3A_1381, %exp3A_1383, %broadcast_in_dim3A_1385 : vector<16xi1>, vector<16xf32>
      %get3A_1390 = arith.index_cast %shift_right_logical3A_1362 : i32 to index
      %get3A_1391 = arith.index_cast %and3A_1364 : i32 to index
      %get3A_1392 = arith.constant 16 : index
      %get3A_1393 = tpu.vector_load %arg13[%get3A_1390, %get3A_1391, %get3A_1392] {strides = array<i32>} : memref<4x128x128xf32, #tpu.memory_space<vmem>>, vector<16xf32>,
      %get3A_1394 = arith.index_cast %shift_right_logical3A_1362 : i32 to index
      %get3A_1395 = arith.index_cast %and3A_1364 : i32 to index
      %get3A_1396 = arith.constant 80 : index
      %get3A_1397 = tpu.vector_load %arg13[%get3A_1394, %get3A_1395, %get3A_1396] {strides = array<i32>} : memref<4x128x128xf32, #tpu.memory_space<vmem>>, vector<16xf32>,
      %add3A_1398 = arith.constant 16 : i32
      %add3A_1399 = arith.addi %mul3A_1366, %add3A_1398 : i32
      %get3A_1400 = arith.index_cast %add3A_1399 : i32 to index
      %get3A_1401 = tpu.vector_load %arg15[%get3A_1400] {strides = array<i32>} : memref<35344xi32, #tpu.memory_space<vmem>>, vector<16xi32>,
      %gt3A_1402 = arith.constant 1 : i32
      %gt3A_1403 = vector.broadcast %gt3A_1402 : i32 to vector<16xi32>
      %gt3A_1404 = arith.cmpi sgt, %get3A_1401, %gt3A_1403 : vector<16xi32>
      %exp3A_1405 = math.exp %get3A_1393 : vector<16xf32>
      %exp3A_1406 = math.exp %get3A_1397 : vector<16xf32>
      %broadcast_in_dim3A_1407 = arith.constant 0.000000e+00 : f32
      %broadcast_in_dim3A_1408 = vector.broadcast %broadcast_in_dim3A_1407 : f32 to vector<16xf32>
      %select_n3A_1409 = arith.select %gt3A_1404, %broadcast_in_dim3A_1408, %exp3A_1405 : vector<16xi1>, vector<16xf32>
      %select_n3A_1410 = arith.select %gt3A_1404, %exp3A_1405, %broadcast_in_dim3A_1408 : vector<16xi1>, vector<16xf32>
      %select_n3A_1411 = arith.select %gt3A_1404, %broadcast_in_dim3A_1408, %exp3A_1406 : vector<16xi1>, vector<16xf32>
      %select_n3A_1412 = arith.select %gt3A_1404, %exp3A_1406, %broadcast_in_dim3A_1408 : vector<16xi1>, vector<16xf32>
      %get3A_1413 = arith.index_cast %shift_right_logical3A_1362 : i32 to index
      %get3A_1414 = arith.index_cast %and3A_1364 : i32 to index
      %get3A_1415 = arith.constant 32 : index
      %get3A_1416 = tpu.vector_load %arg13[%get3A_1413, %get3A_1414, %get3A_1415] {strides = array<i32>} : memref<4x128x128xf32, #tpu.memory_space<vmem>>, vector<16xf32>,
      %get3A_1417 = arith.index_cast %shift_right_logical3A_1362 : i32 to index
      %get3A_1418 = arith.index_cast %and3A_1364 : i32 to index
      %get3A_1419 = arith.constant 96 : index
      %get3A_1420 = tpu.vector_load %arg13[%get3A_1417, %get3A_1418, %get3A_1419] {strides = array<i32>} : memref<4x128x128xf32, #tpu.memory_space<vmem>>, vector<16xf32>,
      %add3A_1421 = arith.constant 32 : i32
      %add3A_1422 = arith.addi %mul3A_1366, %add3A_1421 : i32
      %get3A_1423 = arith.index_cast %add3A_1422 : i32 to index
      %get3A_1424 = tpu.vector_load %arg15[%get3A_1423] {strides = array<i32>} : memref<35344xi32, #tpu.memory_space<vmem>>, vector<16xi32>,
      %gt3A_1425 = arith.constant 1 : i32
      %gt3A_1426 = vector.broadcast %gt3A_1425 : i32 to vector<16xi32>
      %gt3A_1427 = arith.cmpi sgt, %get3A_1424, %gt3A_1426 : vector<16xi32>
      %exp3A_1428 = math.exp %get3A_1416 : vector<16xf32>
      %exp3A_1429 = math.exp %get3A_1420 : vector<16xf32>
      %broadcast_in_dim3A_1430 = arith.constant 0.000000e+00 : f32
      %broadcast_in_dim3A_1431 = vector.broadcast %broadcast_in_dim3A_1430 : f32 to vector<16xf32>
      %select_n3A_1432 = arith.select %gt3A_1427, %broadcast_in_dim3A_1431, %exp3A_1428 : vector<16xi1>, vector<16xf32>
      %select_n3A_1433 = arith.select %gt3A_1427, %exp3A_1428, %broadcast_in_dim3A_1431 : vector<16xi1>, vector<16xf32>
      %select_n3A_1434 = arith.select %gt3A_1427, %broadcast_in_dim3A_1431, %exp3A_1429 : vector<16xi1>, vector<16xf32>
      %select_n3A_1435 = arith.select %gt3A_1427, %exp3A_1429, %broadcast_in_dim3A_1431 : vector<16xi1>, vector<16xf32>
      %get3A_1436 = arith.index_cast %shift_right_logical3A_1362 : i32 to index
      %get3A_1437 = arith.index_cast %and3A_1364 : i32 to index
      %get3A_1438 = arith.constant 48 : index
      %get3A_1439 = tpu.vector_load %arg13[%get3A_1436, %get3A_1437, %get3A_1438] {strides = array<i32>} : memref<4x128x128xf32, #tpu.memory_space<vmem>>, vector<16xf32>,
      %get3A_1440 = arith.index_cast %shift_right_logical3A_1362 : i32 to index
      %get3A_1441 = arith.index_cast %and3A_1364 : i32 to index
      %get3A_1442 = arith.constant 112 : index
      %get3A_1443 = tpu.vector_load %arg13[%get3A_1440, %get3A_1441, %get3A_1442] {strides = array<i32>} : memref<4x128x128xf32, #tpu.memory_space<vmem>>, vector<16xf32>,
      %add3A_1444 = arith.constant 48 : i32
      %add3A_1445 = arith.addi %mul3A_1366, %add3A_1444 : i32
      %get3A_1446 = arith.index_cast %add3A_1445 : i32 to index
      %get3A_1447 = tpu.vector_load %arg15[%get3A_1446] {strides = array<i32>} : memref<35344xi32, #tpu.memory_space<vmem>>, vector<16xi32>,
      %gt3A_1448 = arith.constant 1 : i32
      %gt3A_1449 = vector.broadcast %gt3A_1448 : i32 to vector<16xi32>
      %gt3A_1450 = arith.cmpi sgt, %get3A_1447, %gt3A_1449 : vector<16xi32>
      %exp3A_1451 = math.exp %get3A_1439 : vector<16xf32>
      %exp3A_1452 = math.exp %get3A_1443 : vector<16xf32>
      %broadcast_in_dim3A_1453 = arith.constant 0.000000e+00 : f32
      %broadcast_in_dim3A_1454 = vector.broadcast %broadcast_in_dim3A_1453 : f32 to vector<16xf32>
      %select_n3A_1455 = arith.select %gt3A_1450, %broadcast_in_dim3A_1454, %exp3A_1451 : vector<16xi1>, vector<16xf32>
      %select_n3A_1456 = arith.select %gt3A_1450, %exp3A_1451, %broadcast_in_dim3A_1454 : vector<16xi1>, vector<16xf32>
      %select_n3A_1457 = arith.select %gt3A_1450, %broadcast_in_dim3A_1454, %exp3A_1452 : vector<16xi1>, vector<16xf32>
      %select_n3A_1458 = arith.select %gt3A_1450, %exp3A_1452, %broadcast_in_dim3A_1454 : vector<16xi1>, vector<16xf32>
      %add3A_1459 = arith.addf %select_n3A_1386, %select_n3A_1409 : vector<16xf32>
      %add3A_1460 = arith.addf %select_n3A_1432, %select_n3A_1455 : vector<16xf32>
      %add3A_1461 = arith.addf %add3A_1459, %add3A_1460 : vector<16xf32>
      %swap3A_1462 = arith.constant 170 : index
      %swap3A_1463 = tpu.vector_load %arg20[%swap3A_1462] {strides = array<i32>} : memref<272xf32, #tpu.memory_space<vmem>>, vector<16xf32>,
      tpu.vector_store %arg20[%swap3A_1462], %add3A_1461 {strides = array<i32>} : memref<272xf32, #tpu.memory_space<vmem>>, vector<16xf32>,
      %add3A_1464 = arith.addf %select_n3A_1387, %select_n3A_1410 : vector<16xf32>
      %add3A_1465 = arith.addf %select_n3A_1433, %select_n3A_1456 : vector<16xf32>
      %add3A_1466 = arith.addf %add3A_1464, %add3A_1465 : vector<16xf32>
      %swap3A_1467 = arith.constant 170 : index
      %swap3A_1468 = tpu.vector_load %arg21[%swap3A_1467] {strides = array<i32>} : memref<272xf32, #tpu.memory_space<vmem>>, vector<16xf32>,
      tpu.vector_store %arg21[%swap3A_1467], %add3A_1466 {strides = array<i32>} : memref<272xf32, #tpu.memory_space<vmem>>, vector<16xf32>,
      %add3A_1469 = arith.addf %select_n3A_1388, %select_n3A_1411 : vector<16xf32>
      %add3A_1470 = arith.addf %select_n3A_1434, %select_n3A_1457 : vector<16xf32>
      %add3A_1471 = arith.addf %add3A_1469, %add3A_1470 : vector<16xf32>
      %swap3A_1472 = arith.constant 170 : index
      %swap3A_1473 = tpu.vector_load %arg22[%swap3A_1472] {strides = array<i32>} : memref<272xf32, #tpu.memory_space<vmem>>, vector<16xf32>,
      tpu.vector_store %arg22[%swap3A_1472], %add3A_1471 {strides = array<i32>} : memref<272xf32, #tpu.memory_space<vmem>>, vector<16xf32>,
      %add3A_1474 = arith.addf %select_n3A_1389, %select_n3A_1412 : vector<16xf32>
      %add3A_1475 = arith.addf %select_n3A_1435, %select_n3A_1458 : vector<16xf32>
      %add3A_1476 = arith.addf %add3A_1474, %add3A_1475 : vector<16xf32>
      %swap3A_1477 = arith.constant 170 : index
      %swap3A_1478 = tpu.vector_load %arg23[%swap3A_1477] {strides = array<i32>} : memref<272xf32, #tpu.memory_space<vmem>>, vector<16xf32>,
      tpu.vector_store %arg23[%swap3A_1477], %add3A_1476 {strides = array<i32>} : memref<272xf32, #tpu.memory_space<vmem>>, vector<16xf32>,
      %mul3A_1479 = arith.constant 16 : i32
      %mul3A_1480 = arith.muli %scan3A_124, %mul3A_1479 : i32
      %add3A_1481 = arith.constant 11 : i32
      %add3A_1482 = arith.addi %mul3A_1480, %add3A_1481 : i32
      %shift_right_logical3A_1483 = arith.constant 7 : i32
      %shift_right_logical3A_1484 = arith.shrui %add3A_1482, %shift_right_logical3A_1483 : i32
      %and3A_1485 = arith.constant 127 : i32
      %and3A_1486 = arith.andi %add3A_1482, %and3A_1485 : i32
      %mul3A_1487 = arith.constant 69 : i32
      %mul3A_1488 = arith.muli %add3A_1482, %mul3A_1487 : i32
      %get3A_1489 = arith.index_cast %shift_right_logical3A_1484 : i32 to index
      %get3A_1490 = arith.index_cast %and3A_1486 : i32 to index
      %get3A_1491 = arith.constant 0 : index
      %get3A_1492 = tpu.vector_load %arg13[%get3A_1489, %get3A_1490, %get3A_1491] {strides = array<i32>} : memref<4x128x128xf32, #tpu.memory_space<vmem>>, vector<16xf32>,
      %get3A_1493 = arith.index_cast %shift_right_logical3A_1484 : i32 to index
      %get3A_1494 = arith.index_cast %and3A_1486 : i32 to index
      %get3A_1495 = arith.constant 64 : index
      %get3A_1496 = tpu.vector_load %arg13[%get3A_1493, %get3A_1494, %get3A_1495] {strides = array<i32>} : memref<4x128x128xf32, #tpu.memory_space<vmem>>, vector<16xf32>,
      %add3A_1497 = arith.constant 0 : i32
      %add3A_1498 = arith.addi %mul3A_1488, %add3A_1497 : i32
      %get3A_1499 = arith.index_cast %add3A_1498 : i32 to index
      %get3A_1500 = tpu.vector_load %arg15[%get3A_1499] {strides = array<i32>} : memref<35344xi32, #tpu.memory_space<vmem>>, vector<16xi32>,
      %gt3A_1501 = arith.constant 1 : i32
      %gt3A_1502 = vector.broadcast %gt3A_1501 : i32 to vector<16xi32>
      %gt3A_1503 = arith.cmpi sgt, %get3A_1500, %gt3A_1502 : vector<16xi32>
      %exp3A_1504 = math.exp %get3A_1492 : vector<16xf32>
      %exp3A_1505 = math.exp %get3A_1496 : vector<16xf32>
      %broadcast_in_dim3A_1506 = arith.constant 0.000000e+00 : f32
      %broadcast_in_dim3A_1507 = vector.broadcast %broadcast_in_dim3A_1506 : f32 to vector<16xf32>
      %select_n3A_1508 = arith.select %gt3A_1503, %broadcast_in_dim3A_1507, %exp3A_1504 : vector<16xi1>, vector<16xf32>
      %select_n3A_1509 = arith.select %gt3A_1503, %exp3A_1504, %broadcast_in_dim3A_1507 : vector<16xi1>, vector<16xf32>
      %select_n3A_1510 = arith.select %gt3A_1503, %broadcast_in_dim3A_1507, %exp3A_1505 : vector<16xi1>, vector<16xf32>
      %select_n3A_1511 = arith.select %gt3A_1503, %exp3A_1505, %broadcast_in_dim3A_1507 : vector<16xi1>, vector<16xf32>
      %get3A_1512 = arith.index_cast %shift_right_logical3A_1484 : i32 to index
      %get3A_1513 = arith.index_cast %and3A_1486 : i32 to index
      %get3A_1514 = arith.constant 16 : index
      %get3A_1515 = tpu.vector_load %arg13[%get3A_1512, %get3A_1513, %get3A_1514] {strides = array<i32>} : memref<4x128x128xf32, #tpu.memory_space<vmem>>, vector<16xf32>,
      %get3A_1516 = arith.index_cast %shift_right_logical3A_1484 : i32 to index
      %get3A_1517 = arith.index_cast %and3A_1486 : i32 to index
      %get3A_1518 = arith.constant 80 : index
      %get3A_1519 = tpu.vector_load %arg13[%get3A_1516, %get3A_1517, %get3A_1518] {strides = array<i32>} : memref<4x128x128xf32, #tpu.memory_space<vmem>>, vector<16xf32>,
      %add3A_1520 = arith.constant 16 : i32
      %add3A_1521 = arith.addi %mul3A_1488, %add3A_1520 : i32
      %get3A_1522 = arith.index_cast %add3A_1521 : i32 to index
      %get3A_1523 = tpu.vector_load %arg15[%get3A_1522] {strides = array<i32>} : memref<35344xi32, #tpu.memory_space<vmem>>, vector<16xi32>,
      %gt3A_1524 = arith.constant 1 : i32
      %gt3A_1525 = vector.broadcast %gt3A_1524 : i32 to vector<16xi32>
      %gt3A_1526 = arith.cmpi sgt, %get3A_1523, %gt3A_1525 : vector<16xi32>
      %exp3A_1527 = math.exp %get3A_1515 : vector<16xf32>
      %exp3A_1528 = math.exp %get3A_1519 : vector<16xf32>
      %broadcast_in_dim3A_1529 = arith.constant 0.000000e+00 : f32
      %broadcast_in_dim3A_1530 = vector.broadcast %broadcast_in_dim3A_1529 : f32 to vector<16xf32>
      %select_n3A_1531 = arith.select %gt3A_1526, %broadcast_in_dim3A_1530, %exp3A_1527 : vector<16xi1>, vector<16xf32>
      %select_n3A_1532 = arith.select %gt3A_1526, %exp3A_1527, %broadcast_in_dim3A_1530 : vector<16xi1>, vector<16xf32>
      %select_n3A_1533 = arith.select %gt3A_1526, %broadcast_in_dim3A_1530, %exp3A_1528 : vector<16xi1>, vector<16xf32>
      %select_n3A_1534 = arith.select %gt3A_1526, %exp3A_1528, %broadcast_in_dim3A_1530 : vector<16xi1>, vector<16xf32>
      %get3A_1535 = arith.index_cast %shift_right_logical3A_1484 : i32 to index
      %get3A_1536 = arith.index_cast %and3A_1486 : i32 to index
      %get3A_1537 = arith.constant 32 : index
      %get3A_1538 = tpu.vector_load %arg13[%get3A_1535, %get3A_1536, %get3A_1537] {strides = array<i32>} : memref<4x128x128xf32, #tpu.memory_space<vmem>>, vector<16xf32>,
      %get3A_1539 = arith.index_cast %shift_right_logical3A_1484 : i32 to index
      %get3A_1540 = arith.index_cast %and3A_1486 : i32 to index
      %get3A_1541 = arith.constant 96 : index
      %get3A_1542 = tpu.vector_load %arg13[%get3A_1539, %get3A_1540, %get3A_1541] {strides = array<i32>} : memref<4x128x128xf32, #tpu.memory_space<vmem>>, vector<16xf32>,
      %add3A_1543 = arith.constant 32 : i32
      %add3A_1544 = arith.addi %mul3A_1488, %add3A_1543 : i32
      %get3A_1545 = arith.index_cast %add3A_1544 : i32 to index
      %get3A_1546 = tpu.vector_load %arg15[%get3A_1545] {strides = array<i32>} : memref<35344xi32, #tpu.memory_space<vmem>>, vector<16xi32>,
      %gt3A_1547 = arith.constant 1 : i32
      %gt3A_1548 = vector.broadcast %gt3A_1547 : i32 to vector<16xi32>
      %gt3A_1549 = arith.cmpi sgt, %get3A_1546, %gt3A_1548 : vector<16xi32>
      %exp3A_1550 = math.exp %get3A_1538 : vector<16xf32>
      %exp3A_1551 = math.exp %get3A_1542 : vector<16xf32>
      %broadcast_in_dim3A_1552 = arith.constant 0.000000e+00 : f32
      %broadcast_in_dim3A_1553 = vector.broadcast %broadcast_in_dim3A_1552 : f32 to vector<16xf32>
      %select_n3A_1554 = arith.select %gt3A_1549, %broadcast_in_dim3A_1553, %exp3A_1550 : vector<16xi1>, vector<16xf32>
      %select_n3A_1555 = arith.select %gt3A_1549, %exp3A_1550, %broadcast_in_dim3A_1553 : vector<16xi1>, vector<16xf32>
      %select_n3A_1556 = arith.select %gt3A_1549, %broadcast_in_dim3A_1553, %exp3A_1551 : vector<16xi1>, vector<16xf32>
      %select_n3A_1557 = arith.select %gt3A_1549, %exp3A_1551, %broadcast_in_dim3A_1553 : vector<16xi1>, vector<16xf32>
      %get3A_1558 = arith.index_cast %shift_right_logical3A_1484 : i32 to index
      %get3A_1559 = arith.index_cast %and3A_1486 : i32 to index
      %get3A_1560 = arith.constant 48 : index
      %get3A_1561 = tpu.vector_load %arg13[%get3A_1558, %get3A_1559, %get3A_1560] {strides = array<i32>} : memref<4x128x128xf32, #tpu.memory_space<vmem>>, vector<16xf32>,
      %get3A_1562 = arith.index_cast %shift_right_logical3A_1484 : i32 to index
      %get3A_1563 = arith.index_cast %and3A_1486 : i32 to index
      %get3A_1564 = arith.constant 112 : index
      %get3A_1565 = tpu.vector_load %arg13[%get3A_1562, %get3A_1563, %get3A_1564] {strides = array<i32>} : memref<4x128x128xf32, #tpu.memory_space<vmem>>, vector<16xf32>,
      %add3A_1566 = arith.constant 48 : i32
      %add3A_1567 = arith.addi %mul3A_1488, %add3A_1566 : i32
      %get3A_1568 = arith.index_cast %add3A_1567 : i32 to index
      %get3A_1569 = tpu.vector_load %arg15[%get3A_1568] {strides = array<i32>} : memref<35344xi32, #tpu.memory_space<vmem>>, vector<16xi32>,
      %gt3A_1570 = arith.constant 1 : i32
      %gt3A_1571 = vector.broadcast %gt3A_1570 : i32 to vector<16xi32>
      %gt3A_1572 = arith.cmpi sgt, %get3A_1569, %gt3A_1571 : vector<16xi32>
      %exp3A_1573 = math.exp %get3A_1561 : vector<16xf32>
      %exp3A_1574 = math.exp %get3A_1565 : vector<16xf32>
      %broadcast_in_dim3A_1575 = arith.constant 0.000000e+00 : f32
      %broadcast_in_dim3A_1576 = vector.broadcast %broadcast_in_dim3A_1575 : f32 to vector<16xf32>
      %select_n3A_1577 = arith.select %gt3A_1572, %broadcast_in_dim3A_1576, %exp3A_1573 : vector<16xi1>, vector<16xf32>
      %select_n3A_1578 = arith.select %gt3A_1572, %exp3A_1573, %broadcast_in_dim3A_1576 : vector<16xi1>, vector<16xf32>
      %select_n3A_1579 = arith.select %gt3A_1572, %broadcast_in_dim3A_1576, %exp3A_1574 : vector<16xi1>, vector<16xf32>
      %select_n3A_1580 = arith.select %gt3A_1572, %exp3A_1574, %broadcast_in_dim3A_1576 : vector<16xi1>, vector<16xf32>
      %add3A_1581 = arith.addf %select_n3A_1508, %select_n3A_1531 : vector<16xf32>
      %add3A_1582 = arith.addf %select_n3A_1554, %select_n3A_1577 : vector<16xf32>
      %add3A_1583 = arith.addf %add3A_1581, %add3A_1582 : vector<16xf32>
      %swap3A_1584 = arith.constant 187 : index
      %swap3A_1585 = tpu.vector_load %arg20[%swap3A_1584] {strides = array<i32>} : memref<272xf32, #tpu.memory_space<vmem>>, vector<16xf32>,
      tpu.vector_store %arg20[%swap3A_1584], %add3A_1583 {strides = array<i32>} : memref<272xf32, #tpu.memory_space<vmem>>, vector<16xf32>,
      %add3A_1586 = arith.addf %select_n3A_1509, %select_n3A_1532 : vector<16xf32>
      %add3A_1587 = arith.addf %select_n3A_1555, %select_n3A_1578 : vector<16xf32>
      %add3A_1588 = arith.addf %add3A_1586, %add3A_1587 : vector<16xf32>
      %swap3A_1589 = arith.constant 187 : index
      %swap3A_1590 = tpu.vector_load %arg21[%swap3A_1589] {strides = array<i32>} : memref<272xf32, #tpu.memory_space<vmem>>, vector<16xf32>,
      tpu.vector_store %arg21[%swap3A_1589], %add3A_1588 {strides = array<i32>} : memref<272xf32, #tpu.memory_space<vmem>>, vector<16xf32>,
      %add3A_1591 = arith.addf %select_n3A_1510, %select_n3A_1533 : vector<16xf32>
      %add3A_1592 = arith.addf %select_n3A_1556, %select_n3A_1579 : vector<16xf32>
      %add3A_1593 = arith.addf %add3A_1591, %add3A_1592 : vector<16xf32>
      %swap3A_1594 = arith.constant 187 : index
      %swap3A_1595 = tpu.vector_load %arg22[%swap3A_1594] {strides = array<i32>} : memref<272xf32, #tpu.memory_space<vmem>>, vector<16xf32>,
      tpu.vector_store %arg22[%swap3A_1594], %add3A_1593 {strides = array<i32>} : memref<272xf32, #tpu.memory_space<vmem>>, vector<16xf32>,
      %add3A_1596 = arith.addf %select_n3A_1511, %select_n3A_1534 : vector<16xf32>
      %add3A_1597 = arith.addf %select_n3A_1557, %select_n3A_1580 : vector<16xf32>
      %add3A_1598 = arith.addf %add3A_1596, %add3A_1597 : vector<16xf32>
      %swap3A_1599 = arith.constant 187 : index
      %swap3A_1600 = tpu.vector_load %arg23[%swap3A_1599] {strides = array<i32>} : memref<272xf32, #tpu.memory_space<vmem>>, vector<16xf32>,
      tpu.vector_store %arg23[%swap3A_1599], %add3A_1598 {strides = array<i32>} : memref<272xf32, #tpu.memory_space<vmem>>, vector<16xf32>,
      %mul3A_1601 = arith.constant 16 : i32
      %mul3A_1602 = arith.muli %scan3A_124, %mul3A_1601 : i32
      %add3A_1603 = arith.constant 12 : i32
      %add3A_1604 = arith.addi %mul3A_1602, %add3A_1603 : i32
      %shift_right_logical3A_1605 = arith.constant 7 : i32
      %shift_right_logical3A_1606 = arith.shrui %add3A_1604, %shift_right_logical3A_1605 : i32
      %and3A_1607 = arith.constant 127 : i32
      %and3A_1608 = arith.andi %add3A_1604, %and3A_1607 : i32
      %mul3A_1609 = arith.constant 69 : i32
      %mul3A_1610 = arith.muli %add3A_1604, %mul3A_1609 : i32
      %get3A_1611 = arith.index_cast %shift_right_logical3A_1606 : i32 to index
      %get3A_1612 = arith.index_cast %and3A_1608 : i32 to index
      %get3A_1613 = arith.constant 0 : index
      %get3A_1614 = tpu.vector_load %arg13[%get3A_1611, %get3A_1612, %get3A_1613] {strides = array<i32>} : memref<4x128x128xf32, #tpu.memory_space<vmem>>, vector<16xf32>,
      %get3A_1615 = arith.index_cast %shift_right_logical3A_1606 : i32 to index
      %get3A_1616 = arith.index_cast %and3A_1608 : i32 to index
      %get3A_1617 = arith.constant 64 : index
      %get3A_1618 = tpu.vector_load %arg13[%get3A_1615, %get3A_1616, %get3A_1617] {strides = array<i32>} : memref<4x128x128xf32, #tpu.memory_space<vmem>>, vector<16xf32>,
      %add3A_1619 = arith.constant 0 : i32
      %add3A_1620 = arith.addi %mul3A_1610, %add3A_1619 : i32
      %get3A_1621 = arith.index_cast %add3A_1620 : i32 to index
      %get3A_1622 = tpu.vector_load %arg15[%get3A_1621] {strides = array<i32>} : memref<35344xi32, #tpu.memory_space<vmem>>, vector<16xi32>,
      %gt3A_1623 = arith.constant 1 : i32
      %gt3A_1624 = vector.broadcast %gt3A_1623 : i32 to vector<16xi32>
      %gt3A_1625 = arith.cmpi sgt, %get3A_1622, %gt3A_1624 : vector<16xi32>
      %exp3A_1626 = math.exp %get3A_1614 : vector<16xf32>
      %exp3A_1627 = math.exp %get3A_1618 : vector<16xf32>
      %broadcast_in_dim3A_1628 = arith.constant 0.000000e+00 : f32
      %broadcast_in_dim3A_1629 = vector.broadcast %broadcast_in_dim3A_1628 : f32 to vector<16xf32>
      %select_n3A_1630 = arith.select %gt3A_1625, %broadcast_in_dim3A_1629, %exp3A_1626 : vector<16xi1>, vector<16xf32>
      %select_n3A_1631 = arith.select %gt3A_1625, %exp3A_1626, %broadcast_in_dim3A_1629 : vector<16xi1>, vector<16xf32>
      %select_n3A_1632 = arith.select %gt3A_1625, %broadcast_in_dim3A_1629, %exp3A_1627 : vector<16xi1>, vector<16xf32>
      %select_n3A_1633 = arith.select %gt3A_1625, %exp3A_1627, %broadcast_in_dim3A_1629 : vector<16xi1>, vector<16xf32>
      %get3A_1634 = arith.index_cast %shift_right_logical3A_1606 : i32 to index
      %get3A_1635 = arith.index_cast %and3A_1608 : i32 to index
      %get3A_1636 = arith.constant 16 : index
      %get3A_1637 = tpu.vector_load %arg13[%get3A_1634, %get3A_1635, %get3A_1636] {strides = array<i32>} : memref<4x128x128xf32, #tpu.memory_space<vmem>>, vector<16xf32>,
      %get3A_1638 = arith.index_cast %shift_right_logical3A_1606 : i32 to index
      %get3A_1639 = arith.index_cast %and3A_1608 : i32 to index
      %get3A_1640 = arith.constant 80 : index
      %get3A_1641 = tpu.vector_load %arg13[%get3A_1638, %get3A_1639, %get3A_1640] {strides = array<i32>} : memref<4x128x128xf32, #tpu.memory_space<vmem>>, vector<16xf32>,
      %add3A_1642 = arith.constant 16 : i32
      %add3A_1643 = arith.addi %mul3A_1610, %add3A_1642 : i32
      %get3A_1644 = arith.index_cast %add3A_1643 : i32 to index
      %get3A_1645 = tpu.vector_load %arg15[%get3A_1644] {strides = array<i32>} : memref<35344xi32, #tpu.memory_space<vmem>>, vector<16xi32>,
      %gt3A_1646 = arith.constant 1 : i32
      %gt3A_1647 = vector.broadcast %gt3A_1646 : i32 to vector<16xi32>
      %gt3A_1648 = arith.cmpi sgt, %get3A_1645, %gt3A_1647 : vector<16xi32>
      %exp3A_1649 = math.exp %get3A_1637 : vector<16xf32>
      %exp3A_1650 = math.exp %get3A_1641 : vector<16xf32>
      %broadcast_in_dim3A_1651 = arith.constant 0.000000e+00 : f32
      %broadcast_in_dim3A_1652 = vector.broadcast %broadcast_in_dim3A_1651 : f32 to vector<16xf32>
      %select_n3A_1653 = arith.select %gt3A_1648, %broadcast_in_dim3A_1652, %exp3A_1649 : vector<16xi1>, vector<16xf32>
      %select_n3A_1654 = arith.select %gt3A_1648, %exp3A_1649, %broadcast_in_dim3A_1652 : vector<16xi1>, vector<16xf32>
      %select_n3A_1655 = arith.select %gt3A_1648, %broadcast_in_dim3A_1652, %exp3A_1650 : vector<16xi1>, vector<16xf32>
      %select_n3A_1656 = arith.select %gt3A_1648, %exp3A_1650, %broadcast_in_dim3A_1652 : vector<16xi1>, vector<16xf32>
      %get3A_1657 = arith.index_cast %shift_right_logical3A_1606 : i32 to index
      %get3A_1658 = arith.index_cast %and3A_1608 : i32 to index
      %get3A_1659 = arith.constant 32 : index
      %get3A_1660 = tpu.vector_load %arg13[%get3A_1657, %get3A_1658, %get3A_1659] {strides = array<i32>} : memref<4x128x128xf32, #tpu.memory_space<vmem>>, vector<16xf32>,
      %get3A_1661 = arith.index_cast %shift_right_logical3A_1606 : i32 to index
      %get3A_1662 = arith.index_cast %and3A_1608 : i32 to index
      %get3A_1663 = arith.constant 96 : index
      %get3A_1664 = tpu.vector_load %arg13[%get3A_1661, %get3A_1662, %get3A_1663] {strides = array<i32>} : memref<4x128x128xf32, #tpu.memory_space<vmem>>, vector<16xf32>,
      %add3A_1665 = arith.constant 32 : i32
      %add3A_1666 = arith.addi %mul3A_1610, %add3A_1665 : i32
      %get3A_1667 = arith.index_cast %add3A_1666 : i32 to index
      %get3A_1668 = tpu.vector_load %arg15[%get3A_1667] {strides = array<i32>} : memref<35344xi32, #tpu.memory_space<vmem>>, vector<16xi32>,
      %gt3A_1669 = arith.constant 1 : i32
      %gt3A_1670 = vector.broadcast %gt3A_1669 : i32 to vector<16xi32>
      %gt3A_1671 = arith.cmpi sgt, %get3A_1668, %gt3A_1670 : vector<16xi32>
      %exp3A_1672 = math.exp %get3A_1660 : vector<16xf32>
      %exp3A_1673 = math.exp %get3A_1664 : vector<16xf32>
      %broadcast_in_dim3A_1674 = arith.constant 0.000000e+00 : f32
      %broadcast_in_dim3A_1675 = vector.broadcast %broadcast_in_dim3A_1674 : f32 to vector<16xf32>
      %select_n3A_1676 = arith.select %gt3A_1671, %broadcast_in_dim3A_1675, %exp3A_1672 : vector<16xi1>, vector<16xf32>
      %select_n3A_1677 = arith.select %gt3A_1671, %exp3A_1672, %broadcast_in_dim3A_1675 : vector<16xi1>, vector<16xf32>
      %select_n3A_1678 = arith.select %gt3A_1671, %broadcast_in_dim3A_1675, %exp3A_1673 : vector<16xi1>, vector<16xf32>
      %select_n3A_1679 = arith.select %gt3A_1671, %exp3A_1673, %broadcast_in_dim3A_1675 : vector<16xi1>, vector<16xf32>
      %get3A_1680 = arith.index_cast %shift_right_logical3A_1606 : i32 to index
      %get3A_1681 = arith.index_cast %and3A_1608 : i32 to index
      %get3A_1682 = arith.constant 48 : index
      %get3A_1683 = tpu.vector_load %arg13[%get3A_1680, %get3A_1681, %get3A_1682] {strides = array<i32>} : memref<4x128x128xf32, #tpu.memory_space<vmem>>, vector<16xf32>,
      %get3A_1684 = arith.index_cast %shift_right_logical3A_1606 : i32 to index
      %get3A_1685 = arith.index_cast %and3A_1608 : i32 to index
      %get3A_1686 = arith.constant 112 : index
      %get3A_1687 = tpu.vector_load %arg13[%get3A_1684, %get3A_1685, %get3A_1686] {strides = array<i32>} : memref<4x128x128xf32, #tpu.memory_space<vmem>>, vector<16xf32>,
      %add3A_1688 = arith.constant 48 : i32
      %add3A_1689 = arith.addi %mul3A_1610, %add3A_1688 : i32
      %get3A_1690 = arith.index_cast %add3A_1689 : i32 to index
      %get3A_1691 = tpu.vector_load %arg15[%get3A_1690] {strides = array<i32>} : memref<35344xi32, #tpu.memory_space<vmem>>, vector<16xi32>,
      %gt3A_1692 = arith.constant 1 : i32
      %gt3A_1693 = vector.broadcast %gt3A_1692 : i32 to vector<16xi32>
      %gt3A_1694 = arith.cmpi sgt, %get3A_1691, %gt3A_1693 : vector<16xi32>
      %exp3A_1695 = math.exp %get3A_1683 : vector<16xf32>
      %exp3A_1696 = math.exp %get3A_1687 : vector<16xf32>
      %broadcast_in_dim3A_1697 = arith.constant 0.000000e+00 : f32
      %broadcast_in_dim3A_1698 = vector.broadcast %broadcast_in_dim3A_1697 : f32 to vector<16xf32>
      %select_n3A_1699 = arith.select %gt3A_1694, %broadcast_in_dim3A_1698, %exp3A_1695 : vector<16xi1>, vector<16xf32>
      %select_n3A_1700 = arith.select %gt3A_1694, %exp3A_1695, %broadcast_in_dim3A_1698 : vector<16xi1>, vector<16xf32>
      %select_n3A_1701 = arith.select %gt3A_1694, %broadcast_in_dim3A_1698, %exp3A_1696 : vector<16xi1>, vector<16xf32>
      %select_n3A_1702 = arith.select %gt3A_1694, %exp3A_1696, %broadcast_in_dim3A_1698 : vector<16xi1>, vector<16xf32>
      %add3A_1703 = arith.addf %select_n3A_1630, %select_n3A_1653 : vector<16xf32>
      %add3A_1704 = arith.addf %select_n3A_1676, %select_n3A_1699 : vector<16xf32>
      %add3A_1705 = arith.addf %add3A_1703, %add3A_1704 : vector<16xf32>
      %swap3A_1706 = arith.constant 204 : index
      %swap3A_1707 = tpu.vector_load %arg20[%swap3A_1706] {strides = array<i32>} : memref<272xf32, #tpu.memory_space<vmem>>, vector<16xf32>,
      tpu.vector_store %arg20[%swap3A_1706], %add3A_1705 {strides = array<i32>} : memref<272xf32, #tpu.memory_space<vmem>>, vector<16xf32>,
      %add3A_1708 = arith.addf %select_n3A_1631, %select_n3A_1654 : vector<16xf32>
      %add3A_1709 = arith.addf %select_n3A_1677, %select_n3A_1700 : vector<16xf32>
      %add3A_1710 = arith.addf %add3A_1708, %add3A_1709 : vector<16xf32>
      %swap3A_1711 = arith.constant 204 : index
      %swap3A_1712 = tpu.vector_load %arg21[%swap3A_1711] {strides = array<i32>} : memref<272xf32, #tpu.memory_space<vmem>>, vector<16xf32>,
      tpu.vector_store %arg21[%swap3A_1711], %add3A_1710 {strides = array<i32>} : memref<272xf32, #tpu.memory_space<vmem>>, vector<16xf32>,
      %add3A_1713 = arith.addf %select_n3A_1632, %select_n3A_1655 : vector<16xf32>
      %add3A_1714 = arith.addf %select_n3A_1678, %select_n3A_1701 : vector<16xf32>
      %add3A_1715 = arith.addf %add3A_1713, %add3A_1714 : vector<16xf32>
      %swap3A_1716 = arith.constant 204 : index
      %swap3A_1717 = tpu.vector_load %arg22[%swap3A_1716] {strides = array<i32>} : memref<272xf32, #tpu.memory_space<vmem>>, vector<16xf32>,
      tpu.vector_store %arg22[%swap3A_1716], %add3A_1715 {strides = array<i32>} : memref<272xf32, #tpu.memory_space<vmem>>, vector<16xf32>,
      %add3A_1718 = arith.addf %select_n3A_1633, %select_n3A_1656 : vector<16xf32>
      %add3A_1719 = arith.addf %select_n3A_1679, %select_n3A_1702 : vector<16xf32>
      %add3A_1720 = arith.addf %add3A_1718, %add3A_1719 : vector<16xf32>
      %swap3A_1721 = arith.constant 204 : index
      %swap3A_1722 = tpu.vector_load %arg23[%swap3A_1721] {strides = array<i32>} : memref<272xf32, #tpu.memory_space<vmem>>, vector<16xf32>,
      tpu.vector_store %arg23[%swap3A_1721], %add3A_1720 {strides = array<i32>} : memref<272xf32, #tpu.memory_space<vmem>>, vector<16xf32>,
      %mul3A_1723 = arith.constant 16 : i32
      %mul3A_1724 = arith.muli %scan3A_124, %mul3A_1723 : i32
      %add3A_1725 = arith.constant 13 : i32
      %add3A_1726 = arith.addi %mul3A_1724, %add3A_1725 : i32
      %shift_right_logical3A_1727 = arith.constant 7 : i32
      %shift_right_logical3A_1728 = arith.shrui %add3A_1726, %shift_right_logical3A_1727 : i32
      %and3A_1729 = arith.constant 127 : i32
      %and3A_1730 = arith.andi %add3A_1726, %and3A_1729 : i32
      %mul3A_1731 = arith.constant 69 : i32
      %mul3A_1732 = arith.muli %add3A_1726, %mul3A_1731 : i32
      %get3A_1733 = arith.index_cast %shift_right_logical3A_1728 : i32 to index
      %get3A_1734 = arith.index_cast %and3A_1730 : i32 to index
      %get3A_1735 = arith.constant 0 : index
      %get3A_1736 = tpu.vector_load %arg13[%get3A_1733, %get3A_1734, %get3A_1735] {strides = array<i32>} : memref<4x128x128xf32, #tpu.memory_space<vmem>>, vector<16xf32>,
      %get3A_1737 = arith.index_cast %shift_right_logical3A_1728 : i32 to index
      %get3A_1738 = arith.index_cast %and3A_1730 : i32 to index
      %get3A_1739 = arith.constant 64 : index
      %get3A_1740 = tpu.vector_load %arg13[%get3A_1737, %get3A_1738, %get3A_1739] {strides = array<i32>} : memref<4x128x128xf32, #tpu.memory_space<vmem>>, vector<16xf32>,
      %add3A_1741 = arith.constant 0 : i32
      %add3A_1742 = arith.addi %mul3A_1732, %add3A_1741 : i32
      %get3A_1743 = arith.index_cast %add3A_1742 : i32 to index
      %get3A_1744 = tpu.vector_load %arg15[%get3A_1743] {strides = array<i32>} : memref<35344xi32, #tpu.memory_space<vmem>>, vector<16xi32>,
      %gt3A_1745 = arith.constant 1 : i32
      %gt3A_1746 = vector.broadcast %gt3A_1745 : i32 to vector<16xi32>
      %gt3A_1747 = arith.cmpi sgt, %get3A_1744, %gt3A_1746 : vector<16xi32>
      %exp3A_1748 = math.exp %get3A_1736 : vector<16xf32>
      %exp3A_1749 = math.exp %get3A_1740 : vector<16xf32>
      %broadcast_in_dim3A_1750 = arith.constant 0.000000e+00 : f32
      %broadcast_in_dim3A_1751 = vector.broadcast %broadcast_in_dim3A_1750 : f32 to vector<16xf32>
      %select_n3A_1752 = arith.select %gt3A_1747, %broadcast_in_dim3A_1751, %exp3A_1748 : vector<16xi1>, vector<16xf32>
      %select_n3A_1753 = arith.select %gt3A_1747, %exp3A_1748, %broadcast_in_dim3A_1751 : vector<16xi1>, vector<16xf32>
      %select_n3A_1754 = arith.select %gt3A_1747, %broadcast_in_dim3A_1751, %exp3A_1749 : vector<16xi1>, vector<16xf32>
      %select_n3A_1755 = arith.select %gt3A_1747, %exp3A_1749, %broadcast_in_dim3A_1751 : vector<16xi1>, vector<16xf32>
      %get3A_1756 = arith.index_cast %shift_right_logical3A_1728 : i32 to index
      %get3A_1757 = arith.index_cast %and3A_1730 : i32 to index
      %get3A_1758 = arith.constant 16 : index
      %get3A_1759 = tpu.vector_load %arg13[%get3A_1756, %get3A_1757, %get3A_1758] {strides = array<i32>} : memref<4x128x128xf32, #tpu.memory_space<vmem>>, vector<16xf32>,
      %get3A_1760 = arith.index_cast %shift_right_logical3A_1728 : i32 to index
      %get3A_1761 = arith.index_cast %and3A_1730 : i32 to index
      %get3A_1762 = arith.constant 80 : index
      %get3A_1763 = tpu.vector_load %arg13[%get3A_1760, %get3A_1761, %get3A_1762] {strides = array<i32>} : memref<4x128x128xf32, #tpu.memory_space<vmem>>, vector<16xf32>,
      %add3A_1764 = arith.constant 16 : i32
      %add3A_1765 = arith.addi %mul3A_1732, %add3A_1764 : i32
      %get3A_1766 = arith.index_cast %add3A_1765 : i32 to index
      %get3A_1767 = tpu.vector_load %arg15[%get3A_1766] {strides = array<i32>} : memref<35344xi32, #tpu.memory_space<vmem>>, vector<16xi32>,
      %gt3A_1768 = arith.constant 1 : i32
      %gt3A_1769 = vector.broadcast %gt3A_1768 : i32 to vector<16xi32>
      %gt3A_1770 = arith.cmpi sgt, %get3A_1767, %gt3A_1769 : vector<16xi32>
      %exp3A_1771 = math.exp %get3A_1759 : vector<16xf32>
      %exp3A_1772 = math.exp %get3A_1763 : vector<16xf32>
      %broadcast_in_dim3A_1773 = arith.constant 0.000000e+00 : f32
      %broadcast_in_dim3A_1774 = vector.broadcast %broadcast_in_dim3A_1773 : f32 to vector<16xf32>
      %select_n3A_1775 = arith.select %gt3A_1770, %broadcast_in_dim3A_1774, %exp3A_1771 : vector<16xi1>, vector<16xf32>
      %select_n3A_1776 = arith.select %gt3A_1770, %exp3A_1771, %broadcast_in_dim3A_1774 : vector<16xi1>, vector<16xf32>
      %select_n3A_1777 = arith.select %gt3A_1770, %broadcast_in_dim3A_1774, %exp3A_1772 : vector<16xi1>, vector<16xf32>
      %select_n3A_1778 = arith.select %gt3A_1770, %exp3A_1772, %broadcast_in_dim3A_1774 : vector<16xi1>, vector<16xf32>
      %get3A_1779 = arith.index_cast %shift_right_logical3A_1728 : i32 to index
      %get3A_1780 = arith.index_cast %and3A_1730 : i32 to index
      %get3A_1781 = arith.constant 32 : index
      %get3A_1782 = tpu.vector_load %arg13[%get3A_1779, %get3A_1780, %get3A_1781] {strides = array<i32>} : memref<4x128x128xf32, #tpu.memory_space<vmem>>, vector<16xf32>,
      %get3A_1783 = arith.index_cast %shift_right_logical3A_1728 : i32 to index
      %get3A_1784 = arith.index_cast %and3A_1730 : i32 to index
      %get3A_1785 = arith.constant 96 : index
      %get3A_1786 = tpu.vector_load %arg13[%get3A_1783, %get3A_1784, %get3A_1785] {strides = array<i32>} : memref<4x128x128xf32, #tpu.memory_space<vmem>>, vector<16xf32>,
      %add3A_1787 = arith.constant 32 : i32
      %add3A_1788 = arith.addi %mul3A_1732, %add3A_1787 : i32
      %get3A_1789 = arith.index_cast %add3A_1788 : i32 to index
      %get3A_1790 = tpu.vector_load %arg15[%get3A_1789] {strides = array<i32>} : memref<35344xi32, #tpu.memory_space<vmem>>, vector<16xi32>,
      %gt3A_1791 = arith.constant 1 : i32
      %gt3A_1792 = vector.broadcast %gt3A_1791 : i32 to vector<16xi32>
      %gt3A_1793 = arith.cmpi sgt, %get3A_1790, %gt3A_1792 : vector<16xi32>
      %exp3A_1794 = math.exp %get3A_1782 : vector<16xf32>
      %exp3A_1795 = math.exp %get3A_1786 : vector<16xf32>
      %broadcast_in_dim3A_1796 = arith.constant 0.000000e+00 : f32
      %broadcast_in_dim3A_1797 = vector.broadcast %broadcast_in_dim3A_1796 : f32 to vector<16xf32>
      %select_n3A_1798 = arith.select %gt3A_1793, %broadcast_in_dim3A_1797, %exp3A_1794 : vector<16xi1>, vector<16xf32>
      %select_n3A_1799 = arith.select %gt3A_1793, %exp3A_1794, %broadcast_in_dim3A_1797 : vector<16xi1>, vector<16xf32>
      %select_n3A_1800 = arith.select %gt3A_1793, %broadcast_in_dim3A_1797, %exp3A_1795 : vector<16xi1>, vector<16xf32>
      %select_n3A_1801 = arith.select %gt3A_1793, %exp3A_1795, %broadcast_in_dim3A_1797 : vector<16xi1>, vector<16xf32>
      %get3A_1802 = arith.index_cast %shift_right_logical3A_1728 : i32 to index
      %get3A_1803 = arith.index_cast %and3A_1730 : i32 to index
      %get3A_1804 = arith.constant 48 : index
      %get3A_1805 = tpu.vector_load %arg13[%get3A_1802, %get3A_1803, %get3A_1804] {strides = array<i32>} : memref<4x128x128xf32, #tpu.memory_space<vmem>>, vector<16xf32>,
      %get3A_1806 = arith.index_cast %shift_right_logical3A_1728 : i32 to index
      %get3A_1807 = arith.index_cast %and3A_1730 : i32 to index
      %get3A_1808 = arith.constant 112 : index
      %get3A_1809 = tpu.vector_load %arg13[%get3A_1806, %get3A_1807, %get3A_1808] {strides = array<i32>} : memref<4x128x128xf32, #tpu.memory_space<vmem>>, vector<16xf32>,
      %add3A_1810 = arith.constant 48 : i32
      %add3A_1811 = arith.addi %mul3A_1732, %add3A_1810 : i32
      %get3A_1812 = arith.index_cast %add3A_1811 : i32 to index
      %get3A_1813 = tpu.vector_load %arg15[%get3A_1812] {strides = array<i32>} : memref<35344xi32, #tpu.memory_space<vmem>>, vector<16xi32>,
      %gt3A_1814 = arith.constant 1 : i32
      %gt3A_1815 = vector.broadcast %gt3A_1814 : i32 to vector<16xi32>
      %gt3A_1816 = arith.cmpi sgt, %get3A_1813, %gt3A_1815 : vector<16xi32>
      %exp3A_1817 = math.exp %get3A_1805 : vector<16xf32>
      %exp3A_1818 = math.exp %get3A_1809 : vector<16xf32>
      %broadcast_in_dim3A_1819 = arith.constant 0.000000e+00 : f32
      %broadcast_in_dim3A_1820 = vector.broadcast %broadcast_in_dim3A_1819 : f32 to vector<16xf32>
      %select_n3A_1821 = arith.select %gt3A_1816, %broadcast_in_dim3A_1820, %exp3A_1817 : vector<16xi1>, vector<16xf32>
      %select_n3A_1822 = arith.select %gt3A_1816, %exp3A_1817, %broadcast_in_dim3A_1820 : vector<16xi1>, vector<16xf32>
      %select_n3A_1823 = arith.select %gt3A_1816, %broadcast_in_dim3A_1820, %exp3A_1818 : vector<16xi1>, vector<16xf32>
      %select_n3A_1824 = arith.select %gt3A_1816, %exp3A_1818, %broadcast_in_dim3A_1820 : vector<16xi1>, vector<16xf32>
      %add3A_1825 = arith.addf %select_n3A_1752, %select_n3A_1775 : vector<16xf32>
      %add3A_1826 = arith.addf %select_n3A_1798, %select_n3A_1821 : vector<16xf32>
      %add3A_1827 = arith.addf %add3A_1825, %add3A_1826 : vector<16xf32>
      %swap3A_1828 = arith.constant 221 : index
      %swap3A_1829 = tpu.vector_load %arg20[%swap3A_1828] {strides = array<i32>} : memref<272xf32, #tpu.memory_space<vmem>>, vector<16xf32>,
      tpu.vector_store %arg20[%swap3A_1828], %add3A_1827 {strides = array<i32>} : memref<272xf32, #tpu.memory_space<vmem>>, vector<16xf32>,
      %add3A_1830 = arith.addf %select_n3A_1753, %select_n3A_1776 : vector<16xf32>
      %add3A_1831 = arith.addf %select_n3A_1799, %select_n3A_1822 : vector<16xf32>
      %add3A_1832 = arith.addf %add3A_1830, %add3A_1831 : vector<16xf32>
      %swap3A_1833 = arith.constant 221 : index
      %swap3A_1834 = tpu.vector_load %arg21[%swap3A_1833] {strides = array<i32>} : memref<272xf32, #tpu.memory_space<vmem>>, vector<16xf32>,
      tpu.vector_store %arg21[%swap3A_1833], %add3A_1832 {strides = array<i32>} : memref<272xf32, #tpu.memory_space<vmem>>, vector<16xf32>,
      %add3A_1835 = arith.addf %select_n3A_1754, %select_n3A_1777 : vector<16xf32>
      %add3A_1836 = arith.addf %select_n3A_1800, %select_n3A_1823 : vector<16xf32>
      %add3A_1837 = arith.addf %add3A_1835, %add3A_1836 : vector<16xf32>
      %swap3A_1838 = arith.constant 221 : index
      %swap3A_1839 = tpu.vector_load %arg22[%swap3A_1838] {strides = array<i32>} : memref<272xf32, #tpu.memory_space<vmem>>, vector<16xf32>,
      tpu.vector_store %arg22[%swap3A_1838], %add3A_1837 {strides = array<i32>} : memref<272xf32, #tpu.memory_space<vmem>>, vector<16xf32>,
      %add3A_1840 = arith.addf %select_n3A_1755, %select_n3A_1778 : vector<16xf32>
      %add3A_1841 = arith.addf %select_n3A_1801, %select_n3A_1824 : vector<16xf32>
      %add3A_1842 = arith.addf %add3A_1840, %add3A_1841 : vector<16xf32>
      %swap3A_1843 = arith.constant 221 : index
      %swap3A_1844 = tpu.vector_load %arg23[%swap3A_1843] {strides = array<i32>} : memref<272xf32, #tpu.memory_space<vmem>>, vector<16xf32>,
      tpu.vector_store %arg23[%swap3A_1843], %add3A_1842 {strides = array<i32>} : memref<272xf32, #tpu.memory_space<vmem>>, vector<16xf32>,
      %mul3A_1845 = arith.constant 16 : i32
      %mul3A_1846 = arith.muli %scan3A_124, %mul3A_1845 : i32
      %add3A_1847 = arith.constant 14 : i32
      %add3A_1848 = arith.addi %mul3A_1846, %add3A_1847 : i32
      %shift_right_logical3A_1849 = arith.constant 7 : i32
      %shift_right_logical3A_1850 = arith.shrui %add3A_1848, %shift_right_logical3A_1849 : i32
      %and3A_1851 = arith.constant 127 : i32
      %and3A_1852 = arith.andi %add3A_1848, %and3A_1851 : i32
      %mul3A_1853 = arith.constant 69 : i32
      %mul3A_1854 = arith.muli %add3A_1848, %mul3A_1853 : i32
      %get3A_1855 = arith.index_cast %shift_right_logical3A_1850 : i32 to index
      %get3A_1856 = arith.index_cast %and3A_1852 : i32 to index
      %get3A_1857 = arith.constant 0 : index
      %get3A_1858 = tpu.vector_load %arg13[%get3A_1855, %get3A_1856, %get3A_1857] {strides = array<i32>} : memref<4x128x128xf32, #tpu.memory_space<vmem>>, vector<16xf32>,
      %get3A_1859 = arith.index_cast %shift_right_logical3A_1850 : i32 to index
      %get3A_1860 = arith.index_cast %and3A_1852 : i32 to index
      %get3A_1861 = arith.constant 64 : index
      %get3A_1862 = tpu.vector_load %arg13[%get3A_1859, %get3A_1860, %get3A_1861] {strides = array<i32>} : memref<4x128x128xf32, #tpu.memory_space<vmem>>, vector<16xf32>,
      %add3A_1863 = arith.constant 0 : i32
      %add3A_1864 = arith.addi %mul3A_1854, %add3A_1863 : i32
      %get3A_1865 = arith.index_cast %add3A_1864 : i32 to index
      %get3A_1866 = tpu.vector_load %arg15[%get3A_1865] {strides = array<i32>} : memref<35344xi32, #tpu.memory_space<vmem>>, vector<16xi32>,
      %gt3A_1867 = arith.constant 1 : i32
      %gt3A_1868 = vector.broadcast %gt3A_1867 : i32 to vector<16xi32>
      %gt3A_1869 = arith.cmpi sgt, %get3A_1866, %gt3A_1868 : vector<16xi32>
      %exp3A_1870 = math.exp %get3A_1858 : vector<16xf32>
      %exp3A_1871 = math.exp %get3A_1862 : vector<16xf32>
      %broadcast_in_dim3A_1872 = arith.constant 0.000000e+00 : f32
      %broadcast_in_dim3A_1873 = vector.broadcast %broadcast_in_dim3A_1872 : f32 to vector<16xf32>
      %select_n3A_1874 = arith.select %gt3A_1869, %broadcast_in_dim3A_1873, %exp3A_1870 : vector<16xi1>, vector<16xf32>
      %select_n3A_1875 = arith.select %gt3A_1869, %exp3A_1870, %broadcast_in_dim3A_1873 : vector<16xi1>, vector<16xf32>
      %select_n3A_1876 = arith.select %gt3A_1869, %broadcast_in_dim3A_1873, %exp3A_1871 : vector<16xi1>, vector<16xf32>
      %select_n3A_1877 = arith.select %gt3A_1869, %exp3A_1871, %broadcast_in_dim3A_1873 : vector<16xi1>, vector<16xf32>
      %get3A_1878 = arith.index_cast %shift_right_logical3A_1850 : i32 to index
      %get3A_1879 = arith.index_cast %and3A_1852 : i32 to index
      %get3A_1880 = arith.constant 16 : index
      %get3A_1881 = tpu.vector_load %arg13[%get3A_1878, %get3A_1879, %get3A_1880] {strides = array<i32>} : memref<4x128x128xf32, #tpu.memory_space<vmem>>, vector<16xf32>,
      %get3A_1882 = arith.index_cast %shift_right_logical3A_1850 : i32 to index
      %get3A_1883 = arith.index_cast %and3A_1852 : i32 to index
      %get3A_1884 = arith.constant 80 : index
      %get3A_1885 = tpu.vector_load %arg13[%get3A_1882, %get3A_1883, %get3A_1884] {strides = array<i32>} : memref<4x128x128xf32, #tpu.memory_space<vmem>>, vector<16xf32>,
      %add3A_1886 = arith.constant 16 : i32
      %add3A_1887 = arith.addi %mul3A_1854, %add3A_1886 : i32
      %get3A_1888 = arith.index_cast %add3A_1887 : i32 to index
      %get3A_1889 = tpu.vector_load %arg15[%get3A_1888] {strides = array<i32>} : memref<35344xi32, #tpu.memory_space<vmem>>, vector<16xi32>,
      %gt3A_1890 = arith.constant 1 : i32
      %gt3A_1891 = vector.broadcast %gt3A_1890 : i32 to vector<16xi32>
      %gt3A_1892 = arith.cmpi sgt, %get3A_1889, %gt3A_1891 : vector<16xi32>
      %exp3A_1893 = math.exp %get3A_1881 : vector<16xf32>
      %exp3A_1894 = math.exp %get3A_1885 : vector<16xf32>
      %broadcast_in_dim3A_1895 = arith.constant 0.000000e+00 : f32
      %broadcast_in_dim3A_1896 = vector.broadcast %broadcast_in_dim3A_1895 : f32 to vector<16xf32>
      %select_n3A_1897 = arith.select %gt3A_1892, %broadcast_in_dim3A_1896, %exp3A_1893 : vector<16xi1>, vector<16xf32>
      %select_n3A_1898 = arith.select %gt3A_1892, %exp3A_1893, %broadcast_in_dim3A_1896 : vector<16xi1>, vector<16xf32>
      %select_n3A_1899 = arith.select %gt3A_1892, %broadcast_in_dim3A_1896, %exp3A_1894 : vector<16xi1>, vector<16xf32>
      %select_n3A_1900 = arith.select %gt3A_1892, %exp3A_1894, %broadcast_in_dim3A_1896 : vector<16xi1>, vector<16xf32>
      %get3A_1901 = arith.index_cast %shift_right_logical3A_1850 : i32 to index
      %get3A_1902 = arith.index_cast %and3A_1852 : i32 to index
      %get3A_1903 = arith.constant 32 : index
      %get3A_1904 = tpu.vector_load %arg13[%get3A_1901, %get3A_1902, %get3A_1903] {strides = array<i32>} : memref<4x128x128xf32, #tpu.memory_space<vmem>>, vector<16xf32>,
      %get3A_1905 = arith.index_cast %shift_right_logical3A_1850 : i32 to index
      %get3A_1906 = arith.index_cast %and3A_1852 : i32 to index
      %get3A_1907 = arith.constant 96 : index
      %get3A_1908 = tpu.vector_load %arg13[%get3A_1905, %get3A_1906, %get3A_1907] {strides = array<i32>} : memref<4x128x128xf32, #tpu.memory_space<vmem>>, vector<16xf32>,
      %add3A_1909 = arith.constant 32 : i32
      %add3A_1910 = arith.addi %mul3A_1854, %add3A_1909 : i32
      %get3A_1911 = arith.index_cast %add3A_1910 : i32 to index
      %get3A_1912 = tpu.vector_load %arg15[%get3A_1911] {strides = array<i32>} : memref<35344xi32, #tpu.memory_space<vmem>>, vector<16xi32>,
      %gt3A_1913 = arith.constant 1 : i32
      %gt3A_1914 = vector.broadcast %gt3A_1913 : i32 to vector<16xi32>
      %gt3A_1915 = arith.cmpi sgt, %get3A_1912, %gt3A_1914 : vector<16xi32>
      %exp3A_1916 = math.exp %get3A_1904 : vector<16xf32>
      %exp3A_1917 = math.exp %get3A_1908 : vector<16xf32>
      %broadcast_in_dim3A_1918 = arith.constant 0.000000e+00 : f32
      %broadcast_in_dim3A_1919 = vector.broadcast %broadcast_in_dim3A_1918 : f32 to vector<16xf32>
      %select_n3A_1920 = arith.select %gt3A_1915, %broadcast_in_dim3A_1919, %exp3A_1916 : vector<16xi1>, vector<16xf32>
      %select_n3A_1921 = arith.select %gt3A_1915, %exp3A_1916, %broadcast_in_dim3A_1919 : vector<16xi1>, vector<16xf32>
      %select_n3A_1922 = arith.select %gt3A_1915, %broadcast_in_dim3A_1919, %exp3A_1917 : vector<16xi1>, vector<16xf32>
      %select_n3A_1923 = arith.select %gt3A_1915, %exp3A_1917, %broadcast_in_dim3A_1919 : vector<16xi1>, vector<16xf32>
      %get3A_1924 = arith.index_cast %shift_right_logical3A_1850 : i32 to index
      %get3A_1925 = arith.index_cast %and3A_1852 : i32 to index
      %get3A_1926 = arith.constant 48 : index
      %get3A_1927 = tpu.vector_load %arg13[%get3A_1924, %get3A_1925, %get3A_1926] {strides = array<i32>} : memref<4x128x128xf32, #tpu.memory_space<vmem>>, vector<16xf32>,
      %get3A_1928 = arith.index_cast %shift_right_logical3A_1850 : i32 to index
      %get3A_1929 = arith.index_cast %and3A_1852 : i32 to index
      %get3A_1930 = arith.constant 112 : index
      %get3A_1931 = tpu.vector_load %arg13[%get3A_1928, %get3A_1929, %get3A_1930] {strides = array<i32>} : memref<4x128x128xf32, #tpu.memory_space<vmem>>, vector<16xf32>,
      %add3A_1932 = arith.constant 48 : i32
      %add3A_1933 = arith.addi %mul3A_1854, %add3A_1932 : i32
      %get3A_1934 = arith.index_cast %add3A_1933 : i32 to index
      %get3A_1935 = tpu.vector_load %arg15[%get3A_1934] {strides = array<i32>} : memref<35344xi32, #tpu.memory_space<vmem>>, vector<16xi32>,
      %gt3A_1936 = arith.constant 1 : i32
      %gt3A_1937 = vector.broadcast %gt3A_1936 : i32 to vector<16xi32>
      %gt3A_1938 = arith.cmpi sgt, %get3A_1935, %gt3A_1937 : vector<16xi32>
      %exp3A_1939 = math.exp %get3A_1927 : vector<16xf32>
      %exp3A_1940 = math.exp %get3A_1931 : vector<16xf32>
      %broadcast_in_dim3A_1941 = arith.constant 0.000000e+00 : f32
      %broadcast_in_dim3A_1942 = vector.broadcast %broadcast_in_dim3A_1941 : f32 to vector<16xf32>
      %select_n3A_1943 = arith.select %gt3A_1938, %broadcast_in_dim3A_1942, %exp3A_1939 : vector<16xi1>, vector<16xf32>
      %select_n3A_1944 = arith.select %gt3A_1938, %exp3A_1939, %broadcast_in_dim3A_1942 : vector<16xi1>, vector<16xf32>
      %select_n3A_1945 = arith.select %gt3A_1938, %broadcast_in_dim3A_1942, %exp3A_1940 : vector<16xi1>, vector<16xf32>
      %select_n3A_1946 = arith.select %gt3A_1938, %exp3A_1940, %broadcast_in_dim3A_1942 : vector<16xi1>, vector<16xf32>
      %add3A_1947 = arith.addf %select_n3A_1874, %select_n3A_1897 : vector<16xf32>
      %add3A_1948 = arith.addf %select_n3A_1920, %select_n3A_1943 : vector<16xf32>
      %add3A_1949 = arith.addf %add3A_1947, %add3A_1948 : vector<16xf32>
      %swap3A_1950 = arith.constant 238 : index
      %swap3A_1951 = tpu.vector_load %arg20[%swap3A_1950] {strides = array<i32>} : memref<272xf32, #tpu.memory_space<vmem>>, vector<16xf32>,
      tpu.vector_store %arg20[%swap3A_1950], %add3A_1949 {strides = array<i32>} : memref<272xf32, #tpu.memory_space<vmem>>, vector<16xf32>,
      %add3A_1952 = arith.addf %select_n3A_1875, %select_n3A_1898 : vector<16xf32>
      %add3A_1953 = arith.addf %select_n3A_1921, %select_n3A_1944 : vector<16xf32>
      %add3A_1954 = arith.addf %add3A_1952, %add3A_1953 : vector<16xf32>
      %swap3A_1955 = arith.constant 238 : index
      %swap3A_1956 = tpu.vector_load %arg21[%swap3A_1955] {strides = array<i32>} : memref<272xf32, #tpu.memory_space<vmem>>, vector<16xf32>,
      tpu.vector_store %arg21[%swap3A_1955], %add3A_1954 {strides = array<i32>} : memref<272xf32, #tpu.memory_space<vmem>>, vector<16xf32>,
      %add3A_1957 = arith.addf %select_n3A_1876, %select_n3A_1899 : vector<16xf32>
      %add3A_1958 = arith.addf %select_n3A_1922, %select_n3A_1945 : vector<16xf32>
      %add3A_1959 = arith.addf %add3A_1957, %add3A_1958 : vector<16xf32>
      %swap3A_1960 = arith.constant 238 : index
      %swap3A_1961 = tpu.vector_load %arg22[%swap3A_1960] {strides = array<i32>} : memref<272xf32, #tpu.memory_space<vmem>>, vector<16xf32>,
      tpu.vector_store %arg22[%swap3A_1960], %add3A_1959 {strides = array<i32>} : memref<272xf32, #tpu.memory_space<vmem>>, vector<16xf32>,
      %add3A_1962 = arith.addf %select_n3A_1877, %select_n3A_1900 : vector<16xf32>
      %add3A_1963 = arith.addf %select_n3A_1923, %select_n3A_1946 : vector<16xf32>
      %add3A_1964 = arith.addf %add3A_1962, %add3A_1963 : vector<16xf32>
      %swap3A_1965 = arith.constant 238 : index
      %swap3A_1966 = tpu.vector_load %arg23[%swap3A_1965] {strides = array<i32>} : memref<272xf32, #tpu.memory_space<vmem>>, vector<16xf32>,
      tpu.vector_store %arg23[%swap3A_1965], %add3A_1964 {strides = array<i32>} : memref<272xf32, #tpu.memory_space<vmem>>, vector<16xf32>,
      %mul3A_1967 = arith.constant 16 : i32
      %mul3A_1968 = arith.muli %scan3A_124, %mul3A_1967 : i32
      %add3A_1969 = arith.constant 15 : i32
      %add3A_1970 = arith.addi %mul3A_1968, %add3A_1969 : i32
      %shift_right_logical3A_1971 = arith.constant 7 : i32
      %shift_right_logical3A_1972 = arith.shrui %add3A_1970, %shift_right_logical3A_1971 : i32
      %and3A_1973 = arith.constant 127 : i32
      %and3A_1974 = arith.andi %add3A_1970, %and3A_1973 : i32
      %mul3A_1975 = arith.constant 69 : i32
      %mul3A_1976 = arith.muli %add3A_1970, %mul3A_1975 : i32
      %get3A_1977 = arith.index_cast %shift_right_logical3A_1972 : i32 to index
      %get3A_1978 = arith.index_cast %and3A_1974 : i32 to index
      %get3A_1979 = arith.constant 0 : index
      %get3A_1980 = tpu.vector_load %arg13[%get3A_1977, %get3A_1978, %get3A_1979] {strides = array<i32>} : memref<4x128x128xf32, #tpu.memory_space<vmem>>, vector<16xf32>,
      %get3A_1981 = arith.index_cast %shift_right_logical3A_1972 : i32 to index
      %get3A_1982 = arith.index_cast %and3A_1974 : i32 to index
      %get3A_1983 = arith.constant 64 : index
      %get3A_1984 = tpu.vector_load %arg13[%get3A_1981, %get3A_1982, %get3A_1983] {strides = array<i32>} : memref<4x128x128xf32, #tpu.memory_space<vmem>>, vector<16xf32>,
      %add3A_1985 = arith.constant 0 : i32
      %add3A_1986 = arith.addi %mul3A_1976, %add3A_1985 : i32
      %get3A_1987 = arith.index_cast %add3A_1986 : i32 to index
      %get3A_1988 = tpu.vector_load %arg15[%get3A_1987] {strides = array<i32>} : memref<35344xi32, #tpu.memory_space<vmem>>, vector<16xi32>,
      %gt3A_1989 = arith.constant 1 : i32
      %gt3A_1990 = vector.broadcast %gt3A_1989 : i32 to vector<16xi32>
      %gt3A_1991 = arith.cmpi sgt, %get3A_1988, %gt3A_1990 : vector<16xi32>
      %exp3A_1992 = math.exp %get3A_1980 : vector<16xf32>
      %exp3A_1993 = math.exp %get3A_1984 : vector<16xf32>
      %broadcast_in_dim3A_1994 = arith.constant 0.000000e+00 : f32
      %broadcast_in_dim3A_1995 = vector.broadcast %broadcast_in_dim3A_1994 : f32 to vector<16xf32>
      %select_n3A_1996 = arith.select %gt3A_1991, %broadcast_in_dim3A_1995, %exp3A_1992 : vector<16xi1>, vector<16xf32>
      %select_n3A_1997 = arith.select %gt3A_1991, %exp3A_1992, %broadcast_in_dim3A_1995 : vector<16xi1>, vector<16xf32>
      %select_n3A_1998 = arith.select %gt3A_1991, %broadcast_in_dim3A_1995, %exp3A_1993 : vector<16xi1>, vector<16xf32>
      %select_n3A_1999 = arith.select %gt3A_1991, %exp3A_1993, %broadcast_in_dim3A_1995 : vector<16xi1>, vector<16xf32>
      %get3A_2000 = arith.index_cast %shift_right_logical3A_1972 : i32 to index
      %get3A_2001 = arith.index_cast %and3A_1974 : i32 to index
      %get3A_2002 = arith.constant 16 : index
      %get3A_2003 = tpu.vector_load %arg13[%get3A_2000, %get3A_2001, %get3A_2002] {strides = array<i32>} : memref<4x128x128xf32, #tpu.memory_space<vmem>>, vector<16xf32>,
      %get3A_2004 = arith.index_cast %shift_right_logical3A_1972 : i32 to index
      %get3A_2005 = arith.index_cast %and3A_1974 : i32 to index
      %get3A_2006 = arith.constant 80 : index
      %get3A_2007 = tpu.vector_load %arg13[%get3A_2004, %get3A_2005, %get3A_2006] {strides = array<i32>} : memref<4x128x128xf32, #tpu.memory_space<vmem>>, vector<16xf32>,
      %add3A_2008 = arith.constant 16 : i32
      %add3A_2009 = arith.addi %mul3A_1976, %add3A_2008 : i32
      %get3A_2010 = arith.index_cast %add3A_2009 : i32 to index
      %get3A_2011 = tpu.vector_load %arg15[%get3A_2010] {strides = array<i32>} : memref<35344xi32, #tpu.memory_space<vmem>>, vector<16xi32>,
      %gt3A_2012 = arith.constant 1 : i32
      %gt3A_2013 = vector.broadcast %gt3A_2012 : i32 to vector<16xi32>
      %gt3A_2014 = arith.cmpi sgt, %get3A_2011, %gt3A_2013 : vector<16xi32>
      %exp3A_2015 = math.exp %get3A_2003 : vector<16xf32>
      %exp3A_2016 = math.exp %get3A_2007 : vector<16xf32>
      %broadcast_in_dim3A_2017 = arith.constant 0.000000e+00 : f32
      %broadcast_in_dim3A_2018 = vector.broadcast %broadcast_in_dim3A_2017 : f32 to vector<16xf32>
      %select_n3A_2019 = arith.select %gt3A_2014, %broadcast_in_dim3A_2018, %exp3A_2015 : vector<16xi1>, vector<16xf32>
      %select_n3A_2020 = arith.select %gt3A_2014, %exp3A_2015, %broadcast_in_dim3A_2018 : vector<16xi1>, vector<16xf32>
      %select_n3A_2021 = arith.select %gt3A_2014, %broadcast_in_dim3A_2018, %exp3A_2016 : vector<16xi1>, vector<16xf32>
      %select_n3A_2022 = arith.select %gt3A_2014, %exp3A_2016, %broadcast_in_dim3A_2018 : vector<16xi1>, vector<16xf32>
      %get3A_2023 = arith.index_cast %shift_right_logical3A_1972 : i32 to index
      %get3A_2024 = arith.index_cast %and3A_1974 : i32 to index
      %get3A_2025 = arith.constant 32 : index
      %get3A_2026 = tpu.vector_load %arg13[%get3A_2023, %get3A_2024, %get3A_2025] {strides = array<i32>} : memref<4x128x128xf32, #tpu.memory_space<vmem>>, vector<16xf32>,
      %get3A_2027 = arith.index_cast %shift_right_logical3A_1972 : i32 to index
      %get3A_2028 = arith.index_cast %and3A_1974 : i32 to index
      %get3A_2029 = arith.constant 96 : index
      %get3A_2030 = tpu.vector_load %arg13[%get3A_2027, %get3A_2028, %get3A_2029] {strides = array<i32>} : memref<4x128x128xf32, #tpu.memory_space<vmem>>, vector<16xf32>,
      %add3A_2031 = arith.constant 32 : i32
      %add3A_2032 = arith.addi %mul3A_1976, %add3A_2031 : i32
      %get3A_2033 = arith.index_cast %add3A_2032 : i32 to index
      %get3A_2034 = tpu.vector_load %arg15[%get3A_2033] {strides = array<i32>} : memref<35344xi32, #tpu.memory_space<vmem>>, vector<16xi32>,
      %gt3A_2035 = arith.constant 1 : i32
      %gt3A_2036 = vector.broadcast %gt3A_2035 : i32 to vector<16xi32>
      %gt3A_2037 = arith.cmpi sgt, %get3A_2034, %gt3A_2036 : vector<16xi32>
      %exp3A_2038 = math.exp %get3A_2026 : vector<16xf32>
      %exp3A_2039 = math.exp %get3A_2030 : vector<16xf32>
      %broadcast_in_dim3A_2040 = arith.constant 0.000000e+00 : f32
      %broadcast_in_dim3A_2041 = vector.broadcast %broadcast_in_dim3A_2040 : f32 to vector<16xf32>
      %select_n3A_2042 = arith.select %gt3A_2037, %broadcast_in_dim3A_2041, %exp3A_2038 : vector<16xi1>, vector<16xf32>
      %select_n3A_2043 = arith.select %gt3A_2037, %exp3A_2038, %broadcast_in_dim3A_2041 : vector<16xi1>, vector<16xf32>
      %select_n3A_2044 = arith.select %gt3A_2037, %broadcast_in_dim3A_2041, %exp3A_2039 : vector<16xi1>, vector<16xf32>
      %select_n3A_2045 = arith.select %gt3A_2037, %exp3A_2039, %broadcast_in_dim3A_2041 : vector<16xi1>, vector<16xf32>
      %get3A_2046 = arith.index_cast %shift_right_logical3A_1972 : i32 to index
      %get3A_2047 = arith.index_cast %and3A_1974 : i32 to index
      %get3A_2048 = arith.constant 48 : index
      %get3A_2049 = tpu.vector_load %arg13[%get3A_2046, %get3A_2047, %get3A_2048] {strides = array<i32>} : memref<4x128x128xf32, #tpu.memory_space<vmem>>, vector<16xf32>,
      %get3A_2050 = arith.index_cast %shift_right_logical3A_1972 : i32 to index
      %get3A_2051 = arith.index_cast %and3A_1974 : i32 to index
      %get3A_2052 = arith.constant 112 : index
      %get3A_2053 = tpu.vector_load %arg13[%get3A_2050, %get3A_2051, %get3A_2052] {strides = array<i32>} : memref<4x128x128xf32, #tpu.memory_space<vmem>>, vector<16xf32>,
      %add3A_2054 = arith.constant 48 : i32
      %add3A_2055 = arith.addi %mul3A_1976, %add3A_2054 : i32
      %get3A_2056 = arith.index_cast %add3A_2055 : i32 to index
      %get3A_2057 = tpu.vector_load %arg15[%get3A_2056] {strides = array<i32>} : memref<35344xi32, #tpu.memory_space<vmem>>, vector<16xi32>,
      %gt3A_2058 = arith.constant 1 : i32
      %gt3A_2059 = vector.broadcast %gt3A_2058 : i32 to vector<16xi32>
      %gt3A_2060 = arith.cmpi sgt, %get3A_2057, %gt3A_2059 : vector<16xi32>
      %exp3A_2061 = math.exp %get3A_2049 : vector<16xf32>
      %exp3A_2062 = math.exp %get3A_2053 : vector<16xf32>
      %broadcast_in_dim3A_2063 = arith.constant 0.000000e+00 : f32
      %broadcast_in_dim3A_2064 = vector.broadcast %broadcast_in_dim3A_2063 : f32 to vector<16xf32>
      %select_n3A_2065 = arith.select %gt3A_2060, %broadcast_in_dim3A_2064, %exp3A_2061 : vector<16xi1>, vector<16xf32>
      %select_n3A_2066 = arith.select %gt3A_2060, %exp3A_2061, %broadcast_in_dim3A_2064 : vector<16xi1>, vector<16xf32>
      %select_n3A_2067 = arith.select %gt3A_2060, %broadcast_in_dim3A_2064, %exp3A_2062 : vector<16xi1>, vector<16xf32>
      %select_n3A_2068 = arith.select %gt3A_2060, %exp3A_2062, %broadcast_in_dim3A_2064 : vector<16xi1>, vector<16xf32>
      %add3A_2069 = arith.addf %select_n3A_1996, %select_n3A_2019 : vector<16xf32>
      %add3A_2070 = arith.addf %select_n3A_2042, %select_n3A_2065 : vector<16xf32>
      %add3A_2071 = arith.addf %add3A_2069, %add3A_2070 : vector<16xf32>
      %swap3A_2072 = arith.constant 255 : index
      %swap3A_2073 = tpu.vector_load %arg20[%swap3A_2072] {strides = array<i32>} : memref<272xf32, #tpu.memory_space<vmem>>, vector<16xf32>,
      tpu.vector_store %arg20[%swap3A_2072], %add3A_2071 {strides = array<i32>} : memref<272xf32, #tpu.memory_space<vmem>>, vector<16xf32>,
      %add3A_2074 = arith.addf %select_n3A_1997, %select_n3A_2020 : vector<16xf32>
      %add3A_2075 = arith.addf %select_n3A_2043, %select_n3A_2066 : vector<16xf32>
      %add3A_2076 = arith.addf %add3A_2074, %add3A_2075 : vector<16xf32>
      %swap3A_2077 = arith.constant 255 : index
      %swap3A_2078 = tpu.vector_load %arg21[%swap3A_2077] {strides = array<i32>} : memref<272xf32, #tpu.memory_space<vmem>>, vector<16xf32>,
      tpu.vector_store %arg21[%swap3A_2077], %add3A_2076 {strides = array<i32>} : memref<272xf32, #tpu.memory_space<vmem>>, vector<16xf32>,
      %add3A_2079 = arith.addf %select_n3A_1998, %select_n3A_2021 : vector<16xf32>
      %add3A_2080 = arith.addf %select_n3A_2044, %select_n3A_2067 : vector<16xf32>
      %add3A_2081 = arith.addf %add3A_2079, %add3A_2080 : vector<16xf32>
      %swap3A_2082 = arith.constant 255 : index
      %swap3A_2083 = tpu.vector_load %arg22[%swap3A_2082] {strides = array<i32>} : memref<272xf32, #tpu.memory_space<vmem>>, vector<16xf32>,
      tpu.vector_store %arg22[%swap3A_2082], %add3A_2081 {strides = array<i32>} : memref<272xf32, #tpu.memory_space<vmem>>, vector<16xf32>,
      %add3A_2084 = arith.addf %select_n3A_1999, %select_n3A_2022 : vector<16xf32>
      %add3A_2085 = arith.addf %select_n3A_2045, %select_n3A_2068 : vector<16xf32>
      %add3A_2086 = arith.addf %add3A_2084, %add3A_2085 : vector<16xf32>
      %swap3A_2087 = arith.constant 255 : index
      %swap3A_2088 = tpu.vector_load %arg23[%swap3A_2087] {strides = array<i32>} : memref<272xf32, #tpu.memory_space<vmem>>, vector<16xf32>,
      tpu.vector_store %arg23[%swap3A_2087], %add3A_2086 {strides = array<i32>} : memref<272xf32, #tpu.memory_space<vmem>>, vector<16xf32>,
      %gather3A_2089 = tpu.vector_load_idx %arg22[%mul3A_5] : memref<272xf32, #tpu.memory_space<vmem>>[vector<16xi32>], vector<16xf32>,
      %add3A_2090 = arith.constant 1 : i32
      %add3A_2091 = vector.broadcast %add3A_2090 : i32 to vector<16xi32>
      %add3A_2092 = arith.addi %mul3A_5, %add3A_2091 : vector<16xi32>
      %gather3A_2093 = tpu.vector_load_idx %arg22[%add3A_2092] : memref<272xf32, #tpu.memory_space<vmem>>[vector<16xi32>], vector<16xf32>,
      %add3A_2094 = arith.constant 2 : i32
      %add3A_2095 = vector.broadcast %add3A_2094 : i32 to vector<16xi32>
      %add3A_2096 = arith.addi %mul3A_5, %add3A_2095 : vector<16xi32>
      %gather3A_2097 = tpu.vector_load_idx %arg22[%add3A_2096] : memref<272xf32, #tpu.memory_space<vmem>>[vector<16xi32>], vector<16xf32>,
      %add3A_2098 = arith.addf %gather3A_2089, %gather3A_2097 : vector<16xf32>
      %add3A_2099 = arith.constant 2 : i32
      %add3A_2100 = vector.broadcast %add3A_2099 : i32 to vector<16xi32>
      %add3A_2101 = arith.addi %mul3A_5, %add3A_2100 : vector<16xi32>
      %add3A_2102 = arith.constant 1 : i32
      %add3A_2103 = vector.broadcast %add3A_2102 : i32 to vector<16xi32>
      %add3A_2104 = arith.addi %add3A_2101, %add3A_2103 : vector<16xi32>
      %gather3A_2105 = tpu.vector_load_idx %arg22[%add3A_2104] : memref<272xf32, #tpu.memory_space<vmem>>[vector<16xi32>], vector<16xf32>,
      %add3A_2106 = arith.addf %gather3A_2093, %gather3A_2105 : vector<16xf32>
      %add3A_2107 = arith.constant 4 : i32
      %add3A_2108 = vector.broadcast %add3A_2107 : i32 to vector<16xi32>
      %add3A_2109 = arith.addi %mul3A_5, %add3A_2108 : vector<16xi32>
      %gather3A_2110 = tpu.vector_load_idx %arg22[%add3A_2109] : memref<272xf32, #tpu.memory_space<vmem>>[vector<16xi32>], vector<16xf32>,
      %add3A_2111 = arith.addf %add3A_2098, %gather3A_2110 : vector<16xf32>
      %add3A_2112 = arith.constant 4 : i32
      %add3A_2113 = vector.broadcast %add3A_2112 : i32 to vector<16xi32>
      %add3A_2114 = arith.addi %mul3A_5, %add3A_2113 : vector<16xi32>
      %add3A_2115 = arith.constant 1 : i32
      %add3A_2116 = vector.broadcast %add3A_2115 : i32 to vector<16xi32>
      %add3A_2117 = arith.addi %add3A_2114, %add3A_2116 : vector<16xi32>
      %gather3A_2118 = tpu.vector_load_idx %arg22[%add3A_2117] : memref<272xf32, #tpu.memory_space<vmem>>[vector<16xi32>], vector<16xf32>,
      %add3A_2119 = arith.addf %add3A_2106, %gather3A_2118 : vector<16xf32>
      %add3A_2120 = arith.constant 6 : i32
      %add3A_2121 = vector.broadcast %add3A_2120 : i32 to vector<16xi32>
      %add3A_2122 = arith.addi %mul3A_5, %add3A_2121 : vector<16xi32>
      %gather3A_2123 = tpu.vector_load_idx %arg22[%add3A_2122] : memref<272xf32, #tpu.memory_space<vmem>>[vector<16xi32>], vector<16xf32>,
      %add3A_2124 = arith.addf %add3A_2111, %gather3A_2123 : vector<16xf32>
      %add3A_2125 = arith.constant 6 : i32
      %add3A_2126 = vector.broadcast %add3A_2125 : i32 to vector<16xi32>
      %add3A_2127 = arith.addi %mul3A_5, %add3A_2126 : vector<16xi32>
      %add3A_2128 = arith.constant 1 : i32
      %add3A_2129 = vector.broadcast %add3A_2128 : i32 to vector<16xi32>
      %add3A_2130 = arith.addi %add3A_2127, %add3A_2129 : vector<16xi32>
      %gather3A_2131 = tpu.vector_load_idx %arg22[%add3A_2130] : memref<272xf32, #tpu.memory_space<vmem>>[vector<16xi32>], vector<16xf32>,
      %add3A_2132 = arith.addf %add3A_2119, %gather3A_2131 : vector<16xf32>
      %add3A_2133 = arith.constant 8 : i32
      %add3A_2134 = vector.broadcast %add3A_2133 : i32 to vector<16xi32>
      %add3A_2135 = arith.addi %mul3A_5, %add3A_2134 : vector<16xi32>
      %gather3A_2136 = tpu.vector_load_idx %arg22[%add3A_2135] : memref<272xf32, #tpu.memory_space<vmem>>[vector<16xi32>], vector<16xf32>,
      %add3A_2137 = arith.addf %add3A_2124, %gather3A_2136 : vector<16xf32>
      %add3A_2138 = arith.constant 8 : i32
      %add3A_2139 = vector.broadcast %add3A_2138 : i32 to vector<16xi32>
      %add3A_2140 = arith.addi %mul3A_5, %add3A_2139 : vector<16xi32>
      %add3A_2141 = arith.constant 1 : i32
      %add3A_2142 = vector.broadcast %add3A_2141 : i32 to vector<16xi32>
      %add3A_2143 = arith.addi %add3A_2140, %add3A_2142 : vector<16xi32>
      %gather3A_2144 = tpu.vector_load_idx %arg22[%add3A_2143] : memref<272xf32, #tpu.memory_space<vmem>>[vector<16xi32>], vector<16xf32>,
      %add3A_2145 = arith.addf %add3A_2132, %gather3A_2144 : vector<16xf32>
      %add3A_2146 = arith.constant 10 : i32
      %add3A_2147 = vector.broadcast %add3A_2146 : i32 to vector<16xi32>
      %add3A_2148 = arith.addi %mul3A_5, %add3A_2147 : vector<16xi32>
      %gather3A_2149 = tpu.vector_load_idx %arg22[%add3A_2148] : memref<272xf32, #tpu.memory_space<vmem>>[vector<16xi32>], vector<16xf32>,
      %add3A_2150 = arith.addf %add3A_2137, %gather3A_2149 : vector<16xf32>
      %add3A_2151 = arith.constant 10 : i32
      %add3A_2152 = vector.broadcast %add3A_2151 : i32 to vector<16xi32>
      %add3A_2153 = arith.addi %mul3A_5, %add3A_2152 : vector<16xi32>
      %add3A_2154 = arith.constant 1 : i32
      %add3A_2155 = vector.broadcast %add3A_2154 : i32 to vector<16xi32>
      %add3A_2156 = arith.addi %add3A_2153, %add3A_2155 : vector<16xi32>
      %gather3A_2157 = tpu.vector_load_idx %arg22[%add3A_2156] : memref<272xf32, #tpu.memory_space<vmem>>[vector<16xi32>], vector<16xf32>,
      %add3A_2158 = arith.addf %add3A_2145, %gather3A_2157 : vector<16xf32>
      %add3A_2159 = arith.constant 12 : i32
      %add3A_2160 = vector.broadcast %add3A_2159 : i32 to vector<16xi32>
      %add3A_2161 = arith.addi %mul3A_5, %add3A_2160 : vector<16xi32>
      %gather3A_2162 = tpu.vector_load_idx %arg22[%add3A_2161] : memref<272xf32, #tpu.memory_space<vmem>>[vector<16xi32>], vector<16xf32>,
      %add3A_2163 = arith.addf %add3A_2150, %gather3A_2162 : vector<16xf32>
      %add3A_2164 = arith.constant 12 : i32
      %add3A_2165 = vector.broadcast %add3A_2164 : i32 to vector<16xi32>
      %add3A_2166 = arith.addi %mul3A_5, %add3A_2165 : vector<16xi32>
      %add3A_2167 = arith.constant 1 : i32
      %add3A_2168 = vector.broadcast %add3A_2167 : i32 to vector<16xi32>
      %add3A_2169 = arith.addi %add3A_2166, %add3A_2168 : vector<16xi32>
      %gather3A_2170 = tpu.vector_load_idx %arg22[%add3A_2169] : memref<272xf32, #tpu.memory_space<vmem>>[vector<16xi32>], vector<16xf32>,
      %add3A_2171 = arith.addf %add3A_2158, %gather3A_2170 : vector<16xf32>
      %add3A_2172 = arith.constant 14 : i32
      %add3A_2173 = vector.broadcast %add3A_2172 : i32 to vector<16xi32>
      %add3A_2174 = arith.addi %mul3A_5, %add3A_2173 : vector<16xi32>
      %gather3A_2175 = tpu.vector_load_idx %arg22[%add3A_2174] : memref<272xf32, #tpu.memory_space<vmem>>[vector<16xi32>], vector<16xf32>,
      %add3A_2176 = arith.addf %add3A_2163, %gather3A_2175 : vector<16xf32>
      %add3A_2177 = arith.constant 14 : i32
      %add3A_2178 = vector.broadcast %add3A_2177 : i32 to vector<16xi32>
      %add3A_2179 = arith.addi %mul3A_5, %add3A_2178 : vector<16xi32>
      %add3A_2180 = arith.constant 1 : i32
      %add3A_2181 = vector.broadcast %add3A_2180 : i32 to vector<16xi32>
      %add3A_2182 = arith.addi %add3A_2179, %add3A_2181 : vector<16xi32>
      %gather3A_2183 = tpu.vector_load_idx %arg22[%add3A_2182] : memref<272xf32, #tpu.memory_space<vmem>>[vector<16xi32>], vector<16xf32>,
      %add3A_2184 = arith.addf %add3A_2171, %gather3A_2183 : vector<16xf32>
      %add3A_2185 = arith.addf %add3A_2176, %add3A_2184 : vector<16xf32>
      %gather3A_2186 = tpu.vector_load_idx %arg20[%mul3A_5] : memref<272xf32, #tpu.memory_space<vmem>>[vector<16xi32>], vector<16xf32>,
      %add3A_2187 = arith.constant 1 : i32
      %add3A_2188 = vector.broadcast %add3A_2187 : i32 to vector<16xi32>
      %add3A_2189 = arith.addi %mul3A_5, %add3A_2188 : vector<16xi32>
      %gather3A_2190 = tpu.vector_load_idx %arg20[%add3A_2189] : memref<272xf32, #tpu.memory_space<vmem>>[vector<16xi32>], vector<16xf32>,
      %add3A_2191 = arith.constant 2 : i32
      %add3A_2192 = vector.broadcast %add3A_2191 : i32 to vector<16xi32>
      %add3A_2193 = arith.addi %mul3A_5, %add3A_2192 : vector<16xi32>
      %gather3A_2194 = tpu.vector_load_idx %arg20[%add3A_2193] : memref<272xf32, #tpu.memory_space<vmem>>[vector<16xi32>], vector<16xf32>,
      %add3A_2195 = arith.addf %gather3A_2186, %gather3A_2194 : vector<16xf32>
      %add3A_2196 = arith.constant 2 : i32
      %add3A_2197 = vector.broadcast %add3A_2196 : i32 to vector<16xi32>
      %add3A_2198 = arith.addi %mul3A_5, %add3A_2197 : vector<16xi32>
      %add3A_2199 = arith.constant 1 : i32
      %add3A_2200 = vector.broadcast %add3A_2199 : i32 to vector<16xi32>
      %add3A_2201 = arith.addi %add3A_2198, %add3A_2200 : vector<16xi32>
      %gather3A_2202 = tpu.vector_load_idx %arg20[%add3A_2201] : memref<272xf32, #tpu.memory_space<vmem>>[vector<16xi32>], vector<16xf32>,
      %add3A_2203 = arith.addf %gather3A_2190, %gather3A_2202 : vector<16xf32>
      %add3A_2204 = arith.constant 4 : i32
      %add3A_2205 = vector.broadcast %add3A_2204 : i32 to vector<16xi32>
      %add3A_2206 = arith.addi %mul3A_5, %add3A_2205 : vector<16xi32>
      %gather3A_2207 = tpu.vector_load_idx %arg20[%add3A_2206] : memref<272xf32, #tpu.memory_space<vmem>>[vector<16xi32>], vector<16xf32>,
      %add3A_2208 = arith.addf %add3A_2195, %gather3A_2207 : vector<16xf32>
      %add3A_2209 = arith.constant 4 : i32
      %add3A_2210 = vector.broadcast %add3A_2209 : i32 to vector<16xi32>
      %add3A_2211 = arith.addi %mul3A_5, %add3A_2210 : vector<16xi32>
      %add3A_2212 = arith.constant 1 : i32
      %add3A_2213 = vector.broadcast %add3A_2212 : i32 to vector<16xi32>
      %add3A_2214 = arith.addi %add3A_2211, %add3A_2213 : vector<16xi32>
      %gather3A_2215 = tpu.vector_load_idx %arg20[%add3A_2214] : memref<272xf32, #tpu.memory_space<vmem>>[vector<16xi32>], vector<16xf32>,
      %add3A_2216 = arith.addf %add3A_2203, %gather3A_2215 : vector<16xf32>
      %add3A_2217 = arith.constant 6 : i32
      %add3A_2218 = vector.broadcast %add3A_2217 : i32 to vector<16xi32>
      %add3A_2219 = arith.addi %mul3A_5, %add3A_2218 : vector<16xi32>
      %gather3A_2220 = tpu.vector_load_idx %arg20[%add3A_2219] : memref<272xf32, #tpu.memory_space<vmem>>[vector<16xi32>], vector<16xf32>,
      %add3A_2221 = arith.addf %add3A_2208, %gather3A_2220 : vector<16xf32>
      %add3A_2222 = arith.constant 6 : i32
      %add3A_2223 = vector.broadcast %add3A_2222 : i32 to vector<16xi32>
      %add3A_2224 = arith.addi %mul3A_5, %add3A_2223 : vector<16xi32>
      %add3A_2225 = arith.constant 1 : i32
      %add3A_2226 = vector.broadcast %add3A_2225 : i32 to vector<16xi32>
      %add3A_2227 = arith.addi %add3A_2224, %add3A_2226 : vector<16xi32>
      %gather3A_2228 = tpu.vector_load_idx %arg20[%add3A_2227] : memref<272xf32, #tpu.memory_space<vmem>>[vector<16xi32>], vector<16xf32>,
      %add3A_2229 = arith.addf %add3A_2216, %gather3A_2228 : vector<16xf32>
      %add3A_2230 = arith.constant 8 : i32
      %add3A_2231 = vector.broadcast %add3A_2230 : i32 to vector<16xi32>
      %add3A_2232 = arith.addi %mul3A_5, %add3A_2231 : vector<16xi32>
      %gather3A_2233 = tpu.vector_load_idx %arg20[%add3A_2232] : memref<272xf32, #tpu.memory_space<vmem>>[vector<16xi32>], vector<16xf32>,
      %add3A_2234 = arith.addf %add3A_2221, %gather3A_2233 : vector<16xf32>
      %add3A_2235 = arith.constant 8 : i32
      %add3A_2236 = vector.broadcast %add3A_2235 : i32 to vector<16xi32>
      %add3A_2237 = arith.addi %mul3A_5, %add3A_2236 : vector<16xi32>
      %add3A_2238 = arith.constant 1 : i32
      %add3A_2239 = vector.broadcast %add3A_2238 : i32 to vector<16xi32>
      %add3A_2240 = arith.addi %add3A_2237, %add3A_2239 : vector<16xi32>
      %gather3A_2241 = tpu.vector_load_idx %arg20[%add3A_2240] : memref<272xf32, #tpu.memory_space<vmem>>[vector<16xi32>], vector<16xf32>,
      %add3A_2242 = arith.addf %add3A_2229, %gather3A_2241 : vector<16xf32>
      %add3A_2243 = arith.constant 10 : i32
      %add3A_2244 = vector.broadcast %add3A_2243 : i32 to vector<16xi32>
      %add3A_2245 = arith.addi %mul3A_5, %add3A_2244 : vector<16xi32>
      %gather3A_2246 = tpu.vector_load_idx %arg20[%add3A_2245] : memref<272xf32, #tpu.memory_space<vmem>>[vector<16xi32>], vector<16xf32>,
      %add3A_2247 = arith.addf %add3A_2234, %gather3A_2246 : vector<16xf32>
      %add3A_2248 = arith.constant 10 : i32
      %add3A_2249 = vector.broadcast %add3A_2248 : i32 to vector<16xi32>
      %add3A_2250 = arith.addi %mul3A_5, %add3A_2249 : vector<16xi32>
      %add3A_2251 = arith.constant 1 : i32
      %add3A_2252 = vector.broadcast %add3A_2251 : i32 to vector<16xi32>
      %add3A_2253 = arith.addi %add3A_2250, %add3A_2252 : vector<16xi32>
      %gather3A_2254 = tpu.vector_load_idx %arg20[%add3A_2253] : memref<272xf32, #tpu.memory_space<vmem>>[vector<16xi32>], vector<16xf32>,
      %add3A_2255 = arith.addf %add3A_2242, %gather3A_2254 : vector<16xf32>
      %add3A_2256 = arith.constant 12 : i32
      %add3A_2257 = vector.broadcast %add3A_2256 : i32 to vector<16xi32>
      %add3A_2258 = arith.addi %mul3A_5, %add3A_2257 : vector<16xi32>
      %gather3A_2259 = tpu.vector_load_idx %arg20[%add3A_2258] : memref<272xf32, #tpu.memory_space<vmem>>[vector<16xi32>], vector<16xf32>,
      %add3A_2260 = arith.addf %add3A_2247, %gather3A_2259 : vector<16xf32>
      %add3A_2261 = arith.constant 12 : i32
      %add3A_2262 = vector.broadcast %add3A_2261 : i32 to vector<16xi32>
      %add3A_2263 = arith.addi %mul3A_5, %add3A_2262 : vector<16xi32>
      %add3A_2264 = arith.constant 1 : i32
      %add3A_2265 = vector.broadcast %add3A_2264 : i32 to vector<16xi32>
      %add3A_2266 = arith.addi %add3A_2263, %add3A_2265 : vector<16xi32>
      %gather3A_2267 = tpu.vector_load_idx %arg20[%add3A_2266] : memref<272xf32, #tpu.memory_space<vmem>>[vector<16xi32>], vector<16xf32>,
      %add3A_2268 = arith.addf %add3A_2255, %gather3A_2267 : vector<16xf32>
      %add3A_2269 = arith.constant 14 : i32
      %add3A_2270 = vector.broadcast %add3A_2269 : i32 to vector<16xi32>
      %add3A_2271 = arith.addi %mul3A_5, %add3A_2270 : vector<16xi32>
      %gather3A_2272 = tpu.vector_load_idx %arg20[%add3A_2271] : memref<272xf32, #tpu.memory_space<vmem>>[vector<16xi32>], vector<16xf32>,
      %add3A_2273 = arith.addf %add3A_2260, %gather3A_2272 : vector<16xf32>
      %add3A_2274 = arith.constant 14 : i32
      %add3A_2275 = vector.broadcast %add3A_2274 : i32 to vector<16xi32>
      %add3A_2276 = arith.addi %mul3A_5, %add3A_2275 : vector<16xi32>
      %add3A_2277 = arith.constant 1 : i32
      %add3A_2278 = vector.broadcast %add3A_2277 : i32 to vector<16xi32>
      %add3A_2279 = arith.addi %add3A_2276, %add3A_2278 : vector<16xi32>
      %gather3A_2280 = tpu.vector_load_idx %arg20[%add3A_2279] : memref<272xf32, #tpu.memory_space<vmem>>[vector<16xi32>], vector<16xf32>,
      %add3A_2281 = arith.addf %add3A_2268, %gather3A_2280 : vector<16xf32>
      %add3A_2282 = arith.addf %add3A_2273, %add3A_2281 : vector<16xf32>
      %select_n3A_2283 = arith.select %ge3A_138, %add3A_2185, %add3A_2282 : vector<16xi1>, vector<16xf32>
      %gather3A_2284 = tpu.vector_load_idx %arg23[%mul3A_5] : memref<272xf32, #tpu.memory_space<vmem>>[vector<16xi32>], vector<16xf32>,
      %add3A_2285 = arith.constant 1 : i32
      %add3A_2286 = vector.broadcast %add3A_2285 : i32 to vector<16xi32>
      %add3A_2287 = arith.addi %mul3A_5, %add3A_2286 : vector<16xi32>
      %gather3A_2288 = tpu.vector_load_idx %arg23[%add3A_2287] : memref<272xf32, #tpu.memory_space<vmem>>[vector<16xi32>], vector<16xf32>,
      %add3A_2289 = arith.constant 2 : i32
      %add3A_2290 = vector.broadcast %add3A_2289 : i32 to vector<16xi32>
      %add3A_2291 = arith.addi %mul3A_5, %add3A_2290 : vector<16xi32>
      %gather3A_2292 = tpu.vector_load_idx %arg23[%add3A_2291] : memref<272xf32, #tpu.memory_space<vmem>>[vector<16xi32>], vector<16xf32>,
      %add3A_2293 = arith.addf %gather3A_2284, %gather3A_2292 : vector<16xf32>
      %add3A_2294 = arith.constant 2 : i32
      %add3A_2295 = vector.broadcast %add3A_2294 : i32 to vector<16xi32>
      %add3A_2296 = arith.addi %mul3A_5, %add3A_2295 : vector<16xi32>
      %add3A_2297 = arith.constant 1 : i32
      %add3A_2298 = vector.broadcast %add3A_2297 : i32 to vector<16xi32>
      %add3A_2299 = arith.addi %add3A_2296, %add3A_2298 : vector<16xi32>
      %gather3A_2300 = tpu.vector_load_idx %arg23[%add3A_2299] : memref<272xf32, #tpu.memory_space<vmem>>[vector<16xi32>], vector<16xf32>,
      %add3A_2301 = arith.addf %gather3A_2288, %gather3A_2300 : vector<16xf32>
      %add3A_2302 = arith.constant 4 : i32
      %add3A_2303 = vector.broadcast %add3A_2302 : i32 to vector<16xi32>
      %add3A_2304 = arith.addi %mul3A_5, %add3A_2303 : vector<16xi32>
      %gather3A_2305 = tpu.vector_load_idx %arg23[%add3A_2304] : memref<272xf32, #tpu.memory_space<vmem>>[vector<16xi32>], vector<16xf32>,
      %add3A_2306 = arith.addf %add3A_2293, %gather3A_2305 : vector<16xf32>
      %add3A_2307 = arith.constant 4 : i32
      %add3A_2308 = vector.broadcast %add3A_2307 : i32 to vector<16xi32>
      %add3A_2309 = arith.addi %mul3A_5, %add3A_2308 : vector<16xi32>
      %add3A_2310 = arith.constant 1 : i32
      %add3A_2311 = vector.broadcast %add3A_2310 : i32 to vector<16xi32>
      %add3A_2312 = arith.addi %add3A_2309, %add3A_2311 : vector<16xi32>
      %gather3A_2313 = tpu.vector_load_idx %arg23[%add3A_2312] : memref<272xf32, #tpu.memory_space<vmem>>[vector<16xi32>], vector<16xf32>,
      %add3A_2314 = arith.addf %add3A_2301, %gather3A_2313 : vector<16xf32>
      %add3A_2315 = arith.constant 6 : i32
      %add3A_2316 = vector.broadcast %add3A_2315 : i32 to vector<16xi32>
      %add3A_2317 = arith.addi %mul3A_5, %add3A_2316 : vector<16xi32>
      %gather3A_2318 = tpu.vector_load_idx %arg23[%add3A_2317] : memref<272xf32, #tpu.memory_space<vmem>>[vector<16xi32>], vector<16xf32>,
      %add3A_2319 = arith.addf %add3A_2306, %gather3A_2318 : vector<16xf32>
      %add3A_2320 = arith.constant 6 : i32
      %add3A_2321 = vector.broadcast %add3A_2320 : i32 to vector<16xi32>
      %add3A_2322 = arith.addi %mul3A_5, %add3A_2321 : vector<16xi32>
      %add3A_2323 = arith.constant 1 : i32
      %add3A_2324 = vector.broadcast %add3A_2323 : i32 to vector<16xi32>
      %add3A_2325 = arith.addi %add3A_2322, %add3A_2324 : vector<16xi32>
      %gather3A_2326 = tpu.vector_load_idx %arg23[%add3A_2325] : memref<272xf32, #tpu.memory_space<vmem>>[vector<16xi32>], vector<16xf32>,
      %add3A_2327 = arith.addf %add3A_2314, %gather3A_2326 : vector<16xf32>
      %add3A_2328 = arith.constant 8 : i32
      %add3A_2329 = vector.broadcast %add3A_2328 : i32 to vector<16xi32>
      %add3A_2330 = arith.addi %mul3A_5, %add3A_2329 : vector<16xi32>
      %gather3A_2331 = tpu.vector_load_idx %arg23[%add3A_2330] : memref<272xf32, #tpu.memory_space<vmem>>[vector<16xi32>], vector<16xf32>,
      %add3A_2332 = arith.addf %add3A_2319, %gather3A_2331 : vector<16xf32>
      %add3A_2333 = arith.constant 8 : i32
      %add3A_2334 = vector.broadcast %add3A_2333 : i32 to vector<16xi32>
      %add3A_2335 = arith.addi %mul3A_5, %add3A_2334 : vector<16xi32>
      %add3A_2336 = arith.constant 1 : i32
      %add3A_2337 = vector.broadcast %add3A_2336 : i32 to vector<16xi32>
      %add3A_2338 = arith.addi %add3A_2335, %add3A_2337 : vector<16xi32>
      %gather3A_2339 = tpu.vector_load_idx %arg23[%add3A_2338] : memref<272xf32, #tpu.memory_space<vmem>>[vector<16xi32>], vector<16xf32>,
      %add3A_2340 = arith.addf %add3A_2327, %gather3A_2339 : vector<16xf32>
      %add3A_2341 = arith.constant 10 : i32
      %add3A_2342 = vector.broadcast %add3A_2341 : i32 to vector<16xi32>
      %add3A_2343 = arith.addi %mul3A_5, %add3A_2342 : vector<16xi32>
      %gather3A_2344 = tpu.vector_load_idx %arg23[%add3A_2343] : memref<272xf32, #tpu.memory_space<vmem>>[vector<16xi32>], vector<16xf32>,
      %add3A_2345 = arith.addf %add3A_2332, %gather3A_2344 : vector<16xf32>
      %add3A_2346 = arith.constant 10 : i32
      %add3A_2347 = vector.broadcast %add3A_2346 : i32 to vector<16xi32>
      %add3A_2348 = arith.addi %mul3A_5, %add3A_2347 : vector<16xi32>
      %add3A_2349 = arith.constant 1 : i32
      %add3A_2350 = vector.broadcast %add3A_2349 : i32 to vector<16xi32>
      %add3A_2351 = arith.addi %add3A_2348, %add3A_2350 : vector<16xi32>
      %gather3A_2352 = tpu.vector_load_idx %arg23[%add3A_2351] : memref<272xf32, #tpu.memory_space<vmem>>[vector<16xi32>], vector<16xf32>,
      %add3A_2353 = arith.addf %add3A_2340, %gather3A_2352 : vector<16xf32>
      %add3A_2354 = arith.constant 12 : i32
      %add3A_2355 = vector.broadcast %add3A_2354 : i32 to vector<16xi32>
      %add3A_2356 = arith.addi %mul3A_5, %add3A_2355 : vector<16xi32>
      %gather3A_2357 = tpu.vector_load_idx %arg23[%add3A_2356] : memref<272xf32, #tpu.memory_space<vmem>>[vector<16xi32>], vector<16xf32>,
      %add3A_2358 = arith.addf %add3A_2345, %gather3A_2357 : vector<16xf32>
      %add3A_2359 = arith.constant 12 : i32
      %add3A_2360 = vector.broadcast %add3A_2359 : i32 to vector<16xi32>
      %add3A_2361 = arith.addi %mul3A_5, %add3A_2360 : vector<16xi32>
      %add3A_2362 = arith.constant 1 : i32
      %add3A_2363 = vector.broadcast %add3A_2362 : i32 to vector<16xi32>
      %add3A_2364 = arith.addi %add3A_2361, %add3A_2363 : vector<16xi32>
      %gather3A_2365 = tpu.vector_load_idx %arg23[%add3A_2364] : memref<272xf32, #tpu.memory_space<vmem>>[vector<16xi32>], vector<16xf32>,
      %add3A_2366 = arith.addf %add3A_2353, %gather3A_2365 : vector<16xf32>
      %add3A_2367 = arith.constant 14 : i32
      %add3A_2368 = vector.broadcast %add3A_2367 : i32 to vector<16xi32>
      %add3A_2369 = arith.addi %mul3A_5, %add3A_2368 : vector<16xi32>
      %gather3A_2370 = tpu.vector_load_idx %arg23[%add3A_2369] : memref<272xf32, #tpu.memory_space<vmem>>[vector<16xi32>], vector<16xf32>,
      %add3A_2371 = arith.addf %add3A_2358, %gather3A_2370 : vector<16xf32>
      %add3A_2372 = arith.constant 14 : i32
      %add3A_2373 = vector.broadcast %add3A_2372 : i32 to vector<16xi32>
      %add3A_2374 = arith.addi %mul3A_5, %add3A_2373 : vector<16xi32>
      %add3A_2375 = arith.constant 1 : i32
      %add3A_2376 = vector.broadcast %add3A_2375 : i32 to vector<16xi32>
      %add3A_2377 = arith.addi %add3A_2374, %add3A_2376 : vector<16xi32>
      %gather3A_2378 = tpu.vector_load_idx %arg23[%add3A_2377] : memref<272xf32, #tpu.memory_space<vmem>>[vector<16xi32>], vector<16xf32>,
      %add3A_2379 = arith.addf %add3A_2366, %gather3A_2378 : vector<16xf32>
      %add3A_2380 = arith.addf %add3A_2371, %add3A_2379 : vector<16xf32>
      %gather3A_2381 = tpu.vector_load_idx %arg21[%mul3A_5] : memref<272xf32, #tpu.memory_space<vmem>>[vector<16xi32>], vector<16xf32>,
      %add3A_2382 = arith.constant 1 : i32
      %add3A_2383 = vector.broadcast %add3A_2382 : i32 to vector<16xi32>
      %add3A_2384 = arith.addi %mul3A_5, %add3A_2383 : vector<16xi32>
      %gather3A_2385 = tpu.vector_load_idx %arg21[%add3A_2384] : memref<272xf32, #tpu.memory_space<vmem>>[vector<16xi32>], vector<16xf32>,
      %add3A_2386 = arith.constant 2 : i32
      %add3A_2387 = vector.broadcast %add3A_2386 : i32 to vector<16xi32>
      %add3A_2388 = arith.addi %mul3A_5, %add3A_2387 : vector<16xi32>
      %gather3A_2389 = tpu.vector_load_idx %arg21[%add3A_2388] : memref<272xf32, #tpu.memory_space<vmem>>[vector<16xi32>], vector<16xf32>,
      %add3A_2390 = arith.addf %gather3A_2381, %gather3A_2389 : vector<16xf32>
      %add3A_2391 = arith.constant 2 : i32
      %add3A_2392 = vector.broadcast %add3A_2391 : i32 to vector<16xi32>
      %add3A_2393 = arith.addi %mul3A_5, %add3A_2392 : vector<16xi32>
      %add3A_2394 = arith.constant 1 : i32
      %add3A_2395 = vector.broadcast %add3A_2394 : i32 to vector<16xi32>
      %add3A_2396 = arith.addi %add3A_2393, %add3A_2395 : vector<16xi32>
      %gather3A_2397 = tpu.vector_load_idx %arg21[%add3A_2396] : memref<272xf32, #tpu.memory_space<vmem>>[vector<16xi32>], vector<16xf32>,
      %add3A_2398 = arith.addf %gather3A_2385, %gather3A_2397 : vector<16xf32>
      %add3A_2399 = arith.constant 4 : i32
      %add3A_2400 = vector.broadcast %add3A_2399 : i32 to vector<16xi32>
      %add3A_2401 = arith.addi %mul3A_5, %add3A_2400 : vector<16xi32>
      %gather3A_2402 = tpu.vector_load_idx %arg21[%add3A_2401] : memref<272xf32, #tpu.memory_space<vmem>>[vector<16xi32>], vector<16xf32>,
      %add3A_2403 = arith.addf %add3A_2390, %gather3A_2402 : vector<16xf32>
      %add3A_2404 = arith.constant 4 : i32
      %add3A_2405 = vector.broadcast %add3A_2404 : i32 to vector<16xi32>
      %add3A_2406 = arith.addi %mul3A_5, %add3A_2405 : vector<16xi32>
      %add3A_2407 = arith.constant 1 : i32
      %add3A_2408 = vector.broadcast %add3A_2407 : i32 to vector<16xi32>
      %add3A_2409 = arith.addi %add3A_2406, %add3A_2408 : vector<16xi32>
      %gather3A_2410 = tpu.vector_load_idx %arg21[%add3A_2409] : memref<272xf32, #tpu.memory_space<vmem>>[vector<16xi32>], vector<16xf32>,
      %add3A_2411 = arith.addf %add3A_2398, %gather3A_2410 : vector<16xf32>
      %add3A_2412 = arith.constant 6 : i32
      %add3A_2413 = vector.broadcast %add3A_2412 : i32 to vector<16xi32>
      %add3A_2414 = arith.addi %mul3A_5, %add3A_2413 : vector<16xi32>
      %gather3A_2415 = tpu.vector_load_idx %arg21[%add3A_2414] : memref<272xf32, #tpu.memory_space<vmem>>[vector<16xi32>], vector<16xf32>,
      %add3A_2416 = arith.addf %add3A_2403, %gather3A_2415 : vector<16xf32>
      %add3A_2417 = arith.constant 6 : i32
      %add3A_2418 = vector.broadcast %add3A_2417 : i32 to vector<16xi32>
      %add3A_2419 = arith.addi %mul3A_5, %add3A_2418 : vector<16xi32>
      %add3A_2420 = arith.constant 1 : i32
      %add3A_2421 = vector.broadcast %add3A_2420 : i32 to vector<16xi32>
      %add3A_2422 = arith.addi %add3A_2419, %add3A_2421 : vector<16xi32>
      %gather3A_2423 = tpu.vector_load_idx %arg21[%add3A_2422] : memref<272xf32, #tpu.memory_space<vmem>>[vector<16xi32>], vector<16xf32>,
      %add3A_2424 = arith.addf %add3A_2411, %gather3A_2423 : vector<16xf32>
      %add3A_2425 = arith.constant 8 : i32
      %add3A_2426 = vector.broadcast %add3A_2425 : i32 to vector<16xi32>
      %add3A_2427 = arith.addi %mul3A_5, %add3A_2426 : vector<16xi32>
      %gather3A_2428 = tpu.vector_load_idx %arg21[%add3A_2427] : memref<272xf32, #tpu.memory_space<vmem>>[vector<16xi32>], vector<16xf32>,
      %add3A_2429 = arith.addf %add3A_2416, %gather3A_2428 : vector<16xf32>
      %add3A_2430 = arith.constant 8 : i32
      %add3A_2431 = vector.broadcast %add3A_2430 : i32 to vector<16xi32>
      %add3A_2432 = arith.addi %mul3A_5, %add3A_2431 : vector<16xi32>
      %add3A_2433 = arith.constant 1 : i32
      %add3A_2434 = vector.broadcast %add3A_2433 : i32 to vector<16xi32>
      %add3A_2435 = arith.addi %add3A_2432, %add3A_2434 : vector<16xi32>
      %gather3A_2436 = tpu.vector_load_idx %arg21[%add3A_2435] : memref<272xf32, #tpu.memory_space<vmem>>[vector<16xi32>], vector<16xf32>,
      %add3A_2437 = arith.addf %add3A_2424, %gather3A_2436 : vector<16xf32>
      %add3A_2438 = arith.constant 10 : i32
      %add3A_2439 = vector.broadcast %add3A_2438 : i32 to vector<16xi32>
      %add3A_2440 = arith.addi %mul3A_5, %add3A_2439 : vector<16xi32>
      %gather3A_2441 = tpu.vector_load_idx %arg21[%add3A_2440] : memref<272xf32, #tpu.memory_space<vmem>>[vector<16xi32>], vector<16xf32>,
      %add3A_2442 = arith.addf %add3A_2429, %gather3A_2441 : vector<16xf32>
      %add3A_2443 = arith.constant 10 : i32
      %add3A_2444 = vector.broadcast %add3A_2443 : i32 to vector<16xi32>
      %add3A_2445 = arith.addi %mul3A_5, %add3A_2444 : vector<16xi32>
      %add3A_2446 = arith.constant 1 : i32
      %add3A_2447 = vector.broadcast %add3A_2446 : i32 to vector<16xi32>
      %add3A_2448 = arith.addi %add3A_2445, %add3A_2447 : vector<16xi32>
      %gather3A_2449 = tpu.vector_load_idx %arg21[%add3A_2448] : memref<272xf32, #tpu.memory_space<vmem>>[vector<16xi32>], vector<16xf32>,
      %add3A_2450 = arith.addf %add3A_2437, %gather3A_2449 : vector<16xf32>
      %add3A_2451 = arith.constant 12 : i32
      %add3A_2452 = vector.broadcast %add3A_2451 : i32 to vector<16xi32>
      %add3A_2453 = arith.addi %mul3A_5, %add3A_2452 : vector<16xi32>
      %gather3A_2454 = tpu.vector_load_idx %arg21[%add3A_2453] : memref<272xf32, #tpu.memory_space<vmem>>[vector<16xi32>], vector<16xf32>,
      %add3A_2455 = arith.addf %add3A_2442, %gather3A_2454 : vector<16xf32>
      %add3A_2456 = arith.constant 12 : i32
      %add3A_2457 = vector.broadcast %add3A_2456 : i32 to vector<16xi32>
      %add3A_2458 = arith.addi %mul3A_5, %add3A_2457 : vector<16xi32>
      %add3A_2459 = arith.constant 1 : i32
      %add3A_2460 = vector.broadcast %add3A_2459 : i32 to vector<16xi32>
      %add3A_2461 = arith.addi %add3A_2458, %add3A_2460 : vector<16xi32>
      %gather3A_2462 = tpu.vector_load_idx %arg21[%add3A_2461] : memref<272xf32, #tpu.memory_space<vmem>>[vector<16xi32>], vector<16xf32>,
      %add3A_2463 = arith.addf %add3A_2450, %gather3A_2462 : vector<16xf32>
      %add3A_2464 = arith.constant 14 : i32
      %add3A_2465 = vector.broadcast %add3A_2464 : i32 to vector<16xi32>
      %add3A_2466 = arith.addi %mul3A_5, %add3A_2465 : vector<16xi32>
      %gather3A_2467 = tpu.vector_load_idx %arg21[%add3A_2466] : memref<272xf32, #tpu.memory_space<vmem>>[vector<16xi32>], vector<16xf32>,
      %add3A_2468 = arith.addf %add3A_2455, %gather3A_2467 : vector<16xf32>
      %add3A_2469 = arith.constant 14 : i32
      %add3A_2470 = vector.broadcast %add3A_2469 : i32 to vector<16xi32>
      %add3A_2471 = arith.addi %mul3A_5, %add3A_2470 : vector<16xi32>
      %add3A_2472 = arith.constant 1 : i32
      %add3A_2473 = vector.broadcast %add3A_2472 : i32 to vector<16xi32>
      %add3A_2474 = arith.addi %add3A_2471, %add3A_2473 : vector<16xi32>
      %gather3A_2475 = tpu.vector_load_idx %arg21[%add3A_2474] : memref<272xf32, #tpu.memory_space<vmem>>[vector<16xi32>], vector<16xf32>,
      %add3A_2476 = arith.addf %add3A_2463, %gather3A_2475 : vector<16xf32>
      %add3A_2477 = arith.addf %add3A_2468, %add3A_2476 : vector<16xf32>
      %select_n3A_2478 = arith.select %ge3A_138, %add3A_2380, %add3A_2477 : vector<16xi1>, vector<16xf32>
      %mul3A_2479 = arith.mulf %exp3A, %select_n3A_2478 : vector<16xf32>
      %add3A_2480 = arith.addf %select_n3A_2283, %mul3A_2479 : vector<16xf32>
      %shift_right_logical3A_2481 = arith.constant 7 : i32
      %shift_right_logical3A_2482 = vector.broadcast %shift_right_logical3A_2481 : i32 to vector<16xi32>
      %shift_right_logical3A_2483 = arith.shrui %add3A_128, %shift_right_logical3A_2482 : vector<16xi32>
      %and3A_2484 = arith.constant 127 : i32
      %and3A_2485 = vector.broadcast %and3A_2484 : i32 to vector<16xi32>
      %and3A_2486 = arith.andi %add3A_128, %and3A_2485 : vector<16xi32>
      %jit3A = arith.constant 64 : i32
      %jit3A_2487 = arith.constant 0 : i32
      %broadcast_in_dim3A_2488 = vector.broadcast %jit3A : i32 to vector<16xi32>
      %broadcast_in_dim3A_2489 = vector.broadcast %jit3A_2487 : i32 to vector<16xi32>
      %select_n3A_2490 = arith.select %ge3A_138, %broadcast_in_dim3A_2488, %broadcast_in_dim3A_2489 : vector<16xi1>, vector<16xi32>
      %add3A_2491 = arith.addi %select_n3A_2490, %get3A_142 : vector<16xi32>
      %gather3A_2492 = tpu.vector_load_idx %arg13[%shift_right_logical3A_2483, %and3A_2486, %add3A_2491] : memref<4x128x128xf32, #tpu.memory_space<vmem>>[vector<16xi32>, vector<16xi32>, vector<16xi32>], vector<16xf32>,
      %mul3A_2493 = arith.constant 69 : i32
      %mul3A_2494 = vector.broadcast %mul3A_2493 : i32 to vector<16xi32>
      %mul3A_2495 = arith.muli %add3A_128, %mul3A_2494 : vector<16xi32>
      %add3A_2496 = arith.addi %mul3A_2495, %get3A_142 : vector<16xi32>
      %gather3A_2497 = tpu.vector_load_idx %arg15[%add3A_2496] : memref<35344xi32, #tpu.memory_space<vmem>>[vector<16xi32>], vector<16xi32>,
      %gt3A_2498 = arith.constant 1 : i32
      %gt3A_2499 = vector.broadcast %gt3A_2498 : i32 to vector<16xi32>
      %gt3A_2500 = arith.cmpi sgt, %gather3A_2497, %gt3A_2499 : vector<16xi32>
      %jit3A_2501 = arith.constant 0.000000e+00 : f32
      %broadcast_in_dim3A_2502 = vector.broadcast %jit3A_2501 : f32 to vector<16xf32>
      %select_n3A_2503 = arith.select %gt3A_2500, %gather3A_132, %broadcast_in_dim3A_2502 : vector<16xi1>, vector<16xf32>
      %add3A_2504 = arith.addf %gather3A_2492, %select_n3A_2503 : vector<16xf32>
      %bitcast3A = vector.bitcast %add3A_2480 : vector<16xf32> to vector<16xi32>
      %shift_right_arithmetic3A = arith.constant 23 : i32
      %shift_right_arithmetic3A_2505 = vector.broadcast %shift_right_arithmetic3A : i32 to vector<16xi32>
      %shift_right_arithmetic3A_2506 = arith.shrsi %bitcast3A, %shift_right_arithmetic3A_2505 : vector<16xi32>
      %and3A_2507 = arith.constant 255 : i32
      %and3A_2508 = vector.broadcast %and3A_2507 : i32 to vector<16xi32>
      %and3A_2509 = arith.andi %shift_right_arithmetic3A_2506, %and3A_2508 : vector<16xi32>
      %sub3A = arith.constant 127 : i32
      %sub3A_2510 = vector.broadcast %sub3A : i32 to vector<16xi32>
      %sub3A_2511 = arith.subi %and3A_2509, %sub3A_2510 : vector<16xi32>
      %and3A_2512 = arith.constant 8388607 : i32
      %and3A_2513 = vector.broadcast %and3A_2512 : i32 to vector<16xi32>
      %and3A_2514 = arith.andi %bitcast3A, %and3A_2513 : vector<16xi32>
      %or3A = arith.constant 1065353216 : i32
      %or3A_2515 = vector.broadcast %or3A : i32 to vector<16xi32>
      %or3A_2516 = arith.ori %and3A_2514, %or3A_2515 : vector<16xi32>
      %bitcast3A_2517 = vector.bitcast %or3A_2516 : vector<16xi32> to vector<16xf32>
      %ge3A_2518 = arith.constant 1.41421354 : f32
      %ge3A_2519 = vector.broadcast %ge3A_2518 : f32 to vector<16xf32>
      %ge3A_2520 = arith.cmpf oge, %bitcast3A_2517, %ge3A_2519 : vector<16xf32>
      %mul3A_2521 = arith.constant 5.000000e-01 : f32
      %mul3A_2522 = vector.broadcast %mul3A_2521 : f32 to vector<16xf32>
      %mul3A_2523 = arith.mulf %bitcast3A_2517, %mul3A_2522 : vector<16xf32>
      %select_n3A_2524 = arith.select %ge3A_2520, %mul3A_2523, %bitcast3A_2517 : vector<16xi1>, vector<16xf32>
      %convert_element_type3A = arith.extui %ge3A_2520 : vector<16xi1> to vector<16xi32>
      %add3A_2525 = arith.addi %sub3A_2511, %convert_element_type3A : vector<16xi32>
      %sub3A_2526 = arith.constant 1.000000e+00 : f32
      %sub3A_2527 = vector.broadcast %sub3A_2526 : f32 to vector<16xf32>
      %sub3A_2528 = arith.subf %select_n3A_2524, %sub3A_2527 : vector<16xf32>
      %add3A_2529 = arith.constant 1.000000e+00 : f32
      %add3A_2530 = vector.broadcast %add3A_2529 : f32 to vector<16xf32>
      %add3A_2531 = arith.addf %select_n3A_2524, %add3A_2530 : vector<16xf32>
      %div3A = arith.divf %sub3A_2528, %add3A_2531 : vector<16xf32>
      %mul3A_2532 = arith.mulf %div3A, %div3A : vector<16xf32>
      %mul3A_2533 = arith.constant 0.142857149 : f32
      %mul3A_2534 = vector.broadcast %mul3A_2533 : f32 to vector<16xf32>
      %mul3A_2535 = arith.mulf %mul3A_2532, %mul3A_2534 : vector<16xf32>
      %add3A_2536 = arith.constant 2.000000e-01 : f32
      %add3A_2537 = vector.broadcast %add3A_2536 : f32 to vector<16xf32>
      %add3A_2538 = arith.addf %add3A_2537, %mul3A_2535 : vector<16xf32>
      %mul3A_2539 = arith.mulf %mul3A_2532, %add3A_2538 : vector<16xf32>
      %add3A_2540 = arith.constant 0.333333343 : f32
      %add3A_2541 = vector.broadcast %add3A_2540 : f32 to vector<16xf32>
      %add3A_2542 = arith.addf %add3A_2541, %mul3A_2539 : vector<16xf32>
      %mul3A_2543 = arith.mulf %mul3A_2532, %add3A_2542 : vector<16xf32>
      %add3A_2544 = arith.constant 1.000000e+00 : f32
      %add3A_2545 = vector.broadcast %add3A_2544 : f32 to vector<16xf32>
      %add3A_2546 = arith.addf %add3A_2545, %mul3A_2543 : vector<16xf32>
      %convert_element_type3A_2547 = arith.sitofp %add3A_2525 : vector<16xi32> to vector<16xf32>
      %mul3A_2548 = arith.constant 0.693147182 : f32
      %mul3A_2549 = vector.broadcast %mul3A_2548 : f32 to vector<16xf32>
      %mul3A_2550 = arith.mulf %convert_element_type3A_2547, %mul3A_2549 : vector<16xf32>
      %mul3A_2551 = arith.constant 2.000000e+00 : f32
      %mul3A_2552 = vector.broadcast %mul3A_2551 : f32 to vector<16xf32>
      %mul3A_2553 = arith.mulf %mul3A_2552, %div3A : vector<16xf32>
      %mul3A_2554 = arith.mulf %mul3A_2553, %add3A_2546 : vector<16xf32>
      %add3A_2555 = arith.addf %mul3A_2550, %mul3A_2554 : vector<16xf32>
      %sub3A_2556 = arith.subf %add3A_2504, %add3A_2555 : vector<16xf32>
      %add3A_2557 = arith.constant 4.15888309 : f32
      %add3A_2558 = vector.broadcast %add3A_2557 : f32 to vector<16xf32>
      %add3A_2559 = arith.addf %sub3A_2556, %add3A_2558 : vector<16xf32>
      %mul3A_2560 = arith.constant 16 : i32
      %mul3A_2561 = arith.muli %scan3A_124, %mul3A_2560 : i32
      %swap3A_2562 = arith.index_cast %mul3A_2561 : i32 to index
      %swap3A_2563 = tpu.vector_load %arg24[%swap3A_2562] {strides = array<i32>} : memref<512xf32, #tpu.memory_space<vmem>>, vector<16xf32>,
      tpu.vector_store %arg24[%swap3A_2562], %add3A_2559 {strides = array<i32>} : memref<512xf32, #tpu.memory_space<vmem>>, vector<16xf32>,
    }
    %scan3A_123 = arith.constant 32 : i32
    "tpu.region"() ({
      %run_scoped3A = tpu.sem_alloc : memref<!tpu.dma_semaphore, #tpu.memory_space<semaphore_mem>>
      %dma_start3A_124 = tpu.memref_slice %arg10[%mul3A_2] : memref<16384xf32, #tpu.memory_space<hbm>> -> memref<512xf32, #tpu.memory_space<hbm>>
      %dma_start3A_125 = tpu.memref_slice %arg10[%mul3A_2] : memref<16384xf32, #tpu.memory_space<hbm>> -> memref<512xf32, #tpu.memory_space<hbm>>
      tpu.enqueue_dma source(%arg24 : memref<512xf32, #tpu.memory_space<vmem>>) target(%dma_start3A_125 : memref<512xf32, #tpu.memory_space<hbm>>) target_semaphore(%run_scoped3A : memref<!tpu.dma_semaphore, #tpu.memory_space<semaphore_mem>>)
      %dma_wait3A_126 = tpu.memref_slice %arg10[%mul3A_2] : memref<16384xf32, #tpu.memory_space<hbm>> -> memref<512xf32, #tpu.memory_space<hbm>>
      %dma_wait3A_127 = tpu.memref_slice %arg10[%mul3A_2] : memref<16384xf32, #tpu.memory_space<hbm>> -> memref<512xf32, #tpu.memory_space<hbm>>
      tpu.wait_dma2 semaphore(%run_scoped3A : memref<!tpu.dma_semaphore, #tpu.memory_space<semaphore_mem>>) src(%arg24 : memref<512xf32, #tpu.memory_space<vmem>>) dst(%dma_wait3A_127 : memref<512xf32, #tpu.memory_space<hbm>>)
      tpu.yield
    }) : () -> ()
    return
  }
}

module attributes {stable_mosaic.version = 14 : i64} {
  func.func @_transpose_body(%arg0: i32, %arg1: memref<64x12800xf32, #tpu.memory_space<vmem>>, %arg2: memref<64x12800xf32, #tpu.memory_space<vmem>>, %arg3: memref<12800x128xf32, #tpu.memory_space<vmem>>) attributes {dimension_semantics = [#tpu.dimension_semantics<arbitrary>], iteration_bounds = array<i64: 4>, scalar_prefetch = 0 : i64, scratch_operands = 0 : i64, tpu.core_type = #tpu.core_type<tc>, window_params = [{transform_indices = @transform_0, window_bounds = array<i64: 64, 12800>}, {transform_indices = @transform_1, window_bounds = array<i64: 64, 12800>}, {transform_indices = @transform_2, window_bounds = array<i64: 12800, 128>}]} {
    %get3A = arith.constant 0 : index
    %get3A_0 = arith.constant 0 : index
    %get3A_1 = vector.load %arg1[%get3A, %get3A_0] : memref<64x12800xf32, #tpu.memory_space<vmem>>, vector<64x12800xf32>
    %iota3A = tpu.iota {dimensions = array<i32: 0>} : vector<64x64xi32>
    %iota3A_2 = tpu.iota {dimensions = array<i32: 1>} : vector<64x64xi32>
    %add3A = arith.constant 0 : i32
    %add3A_3 = vector.broadcast %add3A : i32 to vector<64x64xi32>
    %add3A_4 = arith.addi %iota3A, %add3A_3 : vector<64x64xi32>
    %eq3A = arith.cmpi eq, %add3A_4, %iota3A_2 : vector<64x64xi32>
    %convert_element_type3A = arith.extui %eq3A : vector<64x64xi1> to vector<64x64xi32>
    %convert_element_type3A_5 = arith.sitofp %convert_element_type3A : vector<64x64xi32> to vector<64x64xf32>
    %dot_general3A = arith.constant dense<0.000000e+00> : vector<12800x64xf32>
    %dot_general3A_6 = tpu.matmul %get3A_1, %convert_element_type3A_5, %dot_general3A {dimension_numbers = #tpu.dot_dimension_numbers<[0], [0], [1], [1], [0, 1, 1, 1], [], []>, transpose_lhs_hint = false} : vector<64x12800xf32>, vector<64x64xf32>, vector<12800x64xf32> -> vector<12800x64xf32>
    %swap3A = arith.constant 0 : index
    %swap3A_7 = arith.constant 0 : index
    %swap3A_8 = vector.load %arg3[%swap3A, %swap3A_7] : memref<12800x128xf32, #tpu.memory_space<vmem>>, vector<12800x64xf32>
    tpu.vector_store %arg3[%swap3A, %swap3A_7], %dot_general3A_6 {strides = array<i32>} : memref<12800x128xf32, #tpu.memory_space<vmem>>, vector<12800x64xf32>,
    %get3A_9 = arith.constant 0 : index
    %get3A_10 = arith.constant 0 : index
    %get3A_11 = vector.load %arg2[%get3A_9, %get3A_10] : memref<64x12800xf32, #tpu.memory_space<vmem>>, vector<64x12800xf32>
    %iota3A_12 = tpu.iota {dimensions = array<i32: 0>} : vector<64x64xi32>
    %iota3A_13 = tpu.iota {dimensions = array<i32: 1>} : vector<64x64xi32>
    %add3A_14 = arith.constant 0 : i32
    %add3A_15 = vector.broadcast %add3A_14 : i32 to vector<64x64xi32>
    %add3A_16 = arith.addi %iota3A_12, %add3A_15 : vector<64x64xi32>
    %eq3A_17 = arith.cmpi eq, %add3A_16, %iota3A_13 : vector<64x64xi32>
    %convert_element_type3A_18 = arith.extui %eq3A_17 : vector<64x64xi1> to vector<64x64xi32>
    %convert_element_type3A_19 = arith.sitofp %convert_element_type3A_18 : vector<64x64xi32> to vector<64x64xf32>
    %dot_general3A_20 = arith.constant dense<0.000000e+00> : vector<12800x64xf32>
    %dot_general3A_21 = tpu.matmul %get3A_11, %convert_element_type3A_19, %dot_general3A_20 {dimension_numbers = #tpu.dot_dimension_numbers<[0], [0], [1], [1], [0, 1, 1, 1], [], []>, transpose_lhs_hint = false} : vector<64x12800xf32>, vector<64x64xf32>, vector<12800x64xf32> -> vector<12800x64xf32>
    %swap3A_22 = arith.constant 0 : index
    %swap3A_23 = arith.constant 64 : index
    %swap3A_24 = vector.load %arg3[%swap3A_22, %swap3A_23] : memref<12800x128xf32, #tpu.memory_space<vmem>>, vector<12800x64xf32>
    tpu.vector_store %arg3[%swap3A_22, %swap3A_23], %dot_general3A_21 {strides = array<i32>} : memref<12800x128xf32, #tpu.memory_space<vmem>>, vector<12800x64xf32>,
    return
  }
  func.func @transform_0(%arg0: i32) -> (i32, i32) {
    %c0_i32 = arith.constant 0 : i32
    %c0_i32_0 = arith.constant 0 : i32
    return %c0_i32, %arg0 : i32, i32
  }
  func.func @transform_1(%arg0: i32) -> (i32, i32) {
    %add3A = arith.constant 4 : i32
    %add3A_0 = arith.addi %arg0, %add3A : i32
    %min3A = arith.constant 7 : i32
    %min3A_1 = arith.minsi %add3A_0, %min3A : i32
    %c0_i32 = arith.constant 0 : i32
    %c0_i32_2 = arith.constant 0 : i32
    return %c0_i32, %min3A_1 : i32, i32
  }
  func.func @transform_2(%arg0: i32) -> (i32, i32) {
    %c0_i32 = arith.constant 0 : i32
    %c0_i32_0 = arith.constant 0 : i32
    return %arg0, %c0_i32 : i32, i32
  }
}

</mosaic_0001>

<sc_bundles>
// kernel: kernel.4.cloned.1.call-start
scs
__scs_entry_jumppad:
0x0: {  	(pc) =	sbr.rel $0x88, $3  }
0x1: {  	(tag) =	ssettag $0x0;
	lr =	simm.s32 $0x1  }
0x2: {  	[smem:$0x3F9A] =	sst lr;
	_ =	strace $0xD0000000  }
0x3: {  	_ = 	snop  }
0x4: {  	_ = 	snop  }
0x5: {  	_ = 	snop  }
0x6: {  	_ = 	snop  }
0x7: {  	_ = 	snop  }
__scs_overlays_trampoline_lowered:
0x8: {  	[smem:$0x3FA9] =	sst s0  }
0x9: {  	[smem:$0x3FAA] =	sst s1  }
0xa: {  	[smem:$0x3FAB] =	sst s2  }
0xb: {  	[smem:$0x3FAC] =	sst s3  }
0xc: {  	[smem:$0x3FAD] =	sst s4  }
0xd: {  	[smem:$0x3FAE] =	sst s5  }
0xe: {  	[smem:$0x3FAF] =	sst s6  }
0xf: {  	[smem:$0x3FB0] =	sst s7  }
0x10: {  	[smem:$0x3FB1] =	sst s8  }
0x11: {  	[smem:$0x3FB2] =	sst s9;
	s0 =	simm.s32 @!p0 $0x0  }
0x12: {  	s1 =	sld [smem:$0x3F98];
	s0 =	simm.s32 @p0 $0x1  }
0x13: {  	[smem:$0x3FB3] =	sst s0;
	s0 =	simm.s32 @!p1 $0x0  }
0x14: {  	s2 =	sld [smem:$0x3F97];
	s0 =	simm.s32 @p1 $0x1  }
0x15: {  	[smem:$0x3FB4] =	sst s0;
	s0 =	simm.s32 @!p2 $0x0  }
0x16: {  	s3 =	sld [smem:$0x3FDB];
	s0 =	simm.s32 @p2 $0x1  }
0x17: {  	s4 =	simm.s32 $0x1BF5;
	[smem:$0x3FB6] =	sst s0  }
0x18: {  	s0 =	sld [smem:$0x3F99];
	_ =	swait.ge [sflag:s4], $0x0  }
0x19: {  	s7 =	sld [smem:$0x3F9A]  }
0x1a: {  	s8 =	sadd.s32 $0xFFFFE003, lr  }
0x1b: {  	s9 =	sadd.s32 $0xFFFFFEF7, lr;
	s5 =	simm.s32 $0xFFFFFFFF;
	p2 =	slt.u32 s8, $0xFFFFF086  }
0x1c: {  	p1 =	slt.u32 s9, $0xF7A;
	s5 =	simm.s32 @!p2 $0x0  }
0x1d: {  	s5 =	simm.s32 @p1 $0x1;
	p0 =	seq.s32 s7, s2  }
0x1e: {  	s7 =	smul.u32 @!p0 $0xF7A, s2;
	p2 =	seq.s32 @!p0 s5, $0x0  }
0x1f: {  	s9 =	smul.u32 $0xF7A, s1;
	s8 =	simm.s32 @!p0 $0x1BF5;
	p2 =	por !p2, p0  }
0x20: {  	[sflag:s8] =	ssyncset.s32 @!p0 $0xFFFFF086;
	s6 =	sadd.s32 @!p0 s3, s7;
	s7 =	simm.s32 @!p0 $0x108  }
0x21: {  	s3 =	sadd.s32 s3, s9;
	s6 =	sadd.s32 @!p0 $0x88, s6;
	s7 =	simm.s32 @p2 $0x1082  }
0x22: {  	[simem:s7], [sflag:s8] =	dma.local @!p0 [hbm:s6], $0xF7A  }
0x23: {  	s9 =	sor.u32 $0xD0000000, s2;
	s6 =	simm.s32 $0x108;
	_ =	swait.ge @!p0 [sflag:s8], $0x0  }
0x24: {  	s3 =	sadd.s32 $0x88, s3;
	s6 =	simm.s32 @!p1 $0x1082;
	[sflag:s4] =	ssyncset.s32 $0xFFFFF086  }
0x25: {  	[simem:s6], [sflag:s4] =	dma.local [hbm:s3], $0xF7A  }
0x26: {  	[smem:$0x3F9A] =	sst s1;
	(tag) =	ssettag s2;
	_ =	strace s9  }
0x27: {  	s1 =	sld [smem:$0x3FAA]  }
0x28: {  	s2 =	sld [smem:$0x3FAB]  }
0x29: {  	s4 =	sld [smem:$0x3FAD]  }
0x2a: {  	p0 =	seq.s32 s5, $0x0;
	s5 =	sld [smem:$0x3FAE]  }
0x2b: {  	s6 =	sld [smem:$0x3FAF]  }
0x2c: {  	s7 =	sld [smem:$0x3FB0]  }
0x2d: {  	s3 =	simm.s32 $0x108;
	s8 =	sld [smem:$0x3FB1]  }
0x2e: {  	s3 =	simm.s32 @!p0 $0x1082;
	s9 =	sld [smem:$0x3FB2]  }
0x2f: {  	lr =	sadd.s32 s0, s3;
	s0 =	sld [smem:$0x3FA9]  }
0x30: {  	s3 =	sld [smem:$0x3FAC]  }
0x31: {  	[smem:$0x3FB5] =	sst s10  }
0x32: {  	s10 =	sld [smem:$0x3FB3];
	_ =	sdelay $0x3  }
0x33: {  	p0 =	seq.s32 s10, $0x1;
	s10 =	sld [smem:$0x3FB5];
	_ =	sdelay $0x3  }
0x34: {  	[smem:$0x3FB5] =	sst s10  }
0x35: {  	s10 =	sld [smem:$0x3FB4];
	_ =	sdelay $0x3  }
0x36: {  	p1 =	seq.s32 s10, $0x1;
	s10 =	sld [smem:$0x3FB5];
	_ =	sdelay $0x3  }
0x37: {  	[smem:$0x3FB5] =	sst s10  }
0x38: {  	s10 =	sld [smem:$0x3FB6]  }
0x39: {  	_ = 	snop;
	(pc) =	sbr.ind lr, $3  }
0x3a: {  	_ = 	snop  }
0x3b: {  	_ = 	snop  }
0x3c: {  	p2 =	seq.s32 s10, $0x1;
	s10 =	sld [smem:$0x3FB5]  }
0x3d: {  	_ =	shalt  }
0x3e: {  	_ =	shalt  }
0x3f: {  	_ =	shalt  }
0x40: {  	_ =	shalt  }
0x41: {  	_ =	shalt  }
0x42: {  	_ =	shalt  }
0x43: {  	_ =	shalt  }
0x44: {  	_ =	shalt  }
0x45: {  	_ =	shalt  }
0x46: {  	_ =	shalt  }
0x47: {  	_ =	shalt  }
0x48: {  	_ =	shalt  }
0x49: {  	_ =	shalt  }
0x4a: {  	_ =	shalt  }
0x4b: {  	_ =	shalt  }
0x4c: {  	_ =	shalt  }
0x4d: {  	_ =	shalt  }
0x4e: {  	_ =	shalt  }
0x4f: {  	_ =	shalt  }
0x50: {  	_ =	shalt  }
0x51: {  	_ =	shalt  }
0x52: {  	_ =	shalt  }
0x53: {  	_ =	shalt  }
0x54: {  	_ =	shalt  }
0x55: {  	_ =	shalt  }
0x56: {  	_ =	shalt  }
0x57: {  	_ =	shalt  }
0x58: {  	_ =	shalt  }
0x59: {  	_ =	shalt  }
0x5a: {  	_ =	shalt  }
0x5b: {  	_ =	shalt  }
0x5c: {  	_ =	shalt  }
0x5d: {  	_ =	shalt  }
0x5e: {  	_ =	shalt  }
0x5f: {  	_ =	shalt  }
0x60: {  	_ =	shalt  }
0x61: {  	_ =	shalt  }
0x62: {  	_ =	shalt  }
0x63: {  	_ =	shalt  }
0x64: {  	_ =	shalt  }
0x65: {  	_ =	shalt  }
0x66: {  	_ =	shalt  }
0x67: {  	_ =	shalt  }
0x68: {  	_ =	shalt  }
0x69: {  	_ =	shalt  }
0x6a: {  	_ =	shalt  }
0x6b: {  	_ =	shalt  }
0x6c: {  	_ =	shalt  }
0x6d: {  	_ =	shalt  }
0x6e: {  	_ =	shalt  }
0x6f: {  	_ =	shalt  }
0x70: {  	_ =	shalt  }
0x71: {  	_ =	shalt  }
0x72: {  	_ =	shalt  }
0x73: {  	_ =	shalt  }
0x74: {  	_ =	shalt  }
0x75: {  	_ =	shalt  }
0x76: {  	_ =	shalt  }
0x77: {  	_ =	shalt  }
0x78: {  	_ =	shalt  }
0x79: {  	_ =	shalt  }
0x7a: {  	_ =	shalt  }
0x7b: {  	_ =	shalt  }
0x7c: {  	_ =	shalt  }
0x7d: {  	_ =	shalt  }
0x7e: {  	_ =	shalt  }
0x7f: {  	_ =	shalt  }
0x80: {  	_ =	shalt  }
0x81: {  	_ =	shalt  }
0x82: {  	_ =	shalt  }
0x83: {  	_ =	shalt  }
0x84: {  	_ =	shalt  }
0x85: {  	_ =	shalt  }
0x86: {  	_ =	shalt  }
0x87: {  	_ =	shalt  }
.Lfunc_end0:
.L_simem_size_0:
called_computation_lowered:
.L_overlay_start_0:
0x88: {  	s2 =	sld [smem:$0x3FD9]  }
0x89: {  	s3 =	sld [smem:$0x3FFE];
	_ =	sdelay $0x1  }
0x8a: {  	s1 =	srdreg.scid  }
0x8b: {  	s0 =	sand.u32 $0x1, s1  }
0x8c: {  	s17 =	sshll.u32 s0, $0xA;
	s2 =	sadd.s32 s3, s2  }
0x8d: {  	s2 =	sadd.s32 s2, s17  }
0x8e: {  	[smem:$0x3FC1] =	sst s2  }
0x8f: {  	_ = 	snop  }
0x90: {  	s2 =	sld [smem:$0x3FC9]  }
0x91: {  	s18 =	sld [smem:$0x3FC8]  }
0x92: {  	s4 =	sld [smem:$0x3FC7]  }
0x93: {  	s5 =	sld [smem:$0x3FC6]  }
0x94: {  	s6 =	sld [smem:$0x3FC5]  }
0x95: {  	s7 =	sld [smem:$0x3FC3]  }
0x96: {  	s8 =	sld [smem:$0x3FD0];
	(tm) =	ssettm $0x1  }
0x97: {  	s9 =	sld [smem:$0x3FFB];
	_ =	sdelay $0x3  }
0x98: {  	_ =	strace s9  }
0x99: {  	s9 =	sld [smem:$0x3FFC];
	_ =	sdelay $0x3  }
0x9a: {  	_ =	strace s9  }
0x9b: {  	s9 =	sld [smem:$0x3FFD];
	_ =	sdelay $0x3  }
0x9c: {  	_ =	strace s9  }
0x9d: {  	_ =	strace $0x8FFFFFFF  }
0x9e: {  	s19 =	sld [smem:$0x3FDB];
	_ =	sdelay $0x1  }
0x9f: {  	s10 =	simm.s32 $_scs_section_size  }
0xa0: {  	s11 =	simm.s32 $_size__tile_overlayer_lowered;
	s12 =	simm.s32 $_tile_overlayer_lowered  }
0xa1: {  	s22 =	simm.s32 $0x1BFF;
	s21 =	sshll.u32 s12, $0x1;
	s9 =	sadd.s32 s10, s19  }
0xa2: {  	s13 =	simm.s32 $0x0;
	s20 =	sshll.u32 s11, $0x1;
	s11 =	sadd.s32 s21, s9  }
0xa3: {  	[timem:s13], [sflag:s22] =	dma.local [hbm:s11], s20  }
0xa4: {  	_ =	swait.ge [sflag:s22], s20  }
0xa5: {  	s10 =	ssub.s32 $0x0, s20;
	[sflag:s22] =	ssyncset.done $0x0  }
0xa6: {  	[sflag:s22] =	ssyncadd.s32 s10;
	_ =	sdelay $0x1  }
0xa7: {  	s23 =	simm.s32 $0x1B8B  }
0xa8: {  	_ =	swait.ge [sflag:s23], $0x1  }
0xa9: {  	[sflag:s23] =	ssyncset.done $0x0  }
0xaa: {  	s25 =	simm.s32 $0x1B8E;
	s24 =	sld [smem:$0x3FFE];
	[sflag:s23] =	ssyncadd.s32 $0xFFFFFFFF  }
0xab: {  	s26 =	simm.s32 $execute0_lowered;
	[smem:$0x3FD2] =	sst s25  }
0xac: {  	s11 =	sshll.u32 s26, $0x1;
	_ =	strace $0x80000046;
	[dreg:$0x1] =	wrdreg $0xFFFFFFFF  }
0xad: {  	s28 =	simm.s32 $_size_execute0_lowered;
	s9 =	sadd.s32 s9, s11;
	[dreg:$0x0] =	wrdreg $0x0  }
0xae: {  	s11 =	sshll.u32 s28, $0x1;
	[dreg:$0x2] =	wrdreg s9  }
0xaf: {  	[dreg:$0x3] =	wrdreg s11  }
0xb0: {  	[dreg:$0x4] =	wrdreg $0xC0  }
0xb1: {  	_ =	task [dreg:s13], $0x5FFFF  }
0xb2: {  	[dreg:$0x1] =	wrdreg $0xFFFFFFFF  }
0xb3: {  	[dreg:$0x0] =	wrdreg $0x60  }
0xb4: {  	[dreg:$0x2] =	wrdreg s2  }
0xb5: {  	[dreg:$0x3] =	wrdreg s18  }
0xb6: {  	[dreg:$0x4] =	wrdreg s24  }
0xb7: {  	[dreg:$0x5] =	wrdreg s4  }
0xb8: {  	[dreg:$0x6] =	wrdreg s5  }
0xb9: {  	[dreg:$0x7] =	wrdreg s6  }
0xba: {  	[dreg:$0x8] =	wrdreg s7  }
0xbb: {  	[dreg:$0x9] =	wrdreg s8  }
0xbc: {  	[dreg:$0xa] =	wrdreg $0x9  }
0xbd: {  	_ =	task.clear_ibuf [dreg:s13], $0xBFFFF;
	_ =	strace $0x90000046  }
0xbe: {  	s29 =	simm.s32 $0x9;
	_ =	strace $0x80000048  }
0xbf: {  	_ =	swait.ge [sflag:s29], $0x1  }
0xc0: {  	[sflag:s29] =	ssyncadd.s32 $0xFFFFFFFF  }
0xc1: {  	_ =	strace $0x90000048  }
0xc2: {  	_ =	sfence  }
0xc3: {  	s30 =	sld [smem:$0x0];
	_ =	sdelay $0x2  }
0xc4: {  	s31 =	sshll.u32 s1, $0xD;
	s1 =	sshrl.u32 s1, $0x2  }
0xc5: {  	s3 =	sand.u32 $0x4000, s31;
	s1 =	sadd.s32 s1, s30  }
0xc6: {  	s0 =	sor.u32 s3, s0;
	s1 =	sshll.u32 s1, $0x11  }
0xc7: {  	s0 =	sor.u32 s1, s0  }
0xc8: {  	s0 =	sadd.s32 $0x8F2B, s0  }
0xc9: {  	[sflag:s0] =	ssyncadd.remote.s32 $0x1  }
0xca: {  	_ =	sfence.sel $0xFFFF  }
0xcb: {  	[dreg:$0x0] =	wrdreg $0xFFFFFFFF;
	(pc) =	sbr.abs _section_cstart, $3  }
0xcc: {  	[dreg:$0x1] =	wrdreg $0xFFFFFFFF  }
0xcd: {  	_ =	task.clear_ibuf [dreg:s13], $0x2FFFF;
	_ =	strace $0x9FFFFFFF  }
0xce: {  	(tm) =	ssettm $0x7FFFFFFF  }
0xcf: {  	_ =	shalt  }
tec
execute0_lowered:
.L_overlay_start_1:
0x0: {  	(tag) =	ssettag $0x1  }
0x1: {  	s0 =	rddreg [dreg:$0x0]  }
0x2: {  	s1 =	rddreg [dreg:$0x1]  }
0x3: {  	s2 =	rddreg [dreg:$0x2]  }
0x4: {  	s3 =	rddreg [dreg:$0x3]  }
0x5: {  	s6 =	rddreg [dreg:$0x5]  }
0x6: {  	s12 =	rddreg [dreg:$0x7];
	s4 =	srdreg.scid  }
0x7: {  	s7 =	stileid.u32;
	s14 =	simm.s32 $0x2;
	s15 =	simm.s32 $0x80  }
0x8: {  	s16 =	simm.s32 $0x400;
	s23 =	simm.s32 $0x1CE80;
	s28 =	simm.s32 $0x20000  }
0x9: {  	s30 =	simm.s32 $0x10400;
	s31 =	simm.s32 $0x14400;
	s17 =	simm.s32 $0x1E480  }
0xa: {  	s19 =	simm.s32 $0x0;
	s5 =	sand.u32 $0x1, s4;
	s4 =	simm.s32 $0x0  }
0xb: {  	s7 =	sshll.u32 s7, $0xA;
	s8 =	sshll.u32 s5, $0x9;
	[smem:$0x7FF] =	sst s4  }
0xc: {  	v0 =	vlaneseq.u32;
	s24 =	ssub.s32 $0x2, s5;
	s5 =	sadd.s32 $0xC00, s2;
	s10 =	sor.u32 s8, s7  }
0xd: {  	v1 =	vmul.u32 $0x11, v0;
	_ =	strace $0x80000047;
	s26 =	sshrl.u32 s24, $0x1;
	s13 =	sshrl.u32 s10, $0x3  }
0xe: {  	v18 =	vimm.s32 $0x0;
	v2 =	vmul.u32 $0x45, v0;
	s10 =	sadd.s32 s0, s10;
	s0 =	simm.s32 $0x1;
	s25 =	sadd.s32 s13, s2  }
0xf: {  	v3 =	vadd.s32 $0x1, v1;
	v4 =	vadd.s32 $0x2, v1;
	v5 =	vadd.s32 $0x3, v1;
	s2 =	ssub.s32 s24, s26;
	s1 =	sadd.s32 s1, s13;
	s8 =	sadd.s32 s6, s13  }
0x10: {  	v6 =	vadd.s32 $0x4, v1;
	v7 =	vadd.s32 $0x5, v1;
	v8 =	vadd.s32 $0x6, v1;
	s9 =	sadd.s32 s3, s13;
	s11 =	sadd.s32 $0x100, s10;
	s12 =	sadd.s32 s12, s13  }
0x11: {  	v9 =	vadd.s32 $0x7, v1;
	v10 =	vadd.s32 $0x8, v1;
	v11 =	vadd.s32 $0x9, v1;
	s24 =	simm.s32 $0x1DE80;
	s26 =	simm.s32 $0x800;
	s3 =	simm.s32 $0x1E780  }
0x12: {  	v12 =	vadd.s32 $0xA, v1;
	v13 =	vadd.s32 $0xB, v1;
	v14 =	vadd.s32 $0xC, v1;
	s29 =	sadd.s32 $0x400, s25;
	[dreg:$0xa] =	wrdreg s1;
	s13 =	smax.u32 s2, $0x1  }
0x13: {  	v15 =	vadd.s32 $0xD, v1;
	v16 =	vadd.s32 $0xE, v1;
	v17 =	vadd.s32 $0xF, v1;
	s2 =	simm.s32 $0x1E600;
	s1 =	simm.s32 $0x1E300;
	[dreg:$0x9] =	wrdreg s29  }
.LBB2_1:
0x14: {  	s6 =	rddreg [dreg:$0x9]  }
0x15: {  	[tilespmem:s4], [sflag:$0x2] =	stream.linear.gather [hbm4b:s6+s4], $0x200, $0x38;
	[tilespmem:$0x1EB00] =	vst v63  }
0x16: {  	_ =	swait.ge [sflag:s14], $0x200  }
0x17: {  	[sflag:s14] =	ssyncset.done $0x0  }
0x18: {  	[sflag:s14] =	ssyncadd.s32 $0xFFFFFE00  }
0x19: {  	[tilespmem:s16], [sflag:$0x1] =	stream.indirect.gather [hbm4b:s5+s15], $0x80, s4, s15, $0xb8;
	[tilespmem:$0x1EB00] =	vst v63  }
0x1a: {  	s18 =	simm.s32 $0x4400  }
0x1b: {  	[tilespmem:s18], [sflag:$0x1] =	stream.indirect.gather [hbm4b:s5+s15], $0x80, s15, s15, $0xb8;
	[tilespmem:$0x1EB00] =	vst v63  }
0x1c: {  	s20 =	simm.s32 $0x100;
	s7 =	simm.s32 $0x8400  }
0x1d: {  	[tilespmem:s7], [sflag:$0x1] =	stream.indirect.gather [hbm4b:s5+s15], $0x80, s20, s15, $0xb8;
	[tilespmem:$0x1EB00] =	vst v63  }
0x1e: {  	s21 =	simm.s32 $0x180;
	s22 =	simm.s32 $0xC400  }
0x1f: {  	[tilespmem:s22], [sflag:$0x1] =	stream.indirect.gather [hbm4b:s5+s15], $0x80, s21, s15, $0xb8;
	[tilespmem:$0x1EB00] =	vst v63  }
0x20: {  	s29 =	simm.s32 $0x200;
	s25 =	rddreg [dreg:$0xa]  }
0x21: {  	[tilespmem:s29], [sflag:$0x2] =	stream.linear.gather [hbm4b:s25+s4], $0x200, $0x38;
	[tilespmem:$0x1EB00] =	vst v63  }
0x22: {  	_ =	swait.ge [sflag:s14], $0x200  }
0x23: {  	[sflag:s14] =	ssyncset.done $0x0  }
0x24: {  	[sflag:s14] =	ssyncadd.s32 $0xFFFFFE00  }
0x25: {  	s7 =	rddreg [dreg:$0x4]  }
0x26: {  	[tilespmem:s23], [sflag:$0x2] =	stream.linear.gather [hbm4b:s7+s4], $0x1000, $0x38;
	[tilespmem:$0x1EB00] =	vst v63  }
0x27: {  	_ =	swait.ge [sflag:s14], $0x1000  }
0x28: {  	[sflag:s14] =	ssyncset.done $0x0  }
0x29: {  	[sflag:s14] =	ssyncadd.s32 $0xFFFFF000  }
0x2a: {  	s18 =	rddreg [dreg:$0x6]  }
0x2b: {  	[tilespmem:s24], [sflag:$0x2] =	stream.linear.gather [hbm4b:s18+s4], $0x80, $0x38;
	[tilespmem:$0x1EB00] =	vst v63  }
0x2c: {  	_ =	swait.ge [sflag:s14], $0x80  }
0x2d: {  	[sflag:s14] =	ssyncset.done $0x0  }
0x2e: {  	s20 =	simm.s32 $0x1DF00;
	[sflag:s14] =	ssyncadd.s32 $0xFFFFFF80  }
0x2f: {  	[tilespmem:s20], [sflag:$0x2] =	stream.linear.gather [hbm4b:s8+s4], $0x200, $0x38;
	[tilespmem:$0x1EB00] =	vst v63  }
0x30: {  	_ =	swait.ge [sflag:s14], $0x200  }
0x31: {  	[sflag:s14] =	ssyncset.done $0x0  }
0x32: {  	s21 =	simm.s32 $0x1E100;
	[sflag:s14] =	ssyncadd.s32 $0xFFFFFE00  }
0x33: {  	[tilespmem:s21], [sflag:$0x2] =	stream.linear.gather [hbm4b:s9+s4], $0x200, $0x38;
	[tilespmem:$0x1EB00] =	vst v63  }
0x34: {  	_ =	swait.ge [sflag:s14], $0x200  }
0x35: {  	[sflag:s14] =	ssyncset.done $0x0  }
0x36: {  	[sflag:s14] =	ssyncadd.s32 $0xFFFFFE00  }
0x37: {  	[tilespmem:s30], [sflag:$0x2] =	stream.strided.gather [hbm4b:s10+s26], $0x4000, s28, s26, $0x38;
	[tilespmem:$0x1EB00] =	vst v63  }
0x38: {  	_ =	swait.ge [sflag:s14], $0x4000  }
0x39: {  	s22 =	sand.u32 $0x3800, s4;
	s18 =	sand.u32 $0x380, s4;
	[sflag:s14] =	ssyncset.done $0x0  }
0x3a: {  	s21 =	sor.u32 s18, s22;
	[sflag:s14] =	ssyncadd.s32 $0xFFFFC000  }
0x3b: {  	v20 =	vadd.s32 s4, v2;
	v19 =	vld [tilespmem:s21+$0x10400];
	_ =	sdelay $0x4  }
0x3c: {  	s25 =	simm.s32 $0x450;
	[tilespmem:v20+s31+$0x0] =	vst.idx.msk $0xffff, v19  }
0x3d: {  	v20 =	vadd.s32 s25, v2;
	v19 =	vld [tilespmem:s21+$0x10410];
	_ =	sdelay $0x4  }
0x3e: {  	s29 =	simm.s32 $0x8A0;
	[tilespmem:v20+s31+$0x0] =	vst.idx.msk $0xffff, v19  }
0x3f: {  	v20 =	vadd.s32 s29, v2;
	v19 =	vld [tilespmem:s21+$0x10420];
	_ =	sdelay $0x4  }
0x40: {  	s7 =	simm.s32 $0xCF0;
	[tilespmem:v20+s31+$0x0] =	vst.idx.msk $0xffff, v19  }
0x41: {  	v20 =	vadd.s32 s7, v2;
	v19 =	vld [tilespmem:s21+$0x10430];
	_ =	sdelay $0x4  }
0x42: {  	s18 =	simm.s32 $0x1140;
	[tilespmem:v20+s31+$0x0] =	vst.idx.msk $0xffff, v19  }
0x43: {  	v20 =	vadd.s32 s18, v2;
	v19 =	vld [tilespmem:s21+$0x10440];
	_ =	sdelay $0x4  }
0x44: {  	s20 =	simm.s32 $0x1590;
	[tilespmem:v20+s31+$0x0] =	vst.idx.msk $0xffff, v19  }
0x45: {  	v20 =	vadd.s32 s20, v2;
	v19 =	vld [tilespmem:s21+$0x10450];
	_ =	sdelay $0x4  }
0x46: {  	s22 =	simm.s32 $0x19E0;
	[tilespmem:v20+s31+$0x0] =	vst.idx.msk $0xffff, v19  }
0x47: {  	v20 =	vadd.s32 s22, v2;
	v19 =	vld [tilespmem:s21+$0x10460];
	_ =	sdelay $0x4  }
0x48: {  	s25 =	simm.s32 $0x1E30;
	[tilespmem:v20+s31+$0x0] =	vst.idx.msk $0xffff, v19  }
0x49: {  	v20 =	vadd.s32 s25, v2;
	v19 =	vld [tilespmem:s21+$0x10470];
	_ =	sdelay $0x4  }
0x4a: {  	s29 =	simm.s32 $0x2280;
	[tilespmem:v20+s31+$0x0] =	vst.idx.msk $0xffff, v19  }
0x4b: {  	v20 =	vadd.s32 s29, v2;
	v19 =	vld [tilespmem:s21+$0x10800];
	_ =	sdelay $0x4  }
0x4c: {  	s7 =	simm.s32 $0x26D0;
	[tilespmem:v20+s31+$0x0] =	vst.idx.msk $0xffff, v19  }
0x4d: {  	v20 =	vadd.s32 s7, v2;
	v19 =	vld [tilespmem:s21+$0x10810];
	_ =	sdelay $0x4  }
0x4e: {  	s18 =	simm.s32 $0x2B20;
	[tilespmem:v20+s31+$0x0] =	vst.idx.msk $0xffff, v19  }
0x4f: {  	v20 =	vadd.s32 s18, v2;
	v19 =	vld [tilespmem:s21+$0x10820];
	_ =	sdelay $0x4  }
0x50: {  	s20 =	simm.s32 $0x2F70;
	[tilespmem:v20+s31+$0x0] =	vst.idx.msk $0xffff, v19  }
0x51: {  	v20 =	vadd.s32 s20, v2;
	v19 =	vld [tilespmem:s21+$0x10830];
	_ =	sdelay $0x4  }
0x52: {  	s22 =	simm.s32 $0x33C0;
	[tilespmem:v20+s31+$0x0] =	vst.idx.msk $0xffff, v19  }
0x53: {  	v20 =	vadd.s32 s22, v2;
	v19 =	vld [tilespmem:s21+$0x10840];
	_ =	sdelay $0x4  }
0x54: {  	s25 =	simm.s32 $0x3810;
	[tilespmem:v20+s31+$0x0] =	vst.idx.msk $0xffff, v19  }
0x55: {  	v20 =	vadd.s32 s25, v2;
	v19 =	vld [tilespmem:s21+$0x10850];
	_ =	sdelay $0x4  }
0x56: {  	s29 =	simm.s32 $0x3C60;
	[tilespmem:v20+s31+$0x0] =	vst.idx.msk $0xffff, v19  }
0x57: {  	v20 =	vadd.s32 s29, v2;
	v19 =	vld [tilespmem:s21+$0x10860];
	_ =	sdelay $0x4  }
0x58: {  	s22 =	simm.s32 $0x40B0;
	[tilespmem:v20+s31+$0x0] =	vst.idx.msk $0xffff, v19  }
0x59: {  	v20 =	vadd.s32 s22, v2;
	v19 =	vld [tilespmem:s21+$0x10870];
	_ =	sdelay $0x2  }
0x5a: {  	s6 =	simm.s32 $0x1;
	s18 =	simm.s32 $0x80;
	s20 =	simm.s32 $0x100  }
0x5b: {  	s25 =	sand.u32 $0x380, s18;
	s22 =	sand.u32 $0x3800, s20;
	s21 =	simm.s32 $0x2  }
.LBB2_2:
0x5c: {  	p0 =	sne.s32 s21, $0x3F;
	s22 =	sor.u32 s25, s22;
	[tilespmem:v20+s31+$0x0] =	vst.idx.msk $0xffff, v19  }
0x5d: {  	v20 =	vadd.s32 s6, v2;
	v19 =	vld [tilespmem:s22+$0x10400];
	_ =	sdelay $0x4  }
0x5e: {  	s25 =	sadd.s32 $0x450, s6;
	[tilespmem:v20+s31+$0x0] =	vst.idx.msk $0xffff, v19  }
0x5f: {  	v20 =	vadd.s32 s25, v2;
	v19 =	vld [tilespmem:s22+$0x10410];
	_ =	sdelay $0x4  }
0x60: {  	s25 =	sadd.s32 $0x8A0, s6;
	[tilespmem:v20+s31+$0x0] =	vst.idx.msk $0xffff, v19  }
0x61: {  	v20 =	vadd.s32 s25, v2;
	v19 =	vld [tilespmem:s22+$0x10420];
	_ =	sdelay $0x4  }
0x62: {  	s25 =	sadd.s32 $0xCF0, s6;
	[tilespmem:v20+s31+$0x0] =	vst.idx.msk $0xffff, v19  }
0x63: {  	v20 =	vadd.s32 s25, v2;
	v19 =	vld [tilespmem:s22+$0x10430];
	_ =	sdelay $0x4  }
0x64: {  	s25 =	sadd.s32 $0x1140, s6;
	[tilespmem:v20+s31+$0x0] =	vst.idx.msk $0xffff, v19  }
0x65: {  	v20 =	vadd.s32 s25, v2;
	v19 =	vld [tilespmem:s22+$0x10440];
	_ =	sdelay $0x4  }
0x66: {  	s25 =	sadd.s32 $0x1590, s6;
	[tilespmem:v20+s31+$0x0] =	vst.idx.msk $0xffff, v19  }
0x67: {  	v20 =	vadd.s32 s25, v2;
	v19 =	vld [tilespmem:s22+$0x10450];
	_ =	sdelay $0x4  }
0x68: {  	s25 =	sadd.s32 $0x19E0, s6;
	[tilespmem:v20+s31+$0x0] =	vst.idx.msk $0xffff, v19  }
0x69: {  	v20 =	vadd.s32 s25, v2;
	v19 =	vld [tilespmem:s22+$0x10460];
	_ =	sdelay $0x4  }
0x6a: {  	s25 =	sadd.s32 $0x1E30, s6;
	[tilespmem:v20+s31+$0x0] =	vst.idx.msk $0xffff, v19  }
0x6b: {  	v20 =	vadd.s32 s25, v2;
	v19 =	vld [tilespmem:s22+$0x10470];
	_ =	sdelay $0x4  }
0x6c: {  	s25 =	sadd.s32 $0x2280, s6;
	[tilespmem:v20+s31+$0x0] =	vst.idx.msk $0xffff, v19  }
0x6d: {  	v20 =	vadd.s32 s25, v2;
	v19 =	vld [tilespmem:s22+$0x10800];
	_ =	sdelay $0x4  }
0x6e: {  	s25 =	sadd.s32 $0x26D0, s6;
	[tilespmem:v20+s31+$0x0] =	vst.idx.msk $0xffff, v19  }
0x6f: {  	v20 =	vadd.s32 s25, v2;
	v19 =	vld [tilespmem:s22+$0x10810];
	_ =	sdelay $0x4  }
0x70: {  	s25 =	sadd.s32 $0x2B20, s6;
	[tilespmem:v20+s31+$0x0] =	vst.idx.msk $0xffff, v19  }
0x71: {  	v20 =	vadd.s32 s25, v2;
	v19 =	vld [tilespmem:s22+$0x10820];
	_ =	sdelay $0x4  }
0x72: {  	s25 =	sadd.s32 $0x2F70, s6;
	[tilespmem:v20+s31+$0x0] =	vst.idx.msk $0xffff, v19  }
0x73: {  	v20 =	vadd.s32 s25, v2;
	v19 =	vld [tilespmem:s22+$0x10830];
	_ =	sdelay $0x4  }
0x74: {  	s25 =	sadd.s32 $0x33C0, s6;
	[tilespmem:v20+s31+$0x0] =	vst.idx.msk $0xffff, v19  }
0x75: {  	v20 =	vadd.s32 s25, v2;
	v19 =	vld [tilespmem:s22+$0x10840];
	_ =	sdelay $0x4  }
0x76: {  	s25 =	sadd.s32 $0x3810, s6;
	[tilespmem:v20+s31+$0x0] =	vst.idx.msk $0xffff, v19  }
0x77: {  	v20 =	vadd.s32 s25, v2;
	v19 =	vld [tilespmem:s22+$0x10850];
	_ =	sdelay $0x4  }
0x78: {  	s25 =	sadd.s32 $0x3C60, s6;
	[tilespmem:v20+s31+$0x0] =	vst.idx.msk $0xffff, v19  }
0x79: {  	v20 =	vadd.s32 s25, v2;
	v19 =	vld [tilespmem:s22+$0x10860];
	_ =	sdelay $0x4  }
0x7a: {  	s25 =	sadd.s32 $0x40B0, s6;
	s6 =	smov.u32 s21;
	[tilespmem:v20+s31+$0x0] =	vst.idx.msk $0xffff, v19  }
.Ltmp0:
0x7b: {  	v20 =	vadd.s32 s25, v2;
	v19 =	vld [tilespmem:s22+$0x10870];
	(pc) =	sbr.rel @p0 .LBB2_2-.Ltmp0, $3  }
0x7c: {  	_ =	sdelay $0x1  }
0x7d: {  	s18 =	sadd.s32 $0x80, s18;
	s20 =	sadd.s32 $0x100, s20  }
0x7e: {  	s21 =	sadd.s32 $0x1, s21;
	s25 =	sand.u32 $0x380, s18;
	s22 =	sand.u32 $0x3800, s20  }
0x7f: {  	_ =	sdelay $0x3  }
0x80: {  	s18 =	sor.u32 s25, s22;
	[tilespmem:v20+s31+$0x0] =	vst.idx.msk $0xffff, v19  }
0x81: {  	v20 =	vadd.s32 s6, v2;
	v19 =	vld [tilespmem:s18+$0x10400];
	_ =	sdelay $0x4  }
0x82: {  	s20 =	sadd.s32 $0x450, s6;
	[tilespmem:v20+s31+$0x0] =	vst.idx.msk $0xffff, v19  }
0x83: {  	v20 =	vadd.s32 s20, v2;
	v19 =	vld [tilespmem:s18+$0x10410];
	_ =	sdelay $0x4  }
0x84: {  	s7 =	sadd.s32 $0x8A0, s6;
	[tilespmem:v20+s31+$0x0] =	vst.idx.msk $0xffff, v19  }
0x85: {  	v20 =	vadd.s32 s7, v2;
	v19 =	vld [tilespmem:s18+$0x10420];
	_ =	sdelay $0x4  }
0x86: {  	s21 =	sadd.s32 $0xCF0, s6;
	[tilespmem:v20+s31+$0x0] =	vst.idx.msk $0xffff, v19  }
0x87: {  	v20 =	vadd.s32 s21, v2;
	v19 =	vld [tilespmem:s18+$0x10430];
	_ =	sdelay $0x4  }
0x88: {  	s22 =	sadd.s32 $0x1140, s6;
	[tilespmem:v20+s31+$0x0] =	vst.idx.msk $0xffff, v19  }
0x89: {  	v20 =	vadd.s32 s22, v2;
	v19 =	vld [tilespmem:s18+$0x10440];
	_ =	sdelay $0x4  }
0x8a: {  	s25 =	sadd.s32 $0x1590, s6;
	[tilespmem:v20+s31+$0x0] =	vst.idx.msk $0xffff, v19  }
0x8b: {  	v20 =	vadd.s32 s25, v2;
	v19 =	vld [tilespmem:s18+$0x10450];
	_ =	sdelay $0x4  }
0x8c: {  	s29 =	sadd.s32 $0x19E0, s6;
	[tilespmem:v20+s31+$0x0] =	vst.idx.msk $0xffff, v19  }
0x8d: {  	v20 =	vadd.s32 s29, v2;
	v19 =	vld [tilespmem:s18+$0x10460];
	_ =	sdelay $0x4  }
0x8e: {  	s7 =	sadd.s32 $0x1E30, s6;
	[tilespmem:v20+s31+$0x0] =	vst.idx.msk $0xffff, v19  }
0x8f: {  	v20 =	vadd.s32 s7, v2;
	v19 =	vld [tilespmem:s18+$0x10470];
	_ =	sdelay $0x4  }
0x90: {  	s21 =	sadd.s32 $0x2280, s6;
	[tilespmem:v20+s31+$0x0] =	vst.idx.msk $0xffff, v19  }
0x91: {  	v20 =	vadd.s32 s21, v2;
	v19 =	vld [tilespmem:s18+$0x10800];
	_ =	sdelay $0x4  }
0x92: {  	s22 =	sadd.s32 $0x26D0, s6;
	[tilespmem:v20+s31+$0x0] =	vst.idx.msk $0xffff, v19  }
0x93: {  	v20 =	vadd.s32 s22, v2;
	v19 =	vld [tilespmem:s18+$0x10810];
	_ =	sdelay $0x4  }
0x94: {  	s25 =	sadd.s32 $0x2B20, s6;
	[tilespmem:v20+s31+$0x0] =	vst.idx.msk $0xffff, v19  }
0x95: {  	v20 =	vadd.s32 s25, v2;
	v19 =	vld [tilespmem:s18+$0x10820];
	_ =	sdelay $0x4  }
0x96: {  	s29 =	sadd.s32 $0x2F70, s6;
	[tilespmem:v20+s31+$0x0] =	vst.idx.msk $0xffff, v19  }
0x97: {  	v20 =	vadd.s32 s29, v2;
	v19 =	vld [tilespmem:s18+$0x10830];
	_ =	sdelay $0x4  }
0x98: {  	s7 =	sadd.s32 $0x33C0, s6;
	[tilespmem:v20+s31+$0x0] =	vst.idx.msk $0xffff, v19  }
0x99: {  	v20 =	vadd.s32 s7, v2;
	v19 =	vld [tilespmem:s18+$0x10840];
	_ =	sdelay $0x4  }
0x9a: {  	s21 =	sadd.s32 $0x3810, s6;
	[tilespmem:v20+s31+$0x0] =	vst.idx.msk $0xffff, v19  }
0x9b: {  	v20 =	vadd.s32 s21, v2;
	v19 =	vld [tilespmem:s18+$0x10850];
	_ =	sdelay $0x4  }
0x9c: {  	s22 =	sadd.s32 $0x3C60, s6;
	[tilespmem:v20+s31+$0x0] =	vst.idx.msk $0xffff, v19  }
0x9d: {  	v20 =	vadd.s32 s22, v2;
	v19 =	vld [tilespmem:s18+$0x10860];
	_ =	sdelay $0x4  }
0x9e: {  	s25 =	sadd.s32 $0x40B0, s6;
	[tilespmem:v20+s31+$0x0] =	vst.idx.msk $0xffff, v19  }
0x9f: {  	v20 =	vadd.s32 s25, v2;
	v19 =	vld [tilespmem:s18+$0x10870];
	_ =	sdelay $0x4  }
0xa0: {  	[tilespmem:v20+s31+$0x0] =	vst.idx.msk $0xffff, v19  }
0xa1: {  	[tilespmem:s30], [sflag:$0x2] =	stream.strided.gather [hbm4b:s11+s26], $0x4000, s28, s26, $0x38;
	[tilespmem:$0x1EB00] =	vst v63  }
0xa2: {  	s28 =	simm.s32 $0x0;
	_ =	swait.ge [sflag:s14], $0x4000  }
0xa3: {  	s29 =	sand.u32 $0x3800, s28;
	s6 =	sand.u32 $0x380, s28;
	[sflag:s14] =	ssyncset.done $0x0  }
0xa4: {  	s7 =	simm.s32 $0x4500;
	s21 =	sor.u32 s6, s29;
	[sflag:s14] =	ssyncadd.s32 $0xFFFFC000  }
0xa5: {  	v20 =	vadd.s32 s7, v2;
	v19 =	vld [tilespmem:s21+$0x10400];
	_ =	sdelay $0x4  }
0xa6: {  	s18 =	simm.s32 $0x4950;
	[tilespmem:v20+s31+$0x0] =	vst.idx.msk $0xffff, v19  }
0xa7: {  	v20 =	vadd.s32 s18, v2;
	v19 =	vld [tilespmem:s21+$0x10410];
	_ =	sdelay $0x4  }
0xa8: {  	s20 =	simm.s32 $0x4DA0;
	[tilespmem:v20+s31+$0x0] =	vst.idx.msk $0xffff, v19  }
0xa9: {  	v20 =	vadd.s32 s20, v2;
	v19 =	vld [tilespmem:s21+$0x10420];
	_ =	sdelay $0x4  }
0xaa: {  	s22 =	simm.s32 $0x51F0;
	[tilespmem:v20+s31+$0x0] =	vst.idx.msk $0xffff, v19  }
0xab: {  	v20 =	vadd.s32 s22, v2;
	v19 =	vld [tilespmem:s21+$0x10430];
	_ =	sdelay $0x4  }
0xac: {  	s25 =	simm.s32 $0x5640;
	[tilespmem:v20+s31+$0x0] =	vst.idx.msk $0xffff, v19  }
0xad: {  	v20 =	vadd.s32 s25, v2;
	v19 =	vld [tilespmem:s21+$0x10440];
	_ =	sdelay $0x4  }
0xae: {  	s26 =	simm.s32 $0x5A90;
	[tilespmem:v20+s31+$0x0] =	vst.idx.msk $0xffff, v19  }
0xaf: {  	v20 =	vadd.s32 s26, v2;
	v19 =	vld [tilespmem:s21+$0x10450];
	_ =	sdelay $0x4  }
0xb0: {  	s28 =	simm.s32 $0x5EE0;
	[tilespmem:v20+s31+$0x0] =	vst.idx.msk $0xffff, v19  }
0xb1: {  	v20 =	vadd.s32 s28, v2;
	v19 =	vld [tilespmem:s21+$0x10460];
	_ =	sdelay $0x4  }
0xb2: {  	s29 =	simm.s32 $0x6330;
	[tilespmem:v20+s31+$0x0] =	vst.idx.msk $0xffff, v19  }
0xb3: {  	v20 =	vadd.s32 s29, v2;
	v19 =	vld [tilespmem:s21+$0x10470];
	_ =	sdelay $0x4  }
0xb4: {  	s7 =	simm.s32 $0x6780;
	[tilespmem:v20+s31+$0x0] =	vst.idx.msk $0xffff, v19  }
0xb5: {  	v20 =	vadd.s32 s7, v2;
	v19 =	vld [tilespmem:s21+$0x10800];
	_ =	sdelay $0x4  }
0xb6: {  	s18 =	simm.s32 $0x6BD0;
	[tilespmem:v20+s31+$0x0] =	vst.idx.msk $0xffff, v19  }
0xb7: {  	v20 =	vadd.s32 s18, v2;
	v19 =	vld [tilespmem:s21+$0x10810];
	_ =	sdelay $0x4  }
0xb8: {  	s20 =	simm.s32 $0x7020;
	[tilespmem:v20+s31+$0x0] =	vst.idx.msk $0xffff, v19  }
0xb9: {  	v20 =	vadd.s32 s20, v2;
	v19 =	vld [tilespmem:s21+$0x10820];
	_ =	sdelay $0x4  }
0xba: {  	s22 =	simm.s32 $0x7470;
	[tilespmem:v20+s31+$0x0] =	vst.idx.msk $0xffff, v19  }
0xbb: {  	v20 =	vadd.s32 s22, v2;
	v19 =	vld [tilespmem:s21+$0x10830];
	_ =	sdelay $0x4  }
0xbc: {  	s25 =	simm.s32 $0x78C0;
	[tilespmem:v20+s31+$0x0] =	vst.idx.msk $0xffff, v19  }
0xbd: {  	v20 =	vadd.s32 s25, v2;
	v19 =	vld [tilespmem:s21+$0x10840];
	_ =	sdelay $0x4  }
0xbe: {  	s26 =	simm.s32 $0x7D10;
	[tilespmem:v20+s31+$0x0] =	vst.idx.msk $0xffff, v19  }
0xbf: {  	v20 =	vadd.s32 s26, v2;
	v19 =	vld [tilespmem:s21+$0x10850];
	_ =	sdelay $0x4  }
0xc0: {  	s28 =	simm.s32 $0x8160;
	[tilespmem:v20+s31+$0x0] =	vst.idx.msk $0xffff, v19  }
0xc1: {  	v20 =	vadd.s32 s28, v2;
	v19 =	vld [tilespmem:s21+$0x10860];
	_ =	sdelay $0x4  }
0xc2: {  	s29 =	simm.s32 $0x85B0;
	[tilespmem:v20+s31+$0x0] =	vst.idx.msk $0xffff, v19  }
0xc3: {  	v20 =	vadd.s32 s29, v2;
	v19 =	vld [tilespmem:s21+$0x10870];
	_ =	sdelay $0x2  }
0xc4: {  	s6 =	simm.s32 $0x85B1;
	s18 =	simm.s32 $0x80;
	s20 =	simm.s32 $0x100  }
0xc5: {  	s22 =	sand.u32 $0x3800, s20;
	s25 =	sand.u32 $0x380, s18;
	s21 =	simm.s32 $0x85B2  }
.LBB2_4:
0xc6: {  	p0 =	sne.s32 s21, $0x85EF;
	s22 =	sor.u32 s25, s22;
	s25 =	sadd.s32 $0xFFFFBF50, s6;
	[tilespmem:v20+s31+$0x0] =	vst.idx.msk $0xffff, v19  }
0xc7: {  	v19 =	vld [tilespmem:s22+$0x10400];
	v20 =	vadd.s32 s25, v2;
	_ =	sdelay $0x4  }
0xc8: {  	s25 =	sadd.s32 $0xFFFFC3A0, s6;
	[tilespmem:v20+s31+$0x0] =	vst.idx.msk $0xffff, v19  }
0xc9: {  	v20 =	vadd.s32 s25, v2;
	v19 =	vld [tilespmem:s22+$0x10410];
	_ =	sdelay $0x4  }
0xca: {  	s25 =	sadd.s32 $0xFFFFC7F0, s6;
	[tilespmem:v20+s31+$0x0] =	vst.idx.msk $0xffff, v19  }
0xcb: {  	v20 =	vadd.s32 s25, v2;
	v19 =	vld [tilespmem:s22+$0x10420];
	_ =	sdelay $0x4  }
0xcc: {  	s25 =	sadd.s32 $0xFFFFCC40, s6;
	[tilespmem:v20+s31+$0x0] =	vst.idx.msk $0xffff, v19  }
0xcd: {  	v20 =	vadd.s32 s25, v2;
	v19 =	vld [tilespmem:s22+$0x10430];
	_ =	sdelay $0x4  }
0xce: {  	s25 =	sadd.s32 $0xFFFFD090, s6;
	[tilespmem:v20+s31+$0x0] =	vst.idx.msk $0xffff, v19  }
0xcf: {  	v20 =	vadd.s32 s25, v2;
	v19 =	vld [tilespmem:s22+$0x10440];
	_ =	sdelay $0x4  }
0xd0: {  	s25 =	sadd.s32 $0xFFFFD4E0, s6;
	[tilespmem:v20+s31+$0x0] =	vst.idx.msk $0xffff, v19  }
0xd1: {  	v20 =	vadd.s32 s25, v2;
	v19 =	vld [tilespmem:s22+$0x10450];
	_ =	sdelay $0x4  }
0xd2: {  	s25 =	sadd.s32 $0xFFFFD930, s6;
	[tilespmem:v20+s31+$0x0] =	vst.idx.msk $0xffff, v19  }
0xd3: {  	v20 =	vadd.s32 s25, v2;
	v19 =	vld [tilespmem:s22+$0x10460];
	_ =	sdelay $0x4  }
0xd4: {  	s25 =	sadd.s32 $0xFFFFDD80, s6;
	[tilespmem:v20+s31+$0x0] =	vst.idx.msk $0xffff, v19  }
0xd5: {  	v20 =	vadd.s32 s25, v2;
	v19 =	vld [tilespmem:s22+$0x10470];
	_ =	sdelay $0x4  }
0xd6: {  	s25 =	sadd.s32 $0xFFFFE1D0, s6;
	[tilespmem:v20+s31+$0x0] =	vst.idx.msk $0xffff, v19  }
0xd7: {  	v20 =	vadd.s32 s25, v2;
	v19 =	vld [tilespmem:s22+$0x10800];
	_ =	sdelay $0x4  }
0xd8: {  	s25 =	sadd.s32 $0xFFFFE620, s6;
	[tilespmem:v20+s31+$0x0] =	vst.idx.msk $0xffff, v19  }
0xd9: {  	v20 =	vadd.s32 s25, v2;
	v19 =	vld [tilespmem:s22+$0x10810];
	_ =	sdelay $0x4  }
0xda: {  	s25 =	sadd.s32 $0xFFFFEA70, s6;
	[tilespmem:v20+s31+$0x0] =	vst.idx.msk $0xffff, v19  }
0xdb: {  	v20 =	vadd.s32 s25, v2;
	v19 =	vld [tilespmem:s22+$0x10820];
	_ =	sdelay $0x4  }
0xdc: {  	s25 =	sadd.s32 $0xFFFFEEC0, s6;
	[tilespmem:v20+s31+$0x0] =	vst.idx.msk $0xffff, v19  }
0xdd: {  	v20 =	vadd.s32 s25, v2;
	v19 =	vld [tilespmem:s22+$0x10830];
	_ =	sdelay $0x4  }
0xde: {  	s25 =	sadd.s32 $0xFFFFF310, s6;
	[tilespmem:v20+s31+$0x0] =	vst.idx.msk $0xffff, v19  }
0xdf: {  	v20 =	vadd.s32 s25, v2;
	v19 =	vld [tilespmem:s22+$0x10840];
	_ =	sdelay $0x4  }
0xe0: {  	s25 =	sadd.s32 $0xFFFFF760, s6;
	[tilespmem:v20+s31+$0x0] =	vst.idx.msk $0xffff, v19  }
0xe1: {  	v20 =	vadd.s32 s25, v2;
	v19 =	vld [tilespmem:s22+$0x10850];
	_ =	sdelay $0x4  }
0xe2: {  	s25 =	sadd.s32 $0xFFFFFBB0, s6;
	[tilespmem:v20+s31+$0x0] =	vst.idx.msk $0xffff, v19  }
0xe3: {  	v20 =	vadd.s32 s25, v2;
	v19 =	vld [tilespmem:s22+$0x10860];
	_ =	sdelay $0x4  }
0xe4: {  	[tilespmem:v20+s31+$0x0] =	vst.idx.msk $0xffff, v19  }
.Ltmp1:
0xe5: {  	v20 =	vadd.s32 s6, v2;
	s6 =	smov.u32 s21;
	v19 =	vld [tilespmem:s22+$0x10870];
	(pc) =	sbr.rel @p0 .LBB2_4-.Ltmp1, $3  }
0xe6: {  	_ =	sdelay $0x1  }
0xe7: {  	s18 =	sadd.s32 $0x80, s18;
	s20 =	sadd.s32 $0x100, s20  }
0xe8: {  	s25 =	sand.u32 $0x380, s18;
	s21 =	sadd.s32 $0x1, s21;
	s22 =	sand.u32 $0x3800, s20  }
0xe9: {  	_ =	sdelay $0x3  }
0xea: {  	s18 =	sor.u32 s25, s22;
	s20 =	sadd.s32 $0xFFFFBF50, s6;
	[tilespmem:v20+s31+$0x0] =	vst.idx.msk $0xffff, v19  }
0xeb: {  	v19 =	vld [tilespmem:s18+$0x10400];
	v20 =	vadd.s32 s20, v2;
	_ =	sdelay $0x4  }
0xec: {  	s21 =	sadd.s32 $0xFFFFC3A0, s6;
	[tilespmem:v20+s31+$0x0] =	vst.idx.msk $0xffff, v19  }
0xed: {  	v20 =	vadd.s32 s21, v2;
	v19 =	vld [tilespmem:s18+$0x10410];
	_ =	sdelay $0x4  }
0xee: {  	s22 =	sadd.s32 $0xFFFFC7F0, s6;
	[tilespmem:v20+s31+$0x0] =	vst.idx.msk $0xffff, v19  }
0xef: {  	v20 =	vadd.s32 s22, v2;
	v19 =	vld [tilespmem:s18+$0x10420];
	_ =	sdelay $0x4  }
0xf0: {  	s25 =	sadd.s32 $0xFFFFCC40, s6;
	[tilespmem:v20+s31+$0x0] =	vst.idx.msk $0xffff, v19  }
0xf1: {  	v20 =	vadd.s32 s25, v2;
	v19 =	vld [tilespmem:s18+$0x10430];
	_ =	sdelay $0x4  }
0xf2: {  	s26 =	sadd.s32 $0xFFFFD090, s6;
	[tilespmem:v20+s31+$0x0] =	vst.idx.msk $0xffff, v19  }
0xf3: {  	v20 =	vadd.s32 s26, v2;
	v19 =	vld [tilespmem:s18+$0x10440];
	_ =	sdelay $0x4  }
0xf4: {  	s7 =	sadd.s32 $0xFFFFD4E0, s6;
	[tilespmem:v20+s31+$0x0] =	vst.idx.msk $0xffff, v19  }
0xf5: {  	v20 =	vadd.s32 s7, v2;
	v19 =	vld [tilespmem:s18+$0x10450];
	_ =	sdelay $0x4  }
0xf6: {  	s21 =	sadd.s32 $0xFFFFD930, s6;
	[tilespmem:v20+s31+$0x0] =	vst.idx.msk $0xffff, v19  }
0xf7: {  	v20 =	vadd.s32 s21, v2;
	v19 =	vld [tilespmem:s18+$0x10460];
	_ =	sdelay $0x4  }
0xf8: {  	s22 =	sadd.s32 $0xFFFFDD80, s6;
	[tilespmem:v20+s31+$0x0] =	vst.idx.msk $0xffff, v19  }
0xf9: {  	v20 =	vadd.s32 s22, v2;
	v19 =	vld [tilespmem:s18+$0x10470];
	_ =	sdelay $0x4  }
0xfa: {  	s25 =	sadd.s32 $0xFFFFE1D0, s6;
	[tilespmem:v20+s31+$0x0] =	vst.idx.msk $0xffff, v19  }
0xfb: {  	v20 =	vadd.s32 s25, v2;
	v19 =	vld [tilespmem:s18+$0x10800];
	_ =	sdelay $0x4  }
0xfc: {  	s26 =	sadd.s32 $0xFFFFE620, s6;
	[tilespmem:v20+s31+$0x0] =	vst.idx.msk $0xffff, v19  }
0xfd: {  	v20 =	vadd.s32 s26, v2;
	v19 =	vld [tilespmem:s18+$0x10810];
	_ =	sdelay $0x4  }
0xfe: {  	s7 =	sadd.s32 $0xFFFFEA70, s6;
	[tilespmem:v20+s31+$0x0] =	vst.idx.msk $0xffff, v19  }
0xff: {  	v20 =	vadd.s32 s7, v2;
	v19 =	vld [tilespmem:s18+$0x10820];
	_ =	sdelay $0x4  }
0x100: {  	s21 =	sadd.s32 $0xFFFFEEC0, s6;
	[tilespmem:v20+s31+$0x0] =	vst.idx.msk $0xffff, v19  }
0x101: {  	v20 =	vadd.s32 s21, v2;
	v19 =	vld [tilespmem:s18+$0x10830];
	_ =	sdelay $0x4  }
0x102: {  	s22 =	sadd.s32 $0xFFFFF310, s6;
	[tilespmem:v20+s31+$0x0] =	vst.idx.msk $0xffff, v19  }
0x103: {  	v20 =	vadd.s32 s22, v2;
	v19 =	vld [tilespmem:s18+$0x10840];
	_ =	sdelay $0x4  }
0x104: {  	s25 =	sadd.s32 $0xFFFFF760, s6;
	[tilespmem:v20+s31+$0x0] =	vst.idx.msk $0xffff, v19  }
0x105: {  	v20 =	vadd.s32 s25, v2;
	v19 =	vld [tilespmem:s18+$0x10850];
	_ =	sdelay $0x4  }
0x106: {  	s26 =	sadd.s32 $0xFFFFFBB0, s6;
	[tilespmem:v20+s31+$0x0] =	vst.idx.msk $0xffff, v19  }
0x107: {  	v20 =	vadd.s32 s26, v2;
	v19 =	vld [tilespmem:s18+$0x10860];
	_ =	sdelay $0x4  }
0x108: {  	[tilespmem:v20+s31+$0x0] =	vst.idx.msk $0xffff, v19  }
0x109: {  	v20 =	vadd.s32 s6, v2;
	v19 =	vld [tilespmem:s18+$0x10870];
	_ =	sdelay $0x4  }
0x10a: {  	[tilespmem:v20+s31+$0x0] =	vst.idx.msk $0xffff, v19  }
0x10b: {  	_ =	swait.ge [sflag:s0], $0x4000  }
0x10c: {  	[sflag:s0] =	ssyncset.done $0x0  }
0x10d: {  	[sflag:s0] =	ssyncadd.s32 $0xFFFFC000  }
0x10e: {  	_ =	swait.ge [sflag:s0], $0x4000  }
0x10f: {  	[sflag:s0] =	ssyncset.done $0x0  }
0x110: {  	[sflag:s0] =	ssyncadd.s32 $0xFFFFC000  }
0x111: {  	_ =	swait.ge [sflag:s0], $0x4000  }
0x112: {  	[sflag:s0] =	ssyncset.done $0x0  }
0x113: {  	s28 =	simm.s32 $0x14628;
	s29 =	simm.s32 $0x0;
	[sflag:s0] =	ssyncadd.s32 $0xFFFFC000  }
0x114: {  	s20 =	simm.s32 $0x0;
	s21 =	simm.s32 $0x1E900;
	_ =	swait.ge [sflag:s0], $0x4000  }
0x115: {  	s22 =	simm.s32 $0x1E100;
	s25 =	simm.s32 $0x200;
	[sflag:s0] =	ssyncset.done $0x0  }
0x116: {  	s26 =	simm.s32 $0x1DF00;
	s18 =	simm.s32 $0x440;
	[sflag:s0] =	ssyncadd.s32 $0xFFFFC000  }
.LBB2_6:
0x117: {  	v19 =	vld [tilespmem:s26+$0x0];
	_ =	sdelay $0x7  }
0x118: {  	v19 =	vld.idx.msk [tilespmem:v19+s23+$0x0], $0xffff;
	_ =	sdelay $0x7  }
0x119: {  	v19 =	vld.idx.msk [tilespmem:v19+s24+$0x0], $0xffff  }
0x11a: {  	v20 =	vld [tilespmem:s18+$0xFFFFFFC0]  }
0x11b: {  	v21 =	vld [tilespmem:s18+$0x0]  }
0x11c: {  	v22 =	vld [tilespmem:s18+$0xFFFFFFD0]  }
0x11d: {  	v23 =	vld [tilespmem:s18+$0x10]  }
0x11e: {  	v25 =	vld [tilespmem:s18+$0xFFFFFFE0];
	v24 =	vmul.f32 $1.442695020e+00, v19  }
0x11f: {  	v20 =	vmul.f32 $1.442695020e+00, v20  }
0x120: {  	v42 =	vld [tilespmem:s18+$0xFFFFFFF0];
	v21 =	vmul.f32 $1.442695020e+00, v21;
	(erf) = vpow2.f32 v24  }
0x121: {  	v26 =	vld [tilespmem:s18+$0x20];
	(erf) = vpow2.f32 v20;
	v20 =	vmul.f32 $1.442695020e+00, v22  }
0x122: {  	v43 =	vmul.f32 $1.442695020e+00, v23;
	(erf) = vpow2.f32 v21  }
0x123: {  	(erf) = vpow2.f32 v20;
	v20 =	vmul.f32 $1.442695020e+00, v25  }
0x124: {  	v45 =	vld [tilespmem:s18+$0x30];
	(erf) = vpow2.f32 v43  }
0x125: {  	(erf) = vpow2.f32 v20;
	v20 =	vmul.f32 $1.442695020e+00, v42  }
0x126: {  	v46 =	vld [tilespmem:s28+$0xFFFFFDD8];
	v44 =	vmul.f32 $1.442695020e+00, v26  }
0x127: {  	v47 =	vld [tilespmem:s28+$0xFFFFFDE8]  }
0x128: {  	v49 =	vld [tilespmem:s28+$0xFFFFFDF8];
	(erf) = vpow2.f32 v44  }
0x129: {  	v27 =	vld [tilespmem:s28+$0xFFFFFE08];
	v22 =	vmul.f32 $1.442695020e+00, v45;
	(erf) = vpow2.f32 v20;
	v20 =	vpop (erf)  }
0x12a: {  	v48 =	vpop (erf)  }
0x12b: {  	v50 =	vpop (erf);
	(erf) = vpow2.f32 v22;
	_ =	sdelay $0x1  }
0x12c: {  	vm0 =	vgt.s32 v46, $0x1  }
0x12d: {  	vm1 =	vgt.s32 v47, $0x1;
	vm12 =	vgt.s32 v49, $0x1;
	vm2 =	vgt.s32 v27, $0x1;
	v51 =	vpop (erf)  }
0x12e: {  	v28 =	vsel vm0, $0x0, v48;
	v24 =	vnsel vm0, $0x0, v48;
	v29 =	vsel vm0, $0x0, v50;
	v52 =	vpop (erf)  }
0x12f: {  	v26 =	vnsel vm0, $0x0, v50;
	v30 =	vsel vm1, $0x0, v51;
	v22 =	vnsel vm1, $0x0, v51;
	v53 =	vpop (erf)  }
0x130: {  	v28 =	vadd.f32 v30, v28;
	v56 =	vsel vm1, $0x0, v52;
	v22 =	vadd.f32 v22, v24;
	v31 =	vpop (erf)  }
0x131: {  	v57 =	vnsel vm1, $0x0, v52;
	v55 =	vsel vm12, $0x0, v53;
	v23 =	vnsel vm12, $0x0, v53;
	v54 =	vpop (erf)  }
0x132: {  	v29 =	vadd.f32 v56, v29;
	v24 =	vadd.f32 v57, v26;
	v32 =	vsel vm2, $0x0, v54  }
0x133: {  	v58 =	vsel vm12, $0x0, v31;
	v25 =	vnsel vm2, $0x0, v54;
	v27 =	vadd.f32 v32, v55;
	v60 =	vpop (erf)  }
0x134: {  	v59 =	vnsel vm12, $0x0, v31;
	v23 =	vadd.f32 v25, v23;
	v61 =	vsel vm2, $0x0, v60  }
0x135: {  	v27 =	vadd.f32 v27, v28;
	v62 =	vnsel vm2, $0x0, v60;
	v63 =	vadd.f32 v61, v58  }
0x136: {  	v21 =	vld [tilespmem:s22+$0x0];
	v23 =	vadd.f32 v23, v22;
	v25 =	vadd.f32 v62, v59  }
0x137: {  	v22 =	vld [tilespmem:s25+$0x0];
	[tilespmem:$0x1E300] =	vst v27;
	v31 =	vadd.f32 v63, v29  }
0x138: {  	s6 =	sand.u32 $0xC000, s29;
	s7 =	sadd.s32 $0x80, s29;
	[tilespmem:$0x1E480] =	vst v23;
	v32 =	vadd.f32 v25, v24  }
0x139: {  	s7 =	sand.u32 $0x3880, s7;
	s6 =	sor.u32 $0x400, s6;
	[tilespmem:$0x1E600] =	vst v31  }
0x13a: {  	s7 =	sor.u32 s7, s6;
	[tilespmem:$0x1E780] =	vst v32  }
0x13b: {  	v23 =	vld [tilespmem:s7+$0x0]  }
0x13c: {  	v33 =	vld [tilespmem:s7+$0x40];
	_ =	sdelay $0x2  }
0x13d: {  	v34 =	vld [tilespmem:s7+$0x10]  }
0x13e: {  	v26 =	vld [tilespmem:s7+$0x50];
	v23 =	vmul.f32 $1.442695020e+00, v23  }
0x13f: {  	v27 =	vld [tilespmem:s7+$0x20];
	v24 =	vmul.f32 $1.442695020e+00, v33  }
0x140: {  	v35 =	vld [tilespmem:s7+$0x60];
	(erf) = vpow2.f32 v23  }
0x141: {  	v36 =	vld [tilespmem:s7+$0x30];
	(erf) = vpow2.f32 v24  }
0x142: {  	v37 =	vmul.f32 $1.442695020e+00, v34  }
0x143: {  	v41 =	vld [tilespmem:s7+$0x70];
	v38 =	vmul.f32 $1.442695020e+00, v26  }
0x144: {  	v39 =	vmul.f32 $1.442695020e+00, v27;
	(erf) = vpow2.f32 v37  }
0x145: {  	v43 =	vld [tilespmem:s28+$0xFFFFFE1D];
	v40 =	vmul.f32 $1.442695020e+00, v35;
	(erf) = vpow2.f32 v38  }
0x146: {  	v44 =	vld [tilespmem:s28+$0xFFFFFE2D];
	v42 =	vmul.f32 $1.442695020e+00, v36;
	(erf) = vpow2.f32 v39  }
0x147: {  	v46 =	vld [tilespmem:s28+$0xFFFFFE3D];
	(erf) = vpow2.f32 v40  }
0x148: {  	v48 =	vld [tilespmem:s28+$0xFFFFFE4D];
	v25 =	vmul.f32 $1.442695020e+00, v41;
	(erf) = vpow2.f32 v42  }
0x149: {  	v45 =	vpop (erf)  }
0x14a: {  	v47 =	vpop (erf);
	(erf) = vpow2.f32 v25;
	_ =	sdelay $0x1  }
0x14b: {  	vm13 =	vgt.s32 v43, $0x1  }
0x14c: {  	vm14 =	vgt.s32 v44, $0x1;
	vm15 =	vgt.s32 v46, $0x1;
	vm4 =	vgt.s32 v48, $0x1;
	v49 =	vpop (erf)  }
0x14d: {  	v51 =	vsel vm13, $0x0, v45;
	v26 =	vnsel vm13, $0x0, v45;
	v53 =	vsel vm13, $0x0, v47;
	v50 =	vpop (erf)  }
0x14e: {  	v28 =	vnsel vm13, $0x0, v47;
	v54 =	vsel vm14, $0x0, v49;
	v25 =	vnsel vm14, $0x0, v49;
	v52 =	vpop (erf)  }
0x14f: {  	v30 =	vadd.f32 v54, v51;
	v57 =	vsel vm14, $0x0, v50;
	v25 =	vadd.f32 v25, v26;
	v33 =	vpop (erf)  }
0x150: {  	v23 =	vnsel vm14, $0x0, v50;
	v56 =	vsel vm15, $0x0, v52;
	v24 =	vnsel vm15, $0x0, v52;
	v55 =	vpop (erf)  }
0x151: {  	v63 =	vadd.f32 v57, v53;
	v23 =	vadd.f32 v23, v28;
	v34 =	vsel vm4, $0x0, v55  }
0x152: {  	v58 =	vsel vm15, $0x0, v33;
	v27 =	vnsel vm4, $0x0, v55;
	v29 =	vadd.f32 v34, v56;
	v60 =	vpop (erf)  }
0x153: {  	v59 =	vnsel vm15, $0x0, v33;
	v24 =	vadd.f32 v27, v24;
	v61 =	vsel vm4, $0x0, v60  }
0x154: {  	v29 =	vadd.f32 v29, v30;
	v62 =	vnsel vm4, $0x0, v60;
	v26 =	vadd.f32 v61, v58  }
0x155: {  	v24 =	vadd.f32 v24, v25;
	v25 =	vadd.f32 v62, v59  }
0x156: {  	[tilespmem:$0x1E311] =	vst v29;
	v26 =	vadd.f32 v26, v63  }
0x157: {  	s7 =	sadd.s32 $0x100, s29;
	[tilespmem:$0x1E491] =	vst v24;
	v23 =	vadd.f32 v25, v23  }
0x158: {  	s7 =	sand.u32 $0x3900, s7;
	[tilespmem:$0x1E611] =	vst v26  }
0x159: {  	s7 =	sor.u32 s7, s6;
	[tilespmem:$0x1E791] =	vst v23  }
0x15a: {  	v23 =	vld [tilespmem:s7+$0x0]  }
0x15b: {  	v24 =	vld [tilespmem:s7+$0x40]  }
0x15c: {  	v32 =	vld [tilespmem:s7+$0x10]  }
0x15d: {  	v26 =	vld [tilespmem:s7+$0x50];
	_ =	sdelay $0x1  }
0x15e: {  	v23 =	vmul.f32 $1.442695020e+00, v23  }
0x15f: {  	v24 =	vmul.f32 $1.442695020e+00, v24  }
0x160: {  	v33 =	vmul.f32 $1.442695020e+00, v32;
	(erf) = vpow2.f32 v23  }
0x161: {  	v34 =	vmul.f32 $1.442695020e+00, v26;
	(erf) = vpow2.f32 v24  }
0x162: {  	(erf) = vpow2.f32 v33  }
0x163: {  	(erf) = vpow2.f32 v34;
	_ =	sdelay $0x2  }
0x164: {  	v35 =	vld [tilespmem:s7+$0x20];
	_ =	sdelay $0x2  }
0x165: {  	v37 =	vpop (erf)  }
0x166: {  	v36 =	vld [tilespmem:s28+$0xFFFFFE62];
	v38 =	vpop (erf)  }
0x167: {  	v39 =	vld [tilespmem:s28+$0xFFFFFE72];
	v23 =	vmul.f32 $1.442695020e+00, v35;
	v40 =	vpop (erf)  }
0x168: {  	v29 =	vld [tilespmem:s7+$0x60];
	v41 =	vpop (erf)  }
0x169: {  	v42 =	vld [tilespmem:s28+$0xFFFFFE82];
	(erf) = vpow2.f32 v23  }
0x16a: {  	v23 =	vld [tilespmem:s7+$0x30];
	_ =	sdelay $0x1  }
0x16b: {  	v43 =	vld [tilespmem:s7+$0x70];
	_ =	sdelay $0x1  }
0x16c: {  	v29 =	vmul.f32 $1.442695020e+00, v29  }
0x16d: {  	v23 =	vmul.f32 $1.442695020e+00, v23  }
0x16e: {  	(erf) = vpow2.f32 v29  }
0x16f: {  	v44 =	vmul.f32 $1.442695020e+00, v43;
	(erf) = vpow2.f32 v23;
	_ =	sdelay $0x1  }
0x170: {  	(erf) = vpow2.f32 v44;
	_ =	sdelay $0x1  }
0x171: {  	vm5 =	vgt.s32 v36, $0x1;
	v45 =	vld [tilespmem:s28+$0xFFFFFE92]  }
0x172: {  	vm6 =	vgt.s32 v39, $0x1;
	vm7 =	vgt.s32 v42, $0x1;
	v46 =	vsel vm5, $0x0, v37  }
0x173: {  	v24 =	vnsel vm5, $0x0, v37;
	v48 =	vsel vm5, $0x0, v38;
	v26 =	vnsel vm5, $0x0, v38  }
0x174: {  	v49 =	vsel vm6, $0x0, v40;
	v28 =	vnsel vm6, $0x0, v40;
	v53 =	vsel vm6, $0x0, v41;
	v47 =	vpop (erf)  }
0x175: {  	v24 =	vadd.f32 v28, v24;
	v54 =	vnsel vm6, $0x0, v41;
	v27 =	vadd.f32 v53, v48;
	v50 =	vpop (erf)  }
0x176: {  	v26 =	vadd.f32 v54, v26;
	vm8 =	vgt.s32 v45, $0x1;
	v23 =	vadd.f32 v49, v46;
	v51 =	vpop (erf)  }
0x177: {  	v31 =	vsel vm7, $0x0, v47;
	v25 =	vnsel vm7, $0x0, v47;
	v52 =	vsel vm8, $0x0, v51  }
0x178: {  	v55 =	vsel vm7, $0x0, v50;
	v29 =	vnsel vm8, $0x0, v51;
	v57 =	vpop (erf);
	v31 =	vadd.f32 v52, v31  }
0x179: {  	v56 =	vnsel vm7, $0x0, v50;
	v25 =	vadd.f32 v29, v25;
	v58 =	vsel vm8, $0x0, v57  }
0x17a: {  	v59 =	vnsel vm8, $0x0, v57;
	v29 =	vadd.f32 v58, v55;
	v23 =	vadd.f32 v31, v23  }
0x17b: {  	v24 =	vadd.f32 v25, v24;
	v25 =	vadd.f32 v59, v56  }
0x17c: {  	v60 =	vadd.f32 v29, v27;
	[tilespmem:$0x1E322] =	vst v23  }
0x17d: {  	s7 =	sadd.s32 $0x180, s29;
	[tilespmem:$0x1E4A2] =	vst v24;
	v61 =	vadd.f32 v25, v26  }
0x17e: {  	s7 =	sand.u32 $0x3980, s7;
	[tilespmem:$0x1E622] =	vst v60  }
0x17f: {  	s7 =	sor.u32 s7, s6;
	[tilespmem:$0x1E7A2] =	vst v61  }
0x180: {  	v23 =	vld [tilespmem:s7+$0x0]  }
0x181: {  	v24 =	vld [tilespmem:s7+$0x40];
	_ =	sdelay $0x2  }
0x182: {  	v62 =	vld [tilespmem:s7+$0x10]  }
0x183: {  	v63 =	vld [tilespmem:s7+$0x50];
	v23 =	vmul.f32 $1.442695020e+00, v23  }
0x184: {  	v32 =	vld [tilespmem:s7+$0x20];
	v24 =	vmul.f32 $1.442695020e+00, v24  }
0x185: {  	v33 =	vld [tilespmem:s7+$0x60];
	(erf) = vpow2.f32 v23  }
0x186: {  	v34 =	vld [tilespmem:s7+$0x30];
	(erf) = vpow2.f32 v24  }
0x187: {  	v35 =	vmul.f32 $1.442695020e+00, v62  }
0x188: {  	v39 =	vld [tilespmem:s7+$0x70];
	v36 =	vmul.f32 $1.442695020e+00, v63  }
0x189: {  	v37 =	vmul.f32 $1.442695020e+00, v32;
	(erf) = vpow2.f32 v35  }
0x18a: {  	v41 =	vld [tilespmem:s28+$0xFFFFFEA7];
	v38 =	vmul.f32 $1.442695020e+00, v33;
	(erf) = vpow2.f32 v36  }
0x18b: {  	v42 =	vld [tilespmem:s28+$0xFFFFFEB7];
	v40 =	vmul.f32 $1.442695020e+00, v34;
	(erf) = vpow2.f32 v37  }
0x18c: {  	v44 =	vld [tilespmem:s28+$0xFFFFFEC7];
	(erf) = vpow2.f32 v38  }
0x18d: {  	v46 =	vld [tilespmem:s28+$0xFFFFFED7];
	v25 =	vmul.f32 $1.442695020e+00, v39;
	(erf) = vpow2.f32 v40  }
0x18e: {  	v43 =	vpop (erf)  }
0x18f: {  	v45 =	vpop (erf);
	(erf) = vpow2.f32 v25;
	_ =	sdelay $0x1  }
0x190: {  	vm9 =	vgt.s32 v41, $0x1  }
0x191: {  	vm10 =	vgt.s32 v42, $0x1;
	vm11 =	vgt.s32 v44, $0x1;
	vm12 =	vgt.s32 v46, $0x1;
	v47 =	vpop (erf)  }
0x192: {  	v49 =	vsel vm9, $0x0, v43;
	v26 =	vnsel vm9, $0x0, v43;
	v51 =	vsel vm9, $0x0, v45;
	v48 =	vpop (erf)  }
0x193: {  	v28 =	vnsel vm9, $0x0, v45;
	v52 =	vsel vm10, $0x0, v47;
	v25 =	vnsel vm10, $0x0, v47;
	v50 =	vpop (erf)  }
0x194: {  	v30 =	vadd.f32 v52, v49;
	v57 =	vsel vm10, $0x0, v48;
	v25 =	vadd.f32 v25, v26;
	v53 =	vpop (erf)  }
0x195: {  	v23 =	vnsel vm10, $0x0, v48;
	v55 =	vsel vm11, $0x0, v50;
	v24 =	vnsel vm11, $0x0, v50;
	v54 =	vpop (erf)  }
0x196: {  	v63 =	vadd.f32 v57, v51;
	v23 =	vadd.f32 v23, v28;
	v56 =	vsel vm12, $0x0, v54  }
0x197: {  	v58 =	vsel vm11, $0x0, v53;
	v27 =	vnsel vm12, $0x0, v54;
	v29 =	vadd.f32 v56, v55;
	v60 =	vpop (erf)  }
0x198: {  	v59 =	vnsel vm11, $0x0, v53;
	v24 =	vadd.f32 v27, v24;
	v61 =	vsel vm12, $0x0, v60  }
0x199: {  	v29 =	vadd.f32 v29, v30;
	v62 =	vnsel vm12, $0x0, v60;
	v26 =	vadd.f32 v61, v58  }
0x19a: {  	v24 =	vadd.f32 v24, v25;
	v25 =	vadd.f32 v62, v59  }
0x19b: {  	[tilespmem:$0x1E333] =	vst v29;
	v26 =	vadd.f32 v26, v63  }
0x19c: {  	s7 =	sadd.s32 $0x200, s29;
	[tilespmem:$0x1E4B3] =	vst v24;
	v23 =	vadd.f32 v25, v23  }
0x19d: {  	s7 =	sand.u32 $0x3A00, s7;
	[tilespmem:$0x1E633] =	vst v26  }
0x19e: {  	s7 =	sor.u32 s7, s6;
	[tilespmem:$0x1E7B3] =	vst v23  }
0x19f: {  	v23 =	vld [tilespmem:s7+$0x0]  }
0x1a0: {  	v24 =	vld [tilespmem:s7+$0x40];
	_ =	sdelay $0x2  }
0x1a1: {  	v32 =	vld [tilespmem:s7+$0x10]  }
0x1a2: {  	v26 =	vld [tilespmem:s7+$0x50];
	v23 =	vmul.f32 $1.442695020e+00, v23  }
0x1a3: {  	v33 =	vld [tilespmem:s7+$0x20];
	v24 =	vmul.f32 $1.442695020e+00, v24  }
0x1a4: {  	v34 =	vld [tilespmem:s7+$0x60];
	(erf) = vpow2.f32 v23  }
0x1a5: {  	v29 =	vld [tilespmem:s7+$0x30];
	(erf) = vpow2.f32 v24  }
0x1a6: {  	v35 =	vmul.f32 $1.442695020e+00, v32  }
0x1a7: {  	v39 =	vld [tilespmem:s7+$0x70];
	v36 =	vmul.f32 $1.442695020e+00, v26  }
0x1a8: {  	v37 =	vmul.f32 $1.442695020e+00, v33;
	(erf) = vpow2.f32 v35  }
0x1a9: {  	v41 =	vld [tilespmem:s28+$0xFFFFFEEC];
	v38 =	vmul.f32 $1.442695020e+00, v34;
	(erf) = vpow2.f32 v36  }
0x1aa: {  	v42 =	vld [tilespmem:s28+$0xFFFFFEFC];
	v40 =	vmul.f32 $1.442695020e+00, v29;
	(erf) = vpow2.f32 v37  }
0x1ab: {  	v44 =	vld [tilespmem:s28+$0xFFFFFF0C];
	(erf) = vpow2.f32 v38  }
0x1ac: {  	v46 =	vld [tilespmem:s28+$0xFFFFFF1C];
	v25 =	vmul.f32 $1.442695020e+00, v39;
	(erf) = vpow2.f32 v40  }
0x1ad: {  	v43 =	vpop (erf)  }
0x1ae: {  	v45 =	vpop (erf);
	(erf) = vpow2.f32 v25;
	_ =	sdelay $0x1  }
0x1af: {  	vm13 =	vgt.s32 v41, $0x1  }
0x1b0: {  	vm14 =	vgt.s32 v42, $0x1;
	vm15 =	vgt.s32 v44, $0x1;
	vm4 =	vgt.s32 v46, $0x1;
	v47 =	vpop (erf)  }
0x1b1: {  	v49 =	vsel vm13, $0x0, v43;
	v26 =	vnsel vm13, $0x0, v43;
	v51 =	vsel vm13, $0x0, v45;
	v48 =	vpop (erf)  }
0x1b2: {  	v28 =	vnsel vm13, $0x0, v45;
	v52 =	vsel vm14, $0x0, v47;
	v25 =	vnsel vm14, $0x0, v47;
	v50 =	vpop (erf)  }
0x1b3: {  	v30 =	vadd.f32 v52, v49;
	v57 =	vsel vm14, $0x0, v48;
	v25 =	vadd.f32 v25, v26;
	v53 =	vpop (erf)  }
0x1b4: {  	v23 =	vnsel vm14, $0x0, v48;
	v55 =	vsel vm15, $0x0, v50;
	v24 =	vnsel vm15, $0x0, v50;
	v54 =	vpop (erf)  }
0x1b5: {  	v63 =	vadd.f32 v57, v51;
	v23 =	vadd.f32 v23, v28;
	v56 =	vsel vm4, $0x0, v54  }
0x1b6: {  	v58 =	vsel vm15, $0x0, v53;
	v27 =	vnsel vm4, $0x0, v54;
	v29 =	vadd.f32 v56, v55;
	v60 =	vpop (erf)  }
0x1b7: {  	v59 =	vnsel vm15, $0x0, v53;
	v24 =	vadd.f32 v27, v24;
	v61 =	vsel vm4, $0x0, v60  }
0x1b8: {  	v29 =	vadd.f32 v29, v30;
	v62 =	vnsel vm4, $0x0, v60;
	v26 =	vadd.f32 v61, v58  }
0x1b9: {  	v24 =	vadd.f32 v24, v25;
	v25 =	vadd.f32 v62, v59  }
0x1ba: {  	[tilespmem:$0x1E344] =	vst v29;
	v26 =	vadd.f32 v26, v63  }
0x1bb: {  	s7 =	sadd.s32 $0x280, s29;
	[tilespmem:$0x1E4C4] =	vst v24;
	v23 =	vadd.f32 v25, v23  }
0x1bc: {  	s7 =	sand.u32 $0x3A80, s7;
	[tilespmem:$0x1E644] =	vst v26  }
0x1bd: {  	s7 =	sor.u32 s7, s6;
	[tilespmem:$0x1E7C4] =	vst v23  }
0x1be: {  	v23 =	vld [tilespmem:s7+$0x0]  }
0x1bf: {  	v24 =	vld [tilespmem:s7+$0x40];
	_ =	sdelay $0x2  }
0x1c0: {  	v32 =	vld [tilespmem:s7+$0x10]  }
0x1c1: {  	v26 =	vld [tilespmem:s7+$0x50];
	v23 =	vmul.f32 $1.442695020e+00, v23  }
0x1c2: {  	v33 =	vld [tilespmem:s7+$0x20];
	v24 =	vmul.f32 $1.442695020e+00, v24  }
0x1c3: {  	v34 =	vld [tilespmem:s7+$0x60];
	(erf) = vpow2.f32 v23  }
0x1c4: {  	v29 =	vld [tilespmem:s7+$0x30];
	(erf) = vpow2.f32 v24  }
0x1c5: {  	v35 =	vmul.f32 $1.442695020e+00, v32  }
0x1c6: {  	v39 =	vld [tilespmem:s7+$0x70];
	v36 =	vmul.f32 $1.442695020e+00, v26  }
0x1c7: {  	v37 =	vmul.f32 $1.442695020e+00, v33;
	(erf) = vpow2.f32 v35  }
0x1c8: {  	v41 =	vld [tilespmem:s28+$0xFFFFFF31];
	v38 =	vmul.f32 $1.442695020e+00, v34;
	(erf) = vpow2.f32 v36  }
0x1c9: {  	v42 =	vld [tilespmem:s28+$0xFFFFFF41];
	v40 =	vmul.f32 $1.442695020e+00, v29;
	(erf) = vpow2.f32 v37  }
0x1ca: {  	v44 =	vld [tilespmem:s28+$0xFFFFFF51];
	(erf) = vpow2.f32 v38  }
0x1cb: {  	v46 =	vld [tilespmem:s28+$0xFFFFFF61];
	v25 =	vmul.f32 $1.442695020e+00, v39;
	(erf) = vpow2.f32 v40  }
0x1cc: {  	v43 =	vpop (erf)  }
0x1cd: {  	v45 =	vpop (erf);
	(erf) = vpow2.f32 v25;
	_ =	sdelay $0x1  }
0x1ce: {  	vm5 =	vgt.s32 v41, $0x1  }
0x1cf: {  	vm6 =	vgt.s32 v42, $0x1;
	vm7 =	vgt.s32 v44, $0x1;
	vm8 =	vgt.s32 v46, $0x1;
	v47 =	vpop (erf)  }
0x1d0: {  	v49 =	vsel vm5, $0x0, v43;
	v26 =	vnsel vm5, $0x0, v43;
	v51 =	vsel vm5, $0x0, v45;
	v48 =	vpop (erf)  }
0x1d1: {  	v28 =	vnsel vm5, $0x0, v45;
	v52 =	vsel vm6, $0x0, v47;
	v25 =	vnsel vm6, $0x0, v47;
	v50 =	vpop (erf)  }
0x1d2: {  	v30 =	vadd.f32 v52, v49;
	v57 =	vsel vm6, $0x0, v48;
	v25 =	vadd.f32 v25, v26;
	v53 =	vpop (erf)  }
0x1d3: {  	v23 =	vnsel vm6, $0x0, v48;
	v55 =	vsel vm7, $0x0, v50;
	v24 =	vnsel vm7, $0x0, v50;
	v54 =	vpop (erf)  }
0x1d4: {  	v63 =	vadd.f32 v57, v51;
	v23 =	vadd.f32 v23, v28;
	v56 =	vsel vm8, $0x0, v54  }
0x1d5: {  	v58 =	vsel vm7, $0x0, v53;
	v27 =	vnsel vm8, $0x0, v54;
	v29 =	vadd.f32 v56, v55;
	v60 =	vpop (erf)  }
0x1d6: {  	v59 =	vnsel vm7, $0x0, v53;
	v24 =	vadd.f32 v27, v24;
	v61 =	vsel vm8, $0x0, v60  }
0x1d7: {  	v29 =	vadd.f32 v29, v30;
	v62 =	vnsel vm8, $0x0, v60;
	v26 =	vadd.f32 v61, v58  }
0x1d8: {  	v24 =	vadd.f32 v24, v25;
	v25 =	vadd.f32 v62, v59  }
0x1d9: {  	[tilespmem:$0x1E355] =	vst v29;
	v26 =	vadd.f32 v26, v63  }
0x1da: {  	s7 =	sadd.s32 $0x300, s29;
	[tilespmem:$0x1E4D5] =	vst v24;
	v23 =	vadd.f32 v25, v23  }
0x1db: {  	s7 =	sand.u32 $0x3B00, s7;
	[tilespmem:$0x1E655] =	vst v26  }
0x1dc: {  	s7 =	sor.u32 s7, s6;
	[tilespmem:$0x1E7D5] =	vst v23  }
0x1dd: {  	v23 =	vld [tilespmem:s7+$0x0]  }
0x1de: {  	v24 =	vld [tilespmem:s7+$0x40];
	_ =	sdelay $0x2  }
0x1df: {  	v32 =	vld [tilespmem:s7+$0x10]  }
0x1e0: {  	v26 =	vld [tilespmem:s7+$0x50];
	v23 =	vmul.f32 $1.442695020e+00, v23  }
0x1e1: {  	v33 =	vld [tilespmem:s7+$0x20];
	v24 =	vmul.f32 $1.442695020e+00, v24  }
0x1e2: {  	v34 =	vld [tilespmem:s7+$0x60];
	(erf) = vpow2.f32 v23  }
0x1e3: {  	v29 =	vld [tilespmem:s7+$0x30];
	(erf) = vpow2.f32 v24  }
0x1e4: {  	v35 =	vmul.f32 $1.442695020e+00, v32  }
0x1e5: {  	v39 =	vld [tilespmem:s7+$0x70];
	v36 =	vmul.f32 $1.442695020e+00, v26  }
0x1e6: {  	v37 =	vmul.f32 $1.442695020e+00, v33;
	(erf) = vpow2.f32 v35  }
0x1e7: {  	v41 =	vld [tilespmem:s28+$0xFFFFFF76];
	v38 =	vmul.f32 $1.442695020e+00, v34;
	(erf) = vpow2.f32 v36  }
0x1e8: {  	v42 =	vld [tilespmem:s28+$0xFFFFFF86];
	v40 =	vmul.f32 $1.442695020e+00, v29;
	(erf) = vpow2.f32 v37  }
0x1e9: {  	v44 =	vld [tilespmem:s28+$0xFFFFFF96];
	(erf) = vpow2.f32 v38  }
0x1ea: {  	v46 =	vld [tilespmem:s28+$0xFFFFFFA6];
	v25 =	vmul.f32 $1.442695020e+00, v39;
	(erf) = vpow2.f32 v40  }
0x1eb: {  	v43 =	vpop (erf)  }
0x1ec: {  	v45 =	vpop (erf);
	(erf) = vpow2.f32 v25;
	_ =	sdelay $0x1  }
0x1ed: {  	vm9 =	vgt.s32 v41, $0x1  }
0x1ee: {  	vm10 =	vgt.s32 v42, $0x1;
	vm11 =	vgt.s32 v44, $0x1;
	vm12 =	vgt.s32 v46, $0x1;
	v47 =	vpop (erf)  }
0x1ef: {  	v49 =	vsel vm9, $0x0, v43;
	v26 =	vnsel vm9, $0x0, v43;
	v51 =	vsel vm9, $0x0, v45;
	v48 =	vpop (erf)  }
0x1f0: {  	v28 =	vnsel vm9, $0x0, v45;
	v52 =	vsel vm10, $0x0, v47;
	v25 =	vnsel vm10, $0x0, v47;
	v50 =	vpop (erf)  }
0x1f1: {  	v30 =	vadd.f32 v52, v49;
	v57 =	vsel vm10, $0x0, v48;
	v25 =	vadd.f32 v25, v26;
	v53 =	vpop (erf)  }
0x1f2: {  	v23 =	vnsel vm10, $0x0, v48;
	v55 =	vsel vm11, $0x0, v50;
	v24 =	vnsel vm11, $0x0, v50;
	v54 =	vpop (erf)  }
0x1f3: {  	v63 =	vadd.f32 v57, v51;
	v23 =	vadd.f32 v23, v28;
	v56 =	vsel vm12, $0x0, v54  }
0x1f4: {  	v58 =	vsel vm11, $0x0, v53;
	v27 =	vnsel vm12, $0x0, v54;
	v29 =	vadd.f32 v56, v55;
	v60 =	vpop (erf)  }
0x1f5: {  	v59 =	vnsel vm11, $0x0, v53;
	v24 =	vadd.f32 v27, v24;
	v61 =	vsel vm12, $0x0, v60  }
0x1f6: {  	v29 =	vadd.f32 v29, v30;
	v62 =	vnsel vm12, $0x0, v60;
	v26 =	vadd.f32 v61, v58  }
0x1f7: {  	v24 =	vadd.f32 v24, v25;
	v25 =	vadd.f32 v62, v59  }
0x1f8: {  	[tilespmem:$0x1E366] =	vst v29;
	v26 =	vadd.f32 v26, v63  }
0x1f9: {  	s7 =	sadd.s32 $0x380, s29;
	[tilespmem:$0x1E4E6] =	vst v24;
	v23 =	vadd.f32 v25, v23  }
0x1fa: {  	s7 =	sand.u32 $0x3B80, s7;
	[tilespmem:$0x1E666] =	vst v26  }
0x1fb: {  	s7 =	sor.u32 s7, s6;
	[tilespmem:$0x1E7E6] =	vst v23  }
0x1fc: {  	v23 =	vld [tilespmem:s7+$0x0]  }
0x1fd: {  	v24 =	vld [tilespmem:s7+$0x40];
	_ =	sdelay $0x2  }
0x1fe: {  	v32 =	vld [tilespmem:s7+$0x10]  }
0x1ff: {  	v26 =	vld [tilespmem:s7+$0x50];
	v23 =	vmul.f32 $1.442695020e+00, v23  }
0x200: {  	v33 =	vld [tilespmem:s7+$0x20];
	v24 =	vmul.f32 $1.442695020e+00, v24  }
0x201: {  	v34 =	vld [tilespmem:s7+$0x60];
	(erf) = vpow2.f32 v23  }
0x202: {  	v29 =	vld [tilespmem:s7+$0x30];
	(erf) = vpow2.f32 v24  }
0x203: {  	v35 =	vmul.f32 $1.442695020e+00, v32  }
0x204: {  	v39 =	vld [tilespmem:s7+$0x70];
	v36 =	vmul.f32 $1.442695020e+00, v26  }
0x205: {  	v37 =	vmul.f32 $1.442695020e+00, v33;
	(erf) = vpow2.f32 v35  }
0x206: {  	v41 =	vld [tilespmem:s28+$0xFFFFFFBB];
	v38 =	vmul.f32 $1.442695020e+00, v34;
	(erf) = vpow2.f32 v36  }
0x207: {  	v42 =	vld [tilespmem:s28+$0xFFFFFFCB];
	v40 =	vmul.f32 $1.442695020e+00, v29;
	(erf) = vpow2.f32 v37  }
0x208: {  	v44 =	vld [tilespmem:s28+$0xFFFFFFDB];
	(erf) = vpow2.f32 v38  }
0x209: {  	v46 =	vld [tilespmem:s28+$0xFFFFFFEB];
	v25 =	vmul.f32 $1.442695020e+00, v39;
	(erf) = vpow2.f32 v40  }
0x20a: {  	v43 =	vpop (erf)  }
0x20b: {  	v45 =	vpop (erf);
	(erf) = vpow2.f32 v25;
	_ =	sdelay $0x1  }
0x20c: {  	vm13 =	vgt.s32 v41, $0x1  }
0x20d: {  	vm14 =	vgt.s32 v42, $0x1;
	vm15 =	vgt.s32 v44, $0x1;
	vm4 =	vgt.s32 v46, $0x1;
	v47 =	vpop (erf)  }
0x20e: {  	v49 =	vsel vm13, $0x0, v43;
	v26 =	vnsel vm13, $0x0, v43;
	v51 =	vsel vm13, $0x0, v45;
	v48 =	vpop (erf)  }
0x20f: {  	v28 =	vnsel vm13, $0x0, v45;
	v52 =	vsel vm14, $0x0, v47;
	v25 =	vnsel vm14, $0x0, v47;
	v50 =	vpop (erf)  }
0x210: {  	v30 =	vadd.f32 v52, v49;
	v57 =	vsel vm14, $0x0, v48;
	v25 =	vadd.f32 v25, v26;
	v53 =	vpop (erf)  }
0x211: {  	v23 =	vnsel vm14, $0x0, v48;
	v55 =	vsel vm15, $0x0, v50;
	v24 =	vnsel vm15, $0x0, v50;
	v54 =	vpop (erf)  }
0x212: {  	v63 =	vadd.f32 v57, v51;
	v23 =	vadd.f32 v23, v28;
	v56 =	vsel vm4, $0x0, v54  }
0x213: {  	v58 =	vsel vm15, $0x0, v53;
	v27 =	vnsel vm4, $0x0, v54;
	v29 =	vadd.f32 v56, v55;
	v60 =	vpop (erf)  }
0x214: {  	v59 =	vnsel vm15, $0x0, v53;
	v24 =	vadd.f32 v27, v24;
	v61 =	vsel vm4, $0x0, v60  }
0x215: {  	v29 =	vadd.f32 v29, v30;
	v62 =	vnsel vm4, $0x0, v60;
	v26 =	vadd.f32 v61, v58  }
0x216: {  	v24 =	vadd.f32 v24, v25;
	v25 =	vadd.f32 v62, v59  }
0x217: {  	[tilespmem:$0x1E377] =	vst v29;
	v26 =	vadd.f32 v26, v63  }
0x218: {  	s7 =	sadd.s32 $0x400, s29;
	[tilespmem:$0x1E4F7] =	vst v24;
	v23 =	vadd.f32 v25, v23  }
0x219: {  	s7 =	sand.u32 $0x3C00, s7;
	[tilespmem:$0x1E677] =	vst v26  }
0x21a: {  	s7 =	sadd.s32 s7, s6;
	[tilespmem:$0x1E7F7] =	vst v23  }
0x21b: {  	v23 =	vld [tilespmem:s7+$0x0]  }
0x21c: {  	v24 =	vld [tilespmem:s7+$0x40];
	_ =	sdelay $0x2  }
0x21d: {  	v32 =	vld [tilespmem:s7+$0x10]  }
0x21e: {  	v26 =	vld [tilespmem:s7+$0x50];
	v23 =	vmul.f32 $1.442695020e+00, v23  }
0x21f: {  	v33 =	vld [tilespmem:s7+$0x20];
	v24 =	vmul.f32 $1.442695020e+00, v24  }
0x220: {  	v34 =	vld [tilespmem:s7+$0x60];
	(erf) = vpow2.f32 v23  }
0x221: {  	v29 =	vld [tilespmem:s7+$0x30];
	(erf) = vpow2.f32 v24  }
0x222: {  	v35 =	vmul.f32 $1.442695020e+00, v32  }
0x223: {  	v39 =	vld [tilespmem:s7+$0x70];
	v36 =	vmul.f32 $1.442695020e+00, v26  }
0x224: {  	v37 =	vmul.f32 $1.442695020e+00, v33;
	(erf) = vpow2.f32 v35  }
0x225: {  	v41 =	vld [tilespmem:s28+$0x0];
	v38 =	vmul.f32 $1.442695020e+00, v34;
	(erf) = vpow2.f32 v36  }
0x226: {  	v42 =	vld [tilespmem:s28+$0x10];
	v40 =	vmul.f32 $1.442695020e+00, v29;
	(erf) = vpow2.f32 v37  }
0x227: {  	v44 =	vld [tilespmem:s28+$0x20];
	(erf) = vpow2.f32 v38  }
0x228: {  	v46 =	vld [tilespmem:s28+$0x30];
	v25 =	vmul.f32 $1.442695020e+00, v39;
	(erf) = vpow2.f32 v40  }
0x229: {  	v43 =	vpop (erf)  }
0x22a: {  	v45 =	vpop (erf);
	(erf) = vpow2.f32 v25;
	_ =	sdelay $0x1  }
0x22b: {  	vm5 =	vgt.s32 v41, $0x1  }
0x22c: {  	vm6 =	vgt.s32 v42, $0x1;
	vm7 =	vgt.s32 v44, $0x1;
	vm8 =	vgt.s32 v46, $0x1;
	v47 =	vpop (erf)  }
0x22d: {  	v49 =	vsel vm5, $0x0, v43;
	v26 =	vnsel vm5, $0x0, v43;
	v51 =	vsel vm5, $0x0, v45;
	v48 =	vpop (erf)  }
0x22e: {  	v28 =	vnsel vm5, $0x0, v45;
	v52 =	vsel vm6, $0x0, v47;
	v25 =	vnsel vm6, $0x0, v47;
	v50 =	vpop (erf)  }
0x22f: {  	v30 =	vadd.f32 v52, v49;
	v57 =	vsel vm6, $0x0, v48;
	v25 =	vadd.f32 v25, v26;
	v53 =	vpop (erf)  }
0x230: {  	v23 =	vnsel vm6, $0x0, v48;
	v55 =	vsel vm7, $0x0, v50;
	v24 =	vnsel vm7, $0x0, v50;
	v54 =	vpop (erf)  }
0x231: {  	v63 =	vadd.f32 v57, v51;
	v23 =	vadd.f32 v23, v28;
	v56 =	vsel vm8, $0x0, v54  }
0x232: {  	v58 =	vsel vm7, $0x0, v53;
	v27 =	vnsel vm8, $0x0, v54;
	v29 =	vadd.f32 v56, v55;
	v60 =	vpop (erf)  }
0x233: {  	v59 =	vnsel vm7, $0x0, v53;
	v24 =	vadd.f32 v27, v24;
	v61 =	vsel vm8, $0x0, v60  }
0x234: {  	v29 =	vadd.f32 v29, v30;
	v62 =	vnsel vm8, $0x0, v60;
	v26 =	vadd.f32 v61, v58  }
0x235: {  	v24 =	vadd.f32 v24, v25;
	v25 =	vadd.f32 v62, v59  }
0x236: {  	[tilespmem:$0x1E388] =	vst v29;
	v26 =	vadd.f32 v26, v63  }
0x237: {  	s7 =	sadd.s32 $0x480, s29;
	[tilespmem:$0x1E508] =	vst v24;
	v23 =	vadd.f32 v25, v23  }
0x238: {  	s7 =	sand.u32 $0x3C80, s7;
	[tilespmem:$0x1E688] =	vst v26  }
0x239: {  	s7 =	sadd.s32 s7, s6;
	[tilespmem:$0x1E808] =	vst v23  }
0x23a: {  	v23 =	vld [tilespmem:s7+$0x0]  }
0x23b: {  	v24 =	vld [tilespmem:s7+$0x40];
	_ =	sdelay $0x2  }
0x23c: {  	v32 =	vld [tilespmem:s7+$0x10]  }
0x23d: {  	v26 =	vld [tilespmem:s7+$0x50];
	v23 =	vmul.f32 $1.442695020e+00, v23  }
0x23e: {  	v33 =	vld [tilespmem:s7+$0x20];
	v24 =	vmul.f32 $1.442695020e+00, v24  }
0x23f: {  	v34 =	vld [tilespmem:s7+$0x60];
	(erf) = vpow2.f32 v23  }
0x240: {  	v29 =	vld [tilespmem:s7+$0x30];
	(erf) = vpow2.f32 v24  }
0x241: {  	v35 =	vmul.f32 $1.442695020e+00, v32  }
0x242: {  	v39 =	vld [tilespmem:s7+$0x70];
	v36 =	vmul.f32 $1.442695020e+00, v26  }
0x243: {  	v37 =	vmul.f32 $1.442695020e+00, v33;
	(erf) = vpow2.f32 v35  }
0x244: {  	v41 =	vld [tilespmem:s28+$0x45];
	v38 =	vmul.f32 $1.442695020e+00, v34;
	(erf) = vpow2.f32 v36  }
0x245: {  	v42 =	vld [tilespmem:s28+$0x55];
	v40 =	vmul.f32 $1.442695020e+00, v29;
	(erf) = vpow2.f32 v37  }
0x246: {  	v44 =	vld [tilespmem:s28+$0x65];
	(erf) = vpow2.f32 v38  }
0x247: {  	v46 =	vld [tilespmem:s28+$0x75];
	v25 =	vmul.f32 $1.442695020e+00, v39;
	(erf) = vpow2.f32 v40  }
0x248: {  	v43 =	vpop (erf)  }
0x249: {  	v45 =	vpop (erf);
	(erf) = vpow2.f32 v25;
	_ =	sdelay $0x1  }
0x24a: {  	vm9 =	vgt.s32 v41, $0x1  }
0x24b: {  	vm10 =	vgt.s32 v42, $0x1;
	vm11 =	vgt.s32 v44, $0x1;
	vm12 =	vgt.s32 v46, $0x1;
	v47 =	vpop (erf)  }
0x24c: {  	v49 =	vsel vm9, $0x0, v43;
	v26 =	vnsel vm9, $0x0, v43;
	v51 =	vsel vm9, $0x0, v45;
	v48 =	vpop (erf)  }
0x24d: {  	v28 =	vnsel vm9, $0x0, v45;
	v52 =	vsel vm10, $0x0, v47;
	v25 =	vnsel vm10, $0x0, v47;
	v50 =	vpop (erf)  }
0x24e: {  	v30 =	vadd.f32 v52, v49;
	v57 =	vsel vm10, $0x0, v48;
	v25 =	vadd.f32 v25, v26;
	v53 =	vpop (erf)  }
0x24f: {  	v23 =	vnsel vm10, $0x0, v48;
	v55 =	vsel vm11, $0x0, v50;
	v24 =	vnsel vm11, $0x0, v50;
	v54 =	vpop (erf)  }
0x250: {  	v63 =	vadd.f32 v57, v51;
	v23 =	vadd.f32 v23, v28;
	v56 =	vsel vm12, $0x0, v54  }
0x251: {  	v58 =	vsel vm11, $0x0, v53;
	v27 =	vnsel vm12, $0x0, v54;
	v29 =	vadd.f32 v56, v55;
	v60 =	vpop (erf)  }
0x252: {  	v59 =	vnsel vm11, $0x0, v53;
	v24 =	vadd.f32 v27, v24;
	v61 =	vsel vm12, $0x0, v60  }
0x253: {  	v29 =	vadd.f32 v29, v30;
	v62 =	vnsel vm12, $0x0, v60;
	v26 =	vadd.f32 v61, v58  }
0x254: {  	v24 =	vadd.f32 v24, v25;
	v25 =	vadd.f32 v62, v59  }
0x255: {  	[tilespmem:$0x1E399] =	vst v29;
	v26 =	vadd.f32 v26, v63  }
0x256: {  	s7 =	sadd.s32 $0x500, s29;
	[tilespmem:$0x1E519] =	vst v24;
	v23 =	vadd.f32 v25, v23  }
0x257: {  	s7 =	sand.u32 $0x3D00, s7;
	[tilespmem:$0x1E699] =	vst v26  }
0x258: {  	s7 =	sadd.s32 s7, s6;
	[tilespmem:$0x1E819] =	vst v23  }
0x259: {  	v23 =	vld [tilespmem:s7+$0x0]  }
0x25a: {  	v24 =	vld [tilespmem:s7+$0x40];
	_ =	sdelay $0x2  }
0x25b: {  	v32 =	vld [tilespmem:s7+$0x10]  }
0x25c: {  	v26 =	vld [tilespmem:s7+$0x50];
	v23 =	vmul.f32 $1.442695020e+00, v23  }
0x25d: {  	v33 =	vld [tilespmem:s7+$0x20];
	v24 =	vmul.f32 $1.442695020e+00, v24  }
0x25e: {  	v34 =	vld [tilespmem:s7+$0x60];
	(erf) = vpow2.f32 v23  }
0x25f: {  	v29 =	vld [tilespmem:s7+$0x30];
	(erf) = vpow2.f32 v24  }
0x260: {  	v35 =	vmul.f32 $1.442695020e+00, v32  }
0x261: {  	v39 =	vld [tilespmem:s7+$0x70];
	v36 =	vmul.f32 $1.442695020e+00, v26  }
0x262: {  	v37 =	vmul.f32 $1.442695020e+00, v33;
	(erf) = vpow2.f32 v35  }
0x263: {  	v41 =	vld [tilespmem:s28+$0x8A];
	v38 =	vmul.f32 $1.442695020e+00, v34;
	(erf) = vpow2.f32 v36  }
0x264: {  	v42 =	vld [tilespmem:s28+$0x9A];
	v40 =	vmul.f32 $1.442695020e+00, v29;
	(erf) = vpow2.f32 v37  }
0x265: {  	v44 =	vld [tilespmem:s28+$0xAA];
	(erf) = vpow2.f32 v38  }
0x266: {  	v46 =	vld [tilespmem:s28+$0xBA];
	v25 =	vmul.f32 $1.442695020e+00, v39;
	(erf) = vpow2.f32 v40  }
0x267: {  	v43 =	vpop (erf)  }
0x268: {  	v45 =	vpop (erf);
	(erf) = vpow2.f32 v25;
	_ =	sdelay $0x1  }
0x269: {  	vm13 =	vgt.s32 v41, $0x1  }
0x26a: {  	vm14 =	vgt.s32 v42, $0x1;
	vm15 =	vgt.s32 v44, $0x1;
	vm4 =	vgt.s32 v46, $0x1;
	v47 =	vpop (erf)  }
0x26b: {  	v49 =	vsel vm13, $0x0, v43;
	v26 =	vnsel vm13, $0x0, v43;
	v51 =	vsel vm13, $0x0, v45;
	v48 =	vpop (erf)  }
0x26c: {  	v28 =	vnsel vm13, $0x0, v45;
	v52 =	vsel vm14, $0x0, v47;
	v25 =	vnsel vm14, $0x0, v47;
	v50 =	vpop (erf)  }
0x26d: {  	v30 =	vadd.f32 v52, v49;
	v57 =	vsel vm14, $0x0, v48;
	v25 =	vadd.f32 v25, v26;
	v53 =	vpop (erf)  }
0x26e: {  	v23 =	vnsel vm14, $0x0, v48;
	v55 =	vsel vm15, $0x0, v50;
	v24 =	vnsel vm15, $0x0, v50;
	v54 =	vpop (erf)  }
0x26f: {  	v63 =	vadd.f32 v57, v51;
	v23 =	vadd.f32 v23, v28;
	v56 =	vsel vm4, $0x0, v54  }
0x270: {  	v58 =	vsel vm15, $0x0, v53;
	v27 =	vnsel vm4, $0x0, v54;
	v29 =	vadd.f32 v56, v55;
	v60 =	vpop (erf)  }
0x271: {  	v59 =	vnsel vm15, $0x0, v53;
	v24 =	vadd.f32 v27, v24;
	v61 =	vsel vm4, $0x0, v60  }
0x272: {  	v29 =	vadd.f32 v29, v30;
	v62 =	vnsel vm4, $0x0, v60;
	v26 =	vadd.f32 v61, v58  }
0x273: {  	v24 =	vadd.f32 v24, v25;
	v25 =	vadd.f32 v62, v59  }
0x274: {  	[tilespmem:$0x1E3AA] =	vst v29;
	v26 =	vadd.f32 v26, v63  }
0x275: {  	s7 =	sadd.s32 $0x580, s29;
	[tilespmem:$0x1E52A] =	vst v24;
	v23 =	vadd.f32 v25, v23  }
0x276: {  	s7 =	sand.u32 $0x3D80, s7;
	[tilespmem:$0x1E6AA] =	vst v26  }
0x277: {  	s7 =	sadd.s32 s7, s6;
	[tilespmem:$0x1E82A] =	vst v23  }
0x278: {  	v23 =	vld [tilespmem:s7+$0x0]  }
0x279: {  	v24 =	vld [tilespmem:s7+$0x40];
	_ =	sdelay $0x2  }
0x27a: {  	v32 =	vld [tilespmem:s7+$0x10]  }
0x27b: {  	v26 =	vld [tilespmem:s7+$0x50];
	v23 =	vmul.f32 $1.442695020e+00, v23  }
0x27c: {  	v33 =	vld [tilespmem:s7+$0x20];
	v24 =	vmul.f32 $1.442695020e+00, v24  }
0x27d: {  	v34 =	vld [tilespmem:s7+$0x60];
	(erf) = vpow2.f32 v23  }
0x27e: {  	v29 =	vld [tilespmem:s7+$0x30];
	(erf) = vpow2.f32 v24  }
0x27f: {  	v35 =	vmul.f32 $1.442695020e+00, v32  }
0x280: {  	v39 =	vld [tilespmem:s7+$0x70];
	v36 =	vmul.f32 $1.442695020e+00, v26  }
0x281: {  	v37 =	vmul.f32 $1.442695020e+00, v33;
	(erf) = vpow2.f32 v35  }
0x282: {  	v41 =	vld [tilespmem:s28+$0xCF];
	v38 =	vmul.f32 $1.442695020e+00, v34;
	(erf) = vpow2.f32 v36  }
0x283: {  	v42 =	vld [tilespmem:s28+$0xDF];
	v40 =	vmul.f32 $1.442695020e+00, v29;
	(erf) = vpow2.f32 v37  }
0x284: {  	v44 =	vld [tilespmem:s28+$0xEF];
	(erf) = vpow2.f32 v38  }
0x285: {  	v46 =	vld [tilespmem:s28+$0xFF];
	v25 =	vmul.f32 $1.442695020e+00, v39;
	(erf) = vpow2.f32 v40  }
0x286: {  	v43 =	vpop (erf)  }
0x287: {  	v45 =	vpop (erf);
	(erf) = vpow2.f32 v25;
	_ =	sdelay $0x1  }
0x288: {  	vm5 =	vgt.s32 v41, $0x1  }
0x289: {  	vm6 =	vgt.s32 v42, $0x1;
	vm7 =	vgt.s32 v44, $0x1;
	vm8 =	vgt.s32 v46, $0x1;
	v47 =	vpop (erf)  }
0x28a: {  	v49 =	vsel vm5, $0x0, v43;
	v26 =	vnsel vm5, $0x0, v43;
	v51 =	vsel vm5, $0x0, v45;
	v48 =	vpop (erf)  }
0x28b: {  	v28 =	vnsel vm5, $0x0, v45;
	v52 =	vsel vm6, $0x0, v47;
	v25 =	vnsel vm6, $0x0, v47;
	v50 =	vpop (erf)  }
0x28c: {  	v30 =	vadd.f32 v52, v49;
	v57 =	vsel vm6, $0x0, v48;
	v25 =	vadd.f32 v25, v26;
	v53 =	vpop (erf)  }
0x28d: {  	v23 =	vnsel vm6, $0x0, v48;
	v55 =	vsel vm7, $0x0, v50;
	v24 =	vnsel vm7, $0x0, v50;
	v54 =	vpop (erf)  }
0x28e: {  	v63 =	vadd.f32 v57, v51;
	v23 =	vadd.f32 v23, v28;
	v56 =	vsel vm8, $0x0, v54  }
0x28f: {  	v58 =	vsel vm7, $0x0, v53;
	v27 =	vnsel vm8, $0x0, v54;
	v29 =	vadd.f32 v56, v55;
	v60 =	vpop (erf)  }
0x290: {  	v59 =	vnsel vm7, $0x0, v53;
	v24 =	vadd.f32 v27, v24;
	v61 =	vsel vm8, $0x0, v60  }
0x291: {  	v29 =	vadd.f32 v29, v30;
	v62 =	vnsel vm8, $0x0, v60;
	v26 =	vadd.f32 v61, v58  }
0x292: {  	v24 =	vadd.f32 v24, v25;
	v25 =	vadd.f32 v62, v59  }
0x293: {  	[tilespmem:$0x1E3BB] =	vst v29;
	v26 =	vadd.f32 v26, v63  }
0x294: {  	s7 =	sadd.s32 $0x600, s29;
	[tilespmem:$0x1E53B] =	vst v24;
	v23 =	vadd.f32 v25, v23  }
0x295: {  	s7 =	sand.u32 $0x3E00, s7;
	[tilespmem:$0x1E6BB] =	vst v26  }
0x296: {  	s7 =	sadd.s32 s7, s6;
	[tilespmem:$0x1E83B] =	vst v23  }
0x297: {  	v23 =	vld [tilespmem:s7+$0x0]  }
0x298: {  	v24 =	vld [tilespmem:s7+$0x40];
	_ =	sdelay $0x2  }
0x299: {  	v32 =	vld [tilespmem:s7+$0x10]  }
0x29a: {  	v26 =	vld [tilespmem:s7+$0x50];
	v23 =	vmul.f32 $1.442695020e+00, v23  }
0x29b: {  	v33 =	vld [tilespmem:s7+$0x20];
	v24 =	vmul.f32 $1.442695020e+00, v24  }
0x29c: {  	v34 =	vld [tilespmem:s7+$0x60];
	(erf) = vpow2.f32 v23  }
0x29d: {  	v29 =	vld [tilespmem:s7+$0x30];
	(erf) = vpow2.f32 v24  }
0x29e: {  	v35 =	vmul.f32 $1.442695020e+00, v32  }
0x29f: {  	v39 =	vld [tilespmem:s7+$0x70];
	v36 =	vmul.f32 $1.442695020e+00, v26  }
0x2a0: {  	v37 =	vmul.f32 $1.442695020e+00, v33;
	(erf) = vpow2.f32 v35  }
0x2a1: {  	v41 =	vld [tilespmem:s28+$0x114];
	v38 =	vmul.f32 $1.442695020e+00, v34;
	(erf) = vpow2.f32 v36  }
0x2a2: {  	v42 =	vld [tilespmem:s28+$0x124];
	v40 =	vmul.f32 $1.442695020e+00, v29;
	(erf) = vpow2.f32 v37  }
0x2a3: {  	v44 =	vld [tilespmem:s28+$0x134];
	(erf) = vpow2.f32 v38  }
0x2a4: {  	v46 =	vld [tilespmem:s28+$0x144];
	v25 =	vmul.f32 $1.442695020e+00, v39;
	(erf) = vpow2.f32 v40  }
0x2a5: {  	v43 =	vpop (erf)  }
0x2a6: {  	v45 =	vpop (erf);
	(erf) = vpow2.f32 v25;
	_ =	sdelay $0x1  }
0x2a7: {  	vm9 =	vgt.s32 v41, $0x1  }
0x2a8: {  	vm10 =	vgt.s32 v42, $0x1;
	vm11 =	vgt.s32 v44, $0x1;
	vm12 =	vgt.s32 v46, $0x1;
	v47 =	vpop (erf)  }
0x2a9: {  	v49 =	vsel vm9, $0x0, v43;
	v26 =	vnsel vm9, $0x0, v43;
	v51 =	vsel vm9, $0x0, v45;
	v48 =	vpop (erf)  }
0x2aa: {  	v28 =	vnsel vm9, $0x0, v45;
	v52 =	vsel vm10, $0x0, v47;
	v25 =	vnsel vm10, $0x0, v47;
	v50 =	vpop (erf)  }
0x2ab: {  	v30 =	vadd.f32 v52, v49;
	v57 =	vsel vm10, $0x0, v48;
	v25 =	vadd.f32 v25, v26;
	v53 =	vpop (erf)  }
0x2ac: {  	v23 =	vnsel vm10, $0x0, v48;
	v55 =	vsel vm11, $0x0, v50;
	v24 =	vnsel vm11, $0x0, v50;
	v54 =	vpop (erf)  }
0x2ad: {  	v63 =	vadd.f32 v57, v51;
	v23 =	vadd.f32 v23, v28;
	v56 =	vsel vm12, $0x0, v54  }
0x2ae: {  	v58 =	vsel vm11, $0x0, v53;
	v27 =	vnsel vm12, $0x0, v54;
	v29 =	vadd.f32 v56, v55;
	v60 =	vpop (erf)  }
0x2af: {  	v59 =	vnsel vm11, $0x0, v53;
	v24 =	vadd.f32 v27, v24;
	v61 =	vsel vm12, $0x0, v60  }
0x2b0: {  	v29 =	vadd.f32 v29, v30;
	v62 =	vnsel vm12, $0x0, v60;
	v26 =	vadd.f32 v61, v58  }
0x2b1: {  	v24 =	vadd.f32 v24, v25;
	v25 =	vadd.f32 v62, v59  }
0x2b2: {  	[tilespmem:$0x1E3CC] =	vst v29;
	v26 =	vadd.f32 v26, v63  }
0x2b3: {  	s7 =	sadd.s32 $0x680, s29;
	[tilespmem:$0x1E54C] =	vst v24;
	v23 =	vadd.f32 v25, v23  }
0x2b4: {  	s7 =	sand.u32 $0x3E80, s7;
	[tilespmem:$0x1E6CC] =	vst v26  }
0x2b5: {  	s7 =	sadd.s32 s7, s6;
	[tilespmem:$0x1E84C] =	vst v23  }
0x2b6: {  	v23 =	vld [tilespmem:s7+$0x0]  }
0x2b7: {  	v24 =	vld [tilespmem:s7+$0x40];
	_ =	sdelay $0x2  }
0x2b8: {  	v32 =	vld [tilespmem:s7+$0x10]  }
0x2b9: {  	v26 =	vld [tilespmem:s7+$0x50];
	v23 =	vmul.f32 $1.442695020e+00, v23  }
0x2ba: {  	v33 =	vld [tilespmem:s7+$0x20];
	v24 =	vmul.f32 $1.442695020e+00, v24  }
0x2bb: {  	v34 =	vld [tilespmem:s7+$0x60];
	(erf) = vpow2.f32 v23  }
0x2bc: {  	v29 =	vld [tilespmem:s7+$0x30];
	(erf) = vpow2.f32 v24  }
0x2bd: {  	v35 =	vmul.f32 $1.442695020e+00, v32  }
0x2be: {  	v39 =	vld [tilespmem:s7+$0x70];
	v36 =	vmul.f32 $1.442695020e+00, v26  }
0x2bf: {  	v37 =	vmul.f32 $1.442695020e+00, v33;
	(erf) = vpow2.f32 v35  }
0x2c0: {  	v41 =	vld [tilespmem:s28+$0x159];
	v38 =	vmul.f32 $1.442695020e+00, v34;
	(erf) = vpow2.f32 v36  }
0x2c1: {  	v42 =	vld [tilespmem:s28+$0x169];
	v40 =	vmul.f32 $1.442695020e+00, v29;
	(erf) = vpow2.f32 v37  }
0x2c2: {  	v44 =	vld [tilespmem:s28+$0x179];
	(erf) = vpow2.f32 v38  }
0x2c3: {  	v46 =	vld [tilespmem:s28+$0x189];
	v25 =	vmul.f32 $1.442695020e+00, v39;
	(erf) = vpow2.f32 v40  }
0x2c4: {  	v43 =	vpop (erf)  }
0x2c5: {  	v45 =	vpop (erf);
	(erf) = vpow2.f32 v25;
	_ =	sdelay $0x1  }
0x2c6: {  	vm13 =	vgt.s32 v41, $0x1  }
0x2c7: {  	vm14 =	vgt.s32 v42, $0x1;
	vm15 =	vgt.s32 v44, $0x1;
	vm4 =	vgt.s32 v46, $0x1;
	v47 =	vpop (erf)  }
0x2c8: {  	v49 =	vsel vm13, $0x0, v43;
	v26 =	vnsel vm13, $0x0, v43;
	v51 =	vsel vm13, $0x0, v45;
	v48 =	vpop (erf)  }
0x2c9: {  	v28 =	vnsel vm13, $0x0, v45;
	v52 =	vsel vm14, $0x0, v47;
	v25 =	vnsel vm14, $0x0, v47;
	v50 =	vpop (erf)  }
0x2ca: {  	v30 =	vadd.f32 v52, v49;
	v57 =	vsel vm14, $0x0, v48;
	v25 =	vadd.f32 v25, v26;
	v53 =	vpop (erf)  }
0x2cb: {  	v23 =	vnsel vm14, $0x0, v48;
	v55 =	vsel vm15, $0x0, v50;
	v24 =	vnsel vm15, $0x0, v50;
	v54 =	vpop (erf)  }
0x2cc: {  	v63 =	vadd.f32 v57, v51;
	v23 =	vadd.f32 v23, v28;
	v56 =	vsel vm4, $0x0, v54  }
0x2cd: {  	v58 =	vsel vm15, $0x0, v53;
	v27 =	vnsel vm4, $0x0, v54;
	v29 =	vadd.f32 v56, v55;
	v60 =	vpop (erf)  }
0x2ce: {  	v59 =	vnsel vm15, $0x0, v53;
	v24 =	vadd.f32 v27, v24;
	v61 =	vsel vm4, $0x0, v60  }
0x2cf: {  	v29 =	vadd.f32 v29, v30;
	v62 =	vnsel vm4, $0x0, v60;
	v26 =	vadd.f32 v61, v58  }
0x2d0: {  	v24 =	vadd.f32 v24, v25;
	v25 =	vadd.f32 v62, v59  }
0x2d1: {  	[tilespmem:$0x1E3DD] =	vst v29;
	v26 =	vadd.f32 v26, v63  }
0x2d2: {  	s7 =	sadd.s32 $0x700, s29;
	[tilespmem:$0x1E55D] =	vst v24;
	v23 =	vadd.f32 v25, v23  }
0x2d3: {  	s7 =	sand.u32 $0x3F00, s7;
	[tilespmem:$0x1E6DD] =	vst v26  }
0x2d4: {  	s7 =	sadd.s32 s7, s6;
	[tilespmem:$0x1E85D] =	vst v23  }
0x2d5: {  	v23 =	vld [tilespmem:s7+$0x0]  }
0x2d6: {  	v24 =	vld [tilespmem:s7+$0x40];
	_ =	sdelay $0x2  }
0x2d7: {  	v32 =	vld [tilespmem:s7+$0x10]  }
0x2d8: {  	v26 =	vld [tilespmem:s7+$0x50];
	v23 =	vmul.f32 $1.442695020e+00, v23  }
0x2d9: {  	v33 =	vld [tilespmem:s7+$0x20];
	v24 =	vmul.f32 $1.442695020e+00, v24  }
0x2da: {  	v34 =	vld [tilespmem:s7+$0x60];
	(erf) = vpow2.f32 v23  }
0x2db: {  	v29 =	vld [tilespmem:s7+$0x30];
	(erf) = vpow2.f32 v24  }
0x2dc: {  	v35 =	vmul.f32 $1.442695020e+00, v32  }
0x2dd: {  	v39 =	vld [tilespmem:s7+$0x70];
	v36 =	vmul.f32 $1.442695020e+00, v26  }
0x2de: {  	v37 =	vmul.f32 $1.442695020e+00, v33;
	(erf) = vpow2.f32 v35  }
0x2df: {  	v41 =	vld [tilespmem:s28+$0x19E];
	v38 =	vmul.f32 $1.442695020e+00, v34;
	(erf) = vpow2.f32 v36  }
0x2e0: {  	v42 =	vld [tilespmem:s28+$0x1AE];
	v40 =	vmul.f32 $1.442695020e+00, v29;
	(erf) = vpow2.f32 v37  }
0x2e1: {  	v44 =	vld [tilespmem:s28+$0x1BE];
	(erf) = vpow2.f32 v38  }
0x2e2: {  	v46 =	vld [tilespmem:s28+$0x1CE];
	v25 =	vmul.f32 $1.442695020e+00, v39;
	(erf) = vpow2.f32 v40  }
0x2e3: {  	v43 =	vpop (erf)  }
0x2e4: {  	v45 =	vpop (erf);
	(erf) = vpow2.f32 v25;
	_ =	sdelay $0x1  }
0x2e5: {  	vm5 =	vgt.s32 v41, $0x1  }
0x2e6: {  	vm6 =	vgt.s32 v42, $0x1;
	vm7 =	vgt.s32 v44, $0x1;
	vm8 =	vgt.s32 v46, $0x1;
	v47 =	vpop (erf)  }
0x2e7: {  	v49 =	vsel vm5, $0x0, v43;
	v26 =	vnsel vm5, $0x0, v43;
	v51 =	vsel vm5, $0x0, v45;
	v48 =	vpop (erf)  }
0x2e8: {  	v28 =	vnsel vm5, $0x0, v45;
	v52 =	vsel vm6, $0x0, v47;
	v25 =	vnsel vm6, $0x0, v47;
	v50 =	vpop (erf)  }
0x2e9: {  	v30 =	vadd.f32 v52, v49;
	v57 =	vsel vm6, $0x0, v48;
	v25 =	vadd.f32 v25, v26;
	v53 =	vpop (erf)  }
0x2ea: {  	v23 =	vnsel vm6, $0x0, v48;
	v55 =	vsel vm7, $0x0, v50;
	v24 =	vnsel vm7, $0x0, v50;
	v54 =	vpop (erf)  }
0x2eb: {  	v63 =	vadd.f32 v57, v51;
	v23 =	vadd.f32 v23, v28;
	v56 =	vsel vm8, $0x0, v54  }
0x2ec: {  	v58 =	vsel vm7, $0x0, v53;
	v27 =	vnsel vm8, $0x0, v54;
	v29 =	vadd.f32 v56, v55;
	v60 =	vpop (erf)  }
0x2ed: {  	v59 =	vnsel vm7, $0x0, v53;
	v24 =	vadd.f32 v27, v24;
	v61 =	vsel vm8, $0x0, v60  }
0x2ee: {  	v29 =	vadd.f32 v29, v30;
	v62 =	vnsel vm8, $0x0, v60;
	v26 =	vadd.f32 v61, v58  }
0x2ef: {  	v24 =	vadd.f32 v24, v25;
	v25 =	vadd.f32 v62, v59  }
0x2f0: {  	[tilespmem:$0x1E3EE] =	vst v29;
	v26 =	vadd.f32 v26, v63  }
0x2f1: {  	s7 =	sadd.s32 $0x780, s29;
	[tilespmem:$0x1E56E] =	vst v24;
	v23 =	vadd.f32 v25, v23  }
0x2f2: {  	s7 =	sand.u32 $0x3F80, s7;
	[tilespmem:$0x1E6EE] =	vst v26  }
0x2f3: {  	s6 =	sadd.s32 s7, s6;
	[tilespmem:$0x1E86E] =	vst v23  }
0x2f4: {  	v23 =	vld [tilespmem:s6+$0x0];
	_ =	sdelay $0x1  }
0x2f5: {  	v24 =	vld [tilespmem:s6+$0x40]  }
0x2f6: {  	v32 =	vld [tilespmem:s6+$0x10]  }
0x2f7: {  	v26 =	vld [tilespmem:s6+$0x50]  }
0x2f8: {  	v33 =	vld [tilespmem:s6+$0x20];
	v23 =	vmul.f32 $1.442695020e+00, v23  }
0x2f9: {  	v34 =	vld [tilespmem:s6+$0x60]  }
0x2fa: {  	v29 =	vld [tilespmem:s6+$0x30];
	v24 =	vmul.f32 $1.442695020e+00, v24;
	(erf) = vpow2.f32 v23  }
0x2fb: {  	v35 =	vmul.f32 $1.442695020e+00, v32  }
0x2fc: {  	v39 =	vld [tilespmem:s6+$0x70];
	v36 =	vmul.f32 $1.442695020e+00, v26;
	(erf) = vpow2.f32 v24  }
0x2fd: {  	v37 =	vmul.f32 $1.442695020e+00, v33;
	(erf) = vpow2.f32 v35  }
0x2fe: {  	v41 =	vld [tilespmem:s28+$0x1E3];
	v38 =	vmul.f32 $1.442695020e+00, v34;
	(erf) = vpow2.f32 v36  }
0x2ff: {  	v42 =	vld [tilespmem:s28+$0x1F3];
	v40 =	vmul.f32 $1.442695020e+00, v29;
	(erf) = vpow2.f32 v37  }
0x300: {  	v44 =	vld [tilespmem:s28+$0x203];
	(erf) = vpow2.f32 v38  }
0x301: {  	v46 =	vld [tilespmem:s28+$0x213];
	v25 =	vmul.f32 $1.442695020e+00, v39;
	(erf) = vpow2.f32 v40;
	_ =	sdelay $0x1  }
0x302: {  	v43 =	vpop (erf);
	(erf) = vpow2.f32 v25;
	_ =	sdelay $0x1  }
0x303: {  	vm9 =	vgt.s32 v41, $0x1;
	v45 =	vpop (erf)  }
0x304: {  	vm10 =	vgt.s32 v42, $0x1;
	vm11 =	vgt.s32 v44, $0x1;
	vm12 =	vgt.s32 v46, $0x1;
	v47 =	vpop (erf)  }
0x305: {  	v50 =	vsel vm9, $0x0, v43;
	v26 =	vnsel vm9, $0x0, v43;
	v52 =	vsel vm9, $0x0, v45;
	v48 =	vpop (erf)  }
0x306: {  	v28 =	vnsel vm9, $0x0, v45;
	v53 =	vsel vm10, $0x0, v47;
	v25 =	vnsel vm10, $0x0, v47;
	v49 =	vpop (erf)  }
0x307: {  	v31 =	vadd.f32 v53, v50;
	v55 =	vsel vm10, $0x0, v48;
	v25 =	vadd.f32 v25, v26;
	v51 =	vpop (erf)  }
0x308: {  	v56 =	vnsel vm10, $0x0, v48;
	v27 =	vsel vm11, $0x0, v49;
	v23 =	vnsel vm11, $0x0, v49;
	v54 =	vpop (erf)  }
0x309: {  	v26 =	vadd.f32 v56, v28;
	v57 =	vsel vm11, $0x0, v51;
	v29 =	vsel vm12, $0x0, v54  }
0x30a: {  	v24 =	vnsel vm11, $0x0, v51;
	v34 =	vnsel vm12, $0x0, v54;
	v27 =	vadd.f32 v29, v27;
	v58 =	vpop (erf)  }
0x30b: {  	v23 =	vadd.f32 v34, v23;
	v29 =	vadd.f32 v55, v52;
	v59 =	vsel vm12, $0x0, v58  }
0x30c: {  	v27 =	vadd.f32 v27, v31;
	v60 =	vnsel vm12, $0x0, v58;
	v30 =	vadd.f32 v59, v57  }
0x30d: {  	v23 =	vadd.f32 v23, v25;
	v24 =	vadd.f32 v60, v24  }
0x30e: {  	[tilespmem:$0x1E3FF] =	vst v27;
	v61 =	vadd.f32 v30, v29  }
0x30f: {  	[tilespmem:$0x1E57F] =	vst v23;
	v62 =	vadd.f32 v24, v26  }
0x310: {  	[tilespmem:$0x1E6FF] =	vst v61  }
0x311: {  	[tilespmem:$0x1E87F] =	vst v62  }
0x312: {  	v23 =	vld.idx.msk [tilespmem:v1+s2+$0x0], $0xffff  }
0x313: {  	v24 =	vld.idx.msk [tilespmem:v3+s2+$0x0], $0xffff  }
0x314: {  	v25 =	vld.idx.msk [tilespmem:v4+s2+$0x0], $0xffff  }
0x315: {  	v26 =	vld.idx.msk [tilespmem:v5+s2+$0x0], $0xffff  }
0x316: {  	v27 =	vld.idx.msk [tilespmem:v6+s2+$0x0], $0xffff  }
0x317: {  	v28 =	vld.idx.msk [tilespmem:v7+s2+$0x0], $0xffff  }
0x318: {  	v29 =	vld.idx.msk [tilespmem:v8+s2+$0x0], $0xffff  }
0x319: {  	v30 =	vld.idx.msk [tilespmem:v9+s2+$0x0], $0xffff  }
0x31a: {  	v31 =	vld.idx.msk [tilespmem:v10+s2+$0x0], $0xffff  }
0x31b: {  	v32 =	vld.idx.msk [tilespmem:v11+s2+$0x0], $0xffff  }
0x31c: {  	v33 =	vld.idx.msk [tilespmem:v12+s2+$0x0], $0xffff  }
0x31d: {  	v34 =	vld.idx.msk [tilespmem:v13+s2+$0x0], $0xffff  }
0x31e: {  	v35 =	vld.idx.msk [tilespmem:v14+s2+$0x0], $0xffff  }
0x31f: {  	v36 =	vld.idx.msk [tilespmem:v15+s2+$0x0], $0xffff  }
0x320: {  	v37 =	vld.idx.msk [tilespmem:v16+s2+$0x0], $0xffff  }
0x321: {  	v38 =	vld.idx.msk [tilespmem:v17+s2+$0x0], $0xffff  }
0x322: {  	v39 =	vld.idx.msk [tilespmem:v1+s1+$0x0], $0xffff  }
0x323: {  	v40 =	vld.idx.msk [tilespmem:v3+s1+$0x0], $0xffff  }
0x324: {  	v41 =	vld.idx.msk [tilespmem:v4+s1+$0x0], $0xffff  }
0x325: {  	v42 =	vld.idx.msk [tilespmem:v5+s1+$0x0], $0xffff  }
0x326: {  	v43 =	vld.idx.msk [tilespmem:v6+s1+$0x0], $0xffff  }
0x327: {  	v44 =	vld.idx.msk [tilespmem:v7+s1+$0x0], $0xffff  }
0x328: {  	v45 =	vld.idx.msk [tilespmem:v8+s1+$0x0], $0xffff  }
0x329: {  	v46 =	vld.idx.msk [tilespmem:v9+s1+$0x0], $0xffff  }
0x32a: {  	v47 =	vld.idx.msk [tilespmem:v10+s1+$0x0], $0xffff  }
0x32b: {  	v48 =	vld.idx.msk [tilespmem:v11+s1+$0x0], $0xffff  }
0x32c: {  	v49 =	vld.idx.msk [tilespmem:v12+s1+$0x0], $0xffff  }
0x32d: {  	v50 =	vld.idx.msk [tilespmem:v13+s1+$0x0], $0xffff  }
0x32e: {  	v51 =	vld.idx.msk [tilespmem:v14+s1+$0x0], $0xffff  }
0x32f: {  	v52 =	vld.idx.msk [tilespmem:v15+s1+$0x0], $0xffff  }
0x330: {  	v53 =	vld.idx.msk [tilespmem:v16+s1+$0x0], $0xffff  }
0x331: {  	v54 =	vld.idx.msk [tilespmem:v1+s3+$0x0], $0xffff  }
0x332: {  	v55 =	vld.idx.msk [tilespmem:v3+s3+$0x0], $0xffff  }
0x333: {  	v56 =	vld.idx.msk [tilespmem:v4+s3+$0x0], $0xffff  }
0x334: {  	v57 =	vld.idx.msk [tilespmem:v5+s3+$0x0], $0xffff  }
0x335: {  	v58 =	vld.idx.msk [tilespmem:v6+s3+$0x0], $0xffff  }
0x336: {  	v59 =	vld.idx.msk [tilespmem:v7+s3+$0x0], $0xffff  }
0x337: {  	v60 =	vld.idx.msk [tilespmem:v8+s3+$0x0], $0xffff  }
0x338: {  	v61 =	vld.idx.msk [tilespmem:v9+s3+$0x0], $0xffff  }
0x339: {  	v62 =	vld.idx.msk [tilespmem:v10+s3+$0x0], $0xffff  }
0x33a: {  	v23 =	vadd.f32 v25, v23;
	v25 =	vld.idx.msk [tilespmem:v11+s3+$0x0], $0xffff  }
0x33b: {  	v24 =	vadd.f32 v26, v24;
	v26 =	vld.idx.msk [tilespmem:v12+s3+$0x0], $0xffff  }
0x33c: {  	v63 =	vadd.f32 v42, v40;
	v40 =	vld.idx.msk [tilespmem:v14+s3+$0x0], $0xffff;
	v23 =	vadd.f32 v27, v23  }
0x33d: {  	v24 =	vadd.f32 v28, v24;
	v27 =	vld.idx.msk [tilespmem:v13+s3+$0x0], $0xffff;
	v28 =	vadd.f32 v41, v39  }
0x33e: {  	v44 =	vadd.f32 v44, v63;
	v39 =	vld.idx.msk [tilespmem:v16+s3+$0x0], $0xffff;
	v23 =	vadd.f32 v29, v23  }
0x33f: {  	v63 =	vld.idx.msk [tilespmem:v3+s17+$0x0], $0xffff;
	v24 =	vadd.f32 v30, v24;
	v28 =	vadd.f32 v43, v28  }
0x340: {  	v30 =	vadd.f32 v46, v44;
	v46 =	vld.idx.msk [tilespmem:v5+s17+$0x0], $0xffff;
	v23 =	vadd.f32 v31, v23  }
0x341: {  	v24 =	vadd.f32 v32, v24;
	v28 =	vadd.f32 v45, v28;
	v32 =	vld.idx.msk [tilespmem:v1+s17+$0x0], $0xffff  }
0x342: {  	v30 =	vadd.f32 v48, v30;
	v45 =	vld.idx.msk [tilespmem:v4+s17+$0x0], $0xffff;
	v23 =	vadd.f32 v33, v23  }
0x343: {  	v48 =	vld.idx.msk [tilespmem:v7+s17+$0x0], $0xffff;
	v24 =	vadd.f32 v34, v24;
	v28 =	vadd.f32 v47, v28  }
0x344: {  	v29 =	vld.idx.msk [tilespmem:v15+s3+$0x0], $0xffff;
	v30 =	vadd.f32 v50, v30;
	v50 =	vadd.f32 v56, v54  }
0x345: {  	v47 =	vld.idx.msk [tilespmem:v6+s17+$0x0], $0xffff;
	v33 =	vadd.f32 v46, v63;
	v23 =	vadd.f32 v35, v23  }
0x346: {  	v43 =	vld.idx.msk [tilespmem:v16+s17+$0x0], $0xffff;
	v24 =	vadd.f32 v36, v24;
	v28 =	vadd.f32 v49, v28  }
0x347: {  	v30 =	vadd.f32 v52, v30;
	v49 =	vld.idx.msk [tilespmem:v8+s17+$0x0], $0xffff;
	v32 =	vadd.f32 v45, v32  }
0x348: {  	v52 =	vld.idx.msk [tilespmem:v9+s17+$0x0], $0xffff;
	v33 =	vadd.f32 v48, v33;
	v23 =	vadd.f32 v37, v23  }
0x349: {  	v54 =	vld.idx.msk [tilespmem:v10+s17+$0x0], $0xffff;
	v28 =	vadd.f32 v51, v28;
	v51 =	vadd.f32 v57, v55  }
0x34a: {  	v55 =	vadd.f32 v58, v50;
	v57 =	vld.idx.msk [tilespmem:v11+s17+$0x0], $0xffff;
	v32 =	vadd.f32 v47, v32  }
0x34b: {  	v24 =	vadd.f32 v38, v24;
	v58 =	vld.idx.msk [tilespmem:v12+s17+$0x0], $0xffff;
	v56 =	vadd.f32 v59, v51  }
0x34c: {  	v35 =	vadd.f32 v60, v55;
	v60 =	vld.idx.msk [tilespmem:v13+s17+$0x0], $0xffff;
	v32 =	vadd.f32 v49, v32  }
0x34d: {  	v33 =	vadd.f32 v52, v33;
	v59 =	vadd.f32 v61, v56;
	v61 =	vld.idx.msk [tilespmem:v14+s17+$0x0], $0xffff  }
0x34e: {  	v63 =	vld.idx.msk [tilespmem:v15+s17+$0x0], $0xffff;
	v35 =	vadd.f32 v62, v35;
	v32 =	vadd.f32 v54, v32  }
0x34f: {  	v44 =	vld.idx.msk [tilespmem:v17+s17+$0x0], $0xffff;
	v33 =	vadd.f32 v57, v33;
	v25 =	vadd.f32 v25, v59  }
0x350: {  	v31 =	vld.idx.msk [tilespmem:v17+s3+$0x0], $0xffff;
	v26 =	vadd.f32 v26, v35;
	v32 =	vadd.f32 v58, v32  }
0x351: {  	v45 =	vld.idx.msk [tilespmem:v17+s1+$0x0], $0xffff;
	v33 =	vadd.f32 v60, v33;
	v25 =	vadd.f32 v27, v25  }
0x352: {  	v26 =	vadd.f32 v40, v26;
	v46 =	vadd.f32 v61, v32  }
0x353: {  	v47 =	vadd.f32 v63, v33;
	v25 =	vadd.f32 v29, v25  }
0x354: {  	v26 =	vadd.f32 v39, v26;
	v29 =	vadd.f32 v43, v46  }
0x355: {  	v27 =	vadd.f32 v44, v47;
	v25 =	vadd.f32 v31, v25  }
0x356: {  	v28 =	vadd.f32 v53, v28;
	v30 =	vadd.f32 v45, v30  }
0x357: {  	v48 =	vadd.f32 v27, v29;
	v25 =	vadd.f32 v25, v26  }
0x358: {  	vm13 =	vgt.s32 v22, $0xC7FF  }
0x359: {  	v49 =	vadd.f32 v24, v23;
	v50 =	vadd.f32 v30, v28;
	v51 =	vsel vm13, v25, v48  }
0x35a: {  	v20 =	vmul.f32 v51, v20  }
0x35b: {  	v22 =	vsel vm13, v49, v50  }
0x35c: {  	v20 =	vadd.f32 v20, v22;
	_ =	sdelay $0x1  }
0x35d: {  	v22 =	vand.u32 $0x7FFFFF, v20  }
0x35e: {  	v22 =	vor.u32 $0x3F800000, v22  }
0x35f: {  	v52 =	vmul.f32 $5.000000000e-01, v22  }
0x360: {  	vm14 =	vge.f32 v22, $1.414213540e+00  }
0x361: {  	v22 =	vsel vm14, v52, v22  }
0x362: {  	v23 =	vadd.f32 $1.000000000e+00, v22;
	_ =	sdelay $0x1  }
0x363: {  	(erf) = vrcp.f32 v23;
	_ =	sdelay $0x7  }
0x364: {  	v22 =	vadd.f32 $-1.000000000e+00, v22  }
0x365: {  	v23 =	vpop (erf)  }
0x366: {  	v22 =	vmul.f32 v23, v22;
	_ =	sdelay $0x1  }
0x367: {  	v56 =	vor.u32 s20, v0;
	v54 =	vsel vm13, $0x40, v18;
	v55 =	vmul.f32 v22, v22  }
0x368: {  	v53 =	vmov s20;
	v57 =	vshll.u32 v56, $0x7;
	v24 =	vadd.s32 v21, v54  }
0x369: {  	v26 =	vmul.u32 $0x45, v56;
	v23 =	vshll.u32 v53, $0x7;
	v58 =	vmul.f32 $1.428571490e-01, v55  }
0x36a: {  	v59 =	vand.u32 $0xFFFFFF80, v24;
	v27 =	vand.u32 $0x3F80, v57;
	v23 =	vand.u32 $0xC000, v23  }
0x36b: {  	v21 =	vadd.s32 v26, v21;
	v23 =	vor.u32 v23, v27;
	v60 =	vadd.f32 $2.000000030e-01, v58  }
0x36c: {  	v24 =	vand.u32 $0x7F, v24;
	v23 =	vadd.s32 v59, v23  }
0x36d: {  	v23 =	vor.u32 v24, v23;
	v61 =	vmul.f32 v60, v55;
	_ =	sdelay $0x1  }
0x36e: {  	v20 =	vshrl.u32 v20, $0x17;
	v24 =	vadd.f32 $3.333333430e-01, v61  }
0x36f: {  	v21 =	vld.idx.msk [tilespmem:v21+s31+$0x0], $0xffff;
	v20 =	vand.u32 $0xFF, v20;
	v62 =	vsel vm14, $0x1, v18  }
0x370: {  	v20 =	vadd.s32 v62, v20;
	v24 =	vmul.f32 v24, v55  }
0x371: {  	v20 =	vadd.s32 $0xFFFFFF81, v20;
	v23 =	vld.idx.msk [tilespmem:v23+s16+$0x0], $0xffff  }
0x372: {  	v20 =	vcvt.s32.f32 v20;
	v22 =	vadd.f32 v22, v22;
	v24 =	vadd.f32 $1.000000000e+00, v24;
	_ =	sdelay $0x1  }
0x373: {  	vm15 =	vgt.s32 v21, $0x1;
	v20 =	vmul.f32 $6.931471820e-01, v20;
	v63 =	vmul.f32 v24, v22  }
0x374: {  	v19 =	vnsel vm15, $0x0, v19  }
0x375: {  	v19 =	vadd.f32 v19, v23;
	v20 =	vadd.f32 v63, v20  }
0x376: {  	p0 =	sne.s32 s29, $0xF800  }
.Ltmp2:
0x377: {  	v19 =	vsub.f32 v19, v20;
	(pc) =	sbr.rel @p0 .LBB2_6-.Ltmp2, $4  }
0x378: {  	_ = 	snop  }
0x379: {  	s26 =	sadd.s32 $0x10, s26;
	s18 =	sadd.s32 $0x800, s18;
	v19 =	vadd.f32 $4.158883090e+00, v19  }
0x37a: {  	s22 =	sadd.s32 $0x10, s22;
	s25 =	sadd.s32 $0x10, s25;
	s29 =	sadd.s32 $0x800, s29  }
0x37b: {  	s28 =	sadd.s32 $0x450, s28;
	s20 =	sadd.s32 $0x10, s20;
	[tilespmem:s21+$0x0] =	vst v19;
	s21 =	sadd.s32 $0x10, s21  }
0x37c: {  	s19 =	sadd.s32 $0x1, s19  }
0x37d: {  	p0 =	sne.s32 s19, s13  }
.Ltmp3:
0x37e: {  	s6 =	simm.s32 $0x1E900;
	(pc) =	sbr.rel @p0 .LBB2_1-.Ltmp3, $4  }
0x37f: {  	[hbm4b:s12+s4] =	stream.linear.scatter [tilespmem:s6], [sflag:$0x2], $0x200, $0x38;
	[tilespmem:$0x1EB00] =	vst v63  }
0x380: {  	_ =	swait.ge [sflag:s14], $0x200  }
0x381: {  	[sflag:s14] =	ssyncset.done $0x0  }
0x382: {  	s26 =	simm.s32 $0x800;
	s28 =	simm.s32 $0x20000;
	[sflag:s14] =	ssyncadd.s32 $0xFFFFFE00  }
0x383: {  	_ =	sfence.sel $0x180000  }
0x384: {  	[bflag:$0x0] =	sbarrier.arrive $0xFFFF  }
0x385: {  	_ =	strace $0x90000047  }
0x386: {  	s0 =	stileid.u32;
	[bflag:$0x2] =	sbarrier.arrive $0xFFFF  }
0x387: {  	p0 =	sne.s32 s0, $0x0;
	s0 =	rddreg [dreg:$0x8]  }
0x388: {  	s0 =	sadd.s32 @!p0 $0x100000, s0  }
0x389: {  	[sflag:s0] =	ssyncadd.tile.s32 @!p0 $0x1;
	_ =	shalt  }
.Lfunc_end2:
_tile_overlayer_lowered:
.L_overlay_start_2:
0x38a: {  	(tag) =	ssettag $0x2  }
0x38b: {  	s0 =	rddreg [dreg:$0x0];
	s2 =	stileid.u32  }
0x38c: {  	s1 =	rddreg [dreg:$0x1];
	p0 =	sne.s32 s2, $0x0  }
0x38d: {  	s3 =	rddreg [dreg:$0x2];
	[bflag:$0x3] =	sbarrier.arrive $0xFFFF;
	s2 =	simm.s32 @!p0 $0x1C02  }
0x38e: {  	[timem:s3], [sflag:s2] =	dma.local @!p0 [hbm:s0], s1  }
0x38f: {  	s0 =	simm.s32 @!p0 $0x2  }
0x390: {  	_ =	swait.ge @!p0 [sflag:s0], s1  }
0x391: {  	s1 =	ssub.s32 @!p0 $0x0, s1;
	[sflag:s0] =	ssyncset.done @!p0 $0x0  }
0x392: {  	[sflag:s0] =	ssyncadd.s32 @!p0 s1  }
0x393: {  	[bflag:$0x3] =	sbarrier.arrive $0xFFFF  }
0x394: {  	_ =	shalt  }

</sc_bundles>
